<compile_context>
chip_gen: v7x
topology: tpu7x:2x2x1
jax: 0.10.2.dev20260603
libtpu: 0.0.44.dev20260713+nightly
codegen_flags: <defaults>
</compile_context>

<pallas_src>
import functools

import jax
import jax.numpy as jnp
from jax import lax
from jax.experimental import pallas as pl
from jax.experimental.pallas import tpu as pltpu
from jax.experimental.pallas import tpu_sc as plsc

L = 16

_GDN = lax.GatherDimensionNumbers(
    offset_dims=(), collapsed_slice_dims=(0,), start_index_map=(0,))


def _lane_shuffle(x, perm):
    return lax.gather(x, perm[:, None], _GDN, slice_sizes=(1,),
                      mode=lax.GatherScatterMode.PROMISE_IN_BOUNDS)


def _butterfly(x, op):
    lanes = lax.iota(jnp.int32, L)
    for k in (1, 2, 4, 8):
        x = op(x, _lane_shuffle(x, lax.bitwise_xor(lanes, k)))
    return x


def _worker_id():
    nc = plsc.get_sparse_core_info().num_cores
    return lax.axis_index("s") * nc + lax.axis_index("c")


def _seg_sum(rv, r0, S):
    a0 = jnp.zeros((L,), jnp.float32)
    a1 = jnp.zeros((L,), jnp.float32)
    for s in range(S):
        a0 = a0 + rv[r0 + s, pl.ds(0, L)]
        a1 = a1 + rv[r0 + s, pl.ds(L, L)]
    return a0, a1


def _stage_idx(ctx_hbm, idx_all, wid, nch):
    pltpu.sync_copy(ctx_hbm.at[wid], idx_all)


def _chunk_idx(idx_all, c):
    return idx_all.at[c]


def _gather_body(nch, G, S, E, ctx_hbm, tab, sums_hbm,
                 idx_all, rows0, rows1, acc0, acc1, sem0, sem1, semo0, semo1):
    wid = _worker_id()
    rows = (rows0, rows1)
    sems = (sem0, sem1)
    accs = (acc0, acc1)
    semos = (semo0, semo1)

    _stage_idx(ctx_hbm, idx_all, wid, nch)
    pltpu.async_copy(tab.at[_chunk_idx(idx_all, 0)], rows0, sem0)

    def do_chunk(c, par):
        pltpu.make_async_copy(tab.at[_chunk_idx(idx_all, c)], rows[par], sems[par]).wait()

        @pl.when(c + 1 < nch)
        def _():
            pltpu.async_copy(tab.at[_chunk_idx(idx_all, c + 1)], rows[1 - par],
                             sems[1 - par])

        @pl.when(c >= 2)
        def _():
            pltpu.make_async_copy(
                accs[par], sums_hbm.at[wid, c], semos[par]).wait()

        rv = rows[par]
        acc = accs[par]

        def seg_body(g, carry):
            a0, a1 = _seg_sum(rv, g * S, S)
            acc[g, pl.ds(0, L)] = a0
            acc[g, pl.ds(L, L)] = a1
            return carry

        lax.fori_loop(0, G, seg_body, 0)
        pltpu.async_copy(acc, sums_hbm.at[wid, c], semos[par])

    def pair_body(c2, carry):
        do_chunk(2 * c2, 0)
        do_chunk(2 * c2 + 1, 1)
        return carry

    lax.fori_loop(0, nch // 2, pair_body, 0)
    for par in range(2):
        pltpu.make_async_copy(accs[par], sums_hbm.at[wid, 0], semos[par]).wait()


def _final_body(nch, G, S, E, ctx_hbm, tab, s1_hbm, s2_hbm, out_hbm,
                idx_all, rows0, rows1, s1b0, s1b1, s2b0, s2b1, ov0, ov1,
                sem0, sem1, sems0, sems1, semo0, semo1):
    wid = _worker_id()
    brow0 = wid * nch
    rows = (rows0, rows1)
    sems = (sem0, sem1)
    s1bs = (s1b0, s1b1)
    s2bs = (s2b0, s2b1)
    sems_s = (sems0, sems1)
    ovs = (ov0, ov1)
    semos = (semo0, semo1)
    inv_e = 1.0 / E

    _stage_idx(ctx_hbm, idx_all, wid, nch)
    pltpu.async_copy(tab.at[_chunk_idx(idx_all, 0)], rows0, sem0)
    pltpu.async_copy(s1_hbm.at[wid, 0], s1b0, sems0)
    pltpu.async_copy(s2_hbm.at[wid, 0], s2b0, sems0)

    def do_chunk(c, par):
        pltpu.make_async_copy(tab.at[_chunk_idx(idx_all, c)], rows[par], sems[par]).wait()
        pltpu.make_async_copy(s1_hbm.at[wid, c], s1bs[par], sems_s[par]).wait()
        pltpu.make_async_copy(s2_hbm.at[wid, c], s2bs[par], sems_s[par]).wait()

        @pl.when(c + 1 < nch)
        def _():
            pltpu.async_copy(tab.at[_chunk_idx(idx_all, c + 1)], rows[1 - par],
                             sems[1 - par])
            pltpu.async_copy(s1_hbm.at[wid, c + 1], s1bs[1 - par],
                             sems_s[1 - par])
            pltpu.async_copy(s2_hbm.at[wid, c + 1], s2bs[1 - par],
                             sems_s[1 - par])

        @pl.when(c >= 2)
        def _():
            pltpu.make_async_copy(
                ovs[par], out_hbm.at[brow0 + c], semos[par]).wait()

        rv = rows[par]
        s1b = s1bs[par]
        s2b = s2bs[par]
        ov = ovs[par]

        def seg_body(g, carry):
            a0, a1 = _seg_sum(rv, g * S, S)
            s1a = s1b[g, pl.ds(0, L)]
            s1c = s1b[g, pl.ds(L, L)]
            s2a = s2b[g, pl.ds(0, L)]
            s2c = s2b[g, pl.ds(L, L)]
            qa = s1a * inv_e
            qb = s1c * inv_e
            za = s1a * qa
            zb = s1c * qb
            m = _butterfly(jnp.maximum(za, zb), jnp.maximum)
            ea = jnp.exp(za - m)
            eb = jnp.exp(zb - m)
            r = 1.0 / _butterfly(ea + eb, jnp.add)
            qa = qa + s2a * ea * r
            qb = qb + s2c * eb * r
            za = s2a * qa
            zb = s2c * qb
            m = _butterfly(jnp.maximum(za, zb), jnp.maximum)
            ea = jnp.exp(za - m)
            eb = jnp.exp(zb - m)
            r = 1.0 / _butterfly(ea + eb, jnp.add)
            ov[g, pl.ds(0, L)] = a0 * ea * r
            ov[g, pl.ds(L, L)] = a1 * eb * r
            return carry

        lax.fori_loop(0, G, seg_body, 0)
        pltpu.async_copy(ov, out_hbm.at[brow0 + c], semos[par])

    def pair_body(c2, carry):
        do_chunk(2 * c2, 0)
        do_chunk(2 * c2 + 1, 1)
        return carry

    lax.fori_loop(0, nch // 2, pair_body, 0)
    for par in range(2):
        pltpu.make_async_copy(ovs[par], out_hbm.at[brow0], semos[par]).wait()


def _sc_encoder(context, t1, t2, t3, B, M, S, E):
    info = plsc.get_sparse_core_info()
    nworkers = info.num_cores * info.num_subcores
    seg_per_worker = (B * M) // nworkers
    G = M
    nch = seg_per_worker // G
    assert seg_per_worker % G == 0 and nch % 2 == 0 and (G * S) % 8 == 0

    mesh = plsc.VectorSubcoreMesh(core_axis_name="c", subcore_axis_name="s")
    params = pltpu.CompilerParams(use_tc_tiling_on_sc=False)

    gather_fn = pl.kernel(
        functools.partial(_gather_body, nch, G, S, E),
        out_type=jax.ShapeDtypeStruct((nworkers, nch, G, E), jnp.float32),
        mesh=mesh,
        scratch_types=[
            pltpu.VMEM((nch, G * S), jnp.int32),
            pltpu.VMEM((G * S, E), jnp.float32),
            pltpu.VMEM((G * S, E), jnp.float32),
            pltpu.VMEM((G, E), jnp.float32),
            pltpu.VMEM((G, E), jnp.float32),
            pltpu.SemaphoreType.DMA,
            pltpu.SemaphoreType.DMA,
            pltpu.SemaphoreType.DMA,
            pltpu.SemaphoreType.DMA,
        ],
        compiler_params=params,
    )
    ctx3 = context.reshape(nworkers, nch, G * S)
    sums1 = gather_fn(ctx3, t1)
    sums2 = gather_fn(ctx3, t2)

    final_fn = pl.kernel(
        functools.partial(_final_body, nch, G, S, E),
        out_type=jax.ShapeDtypeStruct((B, M, E), jnp.float32),
        mesh=mesh,
        scratch_types=[
            pltpu.VMEM((nch, G * S), jnp.int32),
            pltpu.VMEM((G * S, E), jnp.float32),
            pltpu.VMEM((G * S, E), jnp.float32),
            pltpu.VMEM((G, E), jnp.float32),
            pltpu.VMEM((G, E), jnp.float32),
            pltpu.VMEM((G, E), jnp.float32),
            pltpu.VMEM((G, E), jnp.float32),
            pltpu.VMEM((G, E), jnp.float32),
            pltpu.VMEM((G, E), jnp.float32),
            pltpu.SemaphoreType.DMA,
            pltpu.SemaphoreType.DMA,
            pltpu.SemaphoreType.DMA,
            pltpu.SemaphoreType.DMA,
            pltpu.SemaphoreType.DMA,
            pltpu.SemaphoreType.DMA,
        ],
        compiler_params=params,
    )
    return final_fn(ctx3, t3, sums1, sums2)


def kernel(context, A_tables, C_last):
    B, M, S = context.shape
    E = A_tables.shape[-1]
    return _sc_encoder(context, A_tables[1], A_tables[2], C_last, B, M, S, E)

# --- scband reference (transcript-rebuilt; emitter-appended) ---
"""Pipeline reference for scband-encoder-7962869366885 (READ-ONLY COPY).

The authoritative reference and input builder live on the scoring server;
editing this copy changes nothing except your own understanding.
"""

import jax, jax.numpy as jnp
import numpy as np


def setup_inputs(seed: int = 0) -> dict:
    key = jax.random.key(seed)
    k1, k2, k3 = jax.random.split(key, 3)
    B, M, S = 1024, 50, 20
    hops, nwords, emb = 3, 100000, 32
    context = jax.random.randint(k1, (B, M, S), 0, nwords, dtype=jnp.int64 if jax.config.jax_enable_x64 else jnp.int32).astype(jnp.int32)
    # Learned parameters: hops A-tables plus the last C-table (C[i] is tied to A[i+1]).
    A_tables = jax.random.normal(k2, (hops, nwords, emb), dtype=jnp.float32)
    C_last = jax.random.normal(k3, (nwords, emb), dtype=jnp.float32)
    return {"context": context, "A_tables": A_tables, "C_last": C_last}


def reference(context, A_tables, C_last):
    hops = A_tables.shape[0]
    B, M, S = context.shape
    emb = A_tables.shape[-1]
    q0 = jnp.zeros((B, M, emb), dtype=jnp.float32)
    ctx = context.reshape(B, -1)
    C_tables = jnp.concatenate([A_tables[1:], C_last[None]], axis=0)

    def body(q, tables):
        Aw, Cw = tables
        A = jnp.take(Aw, ctx, axis=0).reshape(B, M, S, emb)
        A = jnp.sum(A, axis=2)
        attn = jax.nn.softmax(A * q, axis=2)
        C = jnp.take(Cw, ctx, axis=0).reshape(B, M, S, emb)
        C = jnp.sum(C, axis=2)
        o = C * attn
        return q + o, o

    _, os_ = jax.lax.scan(body, q0, (A_tables, C_tables))
    return os_[-1]

if __name__ == "__main__":
    import jax
    _d = setup_inputs()
    print(jax.jit(kernel)(*tuple(_d.values())))

</pallas_src>

<mosaic_0001>
#map = affine_map<(d0, d1) -> (0, 0, 0)>
#map1 = affine_map<(d0, d1) -> (0, 0)>
#map2 = affine_map<(d0, d1) -> (0, 0, 0, 0)>
module attributes {stable_mosaic.version = 14 : i64} {
  func.func @_final_body(%arg0: i32, %arg1: i32, %arg2: memref<32x32x1000xi32, #tpu.memory_space<hbm>>, %arg3: memref<100000x32xf32, #tpu.memory_space<hbm>>, %arg4: memref<32x32x50x32xf32, #tpu.memory_space<hbm>>, %arg5: memref<32x32x50x32xf32, #tpu.memory_space<hbm>>, %arg6: memref<1024x50x32xf32, #tpu.memory_space<hbm>>, %arg7: memref<32x1000xi32, #tpu.memory_space<vmem>>, %arg8: memref<1000x32xf32, #tpu.memory_space<vmem>>, %arg9: memref<1000x32xf32, #tpu.memory_space<vmem>>, %arg10: memref<50x32xf32, #tpu.memory_space<vmem>>, %arg11: memref<50x32xf32, #tpu.memory_space<vmem>>, %arg12: memref<50x32xf32, #tpu.memory_space<vmem>>, %arg13: memref<50x32xf32, #tpu.memory_space<vmem>>, %arg14: memref<50x32xf32, #tpu.memory_space<vmem>>, %arg15: memref<50x32xf32, #tpu.memory_space<vmem>>, %arg16: memref<!tpu.dma_semaphore, #tpu.memory_space<semaphore_mem>>, %arg17: memref<!tpu.dma_semaphore, #tpu.memory_space<semaphore_mem>>, %arg18: memref<!tpu.dma_semaphore, #tpu.memory_space<semaphore_mem>>, %arg19: memref<!tpu.dma_semaphore, #tpu.memory_space<semaphore_mem>>, %arg20: memref<!tpu.dma_semaphore, #tpu.memory_space<semaphore_mem>>, %arg21: memref<!tpu.dma_semaphore, #tpu.memory_space<semaphore_mem>>) attributes {dimension_semantics = [#tpu.dimension_semantics<core_parallel>, #tpu.dimension_semantics<subcore_parallel>], iteration_bounds = array<i64: 2, 16>, scalar_prefetch = 0 : i64, scratch_operands = 15 : i64, tpu.core_type = #tpu.core_type<sc_vector_subcore>, window_params = [{transform_indices = #map}, {transform_indices = #map1}, {transform_indices = #map2}, {transform_indices = #map2}, {transform_indices = #map}]} {
    %mul3A = arith.constant 2 : i32
    %mul3A_0 = arith.muli %arg1, %mul3A : i32
    %add3A = arith.addi %mul3A_0, %arg0 : i32
    %mul3A_1 = arith.constant 32 : i32
    %mul3A_2 = arith.muli %add3A, %mul3A_1 : i32
    "tpu.region"() ({
      %run_scoped3A = tpu.sem_alloc : memref<!tpu.dma_semaphore, #tpu.memory_space<semaphore_mem>>
      %dma_start3A_47 = arith.constant 0 : i32
      %dma_start3A_48 = arith.constant 0 : i32
      %dma_start3A_49 = tpu.memref_slice %arg2[%add3A, %dma_start3A_47, %dma_start3A_48] : memref<32x32x1000xi32, #tpu.memory_space<hbm>> -> memref<1x32x1000xi32, #tpu.memory_space<hbm>>
      %dma_start3A_50 = tpu.memref_squeeze %dma_start3A_49 : memref<1x32x1000xi32, #tpu.memory_space<hbm>> -> memref<32x1000xi32, #tpu.memory_space<hbm>>
      %dma_start3A_51 = arith.constant 0 : i32
      %dma_start3A_52 = arith.constant 0 : i32
      %dma_start3A_53 = tpu.memref_slice %arg2[%add3A, %dma_start3A_51, %dma_start3A_52] : memref<32x32x1000xi32, #tpu.memory_space<hbm>> -> memref<1x32x1000xi32, #tpu.memory_space<hbm>>
      %dma_start3A_54 = tpu.memref_squeeze %dma_start3A_53 : memref<1x32x1000xi32, #tpu.memory_space<hbm>> -> memref<32x1000xi32, #tpu.memory_space<hbm>>
      tpu.enqueue_dma source(%dma_start3A_54 : memref<32x1000xi32, #tpu.memory_space<hbm>>) target(%arg7 : memref<32x1000xi32, #tpu.memory_space<vmem>>) target_semaphore(%run_scoped3A : memref<!tpu.dma_semaphore, #tpu.memory_space<semaphore_mem>>)
      %dma_wait3A_55 = arith.constant 0 : i32
      %dma_wait3A_56 = arith.constant 0 : i32
      %dma_wait3A_57 = tpu.memref_slice %arg2[%add3A, %dma_wait3A_55, %dma_wait3A_56] : memref<32x32x1000xi32, #tpu.memory_space<hbm>> -> memref<1x32x1000xi32, #tpu.memory_space<hbm>>
      %dma_wait3A_58 = tpu.memref_squeeze %dma_wait3A_57 : memref<1x32x1000xi32, #tpu.memory_space<hbm>> -> memref<32x1000xi32, #tpu.memory_space<hbm>>
      %dma_wait3A_59 = arith.constant 0 : i32
      %dma_wait3A_60 = arith.constant 0 : i32
      %dma_wait3A_61 = tpu.memref_slice %arg2[%add3A, %dma_wait3A_59, %dma_wait3A_60] : memref<32x32x1000xi32, #tpu.memory_space<hbm>> -> memref<1x32x1000xi32, #tpu.memory_space<hbm>>
      %dma_wait3A_62 = tpu.memref_squeeze %dma_wait3A_61 : memref<1x32x1000xi32, #tpu.memory_space<hbm>> -> memref<32x1000xi32, #tpu.memory_space<hbm>>
      tpu.wait_dma2 semaphore(%run_scoped3A : memref<!tpu.dma_semaphore, #tpu.memory_space<semaphore_mem>>) src(%dma_wait3A_62 : memref<32x1000xi32, #tpu.memory_space<hbm>>) dst(%arg7 : memref<32x1000xi32, #tpu.memory_space<vmem>>)
      tpu.yield
    }) : () -> ()
    %dma_start3A = arith.constant 0 : i32
    %dma_start3A_3 = arith.constant 0 : i32
    %dma_start3A_4 = tpu.memref_slice %arg7[%dma_start3A, %dma_start3A_3] : memref<32x1000xi32, #tpu.memory_space<vmem>> -> memref<1x1000xi32, #tpu.memory_space<vmem>>
    %dma_start3A_5 = tpu.memref_squeeze %dma_start3A_4 : memref<1x1000xi32, #tpu.memory_space<vmem>> -> memref<1000xi32, #tpu.memory_space<vmem>>
    %dma_start3A_6 = arith.constant 0 : i32
    %dma_start3A_7 = arith.constant 0 : i32
    %dma_start3A_8 = tpu.memref_slice %arg3[%dma_start3A_6, %dma_start3A_7] : memref<100000x32xf32, #tpu.memory_space<hbm>> -> memref<100000x32xf32, #tpu.memory_space<hbm>>
    tpu.enqueue_indirect_dma source(%dma_start3A_8 : memref<100000x32xf32, #tpu.memory_space<hbm>>) target(%arg8 : memref<1000x32xf32, #tpu.memory_space<vmem>>) offsets(%dma_start3A_5 : memref<1000xi32, #tpu.memory_space<vmem>>) semaphore(%arg16 : memref<!tpu.dma_semaphore, #tpu.memory_space<semaphore_mem>>)
    %dma_start3A_9 = arith.constant 0 : i32
    %dma_start3A_10 = arith.constant 0 : i32
    %dma_start3A_11 = arith.constant 0 : i32
    %dma_start3A_12 = tpu.memref_slice %arg4[%add3A, %dma_start3A_9, %dma_start3A_10, %dma_start3A_11] : memref<32x32x50x32xf32, #tpu.memory_space<hbm>> -> memref<1x1x50x32xf32, #tpu.memory_space<hbm>>
    %dma_start3A_13 = tpu.memref_squeeze %dma_start3A_12 : memref<1x1x50x32xf32, #tpu.memory_space<hbm>> -> memref<50x32xf32, #tpu.memory_space<hbm>>
    %dma_start3A_14 = arith.constant 0 : i32
    %dma_start3A_15 = arith.constant 0 : i32
    %dma_start3A_16 = tpu.memref_slice %arg4[%add3A, %dma_start3A_9, %dma_start3A_14, %dma_start3A_15] : memref<32x32x50x32xf32, #tpu.memory_space<hbm>> -> memref<1x1x50x32xf32, #tpu.memory_space<hbm>>
    %dma_start3A_17 = tpu.memref_squeeze %dma_start3A_16 : memref<1x1x50x32xf32, #tpu.memory_space<hbm>> -> memref<50x32xf32, #tpu.memory_space<hbm>>
    tpu.enqueue_dma source(%dma_start3A_17 : memref<50x32xf32, #tpu.memory_space<hbm>>) target(%arg10 : memref<50x32xf32, #tpu.memory_space<vmem>>) target_semaphore(%arg18 : memref<!tpu.dma_semaphore, #tpu.memory_space<semaphore_mem>>)
    %dma_start3A_18 = arith.constant 0 : i32
    %dma_start3A_19 = arith.constant 0 : i32
    %dma_start3A_20 = arith.constant 0 : i32
    %dma_start3A_21 = tpu.memref_slice %arg5[%add3A, %dma_start3A_18, %dma_start3A_19, %dma_start3A_20] : memref<32x32x50x32xf32, #tpu.memory_space<hbm>> -> memref<1x1x50x32xf32, #tpu.memory_space<hbm>>
    %dma_start3A_22 = tpu.memref_squeeze %dma_start3A_21 : memref<1x1x50x32xf32, #tpu.memory_space<hbm>> -> memref<50x32xf32, #tpu.memory_space<hbm>>
    %dma_start3A_23 = arith.constant 0 : i32
    %dma_start3A_24 = arith.constant 0 : i32
    %dma_start3A_25 = tpu.memref_slice %arg5[%add3A, %dma_start3A_18, %dma_start3A_23, %dma_start3A_24] : memref<32x32x50x32xf32, #tpu.memory_space<hbm>> -> memref<1x1x50x32xf32, #tpu.memory_space<hbm>>
    %dma_start3A_26 = tpu.memref_squeeze %dma_start3A_25 : memref<1x1x50x32xf32, #tpu.memory_space<hbm>> -> memref<50x32xf32, #tpu.memory_space<hbm>>
    tpu.enqueue_dma source(%dma_start3A_26 : memref<50x32xf32, #tpu.memory_space<hbm>>) target(%arg12 : memref<50x32xf32, #tpu.memory_space<vmem>>) target_semaphore(%arg18 : memref<!tpu.dma_semaphore, #tpu.memory_space<semaphore_mem>>)
    %scan3A = arith.constant 0 : i32
    %scan3A_27 = arith.constant 0 : i32
    %scan3A_28 = arith.constant 16 : i32
    %scan3A_29 = arith.addi %scan3A_27, %scan3A_28 : i32
    %scan3A_30 = arith.constant 1 : i32
    scf.for %scan3A_47 = %scan3A_27 to %scan3A_29 step %scan3A_30  : i32 {
      %mul3A_48 = arith.constant 2 : i32
      %mul3A_49 = arith.muli %mul3A_48, %scan3A_47 : i32
      %dma_wait3A_50 = arith.constant 0 : i32
      %dma_wait3A_51 = tpu.memref_slice %arg7[%mul3A_49, %dma_wait3A_50] : memref<32x1000xi32, #tpu.memory_space<vmem>> -> memref<1x1000xi32, #tpu.memory_space<vmem>>
      %dma_wait3A_52 = tpu.memref_squeeze %dma_wait3A_51 : memref<1x1000xi32, #tpu.memory_space<vmem>> -> memref<1000xi32, #tpu.memory_space<vmem>>
      %dma_wait3A_53 = arith.constant 0 : i32
      %dma_wait3A_54 = arith.constant 0 : i32
      %dma_wait3A_55 = tpu.memref_slice %arg3[%dma_wait3A_53, %dma_wait3A_54] : memref<100000x32xf32, #tpu.memory_space<hbm>> -> memref<100000x32xf32, #tpu.memory_space<hbm>>
      tpu.wait_indirect_dma semaphore(%arg16 : memref<!tpu.dma_semaphore, #tpu.memory_space<semaphore_mem>>) src(%dma_wait3A_55 : memref<100000x32xf32, #tpu.memory_space<hbm>>) dst(%arg8 : memref<1000x32xf32, #tpu.memory_space<vmem>>)
      %dma_wait3A_56 = arith.constant 0 : i32
      %dma_wait3A_57 = arith.constant 0 : i32
      %dma_wait3A_58 = tpu.memref_slice %arg4[%add3A, %mul3A_49, %dma_wait3A_56, %dma_wait3A_57] : memref<32x32x50x32xf32, #tpu.memory_space<hbm>> -> memref<1x1x50x32xf32, #tpu.memory_space<hbm>>
      %dma_wait3A_59 = tpu.memref_squeeze %dma_wait3A_58 : memref<1x1x50x32xf32, #tpu.memory_space<hbm>> -> memref<50x32xf32, #tpu.memory_space<hbm>>
      %dma_wait3A_60 = arith.constant 0 : i32
      %dma_wait3A_61 = arith.constant 0 : i32
      %dma_wait3A_62 = tpu.memref_slice %arg4[%add3A, %mul3A_49, %dma_wait3A_60, %dma_wait3A_61] : memref<32x32x50x32xf32, #tpu.memory_space<hbm>> -> memref<1x1x50x32xf32, #tpu.memory_space<hbm>>
      %dma_wait3A_63 = tpu.memref_squeeze %dma_wait3A_62 : memref<1x1x50x32xf32, #tpu.memory_space<hbm>> -> memref<50x32xf32, #tpu.memory_space<hbm>>
      tpu.wait_dma2 semaphore(%arg18 : memref<!tpu.dma_semaphore, #tpu.memory_space<semaphore_mem>>) src(%dma_wait3A_63 : memref<50x32xf32, #tpu.memory_space<hbm>>) dst(%arg10 : memref<50x32xf32, #tpu.memory_space<vmem>>)
      %dma_wait3A_64 = arith.constant 0 : i32
      %dma_wait3A_65 = arith.constant 0 : i32
      %dma_wait3A_66 = tpu.memref_slice %arg5[%add3A, %mul3A_49, %dma_wait3A_64, %dma_wait3A_65] : memref<32x32x50x32xf32, #tpu.memory_space<hbm>> -> memref<1x1x50x32xf32, #tpu.memory_space<hbm>>
      %dma_wait3A_67 = tpu.memref_squeeze %dma_wait3A_66 : memref<1x1x50x32xf32, #tpu.memory_space<hbm>> -> memref<50x32xf32, #tpu.memory_space<hbm>>
      %dma_wait3A_68 = arith.constant 0 : i32
      %dma_wait3A_69 = arith.constant 0 : i32
      %dma_wait3A_70 = tpu.memref_slice %arg5[%add3A, %mul3A_49, %dma_wait3A_68, %dma_wait3A_69] : memref<32x32x50x32xf32, #tpu.memory_space<hbm>> -> memref<1x1x50x32xf32, #tpu.memory_space<hbm>>
      %dma_wait3A_71 = tpu.memref_squeeze %dma_wait3A_70 : memref<1x1x50x32xf32, #tpu.memory_space<hbm>> -> memref<50x32xf32, #tpu.memory_space<hbm>>
      tpu.wait_dma2 semaphore(%arg18 : memref<!tpu.dma_semaphore, #tpu.memory_space<semaphore_mem>>) src(%dma_wait3A_71 : memref<50x32xf32, #tpu.memory_space<hbm>>) dst(%arg12 : memref<50x32xf32, #tpu.memory_space<vmem>>)
      %add3A_72 = arith.constant 1 : i32
      %add3A_73 = arith.addi %mul3A_49, %add3A_72 : i32
      %lt3A = arith.constant 32 : i32
      %lt3A_74 = arith.cmpi slt, %add3A_73, %lt3A : i32
      %convert_element_type3A = arith.extui %lt3A_74 : i1 to i32
      %cond3A = arith.constant 0 : i32
      %cond3A_75 = arith.cmpi ne, %convert_element_type3A, %cond3A : i32
      scf.if %cond3A_75 {
        %add3A_148 = arith.constant 1 : i32
        %add3A_149 = arith.addi %mul3A_49, %add3A_148 : i32
        %dma_start3A_150 = arith.constant 0 : i32
        %dma_start3A_151 = tpu.memref_slice %arg7[%add3A_149, %dma_start3A_150] : memref<32x1000xi32, #tpu.memory_space<vmem>> -> memref<1x1000xi32, #tpu.memory_space<vmem>>
        %dma_start3A_152 = tpu.memref_squeeze %dma_start3A_151 : memref<1x1000xi32, #tpu.memory_space<vmem>> -> memref<1000xi32, #tpu.memory_space<vmem>>
        %dma_start3A_153 = arith.constant 0 : i32
        %dma_start3A_154 = arith.constant 0 : i32
        %dma_start3A_155 = tpu.memref_slice %arg3[%dma_start3A_153, %dma_start3A_154] : memref<100000x32xf32, #tpu.memory_space<hbm>> -> memref<100000x32xf32, #tpu.memory_space<hbm>>
        tpu.enqueue_indirect_dma source(%dma_start3A_155 : memref<100000x32xf32, #tpu.memory_space<hbm>>) target(%arg9 : memref<1000x32xf32, #tpu.memory_space<vmem>>) offsets(%dma_start3A_152 : memref<1000xi32, #tpu.memory_space<vmem>>) semaphore(%arg17 : memref<!tpu.dma_semaphore, #tpu.memory_space<semaphore_mem>>)
        %add3A_156 = arith.constant 1 : i32
        %add3A_157 = arith.addi %mul3A_49, %add3A_156 : i32
        %dma_start3A_158 = arith.constant 0 : i32
        %dma_start3A_159 = arith.constant 0 : i32
        %dma_start3A_160 = tpu.memref_slice %arg4[%add3A, %add3A_157, %dma_start3A_158, %dma_start3A_159] : memref<32x32x50x32xf32, #tpu.memory_space<hbm>> -> memref<1x1x50x32xf32, #tpu.memory_space<hbm>>
        %dma_start3A_161 = tpu.memref_squeeze %dma_start3A_160 : memref<1x1x50x32xf32, #tpu.memory_space<hbm>> -> memref<50x32xf32, #tpu.memory_space<hbm>>
        %dma_start3A_162 = arith.constant 0 : i32
        %dma_start3A_163 = arith.constant 0 : i32
        %dma_start3A_164 = tpu.memref_slice %arg4[%add3A, %add3A_157, %dma_start3A_162, %dma_start3A_163] : memref<32x32x50x32xf32, #tpu.memory_space<hbm>> -> memref<1x1x50x32xf32, #tpu.memory_space<hbm>>
        %dma_start3A_165 = tpu.memref_squeeze %dma_start3A_164 : memref<1x1x50x32xf32, #tpu.memory_space<hbm>> -> memref<50x32xf32, #tpu.memory_space<hbm>>
        tpu.enqueue_dma source(%dma_start3A_165 : memref<50x32xf32, #tpu.memory_space<hbm>>) target(%arg11 : memref<50x32xf32, #tpu.memory_space<vmem>>) target_semaphore(%arg19 : memref<!tpu.dma_semaphore, #tpu.memory_space<semaphore_mem>>)
        %add3A_166 = arith.constant 1 : i32
        %add3A_167 = arith.addi %mul3A_49, %add3A_166 : i32
        %dma_start3A_168 = arith.constant 0 : i32
        %dma_start3A_169 = arith.constant 0 : i32
        %dma_start3A_170 = tpu.memref_slice %arg5[%add3A, %add3A_167, %dma_start3A_168, %dma_start3A_169] : memref<32x32x50x32xf32, #tpu.memory_space<hbm>> -> memref<1x1x50x32xf32, #tpu.memory_space<hbm>>
        %dma_start3A_171 = tpu.memref_squeeze %dma_start3A_170 : memref<1x1x50x32xf32, #tpu.memory_space<hbm>> -> memref<50x32xf32, #tpu.memory_space<hbm>>
        %dma_start3A_172 = arith.constant 0 : i32
        %dma_start3A_173 = arith.constant 0 : i32
        %dma_start3A_174 = tpu.memref_slice %arg5[%add3A, %add3A_167, %dma_start3A_172, %dma_start3A_173] : memref<32x32x50x32xf32, #tpu.memory_space<hbm>> -> memref<1x1x50x32xf32, #tpu.memory_space<hbm>>
        %dma_start3A_175 = tpu.memref_squeeze %dma_start3A_174 : memref<1x1x50x32xf32, #tpu.memory_space<hbm>> -> memref<50x32xf32, #tpu.memory_space<hbm>>
        tpu.enqueue_dma source(%dma_start3A_175 : memref<50x32xf32, #tpu.memory_space<hbm>>) target(%arg13 : memref<50x32xf32, #tpu.memory_space<vmem>>) target_semaphore(%arg19 : memref<!tpu.dma_semaphore, #tpu.memory_space<semaphore_mem>>)
      } else {
      }
      %ge3A = arith.constant 2 : i32
      %ge3A_76 = arith.cmpi sge, %mul3A_49, %ge3A : i32
      %convert_element_type3A_77 = arith.extui %ge3A_76 : i1 to i32
      %cond3A_78 = arith.constant 0 : i32
      %cond3A_79 = arith.cmpi ne, %convert_element_type3A_77, %cond3A_78 : i32
      scf.if %cond3A_79 {
        %add3A_148 = arith.addi %mul3A_2, %mul3A_49 : i32
        %dma_wait3A_149 = arith.constant 0 : i32
        %dma_wait3A_150 = arith.constant 0 : i32
        %dma_wait3A_151 = tpu.memref_slice %arg6[%add3A_148, %dma_wait3A_149, %dma_wait3A_150] : memref<1024x50x32xf32, #tpu.memory_space<hbm>> -> memref<1x50x32xf32, #tpu.memory_space<hbm>>
        %dma_wait3A_152 = tpu.memref_squeeze %dma_wait3A_151 : memref<1x50x32xf32, #tpu.memory_space<hbm>> -> memref<50x32xf32, #tpu.memory_space<hbm>>
        %dma_wait3A_153 = arith.constant 0 : i32
        %dma_wait3A_154 = arith.constant 0 : i32
        %dma_wait3A_155 = tpu.memref_slice %arg6[%add3A_148, %dma_wait3A_153, %dma_wait3A_154] : memref<1024x50x32xf32, #tpu.memory_space<hbm>> -> memref<1x50x32xf32, #tpu.memory_space<hbm>>
        %dma_wait3A_156 = tpu.memref_squeeze %dma_wait3A_155 : memref<1x50x32xf32, #tpu.memory_space<hbm>> -> memref<50x32xf32, #tpu.memory_space<hbm>>
        tpu.wait_dma2 semaphore(%arg20 : memref<!tpu.dma_semaphore, #tpu.memory_space<semaphore_mem>>) src(%arg14 : memref<50x32xf32, #tpu.memory_space<vmem>>) dst(%dma_wait3A_156 : memref<50x32xf32, #tpu.memory_space<hbm>>)
      } else {
      }
      %scan3A_80 = arith.constant 0 : i32
      %scan3A_81 = arith.constant 0 : i32
      %scan3A_82 = arith.constant 50 : i32
      %scan3A_83 = arith.addi %scan3A_81, %scan3A_82 : i32
      %scan3A_84 = arith.constant 1 : i32
      scf.for %scan3A_148 = %scan3A_81 to %scan3A_83 step %scan3A_84  : i32 {
        %mul3A_149 = arith.constant 20 : i32
        %mul3A_150 = arith.muli %scan3A_148, %mul3A_149 : i32
        %broadcast_in_dim3A = arith.constant 0.000000e+00 : f32
        %broadcast_in_dim3A_151 = vector.broadcast %broadcast_in_dim3A : f32 to vector<16xf32>
        %broadcast_in_dim3A_152 = arith.constant 0.000000e+00 : f32
        %broadcast_in_dim3A_153 = vector.broadcast %broadcast_in_dim3A_152 : f32 to vector<16xf32>
        %add3A_154 = arith.constant 0 : i32
        %add3A_155 = arith.addi %mul3A_150, %add3A_154 : i32
        %get3A = arith.index_cast %add3A_155 : i32 to index
        %get3A_156 = arith.constant 0 : index
        %get3A_157 = tpu.vector_load %arg8[%get3A, %get3A_156] {strides = array<i32>} : memref<1000x32xf32, #tpu.memory_space<vmem>>, vector<1x16xf32>,
        %get3A_158 = vector.shape_cast %get3A_157 : vector<1x16xf32> to vector<16xf32>
        %add3A_159 = arith.addf %broadcast_in_dim3A_151, %get3A_158 : vector<16xf32>
        %add3A_160 = arith.constant 0 : i32
        %add3A_161 = arith.addi %mul3A_150, %add3A_160 : i32
        %get3A_162 = arith.index_cast %add3A_161 : i32 to index
        %get3A_163 = arith.constant 16 : index
        %get3A_164 = tpu.vector_load %arg8[%get3A_162, %get3A_163] {strides = array<i32>} : memref<1000x32xf32, #tpu.memory_space<vmem>>, vector<1x16xf32>,
        %get3A_165 = vector.shape_cast %get3A_164 : vector<1x16xf32> to vector<16xf32>
        %add3A_166 = arith.addf %broadcast_in_dim3A_153, %get3A_165 : vector<16xf32>
        %add3A_167 = arith.constant 1 : i32
        %add3A_168 = arith.addi %mul3A_150, %add3A_167 : i32
        %get3A_169 = arith.index_cast %add3A_168 : i32 to index
        %get3A_170 = arith.constant 0 : index
        %get3A_171 = tpu.vector_load %arg8[%get3A_169, %get3A_170] {strides = array<i32>} : memref<1000x32xf32, #tpu.memory_space<vmem>>, vector<1x16xf32>,
        %get3A_172 = vector.shape_cast %get3A_171 : vector<1x16xf32> to vector<16xf32>
        %add3A_173 = arith.addf %add3A_159, %get3A_172 : vector<16xf32>
        %add3A_174 = arith.constant 1 : i32
        %add3A_175 = arith.addi %mul3A_150, %add3A_174 : i32
        %get3A_176 = arith.index_cast %add3A_175 : i32 to index
        %get3A_177 = arith.constant 16 : index
        %get3A_178 = tpu.vector_load %arg8[%get3A_176, %get3A_177] {strides = array<i32>} : memref<1000x32xf32, #tpu.memory_space<vmem>>, vector<1x16xf32>,
        %get3A_179 = vector.shape_cast %get3A_178 : vector<1x16xf32> to vector<16xf32>
        %add3A_180 = arith.addf %add3A_166, %get3A_179 : vector<16xf32>
        %add3A_181 = arith.constant 2 : i32
        %add3A_182 = arith.addi %mul3A_150, %add3A_181 : i32
        %get3A_183 = arith.index_cast %add3A_182 : i32 to index
        %get3A_184 = arith.constant 0 : index
        %get3A_185 = tpu.vector_load %arg8[%get3A_183, %get3A_184] {strides = array<i32>} : memref<1000x32xf32, #tpu.memory_space<vmem>>, vector<1x16xf32>,
        %get3A_186 = vector.shape_cast %get3A_185 : vector<1x16xf32> to vector<16xf32>
        %add3A_187 = arith.addf %add3A_173, %get3A_186 : vector<16xf32>
        %add3A_188 = arith.constant 2 : i32
        %add3A_189 = arith.addi %mul3A_150, %add3A_188 : i32
        %get3A_190 = arith.index_cast %add3A_189 : i32 to index
        %get3A_191 = arith.constant 16 : index
        %get3A_192 = tpu.vector_load %arg8[%get3A_190, %get3A_191] {strides = array<i32>} : memref<1000x32xf32, #tpu.memory_space<vmem>>, vector<1x16xf32>,
        %get3A_193 = vector.shape_cast %get3A_192 : vector<1x16xf32> to vector<16xf32>
        %add3A_194 = arith.addf %add3A_180, %get3A_193 : vector<16xf32>
        %add3A_195 = arith.constant 3 : i32
        %add3A_196 = arith.addi %mul3A_150, %add3A_195 : i32
        %get3A_197 = arith.index_cast %add3A_196 : i32 to index
        %get3A_198 = arith.constant 0 : index
        %get3A_199 = tpu.vector_load %arg8[%get3A_197, %get3A_198] {strides = array<i32>} : memref<1000x32xf32, #tpu.memory_space<vmem>>, vector<1x16xf32>,
        %get3A_200 = vector.shape_cast %get3A_199 : vector<1x16xf32> to vector<16xf32>
        %add3A_201 = arith.addf %add3A_187, %get3A_200 : vector<16xf32>
        %add3A_202 = arith.constant 3 : i32
        %add3A_203 = arith.addi %mul3A_150, %add3A_202 : i32
        %get3A_204 = arith.index_cast %add3A_203 : i32 to index
        %get3A_205 = arith.constant 16 : index
        %get3A_206 = tpu.vector_load %arg8[%get3A_204, %get3A_205] {strides = array<i32>} : memref<1000x32xf32, #tpu.memory_space<vmem>>, vector<1x16xf32>,
        %get3A_207 = vector.shape_cast %get3A_206 : vector<1x16xf32> to vector<16xf32>
        %add3A_208 = arith.addf %add3A_194, %get3A_207 : vector<16xf32>
        %add3A_209 = arith.constant 4 : i32
        %add3A_210 = arith.addi %mul3A_150, %add3A_209 : i32
        %get3A_211 = arith.index_cast %add3A_210 : i32 to index
        %get3A_212 = arith.constant 0 : index
        %get3A_213 = tpu.vector_load %arg8[%get3A_211, %get3A_212] {strides = array<i32>} : memref<1000x32xf32, #tpu.memory_space<vmem>>, vector<1x16xf32>,
        %get3A_214 = vector.shape_cast %get3A_213 : vector<1x16xf32> to vector<16xf32>
        %add3A_215 = arith.addf %add3A_201, %get3A_214 : vector<16xf32>
        %add3A_216 = arith.constant 4 : i32
        %add3A_217 = arith.addi %mul3A_150, %add3A_216 : i32
        %get3A_218 = arith.index_cast %add3A_217 : i32 to index
        %get3A_219 = arith.constant 16 : index
        %get3A_220 = tpu.vector_load %arg8[%get3A_218, %get3A_219] {strides = array<i32>} : memref<1000x32xf32, #tpu.memory_space<vmem>>, vector<1x16xf32>,
        %get3A_221 = vector.shape_cast %get3A_220 : vector<1x16xf32> to vector<16xf32>
        %add3A_222 = arith.addf %add3A_208, %get3A_221 : vector<16xf32>
        %add3A_223 = arith.constant 5 : i32
        %add3A_224 = arith.addi %mul3A_150, %add3A_223 : i32
        %get3A_225 = arith.index_cast %add3A_224 : i32 to index
        %get3A_226 = arith.constant 0 : index
        %get3A_227 = tpu.vector_load %arg8[%get3A_225, %get3A_226] {strides = array<i32>} : memref<1000x32xf32, #tpu.memory_space<vmem>>, vector<1x16xf32>,
        %get3A_228 = vector.shape_cast %get3A_227 : vector<1x16xf32> to vector<16xf32>
        %add3A_229 = arith.addf %add3A_215, %get3A_228 : vector<16xf32>
        %add3A_230 = arith.constant 5 : i32
        %add3A_231 = arith.addi %mul3A_150, %add3A_230 : i32
        %get3A_232 = arith.index_cast %add3A_231 : i32 to index
        %get3A_233 = arith.constant 16 : index
        %get3A_234 = tpu.vector_load %arg8[%get3A_232, %get3A_233] {strides = array<i32>} : memref<1000x32xf32, #tpu.memory_space<vmem>>, vector<1x16xf32>,
        %get3A_235 = vector.shape_cast %get3A_234 : vector<1x16xf32> to vector<16xf32>
        %add3A_236 = arith.addf %add3A_222, %get3A_235 : vector<16xf32>
        %add3A_237 = arith.constant 6 : i32
        %add3A_238 = arith.addi %mul3A_150, %add3A_237 : i32
        %get3A_239 = arith.index_cast %add3A_238 : i32 to index
        %get3A_240 = arith.constant 0 : index
        %get3A_241 = tpu.vector_load %arg8[%get3A_239, %get3A_240] {strides = array<i32>} : memref<1000x32xf32, #tpu.memory_space<vmem>>, vector<1x16xf32>,
        %get3A_242 = vector.shape_cast %get3A_241 : vector<1x16xf32> to vector<16xf32>
        %add3A_243 = arith.addf %add3A_229, %get3A_242 : vector<16xf32>
        %add3A_244 = arith.constant 6 : i32
        %add3A_245 = arith.addi %mul3A_150, %add3A_244 : i32
        %get3A_246 = arith.index_cast %add3A_245 : i32 to index
        %get3A_247 = arith.constant 16 : index
        %get3A_248 = tpu.vector_load %arg8[%get3A_246, %get3A_247] {strides = array<i32>} : memref<1000x32xf32, #tpu.memory_space<vmem>>, vector<1x16xf32>,
        %get3A_249 = vector.shape_cast %get3A_248 : vector<1x16xf32> to vector<16xf32>
        %add3A_250 = arith.addf %add3A_236, %get3A_249 : vector<16xf32>
        %add3A_251 = arith.constant 7 : i32
        %add3A_252 = arith.addi %mul3A_150, %add3A_251 : i32
        %get3A_253 = arith.index_cast %add3A_252 : i32 to index
        %get3A_254 = arith.constant 0 : index
        %get3A_255 = tpu.vector_load %arg8[%get3A_253, %get3A_254] {strides = array<i32>} : memref<1000x32xf32, #tpu.memory_space<vmem>>, vector<1x16xf32>,
        %get3A_256 = vector.shape_cast %get3A_255 : vector<1x16xf32> to vector<16xf32>
        %add3A_257 = arith.addf %add3A_243, %get3A_256 : vector<16xf32>
        %add3A_258 = arith.constant 7 : i32
        %add3A_259 = arith.addi %mul3A_150, %add3A_258 : i32
        %get3A_260 = arith.index_cast %add3A_259 : i32 to index
        %get3A_261 = arith.constant 16 : index
        %get3A_262 = tpu.vector_load %arg8[%get3A_260, %get3A_261] {strides = array<i32>} : memref<1000x32xf32, #tpu.memory_space<vmem>>, vector<1x16xf32>,
        %get3A_263 = vector.shape_cast %get3A_262 : vector<1x16xf32> to vector<16xf32>
        %add3A_264 = arith.addf %add3A_250, %get3A_263 : vector<16xf32>
        %add3A_265 = arith.constant 8 : i32
        %add3A_266 = arith.addi %mul3A_150, %add3A_265 : i32
        %get3A_267 = arith.index_cast %add3A_266 : i32 to index
        %get3A_268 = arith.constant 0 : index
        %get3A_269 = tpu.vector_load %arg8[%get3A_267, %get3A_268] {strides = array<i32>} : memref<1000x32xf32, #tpu.memory_space<vmem>>, vector<1x16xf32>,
        %get3A_270 = vector.shape_cast %get3A_269 : vector<1x16xf32> to vector<16xf32>
        %add3A_271 = arith.addf %add3A_257, %get3A_270 : vector<16xf32>
        %add3A_272 = arith.constant 8 : i32
        %add3A_273 = arith.addi %mul3A_150, %add3A_272 : i32
        %get3A_274 = arith.index_cast %add3A_273 : i32 to index
        %get3A_275 = arith.constant 16 : index
        %get3A_276 = tpu.vector_load %arg8[%get3A_274, %get3A_275] {strides = array<i32>} : memref<1000x32xf32, #tpu.memory_space<vmem>>, vector<1x16xf32>,
        %get3A_277 = vector.shape_cast %get3A_276 : vector<1x16xf32> to vector<16xf32>
        %add3A_278 = arith.addf %add3A_264, %get3A_277 : vector<16xf32>
        %add3A_279 = arith.constant 9 : i32
        %add3A_280 = arith.addi %mul3A_150, %add3A_279 : i32
        %get3A_281 = arith.index_cast %add3A_280 : i32 to index
        %get3A_282 = arith.constant 0 : index
        %get3A_283 = tpu.vector_load %arg8[%get3A_281, %get3A_282] {strides = array<i32>} : memref<1000x32xf32, #tpu.memory_space<vmem>>, vector<1x16xf32>,
        %get3A_284 = vector.shape_cast %get3A_283 : vector<1x16xf32> to vector<16xf32>
        %add3A_285 = arith.addf %add3A_271, %get3A_284 : vector<16xf32>
        %add3A_286 = arith.constant 9 : i32
        %add3A_287 = arith.addi %mul3A_150, %add3A_286 : i32
        %get3A_288 = arith.index_cast %add3A_287 : i32 to index
        %get3A_289 = arith.constant 16 : index
        %get3A_290 = tpu.vector_load %arg8[%get3A_288, %get3A_289] {strides = array<i32>} : memref<1000x32xf32, #tpu.memory_space<vmem>>, vector<1x16xf32>,
        %get3A_291 = vector.shape_cast %get3A_290 : vector<1x16xf32> to vector<16xf32>
        %add3A_292 = arith.addf %add3A_278, %get3A_291 : vector<16xf32>
        %add3A_293 = arith.constant 10 : i32
        %add3A_294 = arith.addi %mul3A_150, %add3A_293 : i32
        %get3A_295 = arith.index_cast %add3A_294 : i32 to index
        %get3A_296 = arith.constant 0 : index
        %get3A_297 = tpu.vector_load %arg8[%get3A_295, %get3A_296] {strides = array<i32>} : memref<1000x32xf32, #tpu.memory_space<vmem>>, vector<1x16xf32>,
        %get3A_298 = vector.shape_cast %get3A_297 : vector<1x16xf32> to vector<16xf32>
        %add3A_299 = arith.addf %add3A_285, %get3A_298 : vector<16xf32>
        %add3A_300 = arith.constant 10 : i32
        %add3A_301 = arith.addi %mul3A_150, %add3A_300 : i32
        %get3A_302 = arith.index_cast %add3A_301 : i32 to index
        %get3A_303 = arith.constant 16 : index
        %get3A_304 = tpu.vector_load %arg8[%get3A_302, %get3A_303] {strides = array<i32>} : memref<1000x32xf32, #tpu.memory_space<vmem>>, vector<1x16xf32>,
        %get3A_305 = vector.shape_cast %get3A_304 : vector<1x16xf32> to vector<16xf32>
        %add3A_306 = arith.addf %add3A_292, %get3A_305 : vector<16xf32>
        %add3A_307 = arith.constant 11 : i32
        %add3A_308 = arith.addi %mul3A_150, %add3A_307 : i32
        %get3A_309 = arith.index_cast %add3A_308 : i32 to index
        %get3A_310 = arith.constant 0 : index
        %get3A_311 = tpu.vector_load %arg8[%get3A_309, %get3A_310] {strides = array<i32>} : memref<1000x32xf32, #tpu.memory_space<vmem>>, vector<1x16xf32>,
        %get3A_312 = vector.shape_cast %get3A_311 : vector<1x16xf32> to vector<16xf32>
        %add3A_313 = arith.addf %add3A_299, %get3A_312 : vector<16xf32>
        %add3A_314 = arith.constant 11 : i32
        %add3A_315 = arith.addi %mul3A_150, %add3A_314 : i32
        %get3A_316 = arith.index_cast %add3A_315 : i32 to index
        %get3A_317 = arith.constant 16 : index
        %get3A_318 = tpu.vector_load %arg8[%get3A_316, %get3A_317] {strides = array<i32>} : memref<1000x32xf32, #tpu.memory_space<vmem>>, vector<1x16xf32>,
        %get3A_319 = vector.shape_cast %get3A_318 : vector<1x16xf32> to vector<16xf32>
        %add3A_320 = arith.addf %add3A_306, %get3A_319 : vector<16xf32>
        %add3A_321 = arith.constant 12 : i32
        %add3A_322 = arith.addi %mul3A_150, %add3A_321 : i32
        %get3A_323 = arith.index_cast %add3A_322 : i32 to index
        %get3A_324 = arith.constant 0 : index
        %get3A_325 = tpu.vector_load %arg8[%get3A_323, %get3A_324] {strides = array<i32>} : memref<1000x32xf32, #tpu.memory_space<vmem>>, vector<1x16xf32>,
        %get3A_326 = vector.shape_cast %get3A_325 : vector<1x16xf32> to vector<16xf32>
        %add3A_327 = arith.addf %add3A_313, %get3A_326 : vector<16xf32>
        %add3A_328 = arith.constant 12 : i32
        %add3A_329 = arith.addi %mul3A_150, %add3A_328 : i32
        %get3A_330 = arith.index_cast %add3A_329 : i32 to index
        %get3A_331 = arith.constant 16 : index
        %get3A_332 = tpu.vector_load %arg8[%get3A_330, %get3A_331] {strides = array<i32>} : memref<1000x32xf32, #tpu.memory_space<vmem>>, vector<1x16xf32>,
        %get3A_333 = vector.shape_cast %get3A_332 : vector<1x16xf32> to vector<16xf32>
        %add3A_334 = arith.addf %add3A_320, %get3A_333 : vector<16xf32>
        %add3A_335 = arith.constant 13 : i32
        %add3A_336 = arith.addi %mul3A_150, %add3A_335 : i32
        %get3A_337 = arith.index_cast %add3A_336 : i32 to index
        %get3A_338 = arith.constant 0 : index
        %get3A_339 = tpu.vector_load %arg8[%get3A_337, %get3A_338] {strides = array<i32>} : memref<1000x32xf32, #tpu.memory_space<vmem>>, vector<1x16xf32>,
        %get3A_340 = vector.shape_cast %get3A_339 : vector<1x16xf32> to vector<16xf32>
        %add3A_341 = arith.addf %add3A_327, %get3A_340 : vector<16xf32>
        %add3A_342 = arith.constant 13 : i32
        %add3A_343 = arith.addi %mul3A_150, %add3A_342 : i32
        %get3A_344 = arith.index_cast %add3A_343 : i32 to index
        %get3A_345 = arith.constant 16 : index
        %get3A_346 = tpu.vector_load %arg8[%get3A_344, %get3A_345] {strides = array<i32>} : memref<1000x32xf32, #tpu.memory_space<vmem>>, vector<1x16xf32>,
        %get3A_347 = vector.shape_cast %get3A_346 : vector<1x16xf32> to vector<16xf32>
        %add3A_348 = arith.addf %add3A_334, %get3A_347 : vector<16xf32>
        %add3A_349 = arith.constant 14 : i32
        %add3A_350 = arith.addi %mul3A_150, %add3A_349 : i32
        %get3A_351 = arith.index_cast %add3A_350 : i32 to index
        %get3A_352 = arith.constant 0 : index
        %get3A_353 = tpu.vector_load %arg8[%get3A_351, %get3A_352] {strides = array<i32>} : memref<1000x32xf32, #tpu.memory_space<vmem>>, vector<1x16xf32>,
        %get3A_354 = vector.shape_cast %get3A_353 : vector<1x16xf32> to vector<16xf32>
        %add3A_355 = arith.addf %add3A_341, %get3A_354 : vector<16xf32>
        %add3A_356 = arith.constant 14 : i32
        %add3A_357 = arith.addi %mul3A_150, %add3A_356 : i32
        %get3A_358 = arith.index_cast %add3A_357 : i32 to index
        %get3A_359 = arith.constant 16 : index
        %get3A_360 = tpu.vector_load %arg8[%get3A_358, %get3A_359] {strides = array<i32>} : memref<1000x32xf32, #tpu.memory_space<vmem>>, vector<1x16xf32>,
        %get3A_361 = vector.shape_cast %get3A_360 : vector<1x16xf32> to vector<16xf32>
        %add3A_362 = arith.addf %add3A_348, %get3A_361 : vector<16xf32>
        %add3A_363 = arith.constant 15 : i32
        %add3A_364 = arith.addi %mul3A_150, %add3A_363 : i32
        %get3A_365 = arith.index_cast %add3A_364 : i32 to index
        %get3A_366 = arith.constant 0 : index
        %get3A_367 = tpu.vector_load %arg8[%get3A_365, %get3A_366] {strides = array<i32>} : memref<1000x32xf32, #tpu.memory_space<vmem>>, vector<1x16xf32>,
        %get3A_368 = vector.shape_cast %get3A_367 : vector<1x16xf32> to vector<16xf32>
        %add3A_369 = arith.addf %add3A_355, %get3A_368 : vector<16xf32>
        %add3A_370 = arith.constant 15 : i32
        %add3A_371 = arith.addi %mul3A_150, %add3A_370 : i32
        %get3A_372 = arith.index_cast %add3A_371 : i32 to index
        %get3A_373 = arith.constant 16 : index
        %get3A_374 = tpu.vector_load %arg8[%get3A_372, %get3A_373] {strides = array<i32>} : memref<1000x32xf32, #tpu.memory_space<vmem>>, vector<1x16xf32>,
        %get3A_375 = vector.shape_cast %get3A_374 : vector<1x16xf32> to vector<16xf32>
        %add3A_376 = arith.addf %add3A_362, %get3A_375 : vector<16xf32>
        %add3A_377 = arith.constant 16 : i32
        %add3A_378 = arith.addi %mul3A_150, %add3A_377 : i32
        %get3A_379 = arith.index_cast %add3A_378 : i32 to index
        %get3A_380 = arith.constant 0 : index
        %get3A_381 = tpu.vector_load %arg8[%get3A_379, %get3A_380] {strides = array<i32>} : memref<1000x32xf32, #tpu.memory_space<vmem>>, vector<1x16xf32>,
        %get3A_382 = vector.shape_cast %get3A_381 : vector<1x16xf32> to vector<16xf32>
        %add3A_383 = arith.addf %add3A_369, %get3A_382 : vector<16xf32>
        %add3A_384 = arith.constant 16 : i32
        %add3A_385 = arith.addi %mul3A_150, %add3A_384 : i32
        %get3A_386 = arith.index_cast %add3A_385 : i32 to index
        %get3A_387 = arith.constant 16 : index
        %get3A_388 = tpu.vector_load %arg8[%get3A_386, %get3A_387] {strides = array<i32>} : memref<1000x32xf32, #tpu.memory_space<vmem>>, vector<1x16xf32>,
        %get3A_389 = vector.shape_cast %get3A_388 : vector<1x16xf32> to vector<16xf32>
        %add3A_390 = arith.addf %add3A_376, %get3A_389 : vector<16xf32>
        %add3A_391 = arith.constant 17 : i32
        %add3A_392 = arith.addi %mul3A_150, %add3A_391 : i32
        %get3A_393 = arith.index_cast %add3A_392 : i32 to index
        %get3A_394 = arith.constant 0 : index
        %get3A_395 = tpu.vector_load %arg8[%get3A_393, %get3A_394] {strides = array<i32>} : memref<1000x32xf32, #tpu.memory_space<vmem>>, vector<1x16xf32>,
        %get3A_396 = vector.shape_cast %get3A_395 : vector<1x16xf32> to vector<16xf32>
        %add3A_397 = arith.addf %add3A_383, %get3A_396 : vector<16xf32>
        %add3A_398 = arith.constant 17 : i32
        %add3A_399 = arith.addi %mul3A_150, %add3A_398 : i32
        %get3A_400 = arith.index_cast %add3A_399 : i32 to index
        %get3A_401 = arith.constant 16 : index
        %get3A_402 = tpu.vector_load %arg8[%get3A_400, %get3A_401] {strides = array<i32>} : memref<1000x32xf32, #tpu.memory_space<vmem>>, vector<1x16xf32>,
        %get3A_403 = vector.shape_cast %get3A_402 : vector<1x16xf32> to vector<16xf32>
        %add3A_404 = arith.addf %add3A_390, %get3A_403 : vector<16xf32>
        %add3A_405 = arith.constant 18 : i32
        %add3A_406 = arith.addi %mul3A_150, %add3A_405 : i32
        %get3A_407 = arith.index_cast %add3A_406 : i32 to index
        %get3A_408 = arith.constant 0 : index
        %get3A_409 = tpu.vector_load %arg8[%get3A_407, %get3A_408] {strides = array<i32>} : memref<1000x32xf32, #tpu.memory_space<vmem>>, vector<1x16xf32>,
        %get3A_410 = vector.shape_cast %get3A_409 : vector<1x16xf32> to vector<16xf32>
        %add3A_411 = arith.addf %add3A_397, %get3A_410 : vector<16xf32>
        %add3A_412 = arith.constant 18 : i32
        %add3A_413 = arith.addi %mul3A_150, %add3A_412 : i32
        %get3A_414 = arith.index_cast %add3A_413 : i32 to index
        %get3A_415 = arith.constant 16 : index
        %get3A_416 = tpu.vector_load %arg8[%get3A_414, %get3A_415] {strides = array<i32>} : memref<1000x32xf32, #tpu.memory_space<vmem>>, vector<1x16xf32>,
        %get3A_417 = vector.shape_cast %get3A_416 : vector<1x16xf32> to vector<16xf32>
        %add3A_418 = arith.addf %add3A_404, %get3A_417 : vector<16xf32>
        %add3A_419 = arith.constant 19 : i32
        %add3A_420 = arith.addi %mul3A_150, %add3A_419 : i32
        %get3A_421 = arith.index_cast %add3A_420 : i32 to index
        %get3A_422 = arith.constant 0 : index
        %get3A_423 = tpu.vector_load %arg8[%get3A_421, %get3A_422] {strides = array<i32>} : memref<1000x32xf32, #tpu.memory_space<vmem>>, vector<1x16xf32>,
        %get3A_424 = vector.shape_cast %get3A_423 : vector<1x16xf32> to vector<16xf32>
        %add3A_425 = arith.addf %add3A_411, %get3A_424 : vector<16xf32>
        %add3A_426 = arith.constant 19 : i32
        %add3A_427 = arith.addi %mul3A_150, %add3A_426 : i32
        %get3A_428 = arith.index_cast %add3A_427 : i32 to index
        %get3A_429 = arith.constant 16 : index
        %get3A_430 = tpu.vector_load %arg8[%get3A_428, %get3A_429] {strides = array<i32>} : memref<1000x32xf32, #tpu.memory_space<vmem>>, vector<1x16xf32>,
        %get3A_431 = vector.shape_cast %get3A_430 : vector<1x16xf32> to vector<16xf32>
        %add3A_432 = arith.addf %add3A_418, %get3A_431 : vector<16xf32>
        %get3A_433 = arith.index_cast %scan3A_148 : i32 to index
        %get3A_434 = arith.constant 0 : index
        %get3A_435 = tpu.vector_load %arg10[%get3A_433, %get3A_434] {strides = array<i32>} : memref<50x32xf32, #tpu.memory_space<vmem>>, vector<1x16xf32>,
        %get3A_436 = vector.shape_cast %get3A_435 : vector<1x16xf32> to vector<16xf32>
        %get3A_437 = arith.index_cast %scan3A_148 : i32 to index
        %get3A_438 = arith.constant 16 : index
        %get3A_439 = tpu.vector_load %arg10[%get3A_437, %get3A_438] {strides = array<i32>} : memref<50x32xf32, #tpu.memory_space<vmem>>, vector<1x16xf32>,
        %get3A_440 = vector.shape_cast %get3A_439 : vector<1x16xf32> to vector<16xf32>
        %get3A_441 = arith.index_cast %scan3A_148 : i32 to index
        %get3A_442 = arith.constant 0 : index
        %get3A_443 = tpu.vector_load %arg12[%get3A_441, %get3A_442] {strides = array<i32>} : memref<50x32xf32, #tpu.memory_space<vmem>>, vector<1x16xf32>,
        %get3A_444 = vector.shape_cast %get3A_443 : vector<1x16xf32> to vector<16xf32>
        %get3A_445 = arith.index_cast %scan3A_148 : i32 to index
        %get3A_446 = arith.constant 16 : index
        %get3A_447 = tpu.vector_load %arg12[%get3A_445, %get3A_446] {strides = array<i32>} : memref<50x32xf32, #tpu.memory_space<vmem>>, vector<1x16xf32>,
        %get3A_448 = vector.shape_cast %get3A_447 : vector<1x16xf32> to vector<16xf32>
        %mul3A_449 = arith.constant 3.125000e-02 : f32
        %mul3A_450 = vector.broadcast %mul3A_449 : f32 to vector<16xf32>
        %mul3A_451 = arith.mulf %get3A_436, %mul3A_450 : vector<16xf32>
        %mul3A_452 = arith.constant 3.125000e-02 : f32
        %mul3A_453 = vector.broadcast %mul3A_452 : f32 to vector<16xf32>
        %mul3A_454 = arith.mulf %get3A_440, %mul3A_453 : vector<16xf32>
        %mul3A_455 = arith.mulf %get3A_436, %mul3A_451 : vector<16xf32>
        %mul3A_456 = arith.mulf %get3A_440, %mul3A_454 : vector<16xf32>
        %max3A = arith.maximumf %mul3A_455, %mul3A_456 : vector<16xf32>
        %iota3A = tpu.iota {dimensions = array<i32: 0>} : vector<16xi32>
        %xor3A = arith.constant 1 : i32
        %xor3A_457 = vector.broadcast %xor3A : i32 to vector<16xi32>
        %xor3A_458 = arith.xori %iota3A, %xor3A_457 : vector<16xi32>
        %broadcast_in_dim3A_459 = vector.shape_cast %xor3A_458 : vector<16xi32> to vector<16x1xi32>
        %gather3A = vector.shape_cast %broadcast_in_dim3A_459 : vector<16x1xi32> to vector<16xi32>
        %gather3A_460 = tpu.dynamic_gather %max3A[%gather3A] in [0] : vector<16xf32>, vector<16xi32> -> vector<16xf32>
        %max3A_461 = arith.maximumf %max3A, %gather3A_460 : vector<16xf32>
        %xor3A_462 = arith.constant 2 : i32
        %xor3A_463 = vector.broadcast %xor3A_462 : i32 to vector<16xi32>
        %xor3A_464 = arith.xori %iota3A, %xor3A_463 : vector<16xi32>
        %broadcast_in_dim3A_465 = vector.shape_cast %xor3A_464 : vector<16xi32> to vector<16x1xi32>
        %gather3A_466 = vector.shape_cast %broadcast_in_dim3A_465 : vector<16x1xi32> to vector<16xi32>
        %gather3A_467 = tpu.dynamic_gather %max3A_461[%gather3A_466] in [0] : vector<16xf32>, vector<16xi32> -> vector<16xf32>
        %max3A_468 = arith.maximumf %max3A_461, %gather3A_467 : vector<16xf32>
        %xor3A_469 = arith.constant 4 : i32
        %xor3A_470 = vector.broadcast %xor3A_469 : i32 to vector<16xi32>
        %xor3A_471 = arith.xori %iota3A, %xor3A_470 : vector<16xi32>
        %broadcast_in_dim3A_472 = vector.shape_cast %xor3A_471 : vector<16xi32> to vector<16x1xi32>
        %gather3A_473 = vector.shape_cast %broadcast_in_dim3A_472 : vector<16x1xi32> to vector<16xi32>
        %gather3A_474 = tpu.dynamic_gather %max3A_468[%gather3A_473] in [0] : vector<16xf32>, vector<16xi32> -> vector<16xf32>
        %max3A_475 = arith.maximumf %max3A_468, %gather3A_474 : vector<16xf32>
        %xor3A_476 = arith.constant 8 : i32
        %xor3A_477 = vector.broadcast %xor3A_476 : i32 to vector<16xi32>
        %xor3A_478 = arith.xori %iota3A, %xor3A_477 : vector<16xi32>
        %broadcast_in_dim3A_479 = vector.shape_cast %xor3A_478 : vector<16xi32> to vector<16x1xi32>
        %gather3A_480 = vector.shape_cast %broadcast_in_dim3A_479 : vector<16x1xi32> to vector<16xi32>
        %gather3A_481 = tpu.dynamic_gather %max3A_475[%gather3A_480] in [0] : vector<16xf32>, vector<16xi32> -> vector<16xf32>
        %max3A_482 = arith.maximumf %max3A_475, %gather3A_481 : vector<16xf32>
        %sub3A = arith.subf %mul3A_455, %max3A_482 : vector<16xf32>
        %exp3A = math.exp %sub3A : vector<16xf32>
        %sub3A_483 = arith.subf %mul3A_456, %max3A_482 : vector<16xf32>
        %exp3A_484 = math.exp %sub3A_483 : vector<16xf32>
        %add3A_485 = arith.addf %exp3A, %exp3A_484 : vector<16xf32>
        %iota3A_486 = tpu.iota {dimensions = array<i32: 0>} : vector<16xi32>
        %xor3A_487 = arith.constant 1 : i32
        %xor3A_488 = vector.broadcast %xor3A_487 : i32 to vector<16xi32>
        %xor3A_489 = arith.xori %iota3A_486, %xor3A_488 : vector<16xi32>
        %broadcast_in_dim3A_490 = vector.shape_cast %xor3A_489 : vector<16xi32> to vector<16x1xi32>
        %gather3A_491 = vector.shape_cast %broadcast_in_dim3A_490 : vector<16x1xi32> to vector<16xi32>
        %gather3A_492 = tpu.dynamic_gather %add3A_485[%gather3A_491] in [0] : vector<16xf32>, vector<16xi32> -> vector<16xf32>
        %add3A_493 = arith.addf %add3A_485, %gather3A_492 : vector<16xf32>
        %xor3A_494 = arith.constant 2 : i32
        %xor3A_495 = vector.broadcast %xor3A_494 : i32 to vector<16xi32>
        %xor3A_496 = arith.xori %iota3A_486, %xor3A_495 : vector<16xi32>
        %broadcast_in_dim3A_497 = vector.shape_cast %xor3A_496 : vector<16xi32> to vector<16x1xi32>
        %gather3A_498 = vector.shape_cast %broadcast_in_dim3A_497 : vector<16x1xi32> to vector<16xi32>
        %gather3A_499 = tpu.dynamic_gather %add3A_493[%gather3A_498] in [0] : vector<16xf32>, vector<16xi32> -> vector<16xf32>
        %add3A_500 = arith.addf %add3A_493, %gather3A_499 : vector<16xf32>
        %xor3A_501 = arith.constant 4 : i32
        %xor3A_502 = vector.broadcast %xor3A_501 : i32 to vector<16xi32>
        %xor3A_503 = arith.xori %iota3A_486, %xor3A_502 : vector<16xi32>
        %broadcast_in_dim3A_504 = vector.shape_cast %xor3A_503 : vector<16xi32> to vector<16x1xi32>
        %gather3A_505 = vector.shape_cast %broadcast_in_dim3A_504 : vector<16x1xi32> to vector<16xi32>
        %gather3A_506 = tpu.dynamic_gather %add3A_500[%gather3A_505] in [0] : vector<16xf32>, vector<16xi32> -> vector<16xf32>
        %add3A_507 = arith.addf %add3A_500, %gather3A_506 : vector<16xf32>
        %xor3A_508 = arith.constant 8 : i32
        %xor3A_509 = vector.broadcast %xor3A_508 : i32 to vector<16xi32>
        %xor3A_510 = arith.xori %iota3A_486, %xor3A_509 : vector<16xi32>
        %broadcast_in_dim3A_511 = vector.shape_cast %xor3A_510 : vector<16xi32> to vector<16x1xi32>
        %gather3A_512 = vector.shape_cast %broadcast_in_dim3A_511 : vector<16x1xi32> to vector<16xi32>
        %gather3A_513 = tpu.dynamic_gather %add3A_507[%gather3A_512] in [0] : vector<16xf32>, vector<16xi32> -> vector<16xf32>
        %add3A_514 = arith.addf %add3A_507, %gather3A_513 : vector<16xf32>
        %div3A = arith.constant 1.000000e+00 : f32
        %div3A_515 = vector.broadcast %div3A : f32 to vector<16xf32>
        %div3A_516 = arith.divf %div3A_515, %add3A_514 : vector<16xf32>
        %mul3A_517 = arith.mulf %get3A_444, %exp3A : vector<16xf32>
        %mul3A_518 = arith.mulf %mul3A_517, %div3A_516 : vector<16xf32>
        %add3A_519 = arith.addf %mul3A_451, %mul3A_518 : vector<16xf32>
        %mul3A_520 = arith.mulf %get3A_448, %exp3A_484 : vector<16xf32>
        %mul3A_521 = arith.mulf %mul3A_520, %div3A_516 : vector<16xf32>
        %add3A_522 = arith.addf %mul3A_454, %mul3A_521 : vector<16xf32>
        %mul3A_523 = arith.mulf %get3A_444, %add3A_519 : vector<16xf32>
        %mul3A_524 = arith.mulf %get3A_448, %add3A_522 : vector<16xf32>
        %max3A_525 = arith.maximumf %mul3A_523, %mul3A_524 : vector<16xf32>
        %iota3A_526 = tpu.iota {dimensions = array<i32: 0>} : vector<16xi32>
        %xor3A_527 = arith.constant 1 : i32
        %xor3A_528 = vector.broadcast %xor3A_527 : i32 to vector<16xi32>
        %xor3A_529 = arith.xori %iota3A_526, %xor3A_528 : vector<16xi32>
        %broadcast_in_dim3A_530 = vector.shape_cast %xor3A_529 : vector<16xi32> to vector<16x1xi32>
        %gather3A_531 = vector.shape_cast %broadcast_in_dim3A_530 : vector<16x1xi32> to vector<16xi32>
        %gather3A_532 = tpu.dynamic_gather %max3A_525[%gather3A_531] in [0] : vector<16xf32>, vector<16xi32> -> vector<16xf32>
        %max3A_533 = arith.maximumf %max3A_525, %gather3A_532 : vector<16xf32>
        %xor3A_534 = arith.constant 2 : i32
        %xor3A_535 = vector.broadcast %xor3A_534 : i32 to vector<16xi32>
        %xor3A_536 = arith.xori %iota3A_526, %xor3A_535 : vector<16xi32>
        %broadcast_in_dim3A_537 = vector.shape_cast %xor3A_536 : vector<16xi32> to vector<16x1xi32>
        %gather3A_538 = vector.shape_cast %broadcast_in_dim3A_537 : vector<16x1xi32> to vector<16xi32>
        %gather3A_539 = tpu.dynamic_gather %max3A_533[%gather3A_538] in [0] : vector<16xf32>, vector<16xi32> -> vector<16xf32>
        %max3A_540 = arith.maximumf %max3A_533, %gather3A_539 : vector<16xf32>
        %xor3A_541 = arith.constant 4 : i32
        %xor3A_542 = vector.broadcast %xor3A_541 : i32 to vector<16xi32>
        %xor3A_543 = arith.xori %iota3A_526, %xor3A_542 : vector<16xi32>
        %broadcast_in_dim3A_544 = vector.shape_cast %xor3A_543 : vector<16xi32> to vector<16x1xi32>
        %gather3A_545 = vector.shape_cast %broadcast_in_dim3A_544 : vector<16x1xi32> to vector<16xi32>
        %gather3A_546 = tpu.dynamic_gather %max3A_540[%gather3A_545] in [0] : vector<16xf32>, vector<16xi32> -> vector<16xf32>
        %max3A_547 = arith.maximumf %max3A_540, %gather3A_546 : vector<16xf32>
        %xor3A_548 = arith.constant 8 : i32
        %xor3A_549 = vector.broadcast %xor3A_548 : i32 to vector<16xi32>
        %xor3A_550 = arith.xori %iota3A_526, %xor3A_549 : vector<16xi32>
        %broadcast_in_dim3A_551 = vector.shape_cast %xor3A_550 : vector<16xi32> to vector<16x1xi32>
        %gather3A_552 = vector.shape_cast %broadcast_in_dim3A_551 : vector<16x1xi32> to vector<16xi32>
        %gather3A_553 = tpu.dynamic_gather %max3A_547[%gather3A_552] in [0] : vector<16xf32>, vector<16xi32> -> vector<16xf32>
        %max3A_554 = arith.maximumf %max3A_547, %gather3A_553 : vector<16xf32>
        %sub3A_555 = arith.subf %mul3A_523, %max3A_554 : vector<16xf32>
        %exp3A_556 = math.exp %sub3A_555 : vector<16xf32>
        %sub3A_557 = arith.subf %mul3A_524, %max3A_554 : vector<16xf32>
        %exp3A_558 = math.exp %sub3A_557 : vector<16xf32>
        %add3A_559 = arith.addf %exp3A_556, %exp3A_558 : vector<16xf32>
        %iota3A_560 = tpu.iota {dimensions = array<i32: 0>} : vector<16xi32>
        %xor3A_561 = arith.constant 1 : i32
        %xor3A_562 = vector.broadcast %xor3A_561 : i32 to vector<16xi32>
        %xor3A_563 = arith.xori %iota3A_560, %xor3A_562 : vector<16xi32>
        %broadcast_in_dim3A_564 = vector.shape_cast %xor3A_563 : vector<16xi32> to vector<16x1xi32>
        %gather3A_565 = vector.shape_cast %broadcast_in_dim3A_564 : vector<16x1xi32> to vector<16xi32>
        %gather3A_566 = tpu.dynamic_gather %add3A_559[%gather3A_565] in [0] : vector<16xf32>, vector<16xi32> -> vector<16xf32>
        %add3A_567 = arith.addf %add3A_559, %gather3A_566 : vector<16xf32>
        %xor3A_568 = arith.constant 2 : i32
        %xor3A_569 = vector.broadcast %xor3A_568 : i32 to vector<16xi32>
        %xor3A_570 = arith.xori %iota3A_560, %xor3A_569 : vector<16xi32>
        %broadcast_in_dim3A_571 = vector.shape_cast %xor3A_570 : vector<16xi32> to vector<16x1xi32>
        %gather3A_572 = vector.shape_cast %broadcast_in_dim3A_571 : vector<16x1xi32> to vector<16xi32>
        %gather3A_573 = tpu.dynamic_gather %add3A_567[%gather3A_572] in [0] : vector<16xf32>, vector<16xi32> -> vector<16xf32>
        %add3A_574 = arith.addf %add3A_567, %gather3A_573 : vector<16xf32>
        %xor3A_575 = arith.constant 4 : i32
        %xor3A_576 = vector.broadcast %xor3A_575 : i32 to vector<16xi32>
        %xor3A_577 = arith.xori %iota3A_560, %xor3A_576 : vector<16xi32>
        %broadcast_in_dim3A_578 = vector.shape_cast %xor3A_577 : vector<16xi32> to vector<16x1xi32>
        %gather3A_579 = vector.shape_cast %broadcast_in_dim3A_578 : vector<16x1xi32> to vector<16xi32>
        %gather3A_580 = tpu.dynamic_gather %add3A_574[%gather3A_579] in [0] : vector<16xf32>, vector<16xi32> -> vector<16xf32>
        %add3A_581 = arith.addf %add3A_574, %gather3A_580 : vector<16xf32>
        %xor3A_582 = arith.constant 8 : i32
        %xor3A_583 = vector.broadcast %xor3A_582 : i32 to vector<16xi32>
        %xor3A_584 = arith.xori %iota3A_560, %xor3A_583 : vector<16xi32>
        %broadcast_in_dim3A_585 = vector.shape_cast %xor3A_584 : vector<16xi32> to vector<16x1xi32>
        %gather3A_586 = vector.shape_cast %broadcast_in_dim3A_585 : vector<16x1xi32> to vector<16xi32>
        %gather3A_587 = tpu.dynamic_gather %add3A_581[%gather3A_586] in [0] : vector<16xf32>, vector<16xi32> -> vector<16xf32>
        %add3A_588 = arith.addf %add3A_581, %gather3A_587 : vector<16xf32>
        %div3A_589 = arith.constant 1.000000e+00 : f32
        %div3A_590 = vector.broadcast %div3A_589 : f32 to vector<16xf32>
        %div3A_591 = arith.divf %div3A_590, %add3A_588 : vector<16xf32>
        %mul3A_592 = arith.mulf %add3A_425, %exp3A_556 : vector<16xf32>
        %mul3A_593 = arith.mulf %mul3A_592, %div3A_591 : vector<16xf32>
        %swap3A = arith.index_cast %scan3A_148 : i32 to index
        %swap3A_594 = arith.constant 0 : index
        %swap3A_595 = tpu.vector_load %arg14[%swap3A, %swap3A_594] {strides = array<i32>} : memref<50x32xf32, #tpu.memory_space<vmem>>, vector<1x16xf32>,
        %swap3A_596 = vector.shape_cast %swap3A_595 : vector<1x16xf32> to vector<16xf32>
        %swap3A_597 = vector.shape_cast %mul3A_593 : vector<16xf32> to vector<1x16xf32>
        tpu.vector_store %arg14[%swap3A, %swap3A_594], %swap3A_597 {strides = array<i32>} : memref<50x32xf32, #tpu.memory_space<vmem>>, vector<1x16xf32>,
        %mul3A_598 = arith.mulf %add3A_432, %exp3A_558 : vector<16xf32>
        %mul3A_599 = arith.mulf %mul3A_598, %div3A_591 : vector<16xf32>
        %swap3A_600 = arith.index_cast %scan3A_148 : i32 to index
        %swap3A_601 = arith.constant 16 : index
        %swap3A_602 = tpu.vector_load %arg14[%swap3A_600, %swap3A_601] {strides = array<i32>} : memref<50x32xf32, #tpu.memory_space<vmem>>, vector<1x16xf32>,
        %swap3A_603 = vector.shape_cast %swap3A_602 : vector<1x16xf32> to vector<16xf32>
        %swap3A_604 = vector.shape_cast %mul3A_599 : vector<16xf32> to vector<1x16xf32>
        tpu.vector_store %arg14[%swap3A_600, %swap3A_601], %swap3A_604 {strides = array<i32>} : memref<50x32xf32, #tpu.memory_space<vmem>>, vector<1x16xf32>,
      }
      %scan3A_85 = arith.constant 50 : i32
      %add3A_86 = arith.addi %mul3A_2, %mul3A_49 : i32
      %dma_start3A_87 = arith.constant 0 : i32
      %dma_start3A_88 = arith.constant 0 : i32
      %dma_start3A_89 = tpu.memref_slice %arg6[%add3A_86, %dma_start3A_87, %dma_start3A_88] : memref<1024x50x32xf32, #tpu.memory_space<hbm>> -> memref<1x50x32xf32, #tpu.memory_space<hbm>>
      %dma_start3A_90 = tpu.memref_squeeze %dma_start3A_89 : memref<1x50x32xf32, #tpu.memory_space<hbm>> -> memref<50x32xf32, #tpu.memory_space<hbm>>
      %dma_start3A_91 = arith.constant 0 : i32
      %dma_start3A_92 = arith.constant 0 : i32
      %dma_start3A_93 = tpu.memref_slice %arg6[%add3A_86, %dma_start3A_91, %dma_start3A_92] : memref<1024x50x32xf32, #tpu.memory_space<hbm>> -> memref<1x50x32xf32, #tpu.memory_space<hbm>>
      %dma_start3A_94 = tpu.memref_squeeze %dma_start3A_93 : memref<1x50x32xf32, #tpu.memory_space<hbm>> -> memref<50x32xf32, #tpu.memory_space<hbm>>
      tpu.enqueue_dma source(%arg14 : memref<50x32xf32, #tpu.memory_space<vmem>>) target(%dma_start3A_94 : memref<50x32xf32, #tpu.memory_space<hbm>>) target_semaphore(%arg20 : memref<!tpu.dma_semaphore, #tpu.memory_space<semaphore_mem>>)
      %mul3A_95 = arith.constant 2 : i32
      %mul3A_96 = arith.muli %mul3A_95, %scan3A_47 : i32
      %add3A_97 = arith.constant 1 : i32
      %add3A_98 = arith.addi %mul3A_96, %add3A_97 : i32
      %dma_wait3A_99 = arith.constant 0 : i32
      %dma_wait3A_100 = tpu.memref_slice %arg7[%add3A_98, %dma_wait3A_99] : memref<32x1000xi32, #tpu.memory_space<vmem>> -> memref<1x1000xi32, #tpu.memory_space<vmem>>
      %dma_wait3A_101 = tpu.memref_squeeze %dma_wait3A_100 : memref<1x1000xi32, #tpu.memory_space<vmem>> -> memref<1000xi32, #tpu.memory_space<vmem>>
      %dma_wait3A_102 = arith.constant 0 : i32
      %dma_wait3A_103 = arith.constant 0 : i32
      %dma_wait3A_104 = tpu.memref_slice %arg3[%dma_wait3A_102, %dma_wait3A_103] : memref<100000x32xf32, #tpu.memory_space<hbm>> -> memref<100000x32xf32, #tpu.memory_space<hbm>>
      tpu.wait_indirect_dma semaphore(%arg17 : memref<!tpu.dma_semaphore, #tpu.memory_space<semaphore_mem>>) src(%dma_wait3A_104 : memref<100000x32xf32, #tpu.memory_space<hbm>>) dst(%arg9 : memref<1000x32xf32, #tpu.memory_space<vmem>>)
      %dma_wait3A_105 = arith.constant 0 : i32
      %dma_wait3A_106 = arith.constant 0 : i32
      %dma_wait3A_107 = tpu.memref_slice %arg4[%add3A, %add3A_98, %dma_wait3A_105, %dma_wait3A_106] : memref<32x32x50x32xf32, #tpu.memory_space<hbm>> -> memref<1x1x50x32xf32, #tpu.memory_space<hbm>>
      %dma_wait3A_108 = tpu.memref_squeeze %dma_wait3A_107 : memref<1x1x50x32xf32, #tpu.memory_space<hbm>> -> memref<50x32xf32, #tpu.memory_space<hbm>>
      %dma_wait3A_109 = arith.constant 0 : i32
      %dma_wait3A_110 = arith.constant 0 : i32
      %dma_wait3A_111 = tpu.memref_slice %arg4[%add3A, %add3A_98, %dma_wait3A_109, %dma_wait3A_110] : memref<32x32x50x32xf32, #tpu.memory_space<hbm>> -> memref<1x1x50x32xf32, #tpu.memory_space<hbm>>
      %dma_wait3A_112 = tpu.memref_squeeze %dma_wait3A_111 : memref<1x1x50x32xf32, #tpu.memory_space<hbm>> -> memref<50x32xf32, #tpu.memory_space<hbm>>
      tpu.wait_dma2 semaphore(%arg19 : memref<!tpu.dma_semaphore, #tpu.memory_space<semaphore_mem>>) src(%dma_wait3A_112 : memref<50x32xf32, #tpu.memory_space<hbm>>) dst(%arg11 : memref<50x32xf32, #tpu.memory_space<vmem>>)
      %dma_wait3A_113 = arith.constant 0 : i32
      %dma_wait3A_114 = arith.constant 0 : i32
      %dma_wait3A_115 = tpu.memref_slice %arg5[%add3A, %add3A_98, %dma_wait3A_113, %dma_wait3A_114] : memref<32x32x50x32xf32, #tpu.memory_space<hbm>> -> memref<1x1x50x32xf32, #tpu.memory_space<hbm>>
      %dma_wait3A_116 = tpu.memref_squeeze %dma_wait3A_115 : memref<1x1x50x32xf32, #tpu.memory_space<hbm>> -> memref<50x32xf32, #tpu.memory_space<hbm>>
      %dma_wait3A_117 = arith.constant 0 : i32
      %dma_wait3A_118 = arith.constant 0 : i32
      %dma_wait3A_119 = tpu.memref_slice %arg5[%add3A, %add3A_98, %dma_wait3A_117, %dma_wait3A_118] : memref<32x32x50x32xf32, #tpu.memory_space<hbm>> -> memref<1x1x50x32xf32, #tpu.memory_space<hbm>>
      %dma_wait3A_120 = tpu.memref_squeeze %dma_wait3A_119 : memref<1x1x50x32xf32, #tpu.memory_space<hbm>> -> memref<50x32xf32, #tpu.memory_space<hbm>>
      tpu.wait_dma2 semaphore(%arg19 : memref<!tpu.dma_semaphore, #tpu.memory_space<semaphore_mem>>) src(%dma_wait3A_120 : memref<50x32xf32, #tpu.memory_space<hbm>>) dst(%arg13 : memref<50x32xf32, #tpu.memory_space<vmem>>)
      %add3A_121 = arith.constant 1 : i32
      %add3A_122 = arith.addi %add3A_98, %add3A_121 : i32
      %lt3A_123 = arith.constant 32 : i32
      %lt3A_124 = arith.cmpi slt, %add3A_122, %lt3A_123 : i32
      %convert_element_type3A_125 = arith.extui %lt3A_124 : i1 to i32
      %cond3A_126 = arith.constant 0 : i32
      %cond3A_127 = arith.cmpi ne, %convert_element_type3A_125, %cond3A_126 : i32
      scf.if %cond3A_127 {
        %add3A_148 = arith.constant 1 : i32
        %add3A_149 = arith.addi %add3A_98, %add3A_148 : i32
        %dma_start3A_150 = arith.constant 0 : i32
        %dma_start3A_151 = tpu.memref_slice %arg7[%add3A_149, %dma_start3A_150] : memref<32x1000xi32, #tpu.memory_space<vmem>> -> memref<1x1000xi32, #tpu.memory_space<vmem>>
        %dma_start3A_152 = tpu.memref_squeeze %dma_start3A_151 : memref<1x1000xi32, #tpu.memory_space<vmem>> -> memref<1000xi32, #tpu.memory_space<vmem>>
        %dma_start3A_153 = arith.constant 0 : i32
        %dma_start3A_154 = arith.constant 0 : i32
        %dma_start3A_155 = tpu.memref_slice %arg3[%dma_start3A_153, %dma_start3A_154] : memref<100000x32xf32, #tpu.memory_space<hbm>> -> memref<100000x32xf32, #tpu.memory_space<hbm>>
        tpu.enqueue_indirect_dma source(%dma_start3A_155 : memref<100000x32xf32, #tpu.memory_space<hbm>>) target(%arg8 : memref<1000x32xf32, #tpu.memory_space<vmem>>) offsets(%dma_start3A_152 : memref<1000xi32, #tpu.memory_space<vmem>>) semaphore(%arg16 : memref<!tpu.dma_semaphore, #tpu.memory_space<semaphore_mem>>)
        %add3A_156 = arith.constant 1 : i32
        %add3A_157 = arith.addi %add3A_98, %add3A_156 : i32
        %dma_start3A_158 = arith.constant 0 : i32
        %dma_start3A_159 = arith.constant 0 : i32
        %dma_start3A_160 = tpu.memref_slice %arg4[%add3A, %add3A_157, %dma_start3A_158, %dma_start3A_159] : memref<32x32x50x32xf32, #tpu.memory_space<hbm>> -> memref<1x1x50x32xf32, #tpu.memory_space<hbm>>
        %dma_start3A_161 = tpu.memref_squeeze %dma_start3A_160 : memref<1x1x50x32xf32, #tpu.memory_space<hbm>> -> memref<50x32xf32, #tpu.memory_space<hbm>>
        %dma_start3A_162 = arith.constant 0 : i32
        %dma_start3A_163 = arith.constant 0 : i32
        %dma_start3A_164 = tpu.memref_slice %arg4[%add3A, %add3A_157, %dma_start3A_162, %dma_start3A_163] : memref<32x32x50x32xf32, #tpu.memory_space<hbm>> -> memref<1x1x50x32xf32, #tpu.memory_space<hbm>>
        %dma_start3A_165 = tpu.memref_squeeze %dma_start3A_164 : memref<1x1x50x32xf32, #tpu.memory_space<hbm>> -> memref<50x32xf32, #tpu.memory_space<hbm>>
        tpu.enqueue_dma source(%dma_start3A_165 : memref<50x32xf32, #tpu.memory_space<hbm>>) target(%arg10 : memref<50x32xf32, #tpu.memory_space<vmem>>) target_semaphore(%arg18 : memref<!tpu.dma_semaphore, #tpu.memory_space<semaphore_mem>>)
        %add3A_166 = arith.constant 1 : i32
        %add3A_167 = arith.addi %add3A_98, %add3A_166 : i32
        %dma_start3A_168 = arith.constant 0 : i32
        %dma_start3A_169 = arith.constant 0 : i32
        %dma_start3A_170 = tpu.memref_slice %arg5[%add3A, %add3A_167, %dma_start3A_168, %dma_start3A_169] : memref<32x32x50x32xf32, #tpu.memory_space<hbm>> -> memref<1x1x50x32xf32, #tpu.memory_space<hbm>>
        %dma_start3A_171 = tpu.memref_squeeze %dma_start3A_170 : memref<1x1x50x32xf32, #tpu.memory_space<hbm>> -> memref<50x32xf32, #tpu.memory_space<hbm>>
        %dma_start3A_172 = arith.constant 0 : i32
        %dma_start3A_173 = arith.constant 0 : i32
        %dma_start3A_174 = tpu.memref_slice %arg5[%add3A, %add3A_167, %dma_start3A_172, %dma_start3A_173] : memref<32x32x50x32xf32, #tpu.memory_space<hbm>> -> memref<1x1x50x32xf32, #tpu.memory_space<hbm>>
        %dma_start3A_175 = tpu.memref_squeeze %dma_start3A_174 : memref<1x1x50x32xf32, #tpu.memory_space<hbm>> -> memref<50x32xf32, #tpu.memory_space<hbm>>
        tpu.enqueue_dma source(%dma_start3A_175 : memref<50x32xf32, #tpu.memory_space<hbm>>) target(%arg12 : memref<50x32xf32, #tpu.memory_space<vmem>>) target_semaphore(%arg18 : memref<!tpu.dma_semaphore, #tpu.memory_space<semaphore_mem>>)
      } else {
      }
      %ge3A_128 = arith.constant 2 : i32
      %ge3A_129 = arith.cmpi sge, %add3A_98, %ge3A_128 : i32
      %convert_element_type3A_130 = arith.extui %ge3A_129 : i1 to i32
      %cond3A_131 = arith.constant 0 : i32
      %cond3A_132 = arith.cmpi ne, %convert_element_type3A_130, %cond3A_131 : i32
      scf.if %cond3A_132 {
        %add3A_148 = arith.addi %mul3A_2, %add3A_98 : i32
        %dma_wait3A_149 = arith.constant 0 : i32
        %dma_wait3A_150 = arith.constant 0 : i32
        %dma_wait3A_151 = tpu.memref_slice %arg6[%add3A_148, %dma_wait3A_149, %dma_wait3A_150] : memref<1024x50x32xf32, #tpu.memory_space<hbm>> -> memref<1x50x32xf32, #tpu.memory_space<hbm>>
        %dma_wait3A_152 = tpu.memref_squeeze %dma_wait3A_151 : memref<1x50x32xf32, #tpu.memory_space<hbm>> -> memref<50x32xf32, #tpu.memory_space<hbm>>
        %dma_wait3A_153 = arith.constant 0 : i32
        %dma_wait3A_154 = arith.constant 0 : i32
        %dma_wait3A_155 = tpu.memref_slice %arg6[%add3A_148, %dma_wait3A_153, %dma_wait3A_154] : memref<1024x50x32xf32, #tpu.memory_space<hbm>> -> memref<1x50x32xf32, #tpu.memory_space<hbm>>
        %dma_wait3A_156 = tpu.memref_squeeze %dma_wait3A_155 : memref<1x50x32xf32, #tpu.memory_space<hbm>> -> memref<50x32xf32, #tpu.memory_space<hbm>>
        tpu.wait_dma2 semaphore(%arg21 : memref<!tpu.dma_semaphore, #tpu.memory_space<semaphore_mem>>) src(%arg15 : memref<50x32xf32, #tpu.memory_space<vmem>>) dst(%dma_wait3A_156 : memref<50x32xf32, #tpu.memory_space<hbm>>)
      } else {
      }
      %scan3A_133 = arith.constant 0 : i32
      %scan3A_134 = arith.constant 0 : i32
      %scan3A_135 = arith.constant 50 : i32
      %scan3A_136 = arith.addi %scan3A_134, %scan3A_135 : i32
      %scan3A_137 = arith.constant 1 : i32
      scf.for %scan3A_148 = %scan3A_134 to %scan3A_136 step %scan3A_137  : i32 {
        %mul3A_149 = arith.constant 20 : i32
        %mul3A_150 = arith.muli %scan3A_148, %mul3A_149 : i32
        %broadcast_in_dim3A = arith.constant 0.000000e+00 : f32
        %broadcast_in_dim3A_151 = vector.broadcast %broadcast_in_dim3A : f32 to vector<16xf32>
        %broadcast_in_dim3A_152 = arith.constant 0.000000e+00 : f32
        %broadcast_in_dim3A_153 = vector.broadcast %broadcast_in_dim3A_152 : f32 to vector<16xf32>
        %add3A_154 = arith.constant 0 : i32
        %add3A_155 = arith.addi %mul3A_150, %add3A_154 : i32
        %get3A = arith.index_cast %add3A_155 : i32 to index
        %get3A_156 = arith.constant 0 : index
        %get3A_157 = tpu.vector_load %arg9[%get3A, %get3A_156] {strides = array<i32>} : memref<1000x32xf32, #tpu.memory_space<vmem>>, vector<1x16xf32>,
        %get3A_158 = vector.shape_cast %get3A_157 : vector<1x16xf32> to vector<16xf32>
        %add3A_159 = arith.addf %broadcast_in_dim3A_151, %get3A_158 : vector<16xf32>
        %add3A_160 = arith.constant 0 : i32
        %add3A_161 = arith.addi %mul3A_150, %add3A_160 : i32
        %get3A_162 = arith.index_cast %add3A_161 : i32 to index
        %get3A_163 = arith.constant 16 : index
        %get3A_164 = tpu.vector_load %arg9[%get3A_162, %get3A_163] {strides = array<i32>} : memref<1000x32xf32, #tpu.memory_space<vmem>>, vector<1x16xf32>,
        %get3A_165 = vector.shape_cast %get3A_164 : vector<1x16xf32> to vector<16xf32>
        %add3A_166 = arith.addf %broadcast_in_dim3A_153, %get3A_165 : vector<16xf32>
        %add3A_167 = arith.constant 1 : i32
        %add3A_168 = arith.addi %mul3A_150, %add3A_167 : i32
        %get3A_169 = arith.index_cast %add3A_168 : i32 to index
        %get3A_170 = arith.constant 0 : index
        %get3A_171 = tpu.vector_load %arg9[%get3A_169, %get3A_170] {strides = array<i32>} : memref<1000x32xf32, #tpu.memory_space<vmem>>, vector<1x16xf32>,
        %get3A_172 = vector.shape_cast %get3A_171 : vector<1x16xf32> to vector<16xf32>
        %add3A_173 = arith.addf %add3A_159, %get3A_172 : vector<16xf32>
        %add3A_174 = arith.constant 1 : i32
        %add3A_175 = arith.addi %mul3A_150, %add3A_174 : i32
        %get3A_176 = arith.index_cast %add3A_175 : i32 to index
        %get3A_177 = arith.constant 16 : index
        %get3A_178 = tpu.vector_load %arg9[%get3A_176, %get3A_177] {strides = array<i32>} : memref<1000x32xf32, #tpu.memory_space<vmem>>, vector<1x16xf32>,
        %get3A_179 = vector.shape_cast %get3A_178 : vector<1x16xf32> to vector<16xf32>
        %add3A_180 = arith.addf %add3A_166, %get3A_179 : vector<16xf32>
        %add3A_181 = arith.constant 2 : i32
        %add3A_182 = arith.addi %mul3A_150, %add3A_181 : i32
        %get3A_183 = arith.index_cast %add3A_182 : i32 to index
        %get3A_184 = arith.constant 0 : index
        %get3A_185 = tpu.vector_load %arg9[%get3A_183, %get3A_184] {strides = array<i32>} : memref<1000x32xf32, #tpu.memory_space<vmem>>, vector<1x16xf32>,
        %get3A_186 = vector.shape_cast %get3A_185 : vector<1x16xf32> to vector<16xf32>
        %add3A_187 = arith.addf %add3A_173, %get3A_186 : vector<16xf32>
        %add3A_188 = arith.constant 2 : i32
        %add3A_189 = arith.addi %mul3A_150, %add3A_188 : i32
        %get3A_190 = arith.index_cast %add3A_189 : i32 to index
        %get3A_191 = arith.constant 16 : index
        %get3A_192 = tpu.vector_load %arg9[%get3A_190, %get3A_191] {strides = array<i32>} : memref<1000x32xf32, #tpu.memory_space<vmem>>, vector<1x16xf32>,
        %get3A_193 = vector.shape_cast %get3A_192 : vector<1x16xf32> to vector<16xf32>
        %add3A_194 = arith.addf %add3A_180, %get3A_193 : vector<16xf32>
        %add3A_195 = arith.constant 3 : i32
        %add3A_196 = arith.addi %mul3A_150, %add3A_195 : i32
        %get3A_197 = arith.index_cast %add3A_196 : i32 to index
        %get3A_198 = arith.constant 0 : index
        %get3A_199 = tpu.vector_load %arg9[%get3A_197, %get3A_198] {strides = array<i32>} : memref<1000x32xf32, #tpu.memory_space<vmem>>, vector<1x16xf32>,
        %get3A_200 = vector.shape_cast %get3A_199 : vector<1x16xf32> to vector<16xf32>
        %add3A_201 = arith.addf %add3A_187, %get3A_200 : vector<16xf32>
        %add3A_202 = arith.constant 3 : i32
        %add3A_203 = arith.addi %mul3A_150, %add3A_202 : i32
        %get3A_204 = arith.index_cast %add3A_203 : i32 to index
        %get3A_205 = arith.constant 16 : index
        %get3A_206 = tpu.vector_load %arg9[%get3A_204, %get3A_205] {strides = array<i32>} : memref<1000x32xf32, #tpu.memory_space<vmem>>, vector<1x16xf32>,
        %get3A_207 = vector.shape_cast %get3A_206 : vector<1x16xf32> to vector<16xf32>
        %add3A_208 = arith.addf %add3A_194, %get3A_207 : vector<16xf32>
        %add3A_209 = arith.constant 4 : i32
        %add3A_210 = arith.addi %mul3A_150, %add3A_209 : i32
        %get3A_211 = arith.index_cast %add3A_210 : i32 to index
        %get3A_212 = arith.constant 0 : index
        %get3A_213 = tpu.vector_load %arg9[%get3A_211, %get3A_212] {strides = array<i32>} : memref<1000x32xf32, #tpu.memory_space<vmem>>, vector<1x16xf32>,
        %get3A_214 = vector.shape_cast %get3A_213 : vector<1x16xf32> to vector<16xf32>
        %add3A_215 = arith.addf %add3A_201, %get3A_214 : vector<16xf32>
        %add3A_216 = arith.constant 4 : i32
        %add3A_217 = arith.addi %mul3A_150, %add3A_216 : i32
        %get3A_218 = arith.index_cast %add3A_217 : i32 to index
        %get3A_219 = arith.constant 16 : index
        %get3A_220 = tpu.vector_load %arg9[%get3A_218, %get3A_219] {strides = array<i32>} : memref<1000x32xf32, #tpu.memory_space<vmem>>, vector<1x16xf32>,
        %get3A_221 = vector.shape_cast %get3A_220 : vector<1x16xf32> to vector<16xf32>
        %add3A_222 = arith.addf %add3A_208, %get3A_221 : vector<16xf32>
        %add3A_223 = arith.constant 5 : i32
        %add3A_224 = arith.addi %mul3A_150, %add3A_223 : i32
        %get3A_225 = arith.index_cast %add3A_224 : i32 to index
        %get3A_226 = arith.constant 0 : index
        %get3A_227 = tpu.vector_load %arg9[%get3A_225, %get3A_226] {strides = array<i32>} : memref<1000x32xf32, #tpu.memory_space<vmem>>, vector<1x16xf32>,
        %get3A_228 = vector.shape_cast %get3A_227 : vector<1x16xf32> to vector<16xf32>
        %add3A_229 = arith.addf %add3A_215, %get3A_228 : vector<16xf32>
        %add3A_230 = arith.constant 5 : i32
        %add3A_231 = arith.addi %mul3A_150, %add3A_230 : i32
        %get3A_232 = arith.index_cast %add3A_231 : i32 to index
        %get3A_233 = arith.constant 16 : index
        %get3A_234 = tpu.vector_load %arg9[%get3A_232, %get3A_233] {strides = array<i32>} : memref<1000x32xf32, #tpu.memory_space<vmem>>, vector<1x16xf32>,
        %get3A_235 = vector.shape_cast %get3A_234 : vector<1x16xf32> to vector<16xf32>
        %add3A_236 = arith.addf %add3A_222, %get3A_235 : vector<16xf32>
        %add3A_237 = arith.constant 6 : i32
        %add3A_238 = arith.addi %mul3A_150, %add3A_237 : i32
        %get3A_239 = arith.index_cast %add3A_238 : i32 to index
        %get3A_240 = arith.constant 0 : index
        %get3A_241 = tpu.vector_load %arg9[%get3A_239, %get3A_240] {strides = array<i32>} : memref<1000x32xf32, #tpu.memory_space<vmem>>, vector<1x16xf32>,
        %get3A_242 = vector.shape_cast %get3A_241 : vector<1x16xf32> to vector<16xf32>
        %add3A_243 = arith.addf %add3A_229, %get3A_242 : vector<16xf32>
        %add3A_244 = arith.constant 6 : i32
        %add3A_245 = arith.addi %mul3A_150, %add3A_244 : i32
        %get3A_246 = arith.index_cast %add3A_245 : i32 to index
        %get3A_247 = arith.constant 16 : index
        %get3A_248 = tpu.vector_load %arg9[%get3A_246, %get3A_247] {strides = array<i32>} : memref<1000x32xf32, #tpu.memory_space<vmem>>, vector<1x16xf32>,
        %get3A_249 = vector.shape_cast %get3A_248 : vector<1x16xf32> to vector<16xf32>
        %add3A_250 = arith.addf %add3A_236, %get3A_249 : vector<16xf32>
        %add3A_251 = arith.constant 7 : i32
        %add3A_252 = arith.addi %mul3A_150, %add3A_251 : i32
        %get3A_253 = arith.index_cast %add3A_252 : i32 to index
        %get3A_254 = arith.constant 0 : index
        %get3A_255 = tpu.vector_load %arg9[%get3A_253, %get3A_254] {strides = array<i32>} : memref<1000x32xf32, #tpu.memory_space<vmem>>, vector<1x16xf32>,
        %get3A_256 = vector.shape_cast %get3A_255 : vector<1x16xf32> to vector<16xf32>
        %add3A_257 = arith.addf %add3A_243, %get3A_256 : vector<16xf32>
        %add3A_258 = arith.constant 7 : i32
        %add3A_259 = arith.addi %mul3A_150, %add3A_258 : i32
        %get3A_260 = arith.index_cast %add3A_259 : i32 to index
        %get3A_261 = arith.constant 16 : index
        %get3A_262 = tpu.vector_load %arg9[%get3A_260, %get3A_261] {strides = array<i32>} : memref<1000x32xf32, #tpu.memory_space<vmem>>, vector<1x16xf32>,
        %get3A_263 = vector.shape_cast %get3A_262 : vector<1x16xf32> to vector<16xf32>
        %add3A_264 = arith.addf %add3A_250, %get3A_263 : vector<16xf32>
        %add3A_265 = arith.constant 8 : i32
        %add3A_266 = arith.addi %mul3A_150, %add3A_265 : i32
        %get3A_267 = arith.index_cast %add3A_266 : i32 to index
        %get3A_268 = arith.constant 0 : index
        %get3A_269 = tpu.vector_load %arg9[%get3A_267, %get3A_268] {strides = array<i32>} : memref<1000x32xf32, #tpu.memory_space<vmem>>, vector<1x16xf32>,
        %get3A_270 = vector.shape_cast %get3A_269 : vector<1x16xf32> to vector<16xf32>
        %add3A_271 = arith.addf %add3A_257, %get3A_270 : vector<16xf32>
        %add3A_272 = arith.constant 8 : i32
        %add3A_273 = arith.addi %mul3A_150, %add3A_272 : i32
        %get3A_274 = arith.index_cast %add3A_273 : i32 to index
        %get3A_275 = arith.constant 16 : index
        %get3A_276 = tpu.vector_load %arg9[%get3A_274, %get3A_275] {strides = array<i32>} : memref<1000x32xf32, #tpu.memory_space<vmem>>, vector<1x16xf32>,
        %get3A_277 = vector.shape_cast %get3A_276 : vector<1x16xf32> to vector<16xf32>
        %add3A_278 = arith.addf %add3A_264, %get3A_277 : vector<16xf32>
        %add3A_279 = arith.constant 9 : i32
        %add3A_280 = arith.addi %mul3A_150, %add3A_279 : i32
        %get3A_281 = arith.index_cast %add3A_280 : i32 to index
        %get3A_282 = arith.constant 0 : index
        %get3A_283 = tpu.vector_load %arg9[%get3A_281, %get3A_282] {strides = array<i32>} : memref<1000x32xf32, #tpu.memory_space<vmem>>, vector<1x16xf32>,
        %get3A_284 = vector.shape_cast %get3A_283 : vector<1x16xf32> to vector<16xf32>
        %add3A_285 = arith.addf %add3A_271, %get3A_284 : vector<16xf32>
        %add3A_286 = arith.constant 9 : i32
        %add3A_287 = arith.addi %mul3A_150, %add3A_286 : i32
        %get3A_288 = arith.index_cast %add3A_287 : i32 to index
        %get3A_289 = arith.constant 16 : index
        %get3A_290 = tpu.vector_load %arg9[%get3A_288, %get3A_289] {strides = array<i32>} : memref<1000x32xf32, #tpu.memory_space<vmem>>, vector<1x16xf32>,
        %get3A_291 = vector.shape_cast %get3A_290 : vector<1x16xf32> to vector<16xf32>
        %add3A_292 = arith.addf %add3A_278, %get3A_291 : vector<16xf32>
        %add3A_293 = arith.constant 10 : i32
        %add3A_294 = arith.addi %mul3A_150, %add3A_293 : i32
        %get3A_295 = arith.index_cast %add3A_294 : i32 to index
        %get3A_296 = arith.constant 0 : index
        %get3A_297 = tpu.vector_load %arg9[%get3A_295, %get3A_296] {strides = array<i32>} : memref<1000x32xf32, #tpu.memory_space<vmem>>, vector<1x16xf32>,
        %get3A_298 = vector.shape_cast %get3A_297 : vector<1x16xf32> to vector<16xf32>
        %add3A_299 = arith.addf %add3A_285, %get3A_298 : vector<16xf32>
        %add3A_300 = arith.constant 10 : i32
        %add3A_301 = arith.addi %mul3A_150, %add3A_300 : i32
        %get3A_302 = arith.index_cast %add3A_301 : i32 to index
        %get3A_303 = arith.constant 16 : index
        %get3A_304 = tpu.vector_load %arg9[%get3A_302, %get3A_303] {strides = array<i32>} : memref<1000x32xf32, #tpu.memory_space<vmem>>, vector<1x16xf32>,
        %get3A_305 = vector.shape_cast %get3A_304 : vector<1x16xf32> to vector<16xf32>
        %add3A_306 = arith.addf %add3A_292, %get3A_305 : vector<16xf32>
        %add3A_307 = arith.constant 11 : i32
        %add3A_308 = arith.addi %mul3A_150, %add3A_307 : i32
        %get3A_309 = arith.index_cast %add3A_308 : i32 to index
        %get3A_310 = arith.constant 0 : index
        %get3A_311 = tpu.vector_load %arg9[%get3A_309, %get3A_310] {strides = array<i32>} : memref<1000x32xf32, #tpu.memory_space<vmem>>, vector<1x16xf32>,
        %get3A_312 = vector.shape_cast %get3A_311 : vector<1x16xf32> to vector<16xf32>
        %add3A_313 = arith.addf %add3A_299, %get3A_312 : vector<16xf32>
        %add3A_314 = arith.constant 11 : i32
        %add3A_315 = arith.addi %mul3A_150, %add3A_314 : i32
        %get3A_316 = arith.index_cast %add3A_315 : i32 to index
        %get3A_317 = arith.constant 16 : index
        %get3A_318 = tpu.vector_load %arg9[%get3A_316, %get3A_317] {strides = array<i32>} : memref<1000x32xf32, #tpu.memory_space<vmem>>, vector<1x16xf32>,
        %get3A_319 = vector.shape_cast %get3A_318 : vector<1x16xf32> to vector<16xf32>
        %add3A_320 = arith.addf %add3A_306, %get3A_319 : vector<16xf32>
        %add3A_321 = arith.constant 12 : i32
        %add3A_322 = arith.addi %mul3A_150, %add3A_321 : i32
        %get3A_323 = arith.index_cast %add3A_322 : i32 to index
        %get3A_324 = arith.constant 0 : index
        %get3A_325 = tpu.vector_load %arg9[%get3A_323, %get3A_324] {strides = array<i32>} : memref<1000x32xf32, #tpu.memory_space<vmem>>, vector<1x16xf32>,
        %get3A_326 = vector.shape_cast %get3A_325 : vector<1x16xf32> to vector<16xf32>
        %add3A_327 = arith.addf %add3A_313, %get3A_326 : vector<16xf32>
        %add3A_328 = arith.constant 12 : i32
        %add3A_329 = arith.addi %mul3A_150, %add3A_328 : i32
        %get3A_330 = arith.index_cast %add3A_329 : i32 to index
        %get3A_331 = arith.constant 16 : index
        %get3A_332 = tpu.vector_load %arg9[%get3A_330, %get3A_331] {strides = array<i32>} : memref<1000x32xf32, #tpu.memory_space<vmem>>, vector<1x16xf32>,
        %get3A_333 = vector.shape_cast %get3A_332 : vector<1x16xf32> to vector<16xf32>
        %add3A_334 = arith.addf %add3A_320, %get3A_333 : vector<16xf32>
        %add3A_335 = arith.constant 13 : i32
        %add3A_336 = arith.addi %mul3A_150, %add3A_335 : i32
        %get3A_337 = arith.index_cast %add3A_336 : i32 to index
        %get3A_338 = arith.constant 0 : index
        %get3A_339 = tpu.vector_load %arg9[%get3A_337, %get3A_338] {strides = array<i32>} : memref<1000x32xf32, #tpu.memory_space<vmem>>, vector<1x16xf32>,
        %get3A_340 = vector.shape_cast %get3A_339 : vector<1x16xf32> to vector<16xf32>
        %add3A_341 = arith.addf %add3A_327, %get3A_340 : vector<16xf32>
        %add3A_342 = arith.constant 13 : i32
        %add3A_343 = arith.addi %mul3A_150, %add3A_342 : i32
        %get3A_344 = arith.index_cast %add3A_343 : i32 to index
        %get3A_345 = arith.constant 16 : index
        %get3A_346 = tpu.vector_load %arg9[%get3A_344, %get3A_345] {strides = array<i32>} : memref<1000x32xf32, #tpu.memory_space<vmem>>, vector<1x16xf32>,
        %get3A_347 = vector.shape_cast %get3A_346 : vector<1x16xf32> to vector<16xf32>
        %add3A_348 = arith.addf %add3A_334, %get3A_347 : vector<16xf32>
        %add3A_349 = arith.constant 14 : i32
        %add3A_350 = arith.addi %mul3A_150, %add3A_349 : i32
        %get3A_351 = arith.index_cast %add3A_350 : i32 to index
        %get3A_352 = arith.constant 0 : index
        %get3A_353 = tpu.vector_load %arg9[%get3A_351, %get3A_352] {strides = array<i32>} : memref<1000x32xf32, #tpu.memory_space<vmem>>, vector<1x16xf32>,
        %get3A_354 = vector.shape_cast %get3A_353 : vector<1x16xf32> to vector<16xf32>
        %add3A_355 = arith.addf %add3A_341, %get3A_354 : vector<16xf32>
        %add3A_356 = arith.constant 14 : i32
        %add3A_357 = arith.addi %mul3A_150, %add3A_356 : i32
        %get3A_358 = arith.index_cast %add3A_357 : i32 to index
        %get3A_359 = arith.constant 16 : index
        %get3A_360 = tpu.vector_load %arg9[%get3A_358, %get3A_359] {strides = array<i32>} : memref<1000x32xf32, #tpu.memory_space<vmem>>, vector<1x16xf32>,
        %get3A_361 = vector.shape_cast %get3A_360 : vector<1x16xf32> to vector<16xf32>
        %add3A_362 = arith.addf %add3A_348, %get3A_361 : vector<16xf32>
        %add3A_363 = arith.constant 15 : i32
        %add3A_364 = arith.addi %mul3A_150, %add3A_363 : i32
        %get3A_365 = arith.index_cast %add3A_364 : i32 to index
        %get3A_366 = arith.constant 0 : index
        %get3A_367 = tpu.vector_load %arg9[%get3A_365, %get3A_366] {strides = array<i32>} : memref<1000x32xf32, #tpu.memory_space<vmem>>, vector<1x16xf32>,
        %get3A_368 = vector.shape_cast %get3A_367 : vector<1x16xf32> to vector<16xf32>
        %add3A_369 = arith.addf %add3A_355, %get3A_368 : vector<16xf32>
        %add3A_370 = arith.constant 15 : i32
        %add3A_371 = arith.addi %mul3A_150, %add3A_370 : i32
        %get3A_372 = arith.index_cast %add3A_371 : i32 to index
        %get3A_373 = arith.constant 16 : index
        %get3A_374 = tpu.vector_load %arg9[%get3A_372, %get3A_373] {strides = array<i32>} : memref<1000x32xf32, #tpu.memory_space<vmem>>, vector<1x16xf32>,
        %get3A_375 = vector.shape_cast %get3A_374 : vector<1x16xf32> to vector<16xf32>
        %add3A_376 = arith.addf %add3A_362, %get3A_375 : vector<16xf32>
        %add3A_377 = arith.constant 16 : i32
        %add3A_378 = arith.addi %mul3A_150, %add3A_377 : i32
        %get3A_379 = arith.index_cast %add3A_378 : i32 to index
        %get3A_380 = arith.constant 0 : index
        %get3A_381 = tpu.vector_load %arg9[%get3A_379, %get3A_380] {strides = array<i32>} : memref<1000x32xf32, #tpu.memory_space<vmem>>, vector<1x16xf32>,
        %get3A_382 = vector.shape_cast %get3A_381 : vector<1x16xf32> to vector<16xf32>
        %add3A_383 = arith.addf %add3A_369, %get3A_382 : vector<16xf32>
        %add3A_384 = arith.constant 16 : i32
        %add3A_385 = arith.addi %mul3A_150, %add3A_384 : i32
        %get3A_386 = arith.index_cast %add3A_385 : i32 to index
        %get3A_387 = arith.constant 16 : index
        %get3A_388 = tpu.vector_load %arg9[%get3A_386, %get3A_387] {strides = array<i32>} : memref<1000x32xf32, #tpu.memory_space<vmem>>, vector<1x16xf32>,
        %get3A_389 = vector.shape_cast %get3A_388 : vector<1x16xf32> to vector<16xf32>
        %add3A_390 = arith.addf %add3A_376, %get3A_389 : vector<16xf32>
        %add3A_391 = arith.constant 17 : i32
        %add3A_392 = arith.addi %mul3A_150, %add3A_391 : i32
        %get3A_393 = arith.index_cast %add3A_392 : i32 to index
        %get3A_394 = arith.constant 0 : index
        %get3A_395 = tpu.vector_load %arg9[%get3A_393, %get3A_394] {strides = array<i32>} : memref<1000x32xf32, #tpu.memory_space<vmem>>, vector<1x16xf32>,
        %get3A_396 = vector.shape_cast %get3A_395 : vector<1x16xf32> to vector<16xf32>
        %add3A_397 = arith.addf %add3A_383, %get3A_396 : vector<16xf32>
        %add3A_398 = arith.constant 17 : i32
        %add3A_399 = arith.addi %mul3A_150, %add3A_398 : i32
        %get3A_400 = arith.index_cast %add3A_399 : i32 to index
        %get3A_401 = arith.constant 16 : index
        %get3A_402 = tpu.vector_load %arg9[%get3A_400, %get3A_401] {strides = array<i32>} : memref<1000x32xf32, #tpu.memory_space<vmem>>, vector<1x16xf32>,
        %get3A_403 = vector.shape_cast %get3A_402 : vector<1x16xf32> to vector<16xf32>
        %add3A_404 = arith.addf %add3A_390, %get3A_403 : vector<16xf32>
        %add3A_405 = arith.constant 18 : i32
        %add3A_406 = arith.addi %mul3A_150, %add3A_405 : i32
        %get3A_407 = arith.index_cast %add3A_406 : i32 to index
        %get3A_408 = arith.constant 0 : index
        %get3A_409 = tpu.vector_load %arg9[%get3A_407, %get3A_408] {strides = array<i32>} : memref<1000x32xf32, #tpu.memory_space<vmem>>, vector<1x16xf32>,
        %get3A_410 = vector.shape_cast %get3A_409 : vector<1x16xf32> to vector<16xf32>
        %add3A_411 = arith.addf %add3A_397, %get3A_410 : vector<16xf32>
        %add3A_412 = arith.constant 18 : i32
        %add3A_413 = arith.addi %mul3A_150, %add3A_412 : i32
        %get3A_414 = arith.index_cast %add3A_413 : i32 to index
        %get3A_415 = arith.constant 16 : index
        %get3A_416 = tpu.vector_load %arg9[%get3A_414, %get3A_415] {strides = array<i32>} : memref<1000x32xf32, #tpu.memory_space<vmem>>, vector<1x16xf32>,
        %get3A_417 = vector.shape_cast %get3A_416 : vector<1x16xf32> to vector<16xf32>
        %add3A_418 = arith.addf %add3A_404, %get3A_417 : vector<16xf32>
        %add3A_419 = arith.constant 19 : i32
        %add3A_420 = arith.addi %mul3A_150, %add3A_419 : i32
        %get3A_421 = arith.index_cast %add3A_420 : i32 to index
        %get3A_422 = arith.constant 0 : index
        %get3A_423 = tpu.vector_load %arg9[%get3A_421, %get3A_422] {strides = array<i32>} : memref<1000x32xf32, #tpu.memory_space<vmem>>, vector<1x16xf32>,
        %get3A_424 = vector.shape_cast %get3A_423 : vector<1x16xf32> to vector<16xf32>
        %add3A_425 = arith.addf %add3A_411, %get3A_424 : vector<16xf32>
        %add3A_426 = arith.constant 19 : i32
        %add3A_427 = arith.addi %mul3A_150, %add3A_426 : i32
        %get3A_428 = arith.index_cast %add3A_427 : i32 to index
        %get3A_429 = arith.constant 16 : index
        %get3A_430 = tpu.vector_load %arg9[%get3A_428, %get3A_429] {strides = array<i32>} : memref<1000x32xf32, #tpu.memory_space<vmem>>, vector<1x16xf32>,
        %get3A_431 = vector.shape_cast %get3A_430 : vector<1x16xf32> to vector<16xf32>
        %add3A_432 = arith.addf %add3A_418, %get3A_431 : vector<16xf32>
        %get3A_433 = arith.index_cast %scan3A_148 : i32 to index
        %get3A_434 = arith.constant 0 : index
        %get3A_435 = tpu.vector_load %arg11[%get3A_433, %get3A_434] {strides = array<i32>} : memref<50x32xf32, #tpu.memory_space<vmem>>, vector<1x16xf32>,
        %get3A_436 = vector.shape_cast %get3A_435 : vector<1x16xf32> to vector<16xf32>
        %get3A_437 = arith.index_cast %scan3A_148 : i32 to index
        %get3A_438 = arith.constant 16 : index
        %get3A_439 = tpu.vector_load %arg11[%get3A_437, %get3A_438] {strides = array<i32>} : memref<50x32xf32, #tpu.memory_space<vmem>>, vector<1x16xf32>,
        %get3A_440 = vector.shape_cast %get3A_439 : vector<1x16xf32> to vector<16xf32>
        %get3A_441 = arith.index_cast %scan3A_148 : i32 to index
        %get3A_442 = arith.constant 0 : index
        %get3A_443 = tpu.vector_load %arg13[%get3A_441, %get3A_442] {strides = array<i32>} : memref<50x32xf32, #tpu.memory_space<vmem>>, vector<1x16xf32>,
        %get3A_444 = vector.shape_cast %get3A_443 : vector<1x16xf32> to vector<16xf32>
        %get3A_445 = arith.index_cast %scan3A_148 : i32 to index
        %get3A_446 = arith.constant 16 : index
        %get3A_447 = tpu.vector_load %arg13[%get3A_445, %get3A_446] {strides = array<i32>} : memref<50x32xf32, #tpu.memory_space<vmem>>, vector<1x16xf32>,
        %get3A_448 = vector.shape_cast %get3A_447 : vector<1x16xf32> to vector<16xf32>
        %mul3A_449 = arith.constant 3.125000e-02 : f32
        %mul3A_450 = vector.broadcast %mul3A_449 : f32 to vector<16xf32>
        %mul3A_451 = arith.mulf %get3A_436, %mul3A_450 : vector<16xf32>
        %mul3A_452 = arith.constant 3.125000e-02 : f32
        %mul3A_453 = vector.broadcast %mul3A_452 : f32 to vector<16xf32>
        %mul3A_454 = arith.mulf %get3A_440, %mul3A_453 : vector<16xf32>
        %mul3A_455 = arith.mulf %get3A_436, %mul3A_451 : vector<16xf32>
        %mul3A_456 = arith.mulf %get3A_440, %mul3A_454 : vector<16xf32>
        %max3A = arith.maximumf %mul3A_455, %mul3A_456 : vector<16xf32>
        %iota3A = tpu.iota {dimensions = array<i32: 0>} : vector<16xi32>
        %xor3A = arith.constant 1 : i32
        %xor3A_457 = vector.broadcast %xor3A : i32 to vector<16xi32>
        %xor3A_458 = arith.xori %iota3A, %xor3A_457 : vector<16xi32>
        %broadcast_in_dim3A_459 = vector.shape_cast %xor3A_458 : vector<16xi32> to vector<16x1xi32>
        %gather3A = vector.shape_cast %broadcast_in_dim3A_459 : vector<16x1xi32> to vector<16xi32>
        %gather3A_460 = tpu.dynamic_gather %max3A[%gather3A] in [0] : vector<16xf32>, vector<16xi32> -> vector<16xf32>
        %max3A_461 = arith.maximumf %max3A, %gather3A_460 : vector<16xf32>
        %xor3A_462 = arith.constant 2 : i32
        %xor3A_463 = vector.broadcast %xor3A_462 : i32 to vector<16xi32>
        %xor3A_464 = arith.xori %iota3A, %xor3A_463 : vector<16xi32>
        %broadcast_in_dim3A_465 = vector.shape_cast %xor3A_464 : vector<16xi32> to vector<16x1xi32>
        %gather3A_466 = vector.shape_cast %broadcast_in_dim3A_465 : vector<16x1xi32> to vector<16xi32>
        %gather3A_467 = tpu.dynamic_gather %max3A_461[%gather3A_466] in [0] : vector<16xf32>, vector<16xi32> -> vector<16xf32>
        %max3A_468 = arith.maximumf %max3A_461, %gather3A_467 : vector<16xf32>
        %xor3A_469 = arith.constant 4 : i32
        %xor3A_470 = vector.broadcast %xor3A_469 : i32 to vector<16xi32>
        %xor3A_471 = arith.xori %iota3A, %xor3A_470 : vector<16xi32>
        %broadcast_in_dim3A_472 = vector.shape_cast %xor3A_471 : vector<16xi32> to vector<16x1xi32>
        %gather3A_473 = vector.shape_cast %broadcast_in_dim3A_472 : vector<16x1xi32> to vector<16xi32>
        %gather3A_474 = tpu.dynamic_gather %max3A_468[%gather3A_473] in [0] : vector<16xf32>, vector<16xi32> -> vector<16xf32>
        %max3A_475 = arith.maximumf %max3A_468, %gather3A_474 : vector<16xf32>
        %xor3A_476 = arith.constant 8 : i32
        %xor3A_477 = vector.broadcast %xor3A_476 : i32 to vector<16xi32>
        %xor3A_478 = arith.xori %iota3A, %xor3A_477 : vector<16xi32>
        %broadcast_in_dim3A_479 = vector.shape_cast %xor3A_478 : vector<16xi32> to vector<16x1xi32>
        %gather3A_480 = vector.shape_cast %broadcast_in_dim3A_479 : vector<16x1xi32> to vector<16xi32>
        %gather3A_481 = tpu.dynamic_gather %max3A_475[%gather3A_480] in [0] : vector<16xf32>, vector<16xi32> -> vector<16xf32>
        %max3A_482 = arith.maximumf %max3A_475, %gather3A_481 : vector<16xf32>
        %sub3A = arith.subf %mul3A_455, %max3A_482 : vector<16xf32>
        %exp3A = math.exp %sub3A : vector<16xf32>
        %sub3A_483 = arith.subf %mul3A_456, %max3A_482 : vector<16xf32>
        %exp3A_484 = math.exp %sub3A_483 : vector<16xf32>
        %add3A_485 = arith.addf %exp3A, %exp3A_484 : vector<16xf32>
        %iota3A_486 = tpu.iota {dimensions = array<i32: 0>} : vector<16xi32>
        %xor3A_487 = arith.constant 1 : i32
        %xor3A_488 = vector.broadcast %xor3A_487 : i32 to vector<16xi32>
        %xor3A_489 = arith.xori %iota3A_486, %xor3A_488 : vector<16xi32>
        %broadcast_in_dim3A_490 = vector.shape_cast %xor3A_489 : vector<16xi32> to vector<16x1xi32>
        %gather3A_491 = vector.shape_cast %broadcast_in_dim3A_490 : vector<16x1xi32> to vector<16xi32>
        %gather3A_492 = tpu.dynamic_gather %add3A_485[%gather3A_491] in [0] : vector<16xf32>, vector<16xi32> -> vector<16xf32>
        %add3A_493 = arith.addf %add3A_485, %gather3A_492 : vector<16xf32>
        %xor3A_494 = arith.constant 2 : i32
        %xor3A_495 = vector.broadcast %xor3A_494 : i32 to vector<16xi32>
        %xor3A_496 = arith.xori %iota3A_486, %xor3A_495 : vector<16xi32>
        %broadcast_in_dim3A_497 = vector.shape_cast %xor3A_496 : vector<16xi32> to vector<16x1xi32>
        %gather3A_498 = vector.shape_cast %broadcast_in_dim3A_497 : vector<16x1xi32> to vector<16xi32>
        %gather3A_499 = tpu.dynamic_gather %add3A_493[%gather3A_498] in [0] : vector<16xf32>, vector<16xi32> -> vector<16xf32>
        %add3A_500 = arith.addf %add3A_493, %gather3A_499 : vector<16xf32>
        %xor3A_501 = arith.constant 4 : i32
        %xor3A_502 = vector.broadcast %xor3A_501 : i32 to vector<16xi32>
        %xor3A_503 = arith.xori %iota3A_486, %xor3A_502 : vector<16xi32>
        %broadcast_in_dim3A_504 = vector.shape_cast %xor3A_503 : vector<16xi32> to vector<16x1xi32>
        %gather3A_505 = vector.shape_cast %broadcast_in_dim3A_504 : vector<16x1xi32> to vector<16xi32>
        %gather3A_506 = tpu.dynamic_gather %add3A_500[%gather3A_505] in [0] : vector<16xf32>, vector<16xi32> -> vector<16xf32>
        %add3A_507 = arith.addf %add3A_500, %gather3A_506 : vector<16xf32>
        %xor3A_508 = arith.constant 8 : i32
        %xor3A_509 = vector.broadcast %xor3A_508 : i32 to vector<16xi32>
        %xor3A_510 = arith.xori %iota3A_486, %xor3A_509 : vector<16xi32>
        %broadcast_in_dim3A_511 = vector.shape_cast %xor3A_510 : vector<16xi32> to vector<16x1xi32>
        %gather3A_512 = vector.shape_cast %broadcast_in_dim3A_511 : vector<16x1xi32> to vector<16xi32>
        %gather3A_513 = tpu.dynamic_gather %add3A_507[%gather3A_512] in [0] : vector<16xf32>, vector<16xi32> -> vector<16xf32>
        %add3A_514 = arith.addf %add3A_507, %gather3A_513 : vector<16xf32>
        %div3A = arith.constant 1.000000e+00 : f32
        %div3A_515 = vector.broadcast %div3A : f32 to vector<16xf32>
        %div3A_516 = arith.divf %div3A_515, %add3A_514 : vector<16xf32>
        %mul3A_517 = arith.mulf %get3A_444, %exp3A : vector<16xf32>
        %mul3A_518 = arith.mulf %mul3A_517, %div3A_516 : vector<16xf32>
        %add3A_519 = arith.addf %mul3A_451, %mul3A_518 : vector<16xf32>
        %mul3A_520 = arith.mulf %get3A_448, %exp3A_484 : vector<16xf32>
        %mul3A_521 = arith.mulf %mul3A_520, %div3A_516 : vector<16xf32>
        %add3A_522 = arith.addf %mul3A_454, %mul3A_521 : vector<16xf32>
        %mul3A_523 = arith.mulf %get3A_444, %add3A_519 : vector<16xf32>
        %mul3A_524 = arith.mulf %get3A_448, %add3A_522 : vector<16xf32>
        %max3A_525 = arith.maximumf %mul3A_523, %mul3A_524 : vector<16xf32>
        %iota3A_526 = tpu.iota {dimensions = array<i32: 0>} : vector<16xi32>
        %xor3A_527 = arith.constant 1 : i32
        %xor3A_528 = vector.broadcast %xor3A_527 : i32 to vector<16xi32>
        %xor3A_529 = arith.xori %iota3A_526, %xor3A_528 : vector<16xi32>
        %broadcast_in_dim3A_530 = vector.shape_cast %xor3A_529 : vector<16xi32> to vector<16x1xi32>
        %gather3A_531 = vector.shape_cast %broadcast_in_dim3A_530 : vector<16x1xi32> to vector<16xi32>
        %gather3A_532 = tpu.dynamic_gather %max3A_525[%gather3A_531] in [0] : vector<16xf32>, vector<16xi32> -> vector<16xf32>
        %max3A_533 = arith.maximumf %max3A_525, %gather3A_532 : vector<16xf32>
        %xor3A_534 = arith.constant 2 : i32
        %xor3A_535 = vector.broadcast %xor3A_534 : i32 to vector<16xi32>
        %xor3A_536 = arith.xori %iota3A_526, %xor3A_535 : vector<16xi32>
        %broadcast_in_dim3A_537 = vector.shape_cast %xor3A_536 : vector<16xi32> to vector<16x1xi32>
        %gather3A_538 = vector.shape_cast %broadcast_in_dim3A_537 : vector<16x1xi32> to vector<16xi32>
        %gather3A_539 = tpu.dynamic_gather %max3A_533[%gather3A_538] in [0] : vector<16xf32>, vector<16xi32> -> vector<16xf32>
        %max3A_540 = arith.maximumf %max3A_533, %gather3A_539 : vector<16xf32>
        %xor3A_541 = arith.constant 4 : i32
        %xor3A_542 = vector.broadcast %xor3A_541 : i32 to vector<16xi32>
        %xor3A_543 = arith.xori %iota3A_526, %xor3A_542 : vector<16xi32>
        %broadcast_in_dim3A_544 = vector.shape_cast %xor3A_543 : vector<16xi32> to vector<16x1xi32>
        %gather3A_545 = vector.shape_cast %broadcast_in_dim3A_544 : vector<16x1xi32> to vector<16xi32>
        %gather3A_546 = tpu.dynamic_gather %max3A_540[%gather3A_545] in [0] : vector<16xf32>, vector<16xi32> -> vector<16xf32>
        %max3A_547 = arith.maximumf %max3A_540, %gather3A_546 : vector<16xf32>
        %xor3A_548 = arith.constant 8 : i32
        %xor3A_549 = vector.broadcast %xor3A_548 : i32 to vector<16xi32>
        %xor3A_550 = arith.xori %iota3A_526, %xor3A_549 : vector<16xi32>
        %broadcast_in_dim3A_551 = vector.shape_cast %xor3A_550 : vector<16xi32> to vector<16x1xi32>
        %gather3A_552 = vector.shape_cast %broadcast_in_dim3A_551 : vector<16x1xi32> to vector<16xi32>
        %gather3A_553 = tpu.dynamic_gather %max3A_547[%gather3A_552] in [0] : vector<16xf32>, vector<16xi32> -> vector<16xf32>
        %max3A_554 = arith.maximumf %max3A_547, %gather3A_553 : vector<16xf32>
        %sub3A_555 = arith.subf %mul3A_523, %max3A_554 : vector<16xf32>
        %exp3A_556 = math.exp %sub3A_555 : vector<16xf32>
        %sub3A_557 = arith.subf %mul3A_524, %max3A_554 : vector<16xf32>
        %exp3A_558 = math.exp %sub3A_557 : vector<16xf32>
        %add3A_559 = arith.addf %exp3A_556, %exp3A_558 : vector<16xf32>
        %iota3A_560 = tpu.iota {dimensions = array<i32: 0>} : vector<16xi32>
        %xor3A_561 = arith.constant 1 : i32
        %xor3A_562 = vector.broadcast %xor3A_561 : i32 to vector<16xi32>
        %xor3A_563 = arith.xori %iota3A_560, %xor3A_562 : vector<16xi32>
        %broadcast_in_dim3A_564 = vector.shape_cast %xor3A_563 : vector<16xi32> to vector<16x1xi32>
        %gather3A_565 = vector.shape_cast %broadcast_in_dim3A_564 : vector<16x1xi32> to vector<16xi32>
        %gather3A_566 = tpu.dynamic_gather %add3A_559[%gather3A_565] in [0] : vector<16xf32>, vector<16xi32> -> vector<16xf32>
        %add3A_567 = arith.addf %add3A_559, %gather3A_566 : vector<16xf32>
        %xor3A_568 = arith.constant 2 : i32
        %xor3A_569 = vector.broadcast %xor3A_568 : i32 to vector<16xi32>
        %xor3A_570 = arith.xori %iota3A_560, %xor3A_569 : vector<16xi32>
        %broadcast_in_dim3A_571 = vector.shape_cast %xor3A_570 : vector<16xi32> to vector<16x1xi32>
        %gather3A_572 = vector.shape_cast %broadcast_in_dim3A_571 : vector<16x1xi32> to vector<16xi32>
        %gather3A_573 = tpu.dynamic_gather %add3A_567[%gather3A_572] in [0] : vector<16xf32>, vector<16xi32> -> vector<16xf32>
        %add3A_574 = arith.addf %add3A_567, %gather3A_573 : vector<16xf32>
        %xor3A_575 = arith.constant 4 : i32
        %xor3A_576 = vector.broadcast %xor3A_575 : i32 to vector<16xi32>
        %xor3A_577 = arith.xori %iota3A_560, %xor3A_576 : vector<16xi32>
        %broadcast_in_dim3A_578 = vector.shape_cast %xor3A_577 : vector<16xi32> to vector<16x1xi32>
        %gather3A_579 = vector.shape_cast %broadcast_in_dim3A_578 : vector<16x1xi32> to vector<16xi32>
        %gather3A_580 = tpu.dynamic_gather %add3A_574[%gather3A_579] in [0] : vector<16xf32>, vector<16xi32> -> vector<16xf32>
        %add3A_581 = arith.addf %add3A_574, %gather3A_580 : vector<16xf32>
        %xor3A_582 = arith.constant 8 : i32
        %xor3A_583 = vector.broadcast %xor3A_582 : i32 to vector<16xi32>
        %xor3A_584 = arith.xori %iota3A_560, %xor3A_583 : vector<16xi32>
        %broadcast_in_dim3A_585 = vector.shape_cast %xor3A_584 : vector<16xi32> to vector<16x1xi32>
        %gather3A_586 = vector.shape_cast %broadcast_in_dim3A_585 : vector<16x1xi32> to vector<16xi32>
        %gather3A_587 = tpu.dynamic_gather %add3A_581[%gather3A_586] in [0] : vector<16xf32>, vector<16xi32> -> vector<16xf32>
        %add3A_588 = arith.addf %add3A_581, %gather3A_587 : vector<16xf32>
        %div3A_589 = arith.constant 1.000000e+00 : f32
        %div3A_590 = vector.broadcast %div3A_589 : f32 to vector<16xf32>
        %div3A_591 = arith.divf %div3A_590, %add3A_588 : vector<16xf32>
        %mul3A_592 = arith.mulf %add3A_425, %exp3A_556 : vector<16xf32>
        %mul3A_593 = arith.mulf %mul3A_592, %div3A_591 : vector<16xf32>
        %swap3A = arith.index_cast %scan3A_148 : i32 to index
        %swap3A_594 = arith.constant 0 : index
        %swap3A_595 = tpu.vector_load %arg15[%swap3A, %swap3A_594] {strides = array<i32>} : memref<50x32xf32, #tpu.memory_space<vmem>>, vector<1x16xf32>,
        %swap3A_596 = vector.shape_cast %swap3A_595 : vector<1x16xf32> to vector<16xf32>
        %swap3A_597 = vector.shape_cast %mul3A_593 : vector<16xf32> to vector<1x16xf32>
        tpu.vector_store %arg15[%swap3A, %swap3A_594], %swap3A_597 {strides = array<i32>} : memref<50x32xf32, #tpu.memory_space<vmem>>, vector<1x16xf32>,
        %mul3A_598 = arith.mulf %add3A_432, %exp3A_558 : vector<16xf32>
        %mul3A_599 = arith.mulf %mul3A_598, %div3A_591 : vector<16xf32>
        %swap3A_600 = arith.index_cast %scan3A_148 : i32 to index
        %swap3A_601 = arith.constant 16 : index
        %swap3A_602 = tpu.vector_load %arg15[%swap3A_600, %swap3A_601] {strides = array<i32>} : memref<50x32xf32, #tpu.memory_space<vmem>>, vector<1x16xf32>,
        %swap3A_603 = vector.shape_cast %swap3A_602 : vector<1x16xf32> to vector<16xf32>
        %swap3A_604 = vector.shape_cast %mul3A_599 : vector<16xf32> to vector<1x16xf32>
        tpu.vector_store %arg15[%swap3A_600, %swap3A_601], %swap3A_604 {strides = array<i32>} : memref<50x32xf32, #tpu.memory_space<vmem>>, vector<1x16xf32>,
      }
      %scan3A_138 = arith.constant 50 : i32
      %add3A_139 = arith.addi %mul3A_2, %add3A_98 : i32
      %dma_start3A_140 = arith.constant 0 : i32
      %dma_start3A_141 = arith.constant 0 : i32
      %dma_start3A_142 = tpu.memref_slice %arg6[%add3A_139, %dma_start3A_140, %dma_start3A_141] : memref<1024x50x32xf32, #tpu.memory_space<hbm>> -> memref<1x50x32xf32, #tpu.memory_space<hbm>>
      %dma_start3A_143 = tpu.memref_squeeze %dma_start3A_142 : memref<1x50x32xf32, #tpu.memory_space<hbm>> -> memref<50x32xf32, #tpu.memory_space<hbm>>
      %dma_start3A_144 = arith.constant 0 : i32
      %dma_start3A_145 = arith.constant 0 : i32
      %dma_start3A_146 = tpu.memref_slice %arg6[%add3A_139, %dma_start3A_144, %dma_start3A_145] : memref<1024x50x32xf32, #tpu.memory_space<hbm>> -> memref<1x50x32xf32, #tpu.memory_space<hbm>>
      %dma_start3A_147 = tpu.memref_squeeze %dma_start3A_146 : memref<1x50x32xf32, #tpu.memory_space<hbm>> -> memref<50x32xf32, #tpu.memory_space<hbm>>
      tpu.enqueue_dma source(%arg15 : memref<50x32xf32, #tpu.memory_space<vmem>>) target(%dma_start3A_147 : memref<50x32xf32, #tpu.memory_space<hbm>>) target_semaphore(%arg21 : memref<!tpu.dma_semaphore, #tpu.memory_space<semaphore_mem>>)
    }
    %scan3A_31 = arith.constant 16 : i32
    %dma_wait3A = arith.constant 0 : i32
    %dma_wait3A_32 = arith.constant 0 : i32
    %dma_wait3A_33 = tpu.memref_slice %arg6[%mul3A_2, %dma_wait3A, %dma_wait3A_32] : memref<1024x50x32xf32, #tpu.memory_space<hbm>> -> memref<1x50x32xf32, #tpu.memory_space<hbm>>
    %dma_wait3A_34 = tpu.memref_squeeze %dma_wait3A_33 : memref<1x50x32xf32, #tpu.memory_space<hbm>> -> memref<50x32xf32, #tpu.memory_space<hbm>>
    %dma_wait3A_35 = arith.constant 0 : i32
    %dma_wait3A_36 = arith.constant 0 : i32
    %dma_wait3A_37 = tpu.memref_slice %arg6[%mul3A_2, %dma_wait3A_35, %dma_wait3A_36] : memref<1024x50x32xf32, #tpu.memory_space<hbm>> -> memref<1x50x32xf32, #tpu.memory_space<hbm>>
    %dma_wait3A_38 = tpu.memref_squeeze %dma_wait3A_37 : memref<1x50x32xf32, #tpu.memory_space<hbm>> -> memref<50x32xf32, #tpu.memory_space<hbm>>
    tpu.wait_dma2 semaphore(%arg20 : memref<!tpu.dma_semaphore, #tpu.memory_space<semaphore_mem>>) src(%arg14 : memref<50x32xf32, #tpu.memory_space<vmem>>) dst(%dma_wait3A_38 : memref<50x32xf32, #tpu.memory_space<hbm>>)
    %dma_wait3A_39 = arith.constant 0 : i32
    %dma_wait3A_40 = arith.constant 0 : i32
    %dma_wait3A_41 = tpu.memref_slice %arg6[%mul3A_2, %dma_wait3A_39, %dma_wait3A_40] : memref<1024x50x32xf32, #tpu.memory_space<hbm>> -> memref<1x50x32xf32, #tpu.memory_space<hbm>>
    %dma_wait3A_42 = tpu.memref_squeeze %dma_wait3A_41 : memref<1x50x32xf32, #tpu.memory_space<hbm>> -> memref<50x32xf32, #tpu.memory_space<hbm>>
    %dma_wait3A_43 = arith.constant 0 : i32
    %dma_wait3A_44 = arith.constant 0 : i32
    %dma_wait3A_45 = tpu.memref_slice %arg6[%mul3A_2, %dma_wait3A_43, %dma_wait3A_44] : memref<1024x50x32xf32, #tpu.memory_space<hbm>> -> memref<1x50x32xf32, #tpu.memory_space<hbm>>
    %dma_wait3A_46 = tpu.memref_squeeze %dma_wait3A_45 : memref<1x50x32xf32, #tpu.memory_space<hbm>> -> memref<50x32xf32, #tpu.memory_space<hbm>>
    tpu.wait_dma2 semaphore(%arg21 : memref<!tpu.dma_semaphore, #tpu.memory_space<semaphore_mem>>) src(%arg15 : memref<50x32xf32, #tpu.memory_space<vmem>>) dst(%dma_wait3A_46 : memref<50x32xf32, #tpu.memory_space<hbm>>)
    return
  }
}

#map = affine_map<(d0, d1) -> (0, 0, 0)>
#map1 = affine_map<(d0, d1) -> (0, 0)>
#map2 = affine_map<(d0, d1) -> (0, 0, 0, 0)>
module attributes {stable_mosaic.version = 14 : i64} {
  func.func @_gather_body(%arg0: i32, %arg1: i32, %arg2: memref<32x32x1000xi32, #tpu.memory_space<hbm>>, %arg3: memref<100000x32xf32, #tpu.memory_space<hbm>>, %arg4: memref<32x32x50x32xf32, #tpu.memory_space<hbm>>, %arg5: memref<32x1000xi32, #tpu.memory_space<vmem>>, %arg6: memref<1000x32xf32, #tpu.memory_space<vmem>>, %arg7: memref<1000x32xf32, #tpu.memory_space<vmem>>, %arg8: memref<50x32xf32, #tpu.memory_space<vmem>>, %arg9: memref<50x32xf32, #tpu.memory_space<vmem>>, %arg10: memref<!tpu.dma_semaphore, #tpu.memory_space<semaphore_mem>>, %arg11: memref<!tpu.dma_semaphore, #tpu.memory_space<semaphore_mem>>, %arg12: memref<!tpu.dma_semaphore, #tpu.memory_space<semaphore_mem>>, %arg13: memref<!tpu.dma_semaphore, #tpu.memory_space<semaphore_mem>>) attributes {dimension_semantics = [#tpu.dimension_semantics<core_parallel>, #tpu.dimension_semantics<subcore_parallel>], iteration_bounds = array<i64: 2, 16>, scalar_prefetch = 0 : i64, scratch_operands = 9 : i64, tpu.core_type = #tpu.core_type<sc_vector_subcore>, window_params = [{transform_indices = #map}, {transform_indices = #map1}, {transform_indices = #map2}]} {
    %mul3A = arith.constant 2 : i32
    %mul3A_0 = arith.muli %arg1, %mul3A : i32
    %add3A = arith.addi %mul3A_0, %arg0 : i32
    "tpu.region"() ({
      %run_scoped3A = tpu.sem_alloc : memref<!tpu.dma_semaphore, #tpu.memory_space<semaphore_mem>>
      %dma_start3A_29 = arith.constant 0 : i32
      %dma_start3A_30 = arith.constant 0 : i32
      %dma_start3A_31 = tpu.memref_slice %arg2[%add3A, %dma_start3A_29, %dma_start3A_30] : memref<32x32x1000xi32, #tpu.memory_space<hbm>> -> memref<1x32x1000xi32, #tpu.memory_space<hbm>>
      %dma_start3A_32 = tpu.memref_squeeze %dma_start3A_31 : memref<1x32x1000xi32, #tpu.memory_space<hbm>> -> memref<32x1000xi32, #tpu.memory_space<hbm>>
      %dma_start3A_33 = arith.constant 0 : i32
      %dma_start3A_34 = arith.constant 0 : i32
      %dma_start3A_35 = tpu.memref_slice %arg2[%add3A, %dma_start3A_33, %dma_start3A_34] : memref<32x32x1000xi32, #tpu.memory_space<hbm>> -> memref<1x32x1000xi32, #tpu.memory_space<hbm>>
      %dma_start3A_36 = tpu.memref_squeeze %dma_start3A_35 : memref<1x32x1000xi32, #tpu.memory_space<hbm>> -> memref<32x1000xi32, #tpu.memory_space<hbm>>
      tpu.enqueue_dma source(%dma_start3A_36 : memref<32x1000xi32, #tpu.memory_space<hbm>>) target(%arg5 : memref<32x1000xi32, #tpu.memory_space<vmem>>) target_semaphore(%run_scoped3A : memref<!tpu.dma_semaphore, #tpu.memory_space<semaphore_mem>>)
      %dma_wait3A_37 = arith.constant 0 : i32
      %dma_wait3A_38 = arith.constant 0 : i32
      %dma_wait3A_39 = tpu.memref_slice %arg2[%add3A, %dma_wait3A_37, %dma_wait3A_38] : memref<32x32x1000xi32, #tpu.memory_space<hbm>> -> memref<1x32x1000xi32, #tpu.memory_space<hbm>>
      %dma_wait3A_40 = tpu.memref_squeeze %dma_wait3A_39 : memref<1x32x1000xi32, #tpu.memory_space<hbm>> -> memref<32x1000xi32, #tpu.memory_space<hbm>>
      %dma_wait3A_41 = arith.constant 0 : i32
      %dma_wait3A_42 = arith.constant 0 : i32
      %dma_wait3A_43 = tpu.memref_slice %arg2[%add3A, %dma_wait3A_41, %dma_wait3A_42] : memref<32x32x1000xi32, #tpu.memory_space<hbm>> -> memref<1x32x1000xi32, #tpu.memory_space<hbm>>
      %dma_wait3A_44 = tpu.memref_squeeze %dma_wait3A_43 : memref<1x32x1000xi32, #tpu.memory_space<hbm>> -> memref<32x1000xi32, #tpu.memory_space<hbm>>
      tpu.wait_dma2 semaphore(%run_scoped3A : memref<!tpu.dma_semaphore, #tpu.memory_space<semaphore_mem>>) src(%dma_wait3A_44 : memref<32x1000xi32, #tpu.memory_space<hbm>>) dst(%arg5 : memref<32x1000xi32, #tpu.memory_space<vmem>>)
      tpu.yield
    }) : () -> ()
    %dma_start3A = arith.constant 0 : i32
    %dma_start3A_1 = arith.constant 0 : i32
    %dma_start3A_2 = tpu.memref_slice %arg5[%dma_start3A, %dma_start3A_1] : memref<32x1000xi32, #tpu.memory_space<vmem>> -> memref<1x1000xi32, #tpu.memory_space<vmem>>
    %dma_start3A_3 = tpu.memref_squeeze %dma_start3A_2 : memref<1x1000xi32, #tpu.memory_space<vmem>> -> memref<1000xi32, #tpu.memory_space<vmem>>
    %dma_start3A_4 = arith.constant 0 : i32
    %dma_start3A_5 = arith.constant 0 : i32
    %dma_start3A_6 = tpu.memref_slice %arg3[%dma_start3A_4, %dma_start3A_5] : memref<100000x32xf32, #tpu.memory_space<hbm>> -> memref<100000x32xf32, #tpu.memory_space<hbm>>
    tpu.enqueue_indirect_dma source(%dma_start3A_6 : memref<100000x32xf32, #tpu.memory_space<hbm>>) target(%arg6 : memref<1000x32xf32, #tpu.memory_space<vmem>>) offsets(%dma_start3A_3 : memref<1000xi32, #tpu.memory_space<vmem>>) semaphore(%arg10 : memref<!tpu.dma_semaphore, #tpu.memory_space<semaphore_mem>>)
    %scan3A = arith.constant 0 : i32
    %scan3A_7 = arith.constant 0 : i32
    %scan3A_8 = arith.constant 16 : i32
    %scan3A_9 = arith.addi %scan3A_7, %scan3A_8 : i32
    %scan3A_10 = arith.constant 1 : i32
    scf.for %scan3A_29 = %scan3A_7 to %scan3A_9 step %scan3A_10  : i32 {
      %mul3A_30 = arith.constant 2 : i32
      %mul3A_31 = arith.muli %mul3A_30, %scan3A_29 : i32
      %dma_wait3A_32 = arith.constant 0 : i32
      %dma_wait3A_33 = tpu.memref_slice %arg5[%mul3A_31, %dma_wait3A_32] : memref<32x1000xi32, #tpu.memory_space<vmem>> -> memref<1x1000xi32, #tpu.memory_space<vmem>>
      %dma_wait3A_34 = tpu.memref_squeeze %dma_wait3A_33 : memref<1x1000xi32, #tpu.memory_space<vmem>> -> memref<1000xi32, #tpu.memory_space<vmem>>
      %dma_wait3A_35 = arith.constant 0 : i32
      %dma_wait3A_36 = arith.constant 0 : i32
      %dma_wait3A_37 = tpu.memref_slice %arg3[%dma_wait3A_35, %dma_wait3A_36] : memref<100000x32xf32, #tpu.memory_space<hbm>> -> memref<100000x32xf32, #tpu.memory_space<hbm>>
      tpu.wait_indirect_dma semaphore(%arg10 : memref<!tpu.dma_semaphore, #tpu.memory_space<semaphore_mem>>) src(%dma_wait3A_37 : memref<100000x32xf32, #tpu.memory_space<hbm>>) dst(%arg6 : memref<1000x32xf32, #tpu.memory_space<vmem>>)
      %add3A_38 = arith.constant 1 : i32
      %add3A_39 = arith.addi %mul3A_31, %add3A_38 : i32
      %lt3A = arith.constant 32 : i32
      %lt3A_40 = arith.cmpi slt, %add3A_39, %lt3A : i32
      %convert_element_type3A = arith.extui %lt3A_40 : i1 to i32
      %cond3A = arith.constant 0 : i32
      %cond3A_41 = arith.cmpi ne, %convert_element_type3A, %cond3A : i32
      scf.if %cond3A_41 {
        %add3A_96 = arith.constant 1 : i32
        %add3A_97 = arith.addi %mul3A_31, %add3A_96 : i32
        %dma_start3A_98 = arith.constant 0 : i32
        %dma_start3A_99 = tpu.memref_slice %arg5[%add3A_97, %dma_start3A_98] : memref<32x1000xi32, #tpu.memory_space<vmem>> -> memref<1x1000xi32, #tpu.memory_space<vmem>>
        %dma_start3A_100 = tpu.memref_squeeze %dma_start3A_99 : memref<1x1000xi32, #tpu.memory_space<vmem>> -> memref<1000xi32, #tpu.memory_space<vmem>>
        %dma_start3A_101 = arith.constant 0 : i32
        %dma_start3A_102 = arith.constant 0 : i32
        %dma_start3A_103 = tpu.memref_slice %arg3[%dma_start3A_101, %dma_start3A_102] : memref<100000x32xf32, #tpu.memory_space<hbm>> -> memref<100000x32xf32, #tpu.memory_space<hbm>>
        tpu.enqueue_indirect_dma source(%dma_start3A_103 : memref<100000x32xf32, #tpu.memory_space<hbm>>) target(%arg7 : memref<1000x32xf32, #tpu.memory_space<vmem>>) offsets(%dma_start3A_100 : memref<1000xi32, #tpu.memory_space<vmem>>) semaphore(%arg11 : memref<!tpu.dma_semaphore, #tpu.memory_space<semaphore_mem>>)
      } else {
      }
      %ge3A = arith.constant 2 : i32
      %ge3A_42 = arith.cmpi sge, %mul3A_31, %ge3A : i32
      %convert_element_type3A_43 = arith.extui %ge3A_42 : i1 to i32
      %cond3A_44 = arith.constant 0 : i32
      %cond3A_45 = arith.cmpi ne, %convert_element_type3A_43, %cond3A_44 : i32
      scf.if %cond3A_45 {
        %dma_wait3A_96 = arith.constant 0 : i32
        %dma_wait3A_97 = arith.constant 0 : i32
        %dma_wait3A_98 = tpu.memref_slice %arg4[%add3A, %mul3A_31, %dma_wait3A_96, %dma_wait3A_97] : memref<32x32x50x32xf32, #tpu.memory_space<hbm>> -> memref<1x1x50x32xf32, #tpu.memory_space<hbm>>
        %dma_wait3A_99 = tpu.memref_squeeze %dma_wait3A_98 : memref<1x1x50x32xf32, #tpu.memory_space<hbm>> -> memref<50x32xf32, #tpu.memory_space<hbm>>
        %dma_wait3A_100 = arith.constant 0 : i32
        %dma_wait3A_101 = arith.constant 0 : i32
        %dma_wait3A_102 = tpu.memref_slice %arg4[%add3A, %mul3A_31, %dma_wait3A_100, %dma_wait3A_101] : memref<32x32x50x32xf32, #tpu.memory_space<hbm>> -> memref<1x1x50x32xf32, #tpu.memory_space<hbm>>
        %dma_wait3A_103 = tpu.memref_squeeze %dma_wait3A_102 : memref<1x1x50x32xf32, #tpu.memory_space<hbm>> -> memref<50x32xf32, #tpu.memory_space<hbm>>
        tpu.wait_dma2 semaphore(%arg12 : memref<!tpu.dma_semaphore, #tpu.memory_space<semaphore_mem>>) src(%arg8 : memref<50x32xf32, #tpu.memory_space<vmem>>) dst(%dma_wait3A_103 : memref<50x32xf32, #tpu.memory_space<hbm>>)
      } else {
      }
      %scan3A_46 = arith.constant 0 : i32
      %scan3A_47 = arith.constant 0 : i32
      %scan3A_48 = arith.constant 50 : i32
      %scan3A_49 = arith.addi %scan3A_47, %scan3A_48 : i32
      %scan3A_50 = arith.constant 1 : i32
      scf.for %scan3A_96 = %scan3A_47 to %scan3A_49 step %scan3A_50  : i32 {
        %mul3A_97 = arith.constant 20 : i32
        %mul3A_98 = arith.muli %scan3A_96, %mul3A_97 : i32
        %broadcast_in_dim3A = arith.constant 0.000000e+00 : f32
        %broadcast_in_dim3A_99 = vector.broadcast %broadcast_in_dim3A : f32 to vector<16xf32>
        %broadcast_in_dim3A_100 = arith.constant 0.000000e+00 : f32
        %broadcast_in_dim3A_101 = vector.broadcast %broadcast_in_dim3A_100 : f32 to vector<16xf32>
        %add3A_102 = arith.constant 0 : i32
        %add3A_103 = arith.addi %mul3A_98, %add3A_102 : i32
        %get3A = arith.index_cast %add3A_103 : i32 to index
        %get3A_104 = arith.constant 0 : index
        %get3A_105 = tpu.vector_load %arg6[%get3A, %get3A_104] {strides = array<i32>} : memref<1000x32xf32, #tpu.memory_space<vmem>>, vector<1x16xf32>,
        %get3A_106 = vector.shape_cast %get3A_105 : vector<1x16xf32> to vector<16xf32>
        %add3A_107 = arith.addf %broadcast_in_dim3A_99, %get3A_106 : vector<16xf32>
        %add3A_108 = arith.constant 0 : i32
        %add3A_109 = arith.addi %mul3A_98, %add3A_108 : i32
        %get3A_110 = arith.index_cast %add3A_109 : i32 to index
        %get3A_111 = arith.constant 16 : index
        %get3A_112 = tpu.vector_load %arg6[%get3A_110, %get3A_111] {strides = array<i32>} : memref<1000x32xf32, #tpu.memory_space<vmem>>, vector<1x16xf32>,
        %get3A_113 = vector.shape_cast %get3A_112 : vector<1x16xf32> to vector<16xf32>
        %add3A_114 = arith.addf %broadcast_in_dim3A_101, %get3A_113 : vector<16xf32>
        %add3A_115 = arith.constant 1 : i32
        %add3A_116 = arith.addi %mul3A_98, %add3A_115 : i32
        %get3A_117 = arith.index_cast %add3A_116 : i32 to index
        %get3A_118 = arith.constant 0 : index
        %get3A_119 = tpu.vector_load %arg6[%get3A_117, %get3A_118] {strides = array<i32>} : memref<1000x32xf32, #tpu.memory_space<vmem>>, vector<1x16xf32>,
        %get3A_120 = vector.shape_cast %get3A_119 : vector<1x16xf32> to vector<16xf32>
        %add3A_121 = arith.addf %add3A_107, %get3A_120 : vector<16xf32>
        %add3A_122 = arith.constant 1 : i32
        %add3A_123 = arith.addi %mul3A_98, %add3A_122 : i32
        %get3A_124 = arith.index_cast %add3A_123 : i32 to index
        %get3A_125 = arith.constant 16 : index
        %get3A_126 = tpu.vector_load %arg6[%get3A_124, %get3A_125] {strides = array<i32>} : memref<1000x32xf32, #tpu.memory_space<vmem>>, vector<1x16xf32>,
        %get3A_127 = vector.shape_cast %get3A_126 : vector<1x16xf32> to vector<16xf32>
        %add3A_128 = arith.addf %add3A_114, %get3A_127 : vector<16xf32>
        %add3A_129 = arith.constant 2 : i32
        %add3A_130 = arith.addi %mul3A_98, %add3A_129 : i32
        %get3A_131 = arith.index_cast %add3A_130 : i32 to index
        %get3A_132 = arith.constant 0 : index
        %get3A_133 = tpu.vector_load %arg6[%get3A_131, %get3A_132] {strides = array<i32>} : memref<1000x32xf32, #tpu.memory_space<vmem>>, vector<1x16xf32>,
        %get3A_134 = vector.shape_cast %get3A_133 : vector<1x16xf32> to vector<16xf32>
        %add3A_135 = arith.addf %add3A_121, %get3A_134 : vector<16xf32>
        %add3A_136 = arith.constant 2 : i32
        %add3A_137 = arith.addi %mul3A_98, %add3A_136 : i32
        %get3A_138 = arith.index_cast %add3A_137 : i32 to index
        %get3A_139 = arith.constant 16 : index
        %get3A_140 = tpu.vector_load %arg6[%get3A_138, %get3A_139] {strides = array<i32>} : memref<1000x32xf32, #tpu.memory_space<vmem>>, vector<1x16xf32>,
        %get3A_141 = vector.shape_cast %get3A_140 : vector<1x16xf32> to vector<16xf32>
        %add3A_142 = arith.addf %add3A_128, %get3A_141 : vector<16xf32>
        %add3A_143 = arith.constant 3 : i32
        %add3A_144 = arith.addi %mul3A_98, %add3A_143 : i32
        %get3A_145 = arith.index_cast %add3A_144 : i32 to index
        %get3A_146 = arith.constant 0 : index
        %get3A_147 = tpu.vector_load %arg6[%get3A_145, %get3A_146] {strides = array<i32>} : memref<1000x32xf32, #tpu.memory_space<vmem>>, vector<1x16xf32>,
        %get3A_148 = vector.shape_cast %get3A_147 : vector<1x16xf32> to vector<16xf32>
        %add3A_149 = arith.addf %add3A_135, %get3A_148 : vector<16xf32>
        %add3A_150 = arith.constant 3 : i32
        %add3A_151 = arith.addi %mul3A_98, %add3A_150 : i32
        %get3A_152 = arith.index_cast %add3A_151 : i32 to index
        %get3A_153 = arith.constant 16 : index
        %get3A_154 = tpu.vector_load %arg6[%get3A_152, %get3A_153] {strides = array<i32>} : memref<1000x32xf32, #tpu.memory_space<vmem>>, vector<1x16xf32>,
        %get3A_155 = vector.shape_cast %get3A_154 : vector<1x16xf32> to vector<16xf32>
        %add3A_156 = arith.addf %add3A_142, %get3A_155 : vector<16xf32>
        %add3A_157 = arith.constant 4 : i32
        %add3A_158 = arith.addi %mul3A_98, %add3A_157 : i32
        %get3A_159 = arith.index_cast %add3A_158 : i32 to index
        %get3A_160 = arith.constant 0 : index
        %get3A_161 = tpu.vector_load %arg6[%get3A_159, %get3A_160] {strides = array<i32>} : memref<1000x32xf32, #tpu.memory_space<vmem>>, vector<1x16xf32>,
        %get3A_162 = vector.shape_cast %get3A_161 : vector<1x16xf32> to vector<16xf32>
        %add3A_163 = arith.addf %add3A_149, %get3A_162 : vector<16xf32>
        %add3A_164 = arith.constant 4 : i32
        %add3A_165 = arith.addi %mul3A_98, %add3A_164 : i32
        %get3A_166 = arith.index_cast %add3A_165 : i32 to index
        %get3A_167 = arith.constant 16 : index
        %get3A_168 = tpu.vector_load %arg6[%get3A_166, %get3A_167] {strides = array<i32>} : memref<1000x32xf32, #tpu.memory_space<vmem>>, vector<1x16xf32>,
        %get3A_169 = vector.shape_cast %get3A_168 : vector<1x16xf32> to vector<16xf32>
        %add3A_170 = arith.addf %add3A_156, %get3A_169 : vector<16xf32>
        %add3A_171 = arith.constant 5 : i32
        %add3A_172 = arith.addi %mul3A_98, %add3A_171 : i32
        %get3A_173 = arith.index_cast %add3A_172 : i32 to index
        %get3A_174 = arith.constant 0 : index
        %get3A_175 = tpu.vector_load %arg6[%get3A_173, %get3A_174] {strides = array<i32>} : memref<1000x32xf32, #tpu.memory_space<vmem>>, vector<1x16xf32>,
        %get3A_176 = vector.shape_cast %get3A_175 : vector<1x16xf32> to vector<16xf32>
        %add3A_177 = arith.addf %add3A_163, %get3A_176 : vector<16xf32>
        %add3A_178 = arith.constant 5 : i32
        %add3A_179 = arith.addi %mul3A_98, %add3A_178 : i32
        %get3A_180 = arith.index_cast %add3A_179 : i32 to index
        %get3A_181 = arith.constant 16 : index
        %get3A_182 = tpu.vector_load %arg6[%get3A_180, %get3A_181] {strides = array<i32>} : memref<1000x32xf32, #tpu.memory_space<vmem>>, vector<1x16xf32>,
        %get3A_183 = vector.shape_cast %get3A_182 : vector<1x16xf32> to vector<16xf32>
        %add3A_184 = arith.addf %add3A_170, %get3A_183 : vector<16xf32>
        %add3A_185 = arith.constant 6 : i32
        %add3A_186 = arith.addi %mul3A_98, %add3A_185 : i32
        %get3A_187 = arith.index_cast %add3A_186 : i32 to index
        %get3A_188 = arith.constant 0 : index
        %get3A_189 = tpu.vector_load %arg6[%get3A_187, %get3A_188] {strides = array<i32>} : memref<1000x32xf32, #tpu.memory_space<vmem>>, vector<1x16xf32>,
        %get3A_190 = vector.shape_cast %get3A_189 : vector<1x16xf32> to vector<16xf32>
        %add3A_191 = arith.addf %add3A_177, %get3A_190 : vector<16xf32>
        %add3A_192 = arith.constant 6 : i32
        %add3A_193 = arith.addi %mul3A_98, %add3A_192 : i32
        %get3A_194 = arith.index_cast %add3A_193 : i32 to index
        %get3A_195 = arith.constant 16 : index
        %get3A_196 = tpu.vector_load %arg6[%get3A_194, %get3A_195] {strides = array<i32>} : memref<1000x32xf32, #tpu.memory_space<vmem>>, vector<1x16xf32>,
        %get3A_197 = vector.shape_cast %get3A_196 : vector<1x16xf32> to vector<16xf32>
        %add3A_198 = arith.addf %add3A_184, %get3A_197 : vector<16xf32>
        %add3A_199 = arith.constant 7 : i32
        %add3A_200 = arith.addi %mul3A_98, %add3A_199 : i32
        %get3A_201 = arith.index_cast %add3A_200 : i32 to index
        %get3A_202 = arith.constant 0 : index
        %get3A_203 = tpu.vector_load %arg6[%get3A_201, %get3A_202] {strides = array<i32>} : memref<1000x32xf32, #tpu.memory_space<vmem>>, vector<1x16xf32>,
        %get3A_204 = vector.shape_cast %get3A_203 : vector<1x16xf32> to vector<16xf32>
        %add3A_205 = arith.addf %add3A_191, %get3A_204 : vector<16xf32>
        %add3A_206 = arith.constant 7 : i32
        %add3A_207 = arith.addi %mul3A_98, %add3A_206 : i32
        %get3A_208 = arith.index_cast %add3A_207 : i32 to index
        %get3A_209 = arith.constant 16 : index
        %get3A_210 = tpu.vector_load %arg6[%get3A_208, %get3A_209] {strides = array<i32>} : memref<1000x32xf32, #tpu.memory_space<vmem>>, vector<1x16xf32>,
        %get3A_211 = vector.shape_cast %get3A_210 : vector<1x16xf32> to vector<16xf32>
        %add3A_212 = arith.addf %add3A_198, %get3A_211 : vector<16xf32>
        %add3A_213 = arith.constant 8 : i32
        %add3A_214 = arith.addi %mul3A_98, %add3A_213 : i32
        %get3A_215 = arith.index_cast %add3A_214 : i32 to index
        %get3A_216 = arith.constant 0 : index
        %get3A_217 = tpu.vector_load %arg6[%get3A_215, %get3A_216] {strides = array<i32>} : memref<1000x32xf32, #tpu.memory_space<vmem>>, vector<1x16xf32>,
        %get3A_218 = vector.shape_cast %get3A_217 : vector<1x16xf32> to vector<16xf32>
        %add3A_219 = arith.addf %add3A_205, %get3A_218 : vector<16xf32>
        %add3A_220 = arith.constant 8 : i32
        %add3A_221 = arith.addi %mul3A_98, %add3A_220 : i32
        %get3A_222 = arith.index_cast %add3A_221 : i32 to index
        %get3A_223 = arith.constant 16 : index
        %get3A_224 = tpu.vector_load %arg6[%get3A_222, %get3A_223] {strides = array<i32>} : memref<1000x32xf32, #tpu.memory_space<vmem>>, vector<1x16xf32>,
        %get3A_225 = vector.shape_cast %get3A_224 : vector<1x16xf32> to vector<16xf32>
        %add3A_226 = arith.addf %add3A_212, %get3A_225 : vector<16xf32>
        %add3A_227 = arith.constant 9 : i32
        %add3A_228 = arith.addi %mul3A_98, %add3A_227 : i32
        %get3A_229 = arith.index_cast %add3A_228 : i32 to index
        %get3A_230 = arith.constant 0 : index
        %get3A_231 = tpu.vector_load %arg6[%get3A_229, %get3A_230] {strides = array<i32>} : memref<1000x32xf32, #tpu.memory_space<vmem>>, vector<1x16xf32>,
        %get3A_232 = vector.shape_cast %get3A_231 : vector<1x16xf32> to vector<16xf32>
        %add3A_233 = arith.addf %add3A_219, %get3A_232 : vector<16xf32>
        %add3A_234 = arith.constant 9 : i32
        %add3A_235 = arith.addi %mul3A_98, %add3A_234 : i32
        %get3A_236 = arith.index_cast %add3A_235 : i32 to index
        %get3A_237 = arith.constant 16 : index
        %get3A_238 = tpu.vector_load %arg6[%get3A_236, %get3A_237] {strides = array<i32>} : memref<1000x32xf32, #tpu.memory_space<vmem>>, vector<1x16xf32>,
        %get3A_239 = vector.shape_cast %get3A_238 : vector<1x16xf32> to vector<16xf32>
        %add3A_240 = arith.addf %add3A_226, %get3A_239 : vector<16xf32>
        %add3A_241 = arith.constant 10 : i32
        %add3A_242 = arith.addi %mul3A_98, %add3A_241 : i32
        %get3A_243 = arith.index_cast %add3A_242 : i32 to index
        %get3A_244 = arith.constant 0 : index
        %get3A_245 = tpu.vector_load %arg6[%get3A_243, %get3A_244] {strides = array<i32>} : memref<1000x32xf32, #tpu.memory_space<vmem>>, vector<1x16xf32>,
        %get3A_246 = vector.shape_cast %get3A_245 : vector<1x16xf32> to vector<16xf32>
        %add3A_247 = arith.addf %add3A_233, %get3A_246 : vector<16xf32>
        %add3A_248 = arith.constant 10 : i32
        %add3A_249 = arith.addi %mul3A_98, %add3A_248 : i32
        %get3A_250 = arith.index_cast %add3A_249 : i32 to index
        %get3A_251 = arith.constant 16 : index
        %get3A_252 = tpu.vector_load %arg6[%get3A_250, %get3A_251] {strides = array<i32>} : memref<1000x32xf32, #tpu.memory_space<vmem>>, vector<1x16xf32>,
        %get3A_253 = vector.shape_cast %get3A_252 : vector<1x16xf32> to vector<16xf32>
        %add3A_254 = arith.addf %add3A_240, %get3A_253 : vector<16xf32>
        %add3A_255 = arith.constant 11 : i32
        %add3A_256 = arith.addi %mul3A_98, %add3A_255 : i32
        %get3A_257 = arith.index_cast %add3A_256 : i32 to index
        %get3A_258 = arith.constant 0 : index
        %get3A_259 = tpu.vector_load %arg6[%get3A_257, %get3A_258] {strides = array<i32>} : memref<1000x32xf32, #tpu.memory_space<vmem>>, vector<1x16xf32>,
        %get3A_260 = vector.shape_cast %get3A_259 : vector<1x16xf32> to vector<16xf32>
        %add3A_261 = arith.addf %add3A_247, %get3A_260 : vector<16xf32>
        %add3A_262 = arith.constant 11 : i32
        %add3A_263 = arith.addi %mul3A_98, %add3A_262 : i32
        %get3A_264 = arith.index_cast %add3A_263 : i32 to index
        %get3A_265 = arith.constant 16 : index
        %get3A_266 = tpu.vector_load %arg6[%get3A_264, %get3A_265] {strides = array<i32>} : memref<1000x32xf32, #tpu.memory_space<vmem>>, vector<1x16xf32>,
        %get3A_267 = vector.shape_cast %get3A_266 : vector<1x16xf32> to vector<16xf32>
        %add3A_268 = arith.addf %add3A_254, %get3A_267 : vector<16xf32>
        %add3A_269 = arith.constant 12 : i32
        %add3A_270 = arith.addi %mul3A_98, %add3A_269 : i32
        %get3A_271 = arith.index_cast %add3A_270 : i32 to index
        %get3A_272 = arith.constant 0 : index
        %get3A_273 = tpu.vector_load %arg6[%get3A_271, %get3A_272] {strides = array<i32>} : memref<1000x32xf32, #tpu.memory_space<vmem>>, vector<1x16xf32>,
        %get3A_274 = vector.shape_cast %get3A_273 : vector<1x16xf32> to vector<16xf32>
        %add3A_275 = arith.addf %add3A_261, %get3A_274 : vector<16xf32>
        %add3A_276 = arith.constant 12 : i32
        %add3A_277 = arith.addi %mul3A_98, %add3A_276 : i32
        %get3A_278 = arith.index_cast %add3A_277 : i32 to index
        %get3A_279 = arith.constant 16 : index
        %get3A_280 = tpu.vector_load %arg6[%get3A_278, %get3A_279] {strides = array<i32>} : memref<1000x32xf32, #tpu.memory_space<vmem>>, vector<1x16xf32>,
        %get3A_281 = vector.shape_cast %get3A_280 : vector<1x16xf32> to vector<16xf32>
        %add3A_282 = arith.addf %add3A_268, %get3A_281 : vector<16xf32>
        %add3A_283 = arith.constant 13 : i32
        %add3A_284 = arith.addi %mul3A_98, %add3A_283 : i32
        %get3A_285 = arith.index_cast %add3A_284 : i32 to index
        %get3A_286 = arith.constant 0 : index
        %get3A_287 = tpu.vector_load %arg6[%get3A_285, %get3A_286] {strides = array<i32>} : memref<1000x32xf32, #tpu.memory_space<vmem>>, vector<1x16xf32>,
        %get3A_288 = vector.shape_cast %get3A_287 : vector<1x16xf32> to vector<16xf32>
        %add3A_289 = arith.addf %add3A_275, %get3A_288 : vector<16xf32>
        %add3A_290 = arith.constant 13 : i32
        %add3A_291 = arith.addi %mul3A_98, %add3A_290 : i32
        %get3A_292 = arith.index_cast %add3A_291 : i32 to index
        %get3A_293 = arith.constant 16 : index
        %get3A_294 = tpu.vector_load %arg6[%get3A_292, %get3A_293] {strides = array<i32>} : memref<1000x32xf32, #tpu.memory_space<vmem>>, vector<1x16xf32>,
        %get3A_295 = vector.shape_cast %get3A_294 : vector<1x16xf32> to vector<16xf32>
        %add3A_296 = arith.addf %add3A_282, %get3A_295 : vector<16xf32>
        %add3A_297 = arith.constant 14 : i32
        %add3A_298 = arith.addi %mul3A_98, %add3A_297 : i32
        %get3A_299 = arith.index_cast %add3A_298 : i32 to index
        %get3A_300 = arith.constant 0 : index
        %get3A_301 = tpu.vector_load %arg6[%get3A_299, %get3A_300] {strides = array<i32>} : memref<1000x32xf32, #tpu.memory_space<vmem>>, vector<1x16xf32>,
        %get3A_302 = vector.shape_cast %get3A_301 : vector<1x16xf32> to vector<16xf32>
        %add3A_303 = arith.addf %add3A_289, %get3A_302 : vector<16xf32>
        %add3A_304 = arith.constant 14 : i32
        %add3A_305 = arith.addi %mul3A_98, %add3A_304 : i32
        %get3A_306 = arith.index_cast %add3A_305 : i32 to index
        %get3A_307 = arith.constant 16 : index
        %get3A_308 = tpu.vector_load %arg6[%get3A_306, %get3A_307] {strides = array<i32>} : memref<1000x32xf32, #tpu.memory_space<vmem>>, vector<1x16xf32>,
        %get3A_309 = vector.shape_cast %get3A_308 : vector<1x16xf32> to vector<16xf32>
        %add3A_310 = arith.addf %add3A_296, %get3A_309 : vector<16xf32>
        %add3A_311 = arith.constant 15 : i32
        %add3A_312 = arith.addi %mul3A_98, %add3A_311 : i32
        %get3A_313 = arith.index_cast %add3A_312 : i32 to index
        %get3A_314 = arith.constant 0 : index
        %get3A_315 = tpu.vector_load %arg6[%get3A_313, %get3A_314] {strides = array<i32>} : memref<1000x32xf32, #tpu.memory_space<vmem>>, vector<1x16xf32>,
        %get3A_316 = vector.shape_cast %get3A_315 : vector<1x16xf32> to vector<16xf32>
        %add3A_317 = arith.addf %add3A_303, %get3A_316 : vector<16xf32>
        %add3A_318 = arith.constant 15 : i32
        %add3A_319 = arith.addi %mul3A_98, %add3A_318 : i32
        %get3A_320 = arith.index_cast %add3A_319 : i32 to index
        %get3A_321 = arith.constant 16 : index
        %get3A_322 = tpu.vector_load %arg6[%get3A_320, %get3A_321] {strides = array<i32>} : memref<1000x32xf32, #tpu.memory_space<vmem>>, vector<1x16xf32>,
        %get3A_323 = vector.shape_cast %get3A_322 : vector<1x16xf32> to vector<16xf32>
        %add3A_324 = arith.addf %add3A_310, %get3A_323 : vector<16xf32>
        %add3A_325 = arith.constant 16 : i32
        %add3A_326 = arith.addi %mul3A_98, %add3A_325 : i32
        %get3A_327 = arith.index_cast %add3A_326 : i32 to index
        %get3A_328 = arith.constant 0 : index
        %get3A_329 = tpu.vector_load %arg6[%get3A_327, %get3A_328] {strides = array<i32>} : memref<1000x32xf32, #tpu.memory_space<vmem>>, vector<1x16xf32>,
        %get3A_330 = vector.shape_cast %get3A_329 : vector<1x16xf32> to vector<16xf32>
        %add3A_331 = arith.addf %add3A_317, %get3A_330 : vector<16xf32>
        %add3A_332 = arith.constant 16 : i32
        %add3A_333 = arith.addi %mul3A_98, %add3A_332 : i32
        %get3A_334 = arith.index_cast %add3A_333 : i32 to index
        %get3A_335 = arith.constant 16 : index
        %get3A_336 = tpu.vector_load %arg6[%get3A_334, %get3A_335] {strides = array<i32>} : memref<1000x32xf32, #tpu.memory_space<vmem>>, vector<1x16xf32>,
        %get3A_337 = vector.shape_cast %get3A_336 : vector<1x16xf32> to vector<16xf32>
        %add3A_338 = arith.addf %add3A_324, %get3A_337 : vector<16xf32>
        %add3A_339 = arith.constant 17 : i32
        %add3A_340 = arith.addi %mul3A_98, %add3A_339 : i32
        %get3A_341 = arith.index_cast %add3A_340 : i32 to index
        %get3A_342 = arith.constant 0 : index
        %get3A_343 = tpu.vector_load %arg6[%get3A_341, %get3A_342] {strides = array<i32>} : memref<1000x32xf32, #tpu.memory_space<vmem>>, vector<1x16xf32>,
        %get3A_344 = vector.shape_cast %get3A_343 : vector<1x16xf32> to vector<16xf32>
        %add3A_345 = arith.addf %add3A_331, %get3A_344 : vector<16xf32>
        %add3A_346 = arith.constant 17 : i32
        %add3A_347 = arith.addi %mul3A_98, %add3A_346 : i32
        %get3A_348 = arith.index_cast %add3A_347 : i32 to index
        %get3A_349 = arith.constant 16 : index
        %get3A_350 = tpu.vector_load %arg6[%get3A_348, %get3A_349] {strides = array<i32>} : memref<1000x32xf32, #tpu.memory_space<vmem>>, vector<1x16xf32>,
        %get3A_351 = vector.shape_cast %get3A_350 : vector<1x16xf32> to vector<16xf32>
        %add3A_352 = arith.addf %add3A_338, %get3A_351 : vector<16xf32>
        %add3A_353 = arith.constant 18 : i32
        %add3A_354 = arith.addi %mul3A_98, %add3A_353 : i32
        %get3A_355 = arith.index_cast %add3A_354 : i32 to index
        %get3A_356 = arith.constant 0 : index
        %get3A_357 = tpu.vector_load %arg6[%get3A_355, %get3A_356] {strides = array<i32>} : memref<1000x32xf32, #tpu.memory_space<vmem>>, vector<1x16xf32>,
        %get3A_358 = vector.shape_cast %get3A_357 : vector<1x16xf32> to vector<16xf32>
        %add3A_359 = arith.addf %add3A_345, %get3A_358 : vector<16xf32>
        %add3A_360 = arith.constant 18 : i32
        %add3A_361 = arith.addi %mul3A_98, %add3A_360 : i32
        %get3A_362 = arith.index_cast %add3A_361 : i32 to index
        %get3A_363 = arith.constant 16 : index
        %get3A_364 = tpu.vector_load %arg6[%get3A_362, %get3A_363] {strides = array<i32>} : memref<1000x32xf32, #tpu.memory_space<vmem>>, vector<1x16xf32>,
        %get3A_365 = vector.shape_cast %get3A_364 : vector<1x16xf32> to vector<16xf32>
        %add3A_366 = arith.addf %add3A_352, %get3A_365 : vector<16xf32>
        %add3A_367 = arith.constant 19 : i32
        %add3A_368 = arith.addi %mul3A_98, %add3A_367 : i32
        %get3A_369 = arith.index_cast %add3A_368 : i32 to index
        %get3A_370 = arith.constant 0 : index
        %get3A_371 = tpu.vector_load %arg6[%get3A_369, %get3A_370] {strides = array<i32>} : memref<1000x32xf32, #tpu.memory_space<vmem>>, vector<1x16xf32>,
        %get3A_372 = vector.shape_cast %get3A_371 : vector<1x16xf32> to vector<16xf32>
        %add3A_373 = arith.addf %add3A_359, %get3A_372 : vector<16xf32>
        %add3A_374 = arith.constant 19 : i32
        %add3A_375 = arith.addi %mul3A_98, %add3A_374 : i32
        %get3A_376 = arith.index_cast %add3A_375 : i32 to index
        %get3A_377 = arith.constant 16 : index
        %get3A_378 = tpu.vector_load %arg6[%get3A_376, %get3A_377] {strides = array<i32>} : memref<1000x32xf32, #tpu.memory_space<vmem>>, vector<1x16xf32>,
        %get3A_379 = vector.shape_cast %get3A_378 : vector<1x16xf32> to vector<16xf32>
        %add3A_380 = arith.addf %add3A_366, %get3A_379 : vector<16xf32>
        %swap3A = arith.index_cast %scan3A_96 : i32 to index
        %swap3A_381 = arith.constant 0 : index
        %swap3A_382 = tpu.vector_load %arg8[%swap3A, %swap3A_381] {strides = array<i32>} : memref<50x32xf32, #tpu.memory_space<vmem>>, vector<1x16xf32>,
        %swap3A_383 = vector.shape_cast %swap3A_382 : vector<1x16xf32> to vector<16xf32>
        %swap3A_384 = vector.shape_cast %add3A_373 : vector<16xf32> to vector<1x16xf32>
        tpu.vector_store %arg8[%swap3A, %swap3A_381], %swap3A_384 {strides = array<i32>} : memref<50x32xf32, #tpu.memory_space<vmem>>, vector<1x16xf32>,
        %swap3A_385 = arith.index_cast %scan3A_96 : i32 to index
        %swap3A_386 = arith.constant 16 : index
        %swap3A_387 = tpu.vector_load %arg8[%swap3A_385, %swap3A_386] {strides = array<i32>} : memref<50x32xf32, #tpu.memory_space<vmem>>, vector<1x16xf32>,
        %swap3A_388 = vector.shape_cast %swap3A_387 : vector<1x16xf32> to vector<16xf32>
        %swap3A_389 = vector.shape_cast %add3A_380 : vector<16xf32> to vector<1x16xf32>
        tpu.vector_store %arg8[%swap3A_385, %swap3A_386], %swap3A_389 {strides = array<i32>} : memref<50x32xf32, #tpu.memory_space<vmem>>, vector<1x16xf32>,
      }
      %scan3A_51 = arith.constant 50 : i32
      %dma_start3A_52 = arith.constant 0 : i32
      %dma_start3A_53 = arith.constant 0 : i32
      %dma_start3A_54 = tpu.memref_slice %arg4[%add3A, %mul3A_31, %dma_start3A_52, %dma_start3A_53] : memref<32x32x50x32xf32, #tpu.memory_space<hbm>> -> memref<1x1x50x32xf32, #tpu.memory_space<hbm>>
      %dma_start3A_55 = tpu.memref_squeeze %dma_start3A_54 : memref<1x1x50x32xf32, #tpu.memory_space<hbm>> -> memref<50x32xf32, #tpu.memory_space<hbm>>
      %dma_start3A_56 = arith.constant 0 : i32
      %dma_start3A_57 = arith.constant 0 : i32
      %dma_start3A_58 = tpu.memref_slice %arg4[%add3A, %mul3A_31, %dma_start3A_56, %dma_start3A_57] : memref<32x32x50x32xf32, #tpu.memory_space<hbm>> -> memref<1x1x50x32xf32, #tpu.memory_space<hbm>>
      %dma_start3A_59 = tpu.memref_squeeze %dma_start3A_58 : memref<1x1x50x32xf32, #tpu.memory_space<hbm>> -> memref<50x32xf32, #tpu.memory_space<hbm>>
      tpu.enqueue_dma source(%arg8 : memref<50x32xf32, #tpu.memory_space<vmem>>) target(%dma_start3A_59 : memref<50x32xf32, #tpu.memory_space<hbm>>) target_semaphore(%arg12 : memref<!tpu.dma_semaphore, #tpu.memory_space<semaphore_mem>>)
      %mul3A_60 = arith.constant 2 : i32
      %mul3A_61 = arith.muli %mul3A_60, %scan3A_29 : i32
      %add3A_62 = arith.constant 1 : i32
      %add3A_63 = arith.addi %mul3A_61, %add3A_62 : i32
      %dma_wait3A_64 = arith.constant 0 : i32
      %dma_wait3A_65 = tpu.memref_slice %arg5[%add3A_63, %dma_wait3A_64] : memref<32x1000xi32, #tpu.memory_space<vmem>> -> memref<1x1000xi32, #tpu.memory_space<vmem>>
      %dma_wait3A_66 = tpu.memref_squeeze %dma_wait3A_65 : memref<1x1000xi32, #tpu.memory_space<vmem>> -> memref<1000xi32, #tpu.memory_space<vmem>>
      %dma_wait3A_67 = arith.constant 0 : i32
      %dma_wait3A_68 = arith.constant 0 : i32
      %dma_wait3A_69 = tpu.memref_slice %arg3[%dma_wait3A_67, %dma_wait3A_68] : memref<100000x32xf32, #tpu.memory_space<hbm>> -> memref<100000x32xf32, #tpu.memory_space<hbm>>
      tpu.wait_indirect_dma semaphore(%arg11 : memref<!tpu.dma_semaphore, #tpu.memory_space<semaphore_mem>>) src(%dma_wait3A_69 : memref<100000x32xf32, #tpu.memory_space<hbm>>) dst(%arg7 : memref<1000x32xf32, #tpu.memory_space<vmem>>)
      %add3A_70 = arith.constant 1 : i32
      %add3A_71 = arith.addi %add3A_63, %add3A_70 : i32
      %lt3A_72 = arith.constant 32 : i32
      %lt3A_73 = arith.cmpi slt, %add3A_71, %lt3A_72 : i32
      %convert_element_type3A_74 = arith.extui %lt3A_73 : i1 to i32
      %cond3A_75 = arith.constant 0 : i32
      %cond3A_76 = arith.cmpi ne, %convert_element_type3A_74, %cond3A_75 : i32
      scf.if %cond3A_76 {
        %add3A_96 = arith.constant 1 : i32
        %add3A_97 = arith.addi %add3A_63, %add3A_96 : i32
        %dma_start3A_98 = arith.constant 0 : i32
        %dma_start3A_99 = tpu.memref_slice %arg5[%add3A_97, %dma_start3A_98] : memref<32x1000xi32, #tpu.memory_space<vmem>> -> memref<1x1000xi32, #tpu.memory_space<vmem>>
        %dma_start3A_100 = tpu.memref_squeeze %dma_start3A_99 : memref<1x1000xi32, #tpu.memory_space<vmem>> -> memref<1000xi32, #tpu.memory_space<vmem>>
        %dma_start3A_101 = arith.constant 0 : i32
        %dma_start3A_102 = arith.constant 0 : i32
        %dma_start3A_103 = tpu.memref_slice %arg3[%dma_start3A_101, %dma_start3A_102] : memref<100000x32xf32, #tpu.memory_space<hbm>> -> memref<100000x32xf32, #tpu.memory_space<hbm>>
        tpu.enqueue_indirect_dma source(%dma_start3A_103 : memref<100000x32xf32, #tpu.memory_space<hbm>>) target(%arg6 : memref<1000x32xf32, #tpu.memory_space<vmem>>) offsets(%dma_start3A_100 : memref<1000xi32, #tpu.memory_space<vmem>>) semaphore(%arg10 : memref<!tpu.dma_semaphore, #tpu.memory_space<semaphore_mem>>)
      } else {
      }
      %ge3A_77 = arith.constant 2 : i32
      %ge3A_78 = arith.cmpi sge, %add3A_63, %ge3A_77 : i32
      %convert_element_type3A_79 = arith.extui %ge3A_78 : i1 to i32
      %cond3A_80 = arith.constant 0 : i32
      %cond3A_81 = arith.cmpi ne, %convert_element_type3A_79, %cond3A_80 : i32
      scf.if %cond3A_81 {
        %dma_wait3A_96 = arith.constant 0 : i32
        %dma_wait3A_97 = arith.constant 0 : i32
        %dma_wait3A_98 = tpu.memref_slice %arg4[%add3A, %add3A_63, %dma_wait3A_96, %dma_wait3A_97] : memref<32x32x50x32xf32, #tpu.memory_space<hbm>> -> memref<1x1x50x32xf32, #tpu.memory_space<hbm>>
        %dma_wait3A_99 = tpu.memref_squeeze %dma_wait3A_98 : memref<1x1x50x32xf32, #tpu.memory_space<hbm>> -> memref<50x32xf32, #tpu.memory_space<hbm>>
        %dma_wait3A_100 = arith.constant 0 : i32
        %dma_wait3A_101 = arith.constant 0 : i32
        %dma_wait3A_102 = tpu.memref_slice %arg4[%add3A, %add3A_63, %dma_wait3A_100, %dma_wait3A_101] : memref<32x32x50x32xf32, #tpu.memory_space<hbm>> -> memref<1x1x50x32xf32, #tpu.memory_space<hbm>>
        %dma_wait3A_103 = tpu.memref_squeeze %dma_wait3A_102 : memref<1x1x50x32xf32, #tpu.memory_space<hbm>> -> memref<50x32xf32, #tpu.memory_space<hbm>>
        tpu.wait_dma2 semaphore(%arg13 : memref<!tpu.dma_semaphore, #tpu.memory_space<semaphore_mem>>) src(%arg9 : memref<50x32xf32, #tpu.memory_space<vmem>>) dst(%dma_wait3A_103 : memref<50x32xf32, #tpu.memory_space<hbm>>)
      } else {
      }
      %scan3A_82 = arith.constant 0 : i32
      %scan3A_83 = arith.constant 0 : i32
      %scan3A_84 = arith.constant 50 : i32
      %scan3A_85 = arith.addi %scan3A_83, %scan3A_84 : i32
      %scan3A_86 = arith.constant 1 : i32
      scf.for %scan3A_96 = %scan3A_83 to %scan3A_85 step %scan3A_86  : i32 {
        %mul3A_97 = arith.constant 20 : i32
        %mul3A_98 = arith.muli %scan3A_96, %mul3A_97 : i32
        %broadcast_in_dim3A = arith.constant 0.000000e+00 : f32
        %broadcast_in_dim3A_99 = vector.broadcast %broadcast_in_dim3A : f32 to vector<16xf32>
        %broadcast_in_dim3A_100 = arith.constant 0.000000e+00 : f32
        %broadcast_in_dim3A_101 = vector.broadcast %broadcast_in_dim3A_100 : f32 to vector<16xf32>
        %add3A_102 = arith.constant 0 : i32
        %add3A_103 = arith.addi %mul3A_98, %add3A_102 : i32
        %get3A = arith.index_cast %add3A_103 : i32 to index
        %get3A_104 = arith.constant 0 : index
        %get3A_105 = tpu.vector_load %arg7[%get3A, %get3A_104] {strides = array<i32>} : memref<1000x32xf32, #tpu.memory_space<vmem>>, vector<1x16xf32>,
        %get3A_106 = vector.shape_cast %get3A_105 : vector<1x16xf32> to vector<16xf32>
        %add3A_107 = arith.addf %broadcast_in_dim3A_99, %get3A_106 : vector<16xf32>
        %add3A_108 = arith.constant 0 : i32
        %add3A_109 = arith.addi %mul3A_98, %add3A_108 : i32
        %get3A_110 = arith.index_cast %add3A_109 : i32 to index
        %get3A_111 = arith.constant 16 : index
        %get3A_112 = tpu.vector_load %arg7[%get3A_110, %get3A_111] {strides = array<i32>} : memref<1000x32xf32, #tpu.memory_space<vmem>>, vector<1x16xf32>,
        %get3A_113 = vector.shape_cast %get3A_112 : vector<1x16xf32> to vector<16xf32>
        %add3A_114 = arith.addf %broadcast_in_dim3A_101, %get3A_113 : vector<16xf32>
        %add3A_115 = arith.constant 1 : i32
        %add3A_116 = arith.addi %mul3A_98, %add3A_115 : i32
        %get3A_117 = arith.index_cast %add3A_116 : i32 to index
        %get3A_118 = arith.constant 0 : index
        %get3A_119 = tpu.vector_load %arg7[%get3A_117, %get3A_118] {strides = array<i32>} : memref<1000x32xf32, #tpu.memory_space<vmem>>, vector<1x16xf32>,
        %get3A_120 = vector.shape_cast %get3A_119 : vector<1x16xf32> to vector<16xf32>
        %add3A_121 = arith.addf %add3A_107, %get3A_120 : vector<16xf32>
        %add3A_122 = arith.constant 1 : i32
        %add3A_123 = arith.addi %mul3A_98, %add3A_122 : i32
        %get3A_124 = arith.index_cast %add3A_123 : i32 to index
        %get3A_125 = arith.constant 16 : index
        %get3A_126 = tpu.vector_load %arg7[%get3A_124, %get3A_125] {strides = array<i32>} : memref<1000x32xf32, #tpu.memory_space<vmem>>, vector<1x16xf32>,
        %get3A_127 = vector.shape_cast %get3A_126 : vector<1x16xf32> to vector<16xf32>
        %add3A_128 = arith.addf %add3A_114, %get3A_127 : vector<16xf32>
        %add3A_129 = arith.constant 2 : i32
        %add3A_130 = arith.addi %mul3A_98, %add3A_129 : i32
        %get3A_131 = arith.index_cast %add3A_130 : i32 to index
        %get3A_132 = arith.constant 0 : index
        %get3A_133 = tpu.vector_load %arg7[%get3A_131, %get3A_132] {strides = array<i32>} : memref<1000x32xf32, #tpu.memory_space<vmem>>, vector<1x16xf32>,
        %get3A_134 = vector.shape_cast %get3A_133 : vector<1x16xf32> to vector<16xf32>
        %add3A_135 = arith.addf %add3A_121, %get3A_134 : vector<16xf32>
        %add3A_136 = arith.constant 2 : i32
        %add3A_137 = arith.addi %mul3A_98, %add3A_136 : i32
        %get3A_138 = arith.index_cast %add3A_137 : i32 to index
        %get3A_139 = arith.constant 16 : index
        %get3A_140 = tpu.vector_load %arg7[%get3A_138, %get3A_139] {strides = array<i32>} : memref<1000x32xf32, #tpu.memory_space<vmem>>, vector<1x16xf32>,
        %get3A_141 = vector.shape_cast %get3A_140 : vector<1x16xf32> to vector<16xf32>
        %add3A_142 = arith.addf %add3A_128, %get3A_141 : vector<16xf32>
        %add3A_143 = arith.constant 3 : i32
        %add3A_144 = arith.addi %mul3A_98, %add3A_143 : i32
        %get3A_145 = arith.index_cast %add3A_144 : i32 to index
        %get3A_146 = arith.constant 0 : index
        %get3A_147 = tpu.vector_load %arg7[%get3A_145, %get3A_146] {strides = array<i32>} : memref<1000x32xf32, #tpu.memory_space<vmem>>, vector<1x16xf32>,
        %get3A_148 = vector.shape_cast %get3A_147 : vector<1x16xf32> to vector<16xf32>
        %add3A_149 = arith.addf %add3A_135, %get3A_148 : vector<16xf32>
        %add3A_150 = arith.constant 3 : i32
        %add3A_151 = arith.addi %mul3A_98, %add3A_150 : i32
        %get3A_152 = arith.index_cast %add3A_151 : i32 to index
        %get3A_153 = arith.constant 16 : index
        %get3A_154 = tpu.vector_load %arg7[%get3A_152, %get3A_153] {strides = array<i32>} : memref<1000x32xf32, #tpu.memory_space<vmem>>, vector<1x16xf32>,
        %get3A_155 = vector.shape_cast %get3A_154 : vector<1x16xf32> to vector<16xf32>
        %add3A_156 = arith.addf %add3A_142, %get3A_155 : vector<16xf32>
        %add3A_157 = arith.constant 4 : i32
        %add3A_158 = arith.addi %mul3A_98, %add3A_157 : i32
        %get3A_159 = arith.index_cast %add3A_158 : i32 to index
        %get3A_160 = arith.constant 0 : index
        %get3A_161 = tpu.vector_load %arg7[%get3A_159, %get3A_160] {strides = array<i32>} : memref<1000x32xf32, #tpu.memory_space<vmem>>, vector<1x16xf32>,
        %get3A_162 = vector.shape_cast %get3A_161 : vector<1x16xf32> to vector<16xf32>
        %add3A_163 = arith.addf %add3A_149, %get3A_162 : vector<16xf32>
        %add3A_164 = arith.constant 4 : i32
        %add3A_165 = arith.addi %mul3A_98, %add3A_164 : i32
        %get3A_166 = arith.index_cast %add3A_165 : i32 to index
        %get3A_167 = arith.constant 16 : index
        %get3A_168 = tpu.vector_load %arg7[%get3A_166, %get3A_167] {strides = array<i32>} : memref<1000x32xf32, #tpu.memory_space<vmem>>, vector<1x16xf32>,
        %get3A_169 = vector.shape_cast %get3A_168 : vector<1x16xf32> to vector<16xf32>
        %add3A_170 = arith.addf %add3A_156, %get3A_169 : vector<16xf32>
        %add3A_171 = arith.constant 5 : i32
        %add3A_172 = arith.addi %mul3A_98, %add3A_171 : i32
        %get3A_173 = arith.index_cast %add3A_172 : i32 to index
        %get3A_174 = arith.constant 0 : index
        %get3A_175 = tpu.vector_load %arg7[%get3A_173, %get3A_174] {strides = array<i32>} : memref<1000x32xf32, #tpu.memory_space<vmem>>, vector<1x16xf32>,
        %get3A_176 = vector.shape_cast %get3A_175 : vector<1x16xf32> to vector<16xf32>
        %add3A_177 = arith.addf %add3A_163, %get3A_176 : vector<16xf32>
        %add3A_178 = arith.constant 5 : i32
        %add3A_179 = arith.addi %mul3A_98, %add3A_178 : i32
        %get3A_180 = arith.index_cast %add3A_179 : i32 to index
        %get3A_181 = arith.constant 16 : index
        %get3A_182 = tpu.vector_load %arg7[%get3A_180, %get3A_181] {strides = array<i32>} : memref<1000x32xf32, #tpu.memory_space<vmem>>, vector<1x16xf32>,
        %get3A_183 = vector.shape_cast %get3A_182 : vector<1x16xf32> to vector<16xf32>
        %add3A_184 = arith.addf %add3A_170, %get3A_183 : vector<16xf32>
        %add3A_185 = arith.constant 6 : i32
        %add3A_186 = arith.addi %mul3A_98, %add3A_185 : i32
        %get3A_187 = arith.index_cast %add3A_186 : i32 to index
        %get3A_188 = arith.constant 0 : index
        %get3A_189 = tpu.vector_load %arg7[%get3A_187, %get3A_188] {strides = array<i32>} : memref<1000x32xf32, #tpu.memory_space<vmem>>, vector<1x16xf32>,
        %get3A_190 = vector.shape_cast %get3A_189 : vector<1x16xf32> to vector<16xf32>
        %add3A_191 = arith.addf %add3A_177, %get3A_190 : vector<16xf32>
        %add3A_192 = arith.constant 6 : i32
        %add3A_193 = arith.addi %mul3A_98, %add3A_192 : i32
        %get3A_194 = arith.index_cast %add3A_193 : i32 to index
        %get3A_195 = arith.constant 16 : index
        %get3A_196 = tpu.vector_load %arg7[%get3A_194, %get3A_195] {strides = array<i32>} : memref<1000x32xf32, #tpu.memory_space<vmem>>, vector<1x16xf32>,
        %get3A_197 = vector.shape_cast %get3A_196 : vector<1x16xf32> to vector<16xf32>
        %add3A_198 = arith.addf %add3A_184, %get3A_197 : vector<16xf32>
        %add3A_199 = arith.constant 7 : i32
        %add3A_200 = arith.addi %mul3A_98, %add3A_199 : i32
        %get3A_201 = arith.index_cast %add3A_200 : i32 to index
        %get3A_202 = arith.constant 0 : index
        %get3A_203 = tpu.vector_load %arg7[%get3A_201, %get3A_202] {strides = array<i32>} : memref<1000x32xf32, #tpu.memory_space<vmem>>, vector<1x16xf32>,
        %get3A_204 = vector.shape_cast %get3A_203 : vector<1x16xf32> to vector<16xf32>
        %add3A_205 = arith.addf %add3A_191, %get3A_204 : vector<16xf32>
        %add3A_206 = arith.constant 7 : i32
        %add3A_207 = arith.addi %mul3A_98, %add3A_206 : i32
        %get3A_208 = arith.index_cast %add3A_207 : i32 to index
        %get3A_209 = arith.constant 16 : index
        %get3A_210 = tpu.vector_load %arg7[%get3A_208, %get3A_209] {strides = array<i32>} : memref<1000x32xf32, #tpu.memory_space<vmem>>, vector<1x16xf32>,
        %get3A_211 = vector.shape_cast %get3A_210 : vector<1x16xf32> to vector<16xf32>
        %add3A_212 = arith.addf %add3A_198, %get3A_211 : vector<16xf32>
        %add3A_213 = arith.constant 8 : i32
        %add3A_214 = arith.addi %mul3A_98, %add3A_213 : i32
        %get3A_215 = arith.index_cast %add3A_214 : i32 to index
        %get3A_216 = arith.constant 0 : index
        %get3A_217 = tpu.vector_load %arg7[%get3A_215, %get3A_216] {strides = array<i32>} : memref<1000x32xf32, #tpu.memory_space<vmem>>, vector<1x16xf32>,
        %get3A_218 = vector.shape_cast %get3A_217 : vector<1x16xf32> to vector<16xf32>
        %add3A_219 = arith.addf %add3A_205, %get3A_218 : vector<16xf32>
        %add3A_220 = arith.constant 8 : i32
        %add3A_221 = arith.addi %mul3A_98, %add3A_220 : i32
        %get3A_222 = arith.index_cast %add3A_221 : i32 to index
        %get3A_223 = arith.constant 16 : index
        %get3A_224 = tpu.vector_load %arg7[%get3A_222, %get3A_223] {strides = array<i32>} : memref<1000x32xf32, #tpu.memory_space<vmem>>, vector<1x16xf32>,
        %get3A_225 = vector.shape_cast %get3A_224 : vector<1x16xf32> to vector<16xf32>
        %add3A_226 = arith.addf %add3A_212, %get3A_225 : vector<16xf32>
        %add3A_227 = arith.constant 9 : i32
        %add3A_228 = arith.addi %mul3A_98, %add3A_227 : i32
        %get3A_229 = arith.index_cast %add3A_228 : i32 to index
        %get3A_230 = arith.constant 0 : index
        %get3A_231 = tpu.vector_load %arg7[%get3A_229, %get3A_230] {strides = array<i32>} : memref<1000x32xf32, #tpu.memory_space<vmem>>, vector<1x16xf32>,
        %get3A_232 = vector.shape_cast %get3A_231 : vector<1x16xf32> to vector<16xf32>
        %add3A_233 = arith.addf %add3A_219, %get3A_232 : vector<16xf32>
        %add3A_234 = arith.constant 9 : i32
        %add3A_235 = arith.addi %mul3A_98, %add3A_234 : i32
        %get3A_236 = arith.index_cast %add3A_235 : i32 to index
        %get3A_237 = arith.constant 16 : index
        %get3A_238 = tpu.vector_load %arg7[%get3A_236, %get3A_237] {strides = array<i32>} : memref<1000x32xf32, #tpu.memory_space<vmem>>, vector<1x16xf32>,
        %get3A_239 = vector.shape_cast %get3A_238 : vector<1x16xf32> to vector<16xf32>
        %add3A_240 = arith.addf %add3A_226, %get3A_239 : vector<16xf32>
        %add3A_241 = arith.constant 10 : i32
        %add3A_242 = arith.addi %mul3A_98, %add3A_241 : i32
        %get3A_243 = arith.index_cast %add3A_242 : i32 to index
        %get3A_244 = arith.constant 0 : index
        %get3A_245 = tpu.vector_load %arg7[%get3A_243, %get3A_244] {strides = array<i32>} : memref<1000x32xf32, #tpu.memory_space<vmem>>, vector<1x16xf32>,
        %get3A_246 = vector.shape_cast %get3A_245 : vector<1x16xf32> to vector<16xf32>
        %add3A_247 = arith.addf %add3A_233, %get3A_246 : vector<16xf32>
        %add3A_248 = arith.constant 10 : i32
        %add3A_249 = arith.addi %mul3A_98, %add3A_248 : i32
        %get3A_250 = arith.index_cast %add3A_249 : i32 to index
        %get3A_251 = arith.constant 16 : index
        %get3A_252 = tpu.vector_load %arg7[%get3A_250, %get3A_251] {strides = array<i32>} : memref<1000x32xf32, #tpu.memory_space<vmem>>, vector<1x16xf32>,
        %get3A_253 = vector.shape_cast %get3A_252 : vector<1x16xf32> to vector<16xf32>
        %add3A_254 = arith.addf %add3A_240, %get3A_253 : vector<16xf32>
        %add3A_255 = arith.constant 11 : i32
        %add3A_256 = arith.addi %mul3A_98, %add3A_255 : i32
        %get3A_257 = arith.index_cast %add3A_256 : i32 to index
        %get3A_258 = arith.constant 0 : index
        %get3A_259 = tpu.vector_load %arg7[%get3A_257, %get3A_258] {strides = array<i32>} : memref<1000x32xf32, #tpu.memory_space<vmem>>, vector<1x16xf32>,
        %get3A_260 = vector.shape_cast %get3A_259 : vector<1x16xf32> to vector<16xf32>
        %add3A_261 = arith.addf %add3A_247, %get3A_260 : vector<16xf32>
        %add3A_262 = arith.constant 11 : i32
        %add3A_263 = arith.addi %mul3A_98, %add3A_262 : i32
        %get3A_264 = arith.index_cast %add3A_263 : i32 to index
        %get3A_265 = arith.constant 16 : index
        %get3A_266 = tpu.vector_load %arg7[%get3A_264, %get3A_265] {strides = array<i32>} : memref<1000x32xf32, #tpu.memory_space<vmem>>, vector<1x16xf32>,
        %get3A_267 = vector.shape_cast %get3A_266 : vector<1x16xf32> to vector<16xf32>
        %add3A_268 = arith.addf %add3A_254, %get3A_267 : vector<16xf32>
        %add3A_269 = arith.constant 12 : i32
        %add3A_270 = arith.addi %mul3A_98, %add3A_269 : i32
        %get3A_271 = arith.index_cast %add3A_270 : i32 to index
        %get3A_272 = arith.constant 0 : index
        %get3A_273 = tpu.vector_load %arg7[%get3A_271, %get3A_272] {strides = array<i32>} : memref<1000x32xf32, #tpu.memory_space<vmem>>, vector<1x16xf32>,
        %get3A_274 = vector.shape_cast %get3A_273 : vector<1x16xf32> to vector<16xf32>
        %add3A_275 = arith.addf %add3A_261, %get3A_274 : vector<16xf32>
        %add3A_276 = arith.constant 12 : i32
        %add3A_277 = arith.addi %mul3A_98, %add3A_276 : i32
        %get3A_278 = arith.index_cast %add3A_277 : i32 to index
        %get3A_279 = arith.constant 16 : index
        %get3A_280 = tpu.vector_load %arg7[%get3A_278, %get3A_279] {strides = array<i32>} : memref<1000x32xf32, #tpu.memory_space<vmem>>, vector<1x16xf32>,
        %get3A_281 = vector.shape_cast %get3A_280 : vector<1x16xf32> to vector<16xf32>
        %add3A_282 = arith.addf %add3A_268, %get3A_281 : vector<16xf32>
        %add3A_283 = arith.constant 13 : i32
        %add3A_284 = arith.addi %mul3A_98, %add3A_283 : i32
        %get3A_285 = arith.index_cast %add3A_284 : i32 to index
        %get3A_286 = arith.constant 0 : index
        %get3A_287 = tpu.vector_load %arg7[%get3A_285, %get3A_286] {strides = array<i32>} : memref<1000x32xf32, #tpu.memory_space<vmem>>, vector<1x16xf32>,
        %get3A_288 = vector.shape_cast %get3A_287 : vector<1x16xf32> to vector<16xf32>
        %add3A_289 = arith.addf %add3A_275, %get3A_288 : vector<16xf32>
        %add3A_290 = arith.constant 13 : i32
        %add3A_291 = arith.addi %mul3A_98, %add3A_290 : i32
        %get3A_292 = arith.index_cast %add3A_291 : i32 to index
        %get3A_293 = arith.constant 16 : index
        %get3A_294 = tpu.vector_load %arg7[%get3A_292, %get3A_293] {strides = array<i32>} : memref<1000x32xf32, #tpu.memory_space<vmem>>, vector<1x16xf32>,
        %get3A_295 = vector.shape_cast %get3A_294 : vector<1x16xf32> to vector<16xf32>
        %add3A_296 = arith.addf %add3A_282, %get3A_295 : vector<16xf32>
        %add3A_297 = arith.constant 14 : i32
        %add3A_298 = arith.addi %mul3A_98, %add3A_297 : i32
        %get3A_299 = arith.index_cast %add3A_298 : i32 to index
        %get3A_300 = arith.constant 0 : index
        %get3A_301 = tpu.vector_load %arg7[%get3A_299, %get3A_300] {strides = array<i32>} : memref<1000x32xf32, #tpu.memory_space<vmem>>, vector<1x16xf32>,
        %get3A_302 = vector.shape_cast %get3A_301 : vector<1x16xf32> to vector<16xf32>
        %add3A_303 = arith.addf %add3A_289, %get3A_302 : vector<16xf32>
        %add3A_304 = arith.constant 14 : i32
        %add3A_305 = arith.addi %mul3A_98, %add3A_304 : i32
        %get3A_306 = arith.index_cast %add3A_305 : i32 to index
        %get3A_307 = arith.constant 16 : index
        %get3A_308 = tpu.vector_load %arg7[%get3A_306, %get3A_307] {strides = array<i32>} : memref<1000x32xf32, #tpu.memory_space<vmem>>, vector<1x16xf32>,
        %get3A_309 = vector.shape_cast %get3A_308 : vector<1x16xf32> to vector<16xf32>
        %add3A_310 = arith.addf %add3A_296, %get3A_309 : vector<16xf32>
        %add3A_311 = arith.constant 15 : i32
        %add3A_312 = arith.addi %mul3A_98, %add3A_311 : i32
        %get3A_313 = arith.index_cast %add3A_312 : i32 to index
        %get3A_314 = arith.constant 0 : index
        %get3A_315 = tpu.vector_load %arg7[%get3A_313, %get3A_314] {strides = array<i32>} : memref<1000x32xf32, #tpu.memory_space<vmem>>, vector<1x16xf32>,
        %get3A_316 = vector.shape_cast %get3A_315 : vector<1x16xf32> to vector<16xf32>
        %add3A_317 = arith.addf %add3A_303, %get3A_316 : vector<16xf32>
        %add3A_318 = arith.constant 15 : i32
        %add3A_319 = arith.addi %mul3A_98, %add3A_318 : i32
        %get3A_320 = arith.index_cast %add3A_319 : i32 to index
        %get3A_321 = arith.constant 16 : index
        %get3A_322 = tpu.vector_load %arg7[%get3A_320, %get3A_321] {strides = array<i32>} : memref<1000x32xf32, #tpu.memory_space<vmem>>, vector<1x16xf32>,
        %get3A_323 = vector.shape_cast %get3A_322 : vector<1x16xf32> to vector<16xf32>
        %add3A_324 = arith.addf %add3A_310, %get3A_323 : vector<16xf32>
        %add3A_325 = arith.constant 16 : i32
        %add3A_326 = arith.addi %mul3A_98, %add3A_325 : i32
        %get3A_327 = arith.index_cast %add3A_326 : i32 to index
        %get3A_328 = arith.constant 0 : index
        %get3A_329 = tpu.vector_load %arg7[%get3A_327, %get3A_328] {strides = array<i32>} : memref<1000x32xf32, #tpu.memory_space<vmem>>, vector<1x16xf32>,
        %get3A_330 = vector.shape_cast %get3A_329 : vector<1x16xf32> to vector<16xf32>
        %add3A_331 = arith.addf %add3A_317, %get3A_330 : vector<16xf32>
        %add3A_332 = arith.constant 16 : i32
        %add3A_333 = arith.addi %mul3A_98, %add3A_332 : i32
        %get3A_334 = arith.index_cast %add3A_333 : i32 to index
        %get3A_335 = arith.constant 16 : index
        %get3A_336 = tpu.vector_load %arg7[%get3A_334, %get3A_335] {strides = array<i32>} : memref<1000x32xf32, #tpu.memory_space<vmem>>, vector<1x16xf32>,
        %get3A_337 = vector.shape_cast %get3A_336 : vector<1x16xf32> to vector<16xf32>
        %add3A_338 = arith.addf %add3A_324, %get3A_337 : vector<16xf32>
        %add3A_339 = arith.constant 17 : i32
        %add3A_340 = arith.addi %mul3A_98, %add3A_339 : i32
        %get3A_341 = arith.index_cast %add3A_340 : i32 to index
        %get3A_342 = arith.constant 0 : index
        %get3A_343 = tpu.vector_load %arg7[%get3A_341, %get3A_342] {strides = array<i32>} : memref<1000x32xf32, #tpu.memory_space<vmem>>, vector<1x16xf32>,
        %get3A_344 = vector.shape_cast %get3A_343 : vector<1x16xf32> to vector<16xf32>
        %add3A_345 = arith.addf %add3A_331, %get3A_344 : vector<16xf32>
        %add3A_346 = arith.constant 17 : i32
        %add3A_347 = arith.addi %mul3A_98, %add3A_346 : i32
        %get3A_348 = arith.index_cast %add3A_347 : i32 to index
        %get3A_349 = arith.constant 16 : index
        %get3A_350 = tpu.vector_load %arg7[%get3A_348, %get3A_349] {strides = array<i32>} : memref<1000x32xf32, #tpu.memory_space<vmem>>, vector<1x16xf32>,
        %get3A_351 = vector.shape_cast %get3A_350 : vector<1x16xf32> to vector<16xf32>
        %add3A_352 = arith.addf %add3A_338, %get3A_351 : vector<16xf32>
        %add3A_353 = arith.constant 18 : i32
        %add3A_354 = arith.addi %mul3A_98, %add3A_353 : i32
        %get3A_355 = arith.index_cast %add3A_354 : i32 to index
        %get3A_356 = arith.constant 0 : index
        %get3A_357 = tpu.vector_load %arg7[%get3A_355, %get3A_356] {strides = array<i32>} : memref<1000x32xf32, #tpu.memory_space<vmem>>, vector<1x16xf32>,
        %get3A_358 = vector.shape_cast %get3A_357 : vector<1x16xf32> to vector<16xf32>
        %add3A_359 = arith.addf %add3A_345, %get3A_358 : vector<16xf32>
        %add3A_360 = arith.constant 18 : i32
        %add3A_361 = arith.addi %mul3A_98, %add3A_360 : i32
        %get3A_362 = arith.index_cast %add3A_361 : i32 to index
        %get3A_363 = arith.constant 16 : index
        %get3A_364 = tpu.vector_load %arg7[%get3A_362, %get3A_363] {strides = array<i32>} : memref<1000x32xf32, #tpu.memory_space<vmem>>, vector<1x16xf32>,
        %get3A_365 = vector.shape_cast %get3A_364 : vector<1x16xf32> to vector<16xf32>
        %add3A_366 = arith.addf %add3A_352, %get3A_365 : vector<16xf32>
        %add3A_367 = arith.constant 19 : i32
        %add3A_368 = arith.addi %mul3A_98, %add3A_367 : i32
        %get3A_369 = arith.index_cast %add3A_368 : i32 to index
        %get3A_370 = arith.constant 0 : index
        %get3A_371 = tpu.vector_load %arg7[%get3A_369, %get3A_370] {strides = array<i32>} : memref<1000x32xf32, #tpu.memory_space<vmem>>, vector<1x16xf32>,
        %get3A_372 = vector.shape_cast %get3A_371 : vector<1x16xf32> to vector<16xf32>
        %add3A_373 = arith.addf %add3A_359, %get3A_372 : vector<16xf32>
        %add3A_374 = arith.constant 19 : i32
        %add3A_375 = arith.addi %mul3A_98, %add3A_374 : i32
        %get3A_376 = arith.index_cast %add3A_375 : i32 to index
        %get3A_377 = arith.constant 16 : index
        %get3A_378 = tpu.vector_load %arg7[%get3A_376, %get3A_377] {strides = array<i32>} : memref<1000x32xf32, #tpu.memory_space<vmem>>, vector<1x16xf32>,
        %get3A_379 = vector.shape_cast %get3A_378 : vector<1x16xf32> to vector<16xf32>
        %add3A_380 = arith.addf %add3A_366, %get3A_379 : vector<16xf32>
        %swap3A = arith.index_cast %scan3A_96 : i32 to index
        %swap3A_381 = arith.constant 0 : index
        %swap3A_382 = tpu.vector_load %arg9[%swap3A, %swap3A_381] {strides = array<i32>} : memref<50x32xf32, #tpu.memory_space<vmem>>, vector<1x16xf32>,
        %swap3A_383 = vector.shape_cast %swap3A_382 : vector<1x16xf32> to vector<16xf32>
        %swap3A_384 = vector.shape_cast %add3A_373 : vector<16xf32> to vector<1x16xf32>
        tpu.vector_store %arg9[%swap3A, %swap3A_381], %swap3A_384 {strides = array<i32>} : memref<50x32xf32, #tpu.memory_space<vmem>>, vector<1x16xf32>,
        %swap3A_385 = arith.index_cast %scan3A_96 : i32 to index
        %swap3A_386 = arith.constant 16 : index
        %swap3A_387 = tpu.vector_load %arg9[%swap3A_385, %swap3A_386] {strides = array<i32>} : memref<50x32xf32, #tpu.memory_space<vmem>>, vector<1x16xf32>,
        %swap3A_388 = vector.shape_cast %swap3A_387 : vector<1x16xf32> to vector<16xf32>
        %swap3A_389 = vector.shape_cast %add3A_380 : vector<16xf32> to vector<1x16xf32>
        tpu.vector_store %arg9[%swap3A_385, %swap3A_386], %swap3A_389 {strides = array<i32>} : memref<50x32xf32, #tpu.memory_space<vmem>>, vector<1x16xf32>,
      }
      %scan3A_87 = arith.constant 50 : i32
      %dma_start3A_88 = arith.constant 0 : i32
      %dma_start3A_89 = arith.constant 0 : i32
      %dma_start3A_90 = tpu.memref_slice %arg4[%add3A, %add3A_63, %dma_start3A_88, %dma_start3A_89] : memref<32x32x50x32xf32, #tpu.memory_space<hbm>> -> memref<1x1x50x32xf32, #tpu.memory_space<hbm>>
      %dma_start3A_91 = tpu.memref_squeeze %dma_start3A_90 : memref<1x1x50x32xf32, #tpu.memory_space<hbm>> -> memref<50x32xf32, #tpu.memory_space<hbm>>
      %dma_start3A_92 = arith.constant 0 : i32
      %dma_start3A_93 = arith.constant 0 : i32
      %dma_start3A_94 = tpu.memref_slice %arg4[%add3A, %add3A_63, %dma_start3A_92, %dma_start3A_93] : memref<32x32x50x32xf32, #tpu.memory_space<hbm>> -> memref<1x1x50x32xf32, #tpu.memory_space<hbm>>
      %dma_start3A_95 = tpu.memref_squeeze %dma_start3A_94 : memref<1x1x50x32xf32, #tpu.memory_space<hbm>> -> memref<50x32xf32, #tpu.memory_space<hbm>>
      tpu.enqueue_dma source(%arg9 : memref<50x32xf32, #tpu.memory_space<vmem>>) target(%dma_start3A_95 : memref<50x32xf32, #tpu.memory_space<hbm>>) target_semaphore(%arg13 : memref<!tpu.dma_semaphore, #tpu.memory_space<semaphore_mem>>)
    }
    %scan3A_11 = arith.constant 16 : i32
    %dma_wait3A = arith.constant 0 : i32
    %dma_wait3A_12 = arith.constant 0 : i32
    %dma_wait3A_13 = arith.constant 0 : i32
    %dma_wait3A_14 = tpu.memref_slice %arg4[%add3A, %dma_wait3A, %dma_wait3A_12, %dma_wait3A_13] : memref<32x32x50x32xf32, #tpu.memory_space<hbm>> -> memref<1x1x50x32xf32, #tpu.memory_space<hbm>>
    %dma_wait3A_15 = tpu.memref_squeeze %dma_wait3A_14 : memref<1x1x50x32xf32, #tpu.memory_space<hbm>> -> memref<50x32xf32, #tpu.memory_space<hbm>>
    %dma_wait3A_16 = arith.constant 0 : i32
    %dma_wait3A_17 = arith.constant 0 : i32
    %dma_wait3A_18 = tpu.memref_slice %arg4[%add3A, %dma_wait3A, %dma_wait3A_16, %dma_wait3A_17] : memref<32x32x50x32xf32, #tpu.memory_space<hbm>> -> memref<1x1x50x32xf32, #tpu.memory_space<hbm>>
    %dma_wait3A_19 = tpu.memref_squeeze %dma_wait3A_18 : memref<1x1x50x32xf32, #tpu.memory_space<hbm>> -> memref<50x32xf32, #tpu.memory_space<hbm>>
    tpu.wait_dma2 semaphore(%arg12 : memref<!tpu.dma_semaphore, #tpu.memory_space<semaphore_mem>>) src(%arg8 : memref<50x32xf32, #tpu.memory_space<vmem>>) dst(%dma_wait3A_19 : memref<50x32xf32, #tpu.memory_space<hbm>>)
    %dma_wait3A_20 = arith.constant 0 : i32
    %dma_wait3A_21 = arith.constant 0 : i32
    %dma_wait3A_22 = arith.constant 0 : i32
    %dma_wait3A_23 = tpu.memref_slice %arg4[%add3A, %dma_wait3A_20, %dma_wait3A_21, %dma_wait3A_22] : memref<32x32x50x32xf32, #tpu.memory_space<hbm>> -> memref<1x1x50x32xf32, #tpu.memory_space<hbm>>
    %dma_wait3A_24 = tpu.memref_squeeze %dma_wait3A_23 : memref<1x1x50x32xf32, #tpu.memory_space<hbm>> -> memref<50x32xf32, #tpu.memory_space<hbm>>
    %dma_wait3A_25 = arith.constant 0 : i32
    %dma_wait3A_26 = arith.constant 0 : i32
    %dma_wait3A_27 = tpu.memref_slice %arg4[%add3A, %dma_wait3A_20, %dma_wait3A_25, %dma_wait3A_26] : memref<32x32x50x32xf32, #tpu.memory_space<hbm>> -> memref<1x1x50x32xf32, #tpu.memory_space<hbm>>
    %dma_wait3A_28 = tpu.memref_squeeze %dma_wait3A_27 : memref<1x1x50x32xf32, #tpu.memory_space<hbm>> -> memref<50x32xf32, #tpu.memory_space<hbm>>
    tpu.wait_dma2 semaphore(%arg13 : memref<!tpu.dma_semaphore, #tpu.memory_space<semaphore_mem>>) src(%arg9 : memref<50x32xf32, #tpu.memory_space<vmem>>) dst(%dma_wait3A_28 : memref<50x32xf32, #tpu.memory_space<hbm>>)
    return
  }
}

#map = affine_map<(d0, d1) -> (0, 0, 0)>
#map1 = affine_map<(d0, d1) -> (0, 0)>
#map2 = affine_map<(d0, d1) -> (0, 0, 0, 0)>
module attributes {stable_mosaic.version = 14 : i64} {
  func.func @_gather_body(%arg0: i32, %arg1: i32, %arg2: memref<32x32x1000xi32, #tpu.memory_space<hbm>>, %arg3: memref<100000x32xf32, #tpu.memory_space<hbm>>, %arg4: memref<32x32x50x32xf32, #tpu.memory_space<hbm>>, %arg5: memref<32x1000xi32, #tpu.memory_space<vmem>>, %arg6: memref<1000x32xf32, #tpu.memory_space<vmem>>, %arg7: memref<1000x32xf32, #tpu.memory_space<vmem>>, %arg8: memref<50x32xf32, #tpu.memory_space<vmem>>, %arg9: memref<50x32xf32, #tpu.memory_space<vmem>>, %arg10: memref<!tpu.dma_semaphore, #tpu.memory_space<semaphore_mem>>, %arg11: memref<!tpu.dma_semaphore, #tpu.memory_space<semaphore_mem>>, %arg12: memref<!tpu.dma_semaphore, #tpu.memory_space<semaphore_mem>>, %arg13: memref<!tpu.dma_semaphore, #tpu.memory_space<semaphore_mem>>) attributes {dimension_semantics = [#tpu.dimension_semantics<core_parallel>, #tpu.dimension_semantics<subcore_parallel>], iteration_bounds = array<i64: 2, 16>, scalar_prefetch = 0 : i64, scratch_operands = 9 : i64, tpu.core_type = #tpu.core_type<sc_vector_subcore>, window_params = [{transform_indices = #map}, {transform_indices = #map1}, {transform_indices = #map2}]} {
    %mul3A = arith.constant 2 : i32
    %mul3A_0 = arith.muli %arg1, %mul3A : i32
    %add3A = arith.addi %mul3A_0, %arg0 : i32
    "tpu.region"() ({
      %run_scoped3A = tpu.sem_alloc : memref<!tpu.dma_semaphore, #tpu.memory_space<semaphore_mem>>
      %dma_start3A_29 = arith.constant 0 : i32
      %dma_start3A_30 = arith.constant 0 : i32
      %dma_start3A_31 = tpu.memref_slice %arg2[%add3A, %dma_start3A_29, %dma_start3A_30] : memref<32x32x1000xi32, #tpu.memory_space<hbm>> -> memref<1x32x1000xi32, #tpu.memory_space<hbm>>
      %dma_start3A_32 = tpu.memref_squeeze %dma_start3A_31 : memref<1x32x1000xi32, #tpu.memory_space<hbm>> -> memref<32x1000xi32, #tpu.memory_space<hbm>>
      %dma_start3A_33 = arith.constant 0 : i32
      %dma_start3A_34 = arith.constant 0 : i32
      %dma_start3A_35 = tpu.memref_slice %arg2[%add3A, %dma_start3A_33, %dma_start3A_34] : memref<32x32x1000xi32, #tpu.memory_space<hbm>> -> memref<1x32x1000xi32, #tpu.memory_space<hbm>>
      %dma_start3A_36 = tpu.memref_squeeze %dma_start3A_35 : memref<1x32x1000xi32, #tpu.memory_space<hbm>> -> memref<32x1000xi32, #tpu.memory_space<hbm>>
      tpu.enqueue_dma source(%dma_start3A_36 : memref<32x1000xi32, #tpu.memory_space<hbm>>) target(%arg5 : memref<32x1000xi32, #tpu.memory_space<vmem>>) target_semaphore(%run_scoped3A : memref<!tpu.dma_semaphore, #tpu.memory_space<semaphore_mem>>)
      %dma_wait3A_37 = arith.constant 0 : i32
      %dma_wait3A_38 = arith.constant 0 : i32
      %dma_wait3A_39 = tpu.memref_slice %arg2[%add3A, %dma_wait3A_37, %dma_wait3A_38] : memref<32x32x1000xi32, #tpu.memory_space<hbm>> -> memref<1x32x1000xi32, #tpu.memory_space<hbm>>
      %dma_wait3A_40 = tpu.memref_squeeze %dma_wait3A_39 : memref<1x32x1000xi32, #tpu.memory_space<hbm>> -> memref<32x1000xi32, #tpu.memory_space<hbm>>
      %dma_wait3A_41 = arith.constant 0 : i32
      %dma_wait3A_42 = arith.constant 0 : i32
      %dma_wait3A_43 = tpu.memref_slice %arg2[%add3A, %dma_wait3A_41, %dma_wait3A_42] : memref<32x32x1000xi32, #tpu.memory_space<hbm>> -> memref<1x32x1000xi32, #tpu.memory_space<hbm>>
      %dma_wait3A_44 = tpu.memref_squeeze %dma_wait3A_43 : memref<1x32x1000xi32, #tpu.memory_space<hbm>> -> memref<32x1000xi32, #tpu.memory_space<hbm>>
      tpu.wait_dma2 semaphore(%run_scoped3A : memref<!tpu.dma_semaphore, #tpu.memory_space<semaphore_mem>>) src(%dma_wait3A_44 : memref<32x1000xi32, #tpu.memory_space<hbm>>) dst(%arg5 : memref<32x1000xi32, #tpu.memory_space<vmem>>)
      tpu.yield
    }) : () -> ()
    %dma_start3A = arith.constant 0 : i32
    %dma_start3A_1 = arith.constant 0 : i32
    %dma_start3A_2 = tpu.memref_slice %arg5[%dma_start3A, %dma_start3A_1] : memref<32x1000xi32, #tpu.memory_space<vmem>> -> memref<1x1000xi32, #tpu.memory_space<vmem>>
    %dma_start3A_3 = tpu.memref_squeeze %dma_start3A_2 : memref<1x1000xi32, #tpu.memory_space<vmem>> -> memref<1000xi32, #tpu.memory_space<vmem>>
    %dma_start3A_4 = arith.constant 0 : i32
    %dma_start3A_5 = arith.constant 0 : i32
    %dma_start3A_6 = tpu.memref_slice %arg3[%dma_start3A_4, %dma_start3A_5] : memref<100000x32xf32, #tpu.memory_space<hbm>> -> memref<100000x32xf32, #tpu.memory_space<hbm>>
    tpu.enqueue_indirect_dma source(%dma_start3A_6 : memref<100000x32xf32, #tpu.memory_space<hbm>>) target(%arg6 : memref<1000x32xf32, #tpu.memory_space<vmem>>) offsets(%dma_start3A_3 : memref<1000xi32, #tpu.memory_space<vmem>>) semaphore(%arg10 : memref<!tpu.dma_semaphore, #tpu.memory_space<semaphore_mem>>)
    %scan3A = arith.constant 0 : i32
    %scan3A_7 = arith.constant 0 : i32
    %scan3A_8 = arith.constant 16 : i32
    %scan3A_9 = arith.addi %scan3A_7, %scan3A_8 : i32
    %scan3A_10 = arith.constant 1 : i32
    scf.for %scan3A_29 = %scan3A_7 to %scan3A_9 step %scan3A_10  : i32 {
      %mul3A_30 = arith.constant 2 : i32
      %mul3A_31 = arith.muli %mul3A_30, %scan3A_29 : i32
      %dma_wait3A_32 = arith.constant 0 : i32
      %dma_wait3A_33 = tpu.memref_slice %arg5[%mul3A_31, %dma_wait3A_32] : memref<32x1000xi32, #tpu.memory_space<vmem>> -> memref<1x1000xi32, #tpu.memory_space<vmem>>
      %dma_wait3A_34 = tpu.memref_squeeze %dma_wait3A_33 : memref<1x1000xi32, #tpu.memory_space<vmem>> -> memref<1000xi32, #tpu.memory_space<vmem>>
      %dma_wait3A_35 = arith.constant 0 : i32
      %dma_wait3A_36 = arith.constant 0 : i32
      %dma_wait3A_37 = tpu.memref_slice %arg3[%dma_wait3A_35, %dma_wait3A_36] : memref<100000x32xf32, #tpu.memory_space<hbm>> -> memref<100000x32xf32, #tpu.memory_space<hbm>>
      tpu.wait_indirect_dma semaphore(%arg10 : memref<!tpu.dma_semaphore, #tpu.memory_space<semaphore_mem>>) src(%dma_wait3A_37 : memref<100000x32xf32, #tpu.memory_space<hbm>>) dst(%arg6 : memref<1000x32xf32, #tpu.memory_space<vmem>>)
      %add3A_38 = arith.constant 1 : i32
      %add3A_39 = arith.addi %mul3A_31, %add3A_38 : i32
      %lt3A = arith.constant 32 : i32
      %lt3A_40 = arith.cmpi slt, %add3A_39, %lt3A : i32
      %convert_element_type3A = arith.extui %lt3A_40 : i1 to i32
      %cond3A = arith.constant 0 : i32
      %cond3A_41 = arith.cmpi ne, %convert_element_type3A, %cond3A : i32
      scf.if %cond3A_41 {
        %add3A_96 = arith.constant 1 : i32
        %add3A_97 = arith.addi %mul3A_31, %add3A_96 : i32
        %dma_start3A_98 = arith.constant 0 : i32
        %dma_start3A_99 = tpu.memref_slice %arg5[%add3A_97, %dma_start3A_98] : memref<32x1000xi32, #tpu.memory_space<vmem>> -> memref<1x1000xi32, #tpu.memory_space<vmem>>
        %dma_start3A_100 = tpu.memref_squeeze %dma_start3A_99 : memref<1x1000xi32, #tpu.memory_space<vmem>> -> memref<1000xi32, #tpu.memory_space<vmem>>
        %dma_start3A_101 = arith.constant 0 : i32
        %dma_start3A_102 = arith.constant 0 : i32
        %dma_start3A_103 = tpu.memref_slice %arg3[%dma_start3A_101, %dma_start3A_102] : memref<100000x32xf32, #tpu.memory_space<hbm>> -> memref<100000x32xf32, #tpu.memory_space<hbm>>
        tpu.enqueue_indirect_dma source(%dma_start3A_103 : memref<100000x32xf32, #tpu.memory_space<hbm>>) target(%arg7 : memref<1000x32xf32, #tpu.memory_space<vmem>>) offsets(%dma_start3A_100 : memref<1000xi32, #tpu.memory_space<vmem>>) semaphore(%arg11 : memref<!tpu.dma_semaphore, #tpu.memory_space<semaphore_mem>>)
      } else {
      }
      %ge3A = arith.constant 2 : i32
      %ge3A_42 = arith.cmpi sge, %mul3A_31, %ge3A : i32
      %convert_element_type3A_43 = arith.extui %ge3A_42 : i1 to i32
      %cond3A_44 = arith.constant 0 : i32
      %cond3A_45 = arith.cmpi ne, %convert_element_type3A_43, %cond3A_44 : i32
      scf.if %cond3A_45 {
        %dma_wait3A_96 = arith.constant 0 : i32
        %dma_wait3A_97 = arith.constant 0 : i32
        %dma_wait3A_98 = tpu.memref_slice %arg4[%add3A, %mul3A_31, %dma_wait3A_96, %dma_wait3A_97] : memref<32x32x50x32xf32, #tpu.memory_space<hbm>> -> memref<1x1x50x32xf32, #tpu.memory_space<hbm>>
        %dma_wait3A_99 = tpu.memref_squeeze %dma_wait3A_98 : memref<1x1x50x32xf32, #tpu.memory_space<hbm>> -> memref<50x32xf32, #tpu.memory_space<hbm>>
        %dma_wait3A_100 = arith.constant 0 : i32
        %dma_wait3A_101 = arith.constant 0 : i32
        %dma_wait3A_102 = tpu.memref_slice %arg4[%add3A, %mul3A_31, %dma_wait3A_100, %dma_wait3A_101] : memref<32x32x50x32xf32, #tpu.memory_space<hbm>> -> memref<1x1x50x32xf32, #tpu.memory_space<hbm>>
        %dma_wait3A_103 = tpu.memref_squeeze %dma_wait3A_102 : memref<1x1x50x32xf32, #tpu.memory_space<hbm>> -> memref<50x32xf32, #tpu.memory_space<hbm>>
        tpu.wait_dma2 semaphore(%arg12 : memref<!tpu.dma_semaphore, #tpu.memory_space<semaphore_mem>>) src(%arg8 : memref<50x32xf32, #tpu.memory_space<vmem>>) dst(%dma_wait3A_103 : memref<50x32xf32, #tpu.memory_space<hbm>>)
      } else {
      }
      %scan3A_46 = arith.constant 0 : i32
      %scan3A_47 = arith.constant 0 : i32
      %scan3A_48 = arith.constant 50 : i32
      %scan3A_49 = arith.addi %scan3A_47, %scan3A_48 : i32
      %scan3A_50 = arith.constant 1 : i32
      scf.for %scan3A_96 = %scan3A_47 to %scan3A_49 step %scan3A_50  : i32 {
        %mul3A_97 = arith.constant 20 : i32
        %mul3A_98 = arith.muli %scan3A_96, %mul3A_97 : i32
        %broadcast_in_dim3A = arith.constant 0.000000e+00 : f32
        %broadcast_in_dim3A_99 = vector.broadcast %broadcast_in_dim3A : f32 to vector<16xf32>
        %broadcast_in_dim3A_100 = arith.constant 0.000000e+00 : f32
        %broadcast_in_dim3A_101 = vector.broadcast %broadcast_in_dim3A_100 : f32 to vector<16xf32>
        %add3A_102 = arith.constant 0 : i32
        %add3A_103 = arith.addi %mul3A_98, %add3A_102 : i32
        %get3A = arith.index_cast %add3A_103 : i32 to index
        %get3A_104 = arith.constant 0 : index
        %get3A_105 = tpu.vector_load %arg6[%get3A, %get3A_104] {strides = array<i32>} : memref<1000x32xf32, #tpu.memory_space<vmem>>, vector<1x16xf32>,
        %get3A_106 = vector.shape_cast %get3A_105 : vector<1x16xf32> to vector<16xf32>
        %add3A_107 = arith.addf %broadcast_in_dim3A_99, %get3A_106 : vector<16xf32>
        %add3A_108 = arith.constant 0 : i32
        %add3A_109 = arith.addi %mul3A_98, %add3A_108 : i32
        %get3A_110 = arith.index_cast %add3A_109 : i32 to index
        %get3A_111 = arith.constant 16 : index
        %get3A_112 = tpu.vector_load %arg6[%get3A_110, %get3A_111] {strides = array<i32>} : memref<1000x32xf32, #tpu.memory_space<vmem>>, vector<1x16xf32>,
        %get3A_113 = vector.shape_cast %get3A_112 : vector<1x16xf32> to vector<16xf32>
        %add3A_114 = arith.addf %broadcast_in_dim3A_101, %get3A_113 : vector<16xf32>
        %add3A_115 = arith.constant 1 : i32
        %add3A_116 = arith.addi %mul3A_98, %add3A_115 : i32
        %get3A_117 = arith.index_cast %add3A_116 : i32 to index
        %get3A_118 = arith.constant 0 : index
        %get3A_119 = tpu.vector_load %arg6[%get3A_117, %get3A_118] {strides = array<i32>} : memref<1000x32xf32, #tpu.memory_space<vmem>>, vector<1x16xf32>,
        %get3A_120 = vector.shape_cast %get3A_119 : vector<1x16xf32> to vector<16xf32>
        %add3A_121 = arith.addf %add3A_107, %get3A_120 : vector<16xf32>
        %add3A_122 = arith.constant 1 : i32
        %add3A_123 = arith.addi %mul3A_98, %add3A_122 : i32
        %get3A_124 = arith.index_cast %add3A_123 : i32 to index
        %get3A_125 = arith.constant 16 : index
        %get3A_126 = tpu.vector_load %arg6[%get3A_124, %get3A_125] {strides = array<i32>} : memref<1000x32xf32, #tpu.memory_space<vmem>>, vector<1x16xf32>,
        %get3A_127 = vector.shape_cast %get3A_126 : vector<1x16xf32> to vector<16xf32>
        %add3A_128 = arith.addf %add3A_114, %get3A_127 : vector<16xf32>
        %add3A_129 = arith.constant 2 : i32
        %add3A_130 = arith.addi %mul3A_98, %add3A_129 : i32
        %get3A_131 = arith.index_cast %add3A_130 : i32 to index
        %get3A_132 = arith.constant 0 : index
        %get3A_133 = tpu.vector_load %arg6[%get3A_131, %get3A_132] {strides = array<i32>} : memref<1000x32xf32, #tpu.memory_space<vmem>>, vector<1x16xf32>,
        %get3A_134 = vector.shape_cast %get3A_133 : vector<1x16xf32> to vector<16xf32>
        %add3A_135 = arith.addf %add3A_121, %get3A_134 : vector<16xf32>
        %add3A_136 = arith.constant 2 : i32
        %add3A_137 = arith.addi %mul3A_98, %add3A_136 : i32
        %get3A_138 = arith.index_cast %add3A_137 : i32 to index
        %get3A_139 = arith.constant 16 : index
        %get3A_140 = tpu.vector_load %arg6[%get3A_138, %get3A_139] {strides = array<i32>} : memref<1000x32xf32, #tpu.memory_space<vmem>>, vector<1x16xf32>,
        %get3A_141 = vector.shape_cast %get3A_140 : vector<1x16xf32> to vector<16xf32>
        %add3A_142 = arith.addf %add3A_128, %get3A_141 : vector<16xf32>
        %add3A_143 = arith.constant 3 : i32
        %add3A_144 = arith.addi %mul3A_98, %add3A_143 : i32
        %get3A_145 = arith.index_cast %add3A_144 : i32 to index
        %get3A_146 = arith.constant 0 : index
        %get3A_147 = tpu.vector_load %arg6[%get3A_145, %get3A_146] {strides = array<i32>} : memref<1000x32xf32, #tpu.memory_space<vmem>>, vector<1x16xf32>,
        %get3A_148 = vector.shape_cast %get3A_147 : vector<1x16xf32> to vector<16xf32>
        %add3A_149 = arith.addf %add3A_135, %get3A_148 : vector<16xf32>
        %add3A_150 = arith.constant 3 : i32
        %add3A_151 = arith.addi %mul3A_98, %add3A_150 : i32
        %get3A_152 = arith.index_cast %add3A_151 : i32 to index
        %get3A_153 = arith.constant 16 : index
        %get3A_154 = tpu.vector_load %arg6[%get3A_152, %get3A_153] {strides = array<i32>} : memref<1000x32xf32, #tpu.memory_space<vmem>>, vector<1x16xf32>,
        %get3A_155 = vector.shape_cast %get3A_154 : vector<1x16xf32> to vector<16xf32>
        %add3A_156 = arith.addf %add3A_142, %get3A_155 : vector<16xf32>
        %add3A_157 = arith.constant 4 : i32
        %add3A_158 = arith.addi %mul3A_98, %add3A_157 : i32
        %get3A_159 = arith.index_cast %add3A_158 : i32 to index
        %get3A_160 = arith.constant 0 : index
        %get3A_161 = tpu.vector_load %arg6[%get3A_159, %get3A_160] {strides = array<i32>} : memref<1000x32xf32, #tpu.memory_space<vmem>>, vector<1x16xf32>,
        %get3A_162 = vector.shape_cast %get3A_161 : vector<1x16xf32> to vector<16xf32>
        %add3A_163 = arith.addf %add3A_149, %get3A_162 : vector<16xf32>
        %add3A_164 = arith.constant 4 : i32
        %add3A_165 = arith.addi %mul3A_98, %add3A_164 : i32
        %get3A_166 = arith.index_cast %add3A_165 : i32 to index
        %get3A_167 = arith.constant 16 : index
        %get3A_168 = tpu.vector_load %arg6[%get3A_166, %get3A_167] {strides = array<i32>} : memref<1000x32xf32, #tpu.memory_space<vmem>>, vector<1x16xf32>,
        %get3A_169 = vector.shape_cast %get3A_168 : vector<1x16xf32> to vector<16xf32>
        %add3A_170 = arith.addf %add3A_156, %get3A_169 : vector<16xf32>
        %add3A_171 = arith.constant 5 : i32
        %add3A_172 = arith.addi %mul3A_98, %add3A_171 : i32
        %get3A_173 = arith.index_cast %add3A_172 : i32 to index
        %get3A_174 = arith.constant 0 : index
        %get3A_175 = tpu.vector_load %arg6[%get3A_173, %get3A_174] {strides = array<i32>} : memref<1000x32xf32, #tpu.memory_space<vmem>>, vector<1x16xf32>,
        %get3A_176 = vector.shape_cast %get3A_175 : vector<1x16xf32> to vector<16xf32>
        %add3A_177 = arith.addf %add3A_163, %get3A_176 : vector<16xf32>
        %add3A_178 = arith.constant 5 : i32
        %add3A_179 = arith.addi %mul3A_98, %add3A_178 : i32
        %get3A_180 = arith.index_cast %add3A_179 : i32 to index
        %get3A_181 = arith.constant 16 : index
        %get3A_182 = tpu.vector_load %arg6[%get3A_180, %get3A_181] {strides = array<i32>} : memref<1000x32xf32, #tpu.memory_space<vmem>>, vector<1x16xf32>,
        %get3A_183 = vector.shape_cast %get3A_182 : vector<1x16xf32> to vector<16xf32>
        %add3A_184 = arith.addf %add3A_170, %get3A_183 : vector<16xf32>
        %add3A_185 = arith.constant 6 : i32
        %add3A_186 = arith.addi %mul3A_98, %add3A_185 : i32
        %get3A_187 = arith.index_cast %add3A_186 : i32 to index
        %get3A_188 = arith.constant 0 : index
        %get3A_189 = tpu.vector_load %arg6[%get3A_187, %get3A_188] {strides = array<i32>} : memref<1000x32xf32, #tpu.memory_space<vmem>>, vector<1x16xf32>,
        %get3A_190 = vector.shape_cast %get3A_189 : vector<1x16xf32> to vector<16xf32>
        %add3A_191 = arith.addf %add3A_177, %get3A_190 : vector<16xf32>
        %add3A_192 = arith.constant 6 : i32
        %add3A_193 = arith.addi %mul3A_98, %add3A_192 : i32
        %get3A_194 = arith.index_cast %add3A_193 : i32 to index
        %get3A_195 = arith.constant 16 : index
        %get3A_196 = tpu.vector_load %arg6[%get3A_194, %get3A_195] {strides = array<i32>} : memref<1000x32xf32, #tpu.memory_space<vmem>>, vector<1x16xf32>,
        %get3A_197 = vector.shape_cast %get3A_196 : vector<1x16xf32> to vector<16xf32>
        %add3A_198 = arith.addf %add3A_184, %get3A_197 : vector<16xf32>
        %add3A_199 = arith.constant 7 : i32
        %add3A_200 = arith.addi %mul3A_98, %add3A_199 : i32
        %get3A_201 = arith.index_cast %add3A_200 : i32 to index
        %get3A_202 = arith.constant 0 : index
        %get3A_203 = tpu.vector_load %arg6[%get3A_201, %get3A_202] {strides = array<i32>} : memref<1000x32xf32, #tpu.memory_space<vmem>>, vector<1x16xf32>,
        %get3A_204 = vector.shape_cast %get3A_203 : vector<1x16xf32> to vector<16xf32>
        %add3A_205 = arith.addf %add3A_191, %get3A_204 : vector<16xf32>
        %add3A_206 = arith.constant 7 : i32
        %add3A_207 = arith.addi %mul3A_98, %add3A_206 : i32
        %get3A_208 = arith.index_cast %add3A_207 : i32 to index
        %get3A_209 = arith.constant 16 : index
        %get3A_210 = tpu.vector_load %arg6[%get3A_208, %get3A_209] {strides = array<i32>} : memref<1000x32xf32, #tpu.memory_space<vmem>>, vector<1x16xf32>,
        %get3A_211 = vector.shape_cast %get3A_210 : vector<1x16xf32> to vector<16xf32>
        %add3A_212 = arith.addf %add3A_198, %get3A_211 : vector<16xf32>
        %add3A_213 = arith.constant 8 : i32
        %add3A_214 = arith.addi %mul3A_98, %add3A_213 : i32
        %get3A_215 = arith.index_cast %add3A_214 : i32 to index
        %get3A_216 = arith.constant 0 : index
        %get3A_217 = tpu.vector_load %arg6[%get3A_215, %get3A_216] {strides = array<i32>} : memref<1000x32xf32, #tpu.memory_space<vmem>>, vector<1x16xf32>,
        %get3A_218 = vector.shape_cast %get3A_217 : vector<1x16xf32> to vector<16xf32>
        %add3A_219 = arith.addf %add3A_205, %get3A_218 : vector<16xf32>
        %add3A_220 = arith.constant 8 : i32
        %add3A_221 = arith.addi %mul3A_98, %add3A_220 : i32
        %get3A_222 = arith.index_cast %add3A_221 : i32 to index
        %get3A_223 = arith.constant 16 : index
        %get3A_224 = tpu.vector_load %arg6[%get3A_222, %get3A_223] {strides = array<i32>} : memref<1000x32xf32, #tpu.memory_space<vmem>>, vector<1x16xf32>,
        %get3A_225 = vector.shape_cast %get3A_224 : vector<1x16xf32> to vector<16xf32>
        %add3A_226 = arith.addf %add3A_212, %get3A_225 : vector<16xf32>
        %add3A_227 = arith.constant 9 : i32
        %add3A_228 = arith.addi %mul3A_98, %add3A_227 : i32
        %get3A_229 = arith.index_cast %add3A_228 : i32 to index
        %get3A_230 = arith.constant 0 : index
        %get3A_231 = tpu.vector_load %arg6[%get3A_229, %get3A_230] {strides = array<i32>} : memref<1000x32xf32, #tpu.memory_space<vmem>>, vector<1x16xf32>,
        %get3A_232 = vector.shape_cast %get3A_231 : vector<1x16xf32> to vector<16xf32>
        %add3A_233 = arith.addf %add3A_219, %get3A_232 : vector<16xf32>
        %add3A_234 = arith.constant 9 : i32
        %add3A_235 = arith.addi %mul3A_98, %add3A_234 : i32
        %get3A_236 = arith.index_cast %add3A_235 : i32 to index
        %get3A_237 = arith.constant 16 : index
        %get3A_238 = tpu.vector_load %arg6[%get3A_236, %get3A_237] {strides = array<i32>} : memref<1000x32xf32, #tpu.memory_space<vmem>>, vector<1x16xf32>,
        %get3A_239 = vector.shape_cast %get3A_238 : vector<1x16xf32> to vector<16xf32>
        %add3A_240 = arith.addf %add3A_226, %get3A_239 : vector<16xf32>
        %add3A_241 = arith.constant 10 : i32
        %add3A_242 = arith.addi %mul3A_98, %add3A_241 : i32
        %get3A_243 = arith.index_cast %add3A_242 : i32 to index
        %get3A_244 = arith.constant 0 : index
        %get3A_245 = tpu.vector_load %arg6[%get3A_243, %get3A_244] {strides = array<i32>} : memref<1000x32xf32, #tpu.memory_space<vmem>>, vector<1x16xf32>,
        %get3A_246 = vector.shape_cast %get3A_245 : vector<1x16xf32> to vector<16xf32>
        %add3A_247 = arith.addf %add3A_233, %get3A_246 : vector<16xf32>
        %add3A_248 = arith.constant 10 : i32
        %add3A_249 = arith.addi %mul3A_98, %add3A_248 : i32
        %get3A_250 = arith.index_cast %add3A_249 : i32 to index
        %get3A_251 = arith.constant 16 : index
        %get3A_252 = tpu.vector_load %arg6[%get3A_250, %get3A_251] {strides = array<i32>} : memref<1000x32xf32, #tpu.memory_space<vmem>>, vector<1x16xf32>,
        %get3A_253 = vector.shape_cast %get3A_252 : vector<1x16xf32> to vector<16xf32>
        %add3A_254 = arith.addf %add3A_240, %get3A_253 : vector<16xf32>
        %add3A_255 = arith.constant 11 : i32
        %add3A_256 = arith.addi %mul3A_98, %add3A_255 : i32
        %get3A_257 = arith.index_cast %add3A_256 : i32 to index
        %get3A_258 = arith.constant 0 : index
        %get3A_259 = tpu.vector_load %arg6[%get3A_257, %get3A_258] {strides = array<i32>} : memref<1000x32xf32, #tpu.memory_space<vmem>>, vector<1x16xf32>,
        %get3A_260 = vector.shape_cast %get3A_259 : vector<1x16xf32> to vector<16xf32>
        %add3A_261 = arith.addf %add3A_247, %get3A_260 : vector<16xf32>
        %add3A_262 = arith.constant 11 : i32
        %add3A_263 = arith.addi %mul3A_98, %add3A_262 : i32
        %get3A_264 = arith.index_cast %add3A_263 : i32 to index
        %get3A_265 = arith.constant 16 : index
        %get3A_266 = tpu.vector_load %arg6[%get3A_264, %get3A_265] {strides = array<i32>} : memref<1000x32xf32, #tpu.memory_space<vmem>>, vector<1x16xf32>,
        %get3A_267 = vector.shape_cast %get3A_266 : vector<1x16xf32> to vector<16xf32>
        %add3A_268 = arith.addf %add3A_254, %get3A_267 : vector<16xf32>
        %add3A_269 = arith.constant 12 : i32
        %add3A_270 = arith.addi %mul3A_98, %add3A_269 : i32
        %get3A_271 = arith.index_cast %add3A_270 : i32 to index
        %get3A_272 = arith.constant 0 : index
        %get3A_273 = tpu.vector_load %arg6[%get3A_271, %get3A_272] {strides = array<i32>} : memref<1000x32xf32, #tpu.memory_space<vmem>>, vector<1x16xf32>,
        %get3A_274 = vector.shape_cast %get3A_273 : vector<1x16xf32> to vector<16xf32>
        %add3A_275 = arith.addf %add3A_261, %get3A_274 : vector<16xf32>
        %add3A_276 = arith.constant 12 : i32
        %add3A_277 = arith.addi %mul3A_98, %add3A_276 : i32
        %get3A_278 = arith.index_cast %add3A_277 : i32 to index
        %get3A_279 = arith.constant 16 : index
        %get3A_280 = tpu.vector_load %arg6[%get3A_278, %get3A_279] {strides = array<i32>} : memref<1000x32xf32, #tpu.memory_space<vmem>>, vector<1x16xf32>,
        %get3A_281 = vector.shape_cast %get3A_280 : vector<1x16xf32> to vector<16xf32>
        %add3A_282 = arith.addf %add3A_268, %get3A_281 : vector<16xf32>
        %add3A_283 = arith.constant 13 : i32
        %add3A_284 = arith.addi %mul3A_98, %add3A_283 : i32
        %get3A_285 = arith.index_cast %add3A_284 : i32 to index
        %get3A_286 = arith.constant 0 : index
        %get3A_287 = tpu.vector_load %arg6[%get3A_285, %get3A_286] {strides = array<i32>} : memref<1000x32xf32, #tpu.memory_space<vmem>>, vector<1x16xf32>,
        %get3A_288 = vector.shape_cast %get3A_287 : vector<1x16xf32> to vector<16xf32>
        %add3A_289 = arith.addf %add3A_275, %get3A_288 : vector<16xf32>
        %add3A_290 = arith.constant 13 : i32
        %add3A_291 = arith.addi %mul3A_98, %add3A_290 : i32
        %get3A_292 = arith.index_cast %add3A_291 : i32 to index
        %get3A_293 = arith.constant 16 : index
        %get3A_294 = tpu.vector_load %arg6[%get3A_292, %get3A_293] {strides = array<i32>} : memref<1000x32xf32, #tpu.memory_space<vmem>>, vector<1x16xf32>,
        %get3A_295 = vector.shape_cast %get3A_294 : vector<1x16xf32> to vector<16xf32>
        %add3A_296 = arith.addf %add3A_282, %get3A_295 : vector<16xf32>
        %add3A_297 = arith.constant 14 : i32
        %add3A_298 = arith.addi %mul3A_98, %add3A_297 : i32
        %get3A_299 = arith.index_cast %add3A_298 : i32 to index
        %get3A_300 = arith.constant 0 : index
        %get3A_301 = tpu.vector_load %arg6[%get3A_299, %get3A_300] {strides = array<i32>} : memref<1000x32xf32, #tpu.memory_space<vmem>>, vector<1x16xf32>,
        %get3A_302 = vector.shape_cast %get3A_301 : vector<1x16xf32> to vector<16xf32>
        %add3A_303 = arith.addf %add3A_289, %get3A_302 : vector<16xf32>
        %add3A_304 = arith.constant 14 : i32
        %add3A_305 = arith.addi %mul3A_98, %add3A_304 : i32
        %get3A_306 = arith.index_cast %add3A_305 : i32 to index
        %get3A_307 = arith.constant 16 : index
        %get3A_308 = tpu.vector_load %arg6[%get3A_306, %get3A_307] {strides = array<i32>} : memref<1000x32xf32, #tpu.memory_space<vmem>>, vector<1x16xf32>,
        %get3A_309 = vector.shape_cast %get3A_308 : vector<1x16xf32> to vector<16xf32>
        %add3A_310 = arith.addf %add3A_296, %get3A_309 : vector<16xf32>
        %add3A_311 = arith.constant 15 : i32
        %add3A_312 = arith.addi %mul3A_98, %add3A_311 : i32
        %get3A_313 = arith.index_cast %add3A_312 : i32 to index
        %get3A_314 = arith.constant 0 : index
        %get3A_315 = tpu.vector_load %arg6[%get3A_313, %get3A_314] {strides = array<i32>} : memref<1000x32xf32, #tpu.memory_space<vmem>>, vector<1x16xf32>,
        %get3A_316 = vector.shape_cast %get3A_315 : vector<1x16xf32> to vector<16xf32>
        %add3A_317 = arith.addf %add3A_303, %get3A_316 : vector<16xf32>
        %add3A_318 = arith.constant 15 : i32
        %add3A_319 = arith.addi %mul3A_98, %add3A_318 : i32
        %get3A_320 = arith.index_cast %add3A_319 : i32 to index
        %get3A_321 = arith.constant 16 : index
        %get3A_322 = tpu.vector_load %arg6[%get3A_320, %get3A_321] {strides = array<i32>} : memref<1000x32xf32, #tpu.memory_space<vmem>>, vector<1x16xf32>,
        %get3A_323 = vector.shape_cast %get3A_322 : vector<1x16xf32> to vector<16xf32>
        %add3A_324 = arith.addf %add3A_310, %get3A_323 : vector<16xf32>
        %add3A_325 = arith.constant 16 : i32
        %add3A_326 = arith.addi %mul3A_98, %add3A_325 : i32
        %get3A_327 = arith.index_cast %add3A_326 : i32 to index
        %get3A_328 = arith.constant 0 : index
        %get3A_329 = tpu.vector_load %arg6[%get3A_327, %get3A_328] {strides = array<i32>} : memref<1000x32xf32, #tpu.memory_space<vmem>>, vector<1x16xf32>,
        %get3A_330 = vector.shape_cast %get3A_329 : vector<1x16xf32> to vector<16xf32>
        %add3A_331 = arith.addf %add3A_317, %get3A_330 : vector<16xf32>
        %add3A_332 = arith.constant 16 : i32
        %add3A_333 = arith.addi %mul3A_98, %add3A_332 : i32
        %get3A_334 = arith.index_cast %add3A_333 : i32 to index
        %get3A_335 = arith.constant 16 : index
        %get3A_336 = tpu.vector_load %arg6[%get3A_334, %get3A_335] {strides = array<i32>} : memref<1000x32xf32, #tpu.memory_space<vmem>>, vector<1x16xf32>,
        %get3A_337 = vector.shape_cast %get3A_336 : vector<1x16xf32> to vector<16xf32>
        %add3A_338 = arith.addf %add3A_324, %get3A_337 : vector<16xf32>
        %add3A_339 = arith.constant 17 : i32
        %add3A_340 = arith.addi %mul3A_98, %add3A_339 : i32
        %get3A_341 = arith.index_cast %add3A_340 : i32 to index
        %get3A_342 = arith.constant 0 : index
        %get3A_343 = tpu.vector_load %arg6[%get3A_341, %get3A_342] {strides = array<i32>} : memref<1000x32xf32, #tpu.memory_space<vmem>>, vector<1x16xf32>,
        %get3A_344 = vector.shape_cast %get3A_343 : vector<1x16xf32> to vector<16xf32>
        %add3A_345 = arith.addf %add3A_331, %get3A_344 : vector<16xf32>
        %add3A_346 = arith.constant 17 : i32
        %add3A_347 = arith.addi %mul3A_98, %add3A_346 : i32
        %get3A_348 = arith.index_cast %add3A_347 : i32 to index
        %get3A_349 = arith.constant 16 : index
        %get3A_350 = tpu.vector_load %arg6[%get3A_348, %get3A_349] {strides = array<i32>} : memref<1000x32xf32, #tpu.memory_space<vmem>>, vector<1x16xf32>,
        %get3A_351 = vector.shape_cast %get3A_350 : vector<1x16xf32> to vector<16xf32>
        %add3A_352 = arith.addf %add3A_338, %get3A_351 : vector<16xf32>
        %add3A_353 = arith.constant 18 : i32
        %add3A_354 = arith.addi %mul3A_98, %add3A_353 : i32
        %get3A_355 = arith.index_cast %add3A_354 : i32 to index
        %get3A_356 = arith.constant 0 : index
        %get3A_357 = tpu.vector_load %arg6[%get3A_355, %get3A_356] {strides = array<i32>} : memref<1000x32xf32, #tpu.memory_space<vmem>>, vector<1x16xf32>,
        %get3A_358 = vector.shape_cast %get3A_357 : vector<1x16xf32> to vector<16xf32>
        %add3A_359 = arith.addf %add3A_345, %get3A_358 : vector<16xf32>
        %add3A_360 = arith.constant 18 : i32
        %add3A_361 = arith.addi %mul3A_98, %add3A_360 : i32
        %get3A_362 = arith.index_cast %add3A_361 : i32 to index
        %get3A_363 = arith.constant 16 : index
        %get3A_364 = tpu.vector_load %arg6[%get3A_362, %get3A_363] {strides = array<i32>} : memref<1000x32xf32, #tpu.memory_space<vmem>>, vector<1x16xf32>,
        %get3A_365 = vector.shape_cast %get3A_364 : vector<1x16xf32> to vector<16xf32>
        %add3A_366 = arith.addf %add3A_352, %get3A_365 : vector<16xf32>
        %add3A_367 = arith.constant 19 : i32
        %add3A_368 = arith.addi %mul3A_98, %add3A_367 : i32
        %get3A_369 = arith.index_cast %add3A_368 : i32 to index
        %get3A_370 = arith.constant 0 : index
        %get3A_371 = tpu.vector_load %arg6[%get3A_369, %get3A_370] {strides = array<i32>} : memref<1000x32xf32, #tpu.memory_space<vmem>>, vector<1x16xf32>,
        %get3A_372 = vector.shape_cast %get3A_371 : vector<1x16xf32> to vector<16xf32>
        %add3A_373 = arith.addf %add3A_359, %get3A_372 : vector<16xf32>
        %add3A_374 = arith.constant 19 : i32
        %add3A_375 = arith.addi %mul3A_98, %add3A_374 : i32
        %get3A_376 = arith.index_cast %add3A_375 : i32 to index
        %get3A_377 = arith.constant 16 : index
        %get3A_378 = tpu.vector_load %arg6[%get3A_376, %get3A_377] {strides = array<i32>} : memref<1000x32xf32, #tpu.memory_space<vmem>>, vector<1x16xf32>,
        %get3A_379 = vector.shape_cast %get3A_378 : vector<1x16xf32> to vector<16xf32>
        %add3A_380 = arith.addf %add3A_366, %get3A_379 : vector<16xf32>
        %swap3A = arith.index_cast %scan3A_96 : i32 to index
        %swap3A_381 = arith.constant 0 : index
        %swap3A_382 = tpu.vector_load %arg8[%swap3A, %swap3A_381] {strides = array<i32>} : memref<50x32xf32, #tpu.memory_space<vmem>>, vector<1x16xf32>,
        %swap3A_383 = vector.shape_cast %swap3A_382 : vector<1x16xf32> to vector<16xf32>
        %swap3A_384 = vector.shape_cast %add3A_373 : vector<16xf32> to vector<1x16xf32>
        tpu.vector_store %arg8[%swap3A, %swap3A_381], %swap3A_384 {strides = array<i32>} : memref<50x32xf32, #tpu.memory_space<vmem>>, vector<1x16xf32>,
        %swap3A_385 = arith.index_cast %scan3A_96 : i32 to index
        %swap3A_386 = arith.constant 16 : index
        %swap3A_387 = tpu.vector_load %arg8[%swap3A_385, %swap3A_386] {strides = array<i32>} : memref<50x32xf32, #tpu.memory_space<vmem>>, vector<1x16xf32>,
        %swap3A_388 = vector.shape_cast %swap3A_387 : vector<1x16xf32> to vector<16xf32>
        %swap3A_389 = vector.shape_cast %add3A_380 : vector<16xf32> to vector<1x16xf32>
        tpu.vector_store %arg8[%swap3A_385, %swap3A_386], %swap3A_389 {strides = array<i32>} : memref<50x32xf32, #tpu.memory_space<vmem>>, vector<1x16xf32>,
      }
      %scan3A_51 = arith.constant 50 : i32
      %dma_start3A_52 = arith.constant 0 : i32
      %dma_start3A_53 = arith.constant 0 : i32
      %dma_start3A_54 = tpu.memref_slice %arg4[%add3A, %mul3A_31, %dma_start3A_52, %dma_start3A_53] : memref<32x32x50x32xf32, #tpu.memory_space<hbm>> -> memref<1x1x50x32xf32, #tpu.memory_space<hbm>>
      %dma_start3A_55 = tpu.memref_squeeze %dma_start3A_54 : memref<1x1x50x32xf32, #tpu.memory_space<hbm>> -> memref<50x32xf32, #tpu.memory_space<hbm>>
      %dma_start3A_56 = arith.constant 0 : i32
      %dma_start3A_57 = arith.constant 0 : i32
      %dma_start3A_58 = tpu.memref_slice %arg4[%add3A, %mul3A_31, %dma_start3A_56, %dma_start3A_57] : memref<32x32x50x32xf32, #tpu.memory_space<hbm>> -> memref<1x1x50x32xf32, #tpu.memory_space<hbm>>
      %dma_start3A_59 = tpu.memref_squeeze %dma_start3A_58 : memref<1x1x50x32xf32, #tpu.memory_space<hbm>> -> memref<50x32xf32, #tpu.memory_space<hbm>>
      tpu.enqueue_dma source(%arg8 : memref<50x32xf32, #tpu.memory_space<vmem>>) target(%dma_start3A_59 : memref<50x32xf32, #tpu.memory_space<hbm>>) target_semaphore(%arg12 : memref<!tpu.dma_semaphore, #tpu.memory_space<semaphore_mem>>)
      %mul3A_60 = arith.constant 2 : i32
      %mul3A_61 = arith.muli %mul3A_60, %scan3A_29 : i32
      %add3A_62 = arith.constant 1 : i32
      %add3A_63 = arith.addi %mul3A_61, %add3A_62 : i32
      %dma_wait3A_64 = arith.constant 0 : i32
      %dma_wait3A_65 = tpu.memref_slice %arg5[%add3A_63, %dma_wait3A_64] : memref<32x1000xi32, #tpu.memory_space<vmem>> -> memref<1x1000xi32, #tpu.memory_space<vmem>>
      %dma_wait3A_66 = tpu.memref_squeeze %dma_wait3A_65 : memref<1x1000xi32, #tpu.memory_space<vmem>> -> memref<1000xi32, #tpu.memory_space<vmem>>
      %dma_wait3A_67 = arith.constant 0 : i32
      %dma_wait3A_68 = arith.constant 0 : i32
      %dma_wait3A_69 = tpu.memref_slice %arg3[%dma_wait3A_67, %dma_wait3A_68] : memref<100000x32xf32, #tpu.memory_space<hbm>> -> memref<100000x32xf32, #tpu.memory_space<hbm>>
      tpu.wait_indirect_dma semaphore(%arg11 : memref<!tpu.dma_semaphore, #tpu.memory_space<semaphore_mem>>) src(%dma_wait3A_69 : memref<100000x32xf32, #tpu.memory_space<hbm>>) dst(%arg7 : memref<1000x32xf32, #tpu.memory_space<vmem>>)
      %add3A_70 = arith.constant 1 : i32
      %add3A_71 = arith.addi %add3A_63, %add3A_70 : i32
      %lt3A_72 = arith.constant 32 : i32
      %lt3A_73 = arith.cmpi slt, %add3A_71, %lt3A_72 : i32
      %convert_element_type3A_74 = arith.extui %lt3A_73 : i1 to i32
      %cond3A_75 = arith.constant 0 : i32
      %cond3A_76 = arith.cmpi ne, %convert_element_type3A_74, %cond3A_75 : i32
      scf.if %cond3A_76 {
        %add3A_96 = arith.constant 1 : i32
        %add3A_97 = arith.addi %add3A_63, %add3A_96 : i32
        %dma_start3A_98 = arith.constant 0 : i32
        %dma_start3A_99 = tpu.memref_slice %arg5[%add3A_97, %dma_start3A_98] : memref<32x1000xi32, #tpu.memory_space<vmem>> -> memref<1x1000xi32, #tpu.memory_space<vmem>>
        %dma_start3A_100 = tpu.memref_squeeze %dma_start3A_99 : memref<1x1000xi32, #tpu.memory_space<vmem>> -> memref<1000xi32, #tpu.memory_space<vmem>>
        %dma_start3A_101 = arith.constant 0 : i32
        %dma_start3A_102 = arith.constant 0 : i32
        %dma_start3A_103 = tpu.memref_slice %arg3[%dma_start3A_101, %dma_start3A_102] : memref<100000x32xf32, #tpu.memory_space<hbm>> -> memref<100000x32xf32, #tpu.memory_space<hbm>>
        tpu.enqueue_indirect_dma source(%dma_start3A_103 : memref<100000x32xf32, #tpu.memory_space<hbm>>) target(%arg6 : memref<1000x32xf32, #tpu.memory_space<vmem>>) offsets(%dma_start3A_100 : memref<1000xi32, #tpu.memory_space<vmem>>) semaphore(%arg10 : memref<!tpu.dma_semaphore, #tpu.memory_space<semaphore_mem>>)
      } else {
      }
      %ge3A_77 = arith.constant 2 : i32
      %ge3A_78 = arith.cmpi sge, %add3A_63, %ge3A_77 : i32
      %convert_element_type3A_79 = arith.extui %ge3A_78 : i1 to i32
      %cond3A_80 = arith.constant 0 : i32
      %cond3A_81 = arith.cmpi ne, %convert_element_type3A_79, %cond3A_80 : i32
      scf.if %cond3A_81 {
        %dma_wait3A_96 = arith.constant 0 : i32
        %dma_wait3A_97 = arith.constant 0 : i32
        %dma_wait3A_98 = tpu.memref_slice %arg4[%add3A, %add3A_63, %dma_wait3A_96, %dma_wait3A_97] : memref<32x32x50x32xf32, #tpu.memory_space<hbm>> -> memref<1x1x50x32xf32, #tpu.memory_space<hbm>>
        %dma_wait3A_99 = tpu.memref_squeeze %dma_wait3A_98 : memref<1x1x50x32xf32, #tpu.memory_space<hbm>> -> memref<50x32xf32, #tpu.memory_space<hbm>>
        %dma_wait3A_100 = arith.constant 0 : i32
        %dma_wait3A_101 = arith.constant 0 : i32
        %dma_wait3A_102 = tpu.memref_slice %arg4[%add3A, %add3A_63, %dma_wait3A_100, %dma_wait3A_101] : memref<32x32x50x32xf32, #tpu.memory_space<hbm>> -> memref<1x1x50x32xf32, #tpu.memory_space<hbm>>
        %dma_wait3A_103 = tpu.memref_squeeze %dma_wait3A_102 : memref<1x1x50x32xf32, #tpu.memory_space<hbm>> -> memref<50x32xf32, #tpu.memory_space<hbm>>
        tpu.wait_dma2 semaphore(%arg13 : memref<!tpu.dma_semaphore, #tpu.memory_space<semaphore_mem>>) src(%arg9 : memref<50x32xf32, #tpu.memory_space<vmem>>) dst(%dma_wait3A_103 : memref<50x32xf32, #tpu.memory_space<hbm>>)
      } else {
      }
      %scan3A_82 = arith.constant 0 : i32
      %scan3A_83 = arith.constant 0 : i32
      %scan3A_84 = arith.constant 50 : i32
      %scan3A_85 = arith.addi %scan3A_83, %scan3A_84 : i32
      %scan3A_86 = arith.constant 1 : i32
      scf.for %scan3A_96 = %scan3A_83 to %scan3A_85 step %scan3A_86  : i32 {
        %mul3A_97 = arith.constant 20 : i32
        %mul3A_98 = arith.muli %scan3A_96, %mul3A_97 : i32
        %broadcast_in_dim3A = arith.constant 0.000000e+00 : f32
        %broadcast_in_dim3A_99 = vector.broadcast %broadcast_in_dim3A : f32 to vector<16xf32>
        %broadcast_in_dim3A_100 = arith.constant 0.000000e+00 : f32
        %broadcast_in_dim3A_101 = vector.broadcast %broadcast_in_dim3A_100 : f32 to vector<16xf32>
        %add3A_102 = arith.constant 0 : i32
        %add3A_103 = arith.addi %mul3A_98, %add3A_102 : i32
        %get3A = arith.index_cast %add3A_103 : i32 to index
        %get3A_104 = arith.constant 0 : index
        %get3A_105 = tpu.vector_load %arg7[%get3A, %get3A_104] {strides = array<i32>} : memref<1000x32xf32, #tpu.memory_space<vmem>>, vector<1x16xf32>,
        %get3A_106 = vector.shape_cast %get3A_105 : vector<1x16xf32> to vector<16xf32>
        %add3A_107 = arith.addf %broadcast_in_dim3A_99, %get3A_106 : vector<16xf32>
        %add3A_108 = arith.constant 0 : i32
        %add3A_109 = arith.addi %mul3A_98, %add3A_108 : i32
        %get3A_110 = arith.index_cast %add3A_109 : i32 to index
        %get3A_111 = arith.constant 16 : index
        %get3A_112 = tpu.vector_load %arg7[%get3A_110, %get3A_111] {strides = array<i32>} : memref<1000x32xf32, #tpu.memory_space<vmem>>, vector<1x16xf32>,
        %get3A_113 = vector.shape_cast %get3A_112 : vector<1x16xf32> to vector<16xf32>
        %add3A_114 = arith.addf %broadcast_in_dim3A_101, %get3A_113 : vector<16xf32>
        %add3A_115 = arith.constant 1 : i32
        %add3A_116 = arith.addi %mul3A_98, %add3A_115 : i32
        %get3A_117 = arith.index_cast %add3A_116 : i32 to index
        %get3A_118 = arith.constant 0 : index
        %get3A_119 = tpu.vector_load %arg7[%get3A_117, %get3A_118] {strides = array<i32>} : memref<1000x32xf32, #tpu.memory_space<vmem>>, vector<1x16xf32>,
        %get3A_120 = vector.shape_cast %get3A_119 : vector<1x16xf32> to vector<16xf32>
        %add3A_121 = arith.addf %add3A_107, %get3A_120 : vector<16xf32>
        %add3A_122 = arith.constant 1 : i32
        %add3A_123 = arith.addi %mul3A_98, %add3A_122 : i32
        %get3A_124 = arith.index_cast %add3A_123 : i32 to index
        %get3A_125 = arith.constant 16 : index
        %get3A_126 = tpu.vector_load %arg7[%get3A_124, %get3A_125] {strides = array<i32>} : memref<1000x32xf32, #tpu.memory_space<vmem>>, vector<1x16xf32>,
        %get3A_127 = vector.shape_cast %get3A_126 : vector<1x16xf32> to vector<16xf32>
        %add3A_128 = arith.addf %add3A_114, %get3A_127 : vector<16xf32>
        %add3A_129 = arith.constant 2 : i32
        %add3A_130 = arith.addi %mul3A_98, %add3A_129 : i32
        %get3A_131 = arith.index_cast %add3A_130 : i32 to index
        %get3A_132 = arith.constant 0 : index
        %get3A_133 = tpu.vector_load %arg7[%get3A_131, %get3A_132] {strides = array<i32>} : memref<1000x32xf32, #tpu.memory_space<vmem>>, vector<1x16xf32>,
        %get3A_134 = vector.shape_cast %get3A_133 : vector<1x16xf32> to vector<16xf32>
        %add3A_135 = arith.addf %add3A_121, %get3A_134 : vector<16xf32>
        %add3A_136 = arith.constant 2 : i32
        %add3A_137 = arith.addi %mul3A_98, %add3A_136 : i32
        %get3A_138 = arith.index_cast %add3A_137 : i32 to index
        %get3A_139 = arith.constant 16 : index
        %get3A_140 = tpu.vector_load %arg7[%get3A_138, %get3A_139] {strides = array<i32>} : memref<1000x32xf32, #tpu.memory_space<vmem>>, vector<1x16xf32>,
        %get3A_141 = vector.shape_cast %get3A_140 : vector<1x16xf32> to vector<16xf32>
        %add3A_142 = arith.addf %add3A_128, %get3A_141 : vector<16xf32>
        %add3A_143 = arith.constant 3 : i32
        %add3A_144 = arith.addi %mul3A_98, %add3A_143 : i32
        %get3A_145 = arith.index_cast %add3A_144 : i32 to index
        %get3A_146 = arith.constant 0 : index
        %get3A_147 = tpu.vector_load %arg7[%get3A_145, %get3A_146] {strides = array<i32>} : memref<1000x32xf32, #tpu.memory_space<vmem>>, vector<1x16xf32>,
        %get3A_148 = vector.shape_cast %get3A_147 : vector<1x16xf32> to vector<16xf32>
        %add3A_149 = arith.addf %add3A_135, %get3A_148 : vector<16xf32>
        %add3A_150 = arith.constant 3 : i32
        %add3A_151 = arith.addi %mul3A_98, %add3A_150 : i32
        %get3A_152 = arith.index_cast %add3A_151 : i32 to index
        %get3A_153 = arith.constant 16 : index
        %get3A_154 = tpu.vector_load %arg7[%get3A_152, %get3A_153] {strides = array<i32>} : memref<1000x32xf32, #tpu.memory_space<vmem>>, vector<1x16xf32>,
        %get3A_155 = vector.shape_cast %get3A_154 : vector<1x16xf32> to vector<16xf32>
        %add3A_156 = arith.addf %add3A_142, %get3A_155 : vector<16xf32>
        %add3A_157 = arith.constant 4 : i32
        %add3A_158 = arith.addi %mul3A_98, %add3A_157 : i32
        %get3A_159 = arith.index_cast %add3A_158 : i32 to index
        %get3A_160 = arith.constant 0 : index
        %get3A_161 = tpu.vector_load %arg7[%get3A_159, %get3A_160] {strides = array<i32>} : memref<1000x32xf32, #tpu.memory_space<vmem>>, vector<1x16xf32>,
        %get3A_162 = vector.shape_cast %get3A_161 : vector<1x16xf32> to vector<16xf32>
        %add3A_163 = arith.addf %add3A_149, %get3A_162 : vector<16xf32>
        %add3A_164 = arith.constant 4 : i32
        %add3A_165 = arith.addi %mul3A_98, %add3A_164 : i32
        %get3A_166 = arith.index_cast %add3A_165 : i32 to index
        %get3A_167 = arith.constant 16 : index
        %get3A_168 = tpu.vector_load %arg7[%get3A_166, %get3A_167] {strides = array<i32>} : memref<1000x32xf32, #tpu.memory_space<vmem>>, vector<1x16xf32>,
        %get3A_169 = vector.shape_cast %get3A_168 : vector<1x16xf32> to vector<16xf32>
        %add3A_170 = arith.addf %add3A_156, %get3A_169 : vector<16xf32>
        %add3A_171 = arith.constant 5 : i32
        %add3A_172 = arith.addi %mul3A_98, %add3A_171 : i32
        %get3A_173 = arith.index_cast %add3A_172 : i32 to index
        %get3A_174 = arith.constant 0 : index
        %get3A_175 = tpu.vector_load %arg7[%get3A_173, %get3A_174] {strides = array<i32>} : memref<1000x32xf32, #tpu.memory_space<vmem>>, vector<1x16xf32>,
        %get3A_176 = vector.shape_cast %get3A_175 : vector<1x16xf32> to vector<16xf32>
        %add3A_177 = arith.addf %add3A_163, %get3A_176 : vector<16xf32>
        %add3A_178 = arith.constant 5 : i32
        %add3A_179 = arith.addi %mul3A_98, %add3A_178 : i32
        %get3A_180 = arith.index_cast %add3A_179 : i32 to index
        %get3A_181 = arith.constant 16 : index
        %get3A_182 = tpu.vector_load %arg7[%get3A_180, %get3A_181] {strides = array<i32>} : memref<1000x32xf32, #tpu.memory_space<vmem>>, vector<1x16xf32>,
        %get3A_183 = vector.shape_cast %get3A_182 : vector<1x16xf32> to vector<16xf32>
        %add3A_184 = arith.addf %add3A_170, %get3A_183 : vector<16xf32>
        %add3A_185 = arith.constant 6 : i32
        %add3A_186 = arith.addi %mul3A_98, %add3A_185 : i32
        %get3A_187 = arith.index_cast %add3A_186 : i32 to index
        %get3A_188 = arith.constant 0 : index
        %get3A_189 = tpu.vector_load %arg7[%get3A_187, %get3A_188] {strides = array<i32>} : memref<1000x32xf32, #tpu.memory_space<vmem>>, vector<1x16xf32>,
        %get3A_190 = vector.shape_cast %get3A_189 : vector<1x16xf32> to vector<16xf32>
        %add3A_191 = arith.addf %add3A_177, %get3A_190 : vector<16xf32>
        %add3A_192 = arith.constant 6 : i32
        %add3A_193 = arith.addi %mul3A_98, %add3A_192 : i32
        %get3A_194 = arith.index_cast %add3A_193 : i32 to index
        %get3A_195 = arith.constant 16 : index
        %get3A_196 = tpu.vector_load %arg7[%get3A_194, %get3A_195] {strides = array<i32>} : memref<1000x32xf32, #tpu.memory_space<vmem>>, vector<1x16xf32>,
        %get3A_197 = vector.shape_cast %get3A_196 : vector<1x16xf32> to vector<16xf32>
        %add3A_198 = arith.addf %add3A_184, %get3A_197 : vector<16xf32>
        %add3A_199 = arith.constant 7 : i32
        %add3A_200 = arith.addi %mul3A_98, %add3A_199 : i32
        %get3A_201 = arith.index_cast %add3A_200 : i32 to index
        %get3A_202 = arith.constant 0 : index
        %get3A_203 = tpu.vector_load %arg7[%get3A_201, %get3A_202] {strides = array<i32>} : memref<1000x32xf32, #tpu.memory_space<vmem>>, vector<1x16xf32>,
        %get3A_204 = vector.shape_cast %get3A_203 : vector<1x16xf32> to vector<16xf32>
        %add3A_205 = arith.addf %add3A_191, %get3A_204 : vector<16xf32>
        %add3A_206 = arith.constant 7 : i32
        %add3A_207 = arith.addi %mul3A_98, %add3A_206 : i32
        %get3A_208 = arith.index_cast %add3A_207 : i32 to index
        %get3A_209 = arith.constant 16 : index
        %get3A_210 = tpu.vector_load %arg7[%get3A_208, %get3A_209] {strides = array<i32>} : memref<1000x32xf32, #tpu.memory_space<vmem>>, vector<1x16xf32>,
        %get3A_211 = vector.shape_cast %get3A_210 : vector<1x16xf32> to vector<16xf32>
        %add3A_212 = arith.addf %add3A_198, %get3A_211 : vector<16xf32>
        %add3A_213 = arith.constant 8 : i32
        %add3A_214 = arith.addi %mul3A_98, %add3A_213 : i32
        %get3A_215 = arith.index_cast %add3A_214 : i32 to index
        %get3A_216 = arith.constant 0 : index
        %get3A_217 = tpu.vector_load %arg7[%get3A_215, %get3A_216] {strides = array<i32>} : memref<1000x32xf32, #tpu.memory_space<vmem>>, vector<1x16xf32>,
        %get3A_218 = vector.shape_cast %get3A_217 : vector<1x16xf32> to vector<16xf32>
        %add3A_219 = arith.addf %add3A_205, %get3A_218 : vector<16xf32>
        %add3A_220 = arith.constant 8 : i32
        %add3A_221 = arith.addi %mul3A_98, %add3A_220 : i32
        %get3A_222 = arith.index_cast %add3A_221 : i32 to index
        %get3A_223 = arith.constant 16 : index
        %get3A_224 = tpu.vector_load %arg7[%get3A_222, %get3A_223] {strides = array<i32>} : memref<1000x32xf32, #tpu.memory_space<vmem>>, vector<1x16xf32>,
        %get3A_225 = vector.shape_cast %get3A_224 : vector<1x16xf32> to vector<16xf32>
        %add3A_226 = arith.addf %add3A_212, %get3A_225 : vector<16xf32>
        %add3A_227 = arith.constant 9 : i32
        %add3A_228 = arith.addi %mul3A_98, %add3A_227 : i32
        %get3A_229 = arith.index_cast %add3A_228 : i32 to index
        %get3A_230 = arith.constant 0 : index
        %get3A_231 = tpu.vector_load %arg7[%get3A_229, %get3A_230] {strides = array<i32>} : memref<1000x32xf32, #tpu.memory_space<vmem>>, vector<1x16xf32>,
        %get3A_232 = vector.shape_cast %get3A_231 : vector<1x16xf32> to vector<16xf32>
        %add3A_233 = arith.addf %add3A_219, %get3A_232 : vector<16xf32>
        %add3A_234 = arith.constant 9 : i32
        %add3A_235 = arith.addi %mul3A_98, %add3A_234 : i32
        %get3A_236 = arith.index_cast %add3A_235 : i32 to index
        %get3A_237 = arith.constant 16 : index
        %get3A_238 = tpu.vector_load %arg7[%get3A_236, %get3A_237] {strides = array<i32>} : memref<1000x32xf32, #tpu.memory_space<vmem>>, vector<1x16xf32>,
        %get3A_239 = vector.shape_cast %get3A_238 : vector<1x16xf32> to vector<16xf32>
        %add3A_240 = arith.addf %add3A_226, %get3A_239 : vector<16xf32>
        %add3A_241 = arith.constant 10 : i32
        %add3A_242 = arith.addi %mul3A_98, %add3A_241 : i32
        %get3A_243 = arith.index_cast %add3A_242 : i32 to index
        %get3A_244 = arith.constant 0 : index
        %get3A_245 = tpu.vector_load %arg7[%get3A_243, %get3A_244] {strides = array<i32>} : memref<1000x32xf32, #tpu.memory_space<vmem>>, vector<1x16xf32>,
        %get3A_246 = vector.shape_cast %get3A_245 : vector<1x16xf32> to vector<16xf32>
        %add3A_247 = arith.addf %add3A_233, %get3A_246 : vector<16xf32>
        %add3A_248 = arith.constant 10 : i32
        %add3A_249 = arith.addi %mul3A_98, %add3A_248 : i32
        %get3A_250 = arith.index_cast %add3A_249 : i32 to index
        %get3A_251 = arith.constant 16 : index
        %get3A_252 = tpu.vector_load %arg7[%get3A_250, %get3A_251] {strides = array<i32>} : memref<1000x32xf32, #tpu.memory_space<vmem>>, vector<1x16xf32>,
        %get3A_253 = vector.shape_cast %get3A_252 : vector<1x16xf32> to vector<16xf32>
        %add3A_254 = arith.addf %add3A_240, %get3A_253 : vector<16xf32>
        %add3A_255 = arith.constant 11 : i32
        %add3A_256 = arith.addi %mul3A_98, %add3A_255 : i32
        %get3A_257 = arith.index_cast %add3A_256 : i32 to index
        %get3A_258 = arith.constant 0 : index
        %get3A_259 = tpu.vector_load %arg7[%get3A_257, %get3A_258] {strides = array<i32>} : memref<1000x32xf32, #tpu.memory_space<vmem>>, vector<1x16xf32>,
        %get3A_260 = vector.shape_cast %get3A_259 : vector<1x16xf32> to vector<16xf32>
        %add3A_261 = arith.addf %add3A_247, %get3A_260 : vector<16xf32>
        %add3A_262 = arith.constant 11 : i32
        %add3A_263 = arith.addi %mul3A_98, %add3A_262 : i32
        %get3A_264 = arith.index_cast %add3A_263 : i32 to index
        %get3A_265 = arith.constant 16 : index
        %get3A_266 = tpu.vector_load %arg7[%get3A_264, %get3A_265] {strides = array<i32>} : memref<1000x32xf32, #tpu.memory_space<vmem>>, vector<1x16xf32>,
        %get3A_267 = vector.shape_cast %get3A_266 : vector<1x16xf32> to vector<16xf32>
        %add3A_268 = arith.addf %add3A_254, %get3A_267 : vector<16xf32>
        %add3A_269 = arith.constant 12 : i32
        %add3A_270 = arith.addi %mul3A_98, %add3A_269 : i32
        %get3A_271 = arith.index_cast %add3A_270 : i32 to index
        %get3A_272 = arith.constant 0 : index
        %get3A_273 = tpu.vector_load %arg7[%get3A_271, %get3A_272] {strides = array<i32>} : memref<1000x32xf32, #tpu.memory_space<vmem>>, vector<1x16xf32>,
        %get3A_274 = vector.shape_cast %get3A_273 : vector<1x16xf32> to vector<16xf32>
        %add3A_275 = arith.addf %add3A_261, %get3A_274 : vector<16xf32>
        %add3A_276 = arith.constant 12 : i32
        %add3A_277 = arith.addi %mul3A_98, %add3A_276 : i32
        %get3A_278 = arith.index_cast %add3A_277 : i32 to index
        %get3A_279 = arith.constant 16 : index
        %get3A_280 = tpu.vector_load %arg7[%get3A_278, %get3A_279] {strides = array<i32>} : memref<1000x32xf32, #tpu.memory_space<vmem>>, vector<1x16xf32>,
        %get3A_281 = vector.shape_cast %get3A_280 : vector<1x16xf32> to vector<16xf32>
        %add3A_282 = arith.addf %add3A_268, %get3A_281 : vector<16xf32>
        %add3A_283 = arith.constant 13 : i32
        %add3A_284 = arith.addi %mul3A_98, %add3A_283 : i32
        %get3A_285 = arith.index_cast %add3A_284 : i32 to index
        %get3A_286 = arith.constant 0 : index
        %get3A_287 = tpu.vector_load %arg7[%get3A_285, %get3A_286] {strides = array<i32>} : memref<1000x32xf32, #tpu.memory_space<vmem>>, vector<1x16xf32>,
        %get3A_288 = vector.shape_cast %get3A_287 : vector<1x16xf32> to vector<16xf32>
        %add3A_289 = arith.addf %add3A_275, %get3A_288 : vector<16xf32>
        %add3A_290 = arith.constant 13 : i32
        %add3A_291 = arith.addi %mul3A_98, %add3A_290 : i32
        %get3A_292 = arith.index_cast %add3A_291 : i32 to index
        %get3A_293 = arith.constant 16 : index
        %get3A_294 = tpu.vector_load %arg7[%get3A_292, %get3A_293] {strides = array<i32>} : memref<1000x32xf32, #tpu.memory_space<vmem>>, vector<1x16xf32>,
        %get3A_295 = vector.shape_cast %get3A_294 : vector<1x16xf32> to vector<16xf32>
        %add3A_296 = arith.addf %add3A_282, %get3A_295 : vector<16xf32>
        %add3A_297 = arith.constant 14 : i32
        %add3A_298 = arith.addi %mul3A_98, %add3A_297 : i32
        %get3A_299 = arith.index_cast %add3A_298 : i32 to index
        %get3A_300 = arith.constant 0 : index
        %get3A_301 = tpu.vector_load %arg7[%get3A_299, %get3A_300] {strides = array<i32>} : memref<1000x32xf32, #tpu.memory_space<vmem>>, vector<1x16xf32>,
        %get3A_302 = vector.shape_cast %get3A_301 : vector<1x16xf32> to vector<16xf32>
        %add3A_303 = arith.addf %add3A_289, %get3A_302 : vector<16xf32>
        %add3A_304 = arith.constant 14 : i32
        %add3A_305 = arith.addi %mul3A_98, %add3A_304 : i32
        %get3A_306 = arith.index_cast %add3A_305 : i32 to index
        %get3A_307 = arith.constant 16 : index
        %get3A_308 = tpu.vector_load %arg7[%get3A_306, %get3A_307] {strides = array<i32>} : memref<1000x32xf32, #tpu.memory_space<vmem>>, vector<1x16xf32>,
        %get3A_309 = vector.shape_cast %get3A_308 : vector<1x16xf32> to vector<16xf32>
        %add3A_310 = arith.addf %add3A_296, %get3A_309 : vector<16xf32>
        %add3A_311 = arith.constant 15 : i32
        %add3A_312 = arith.addi %mul3A_98, %add3A_311 : i32
        %get3A_313 = arith.index_cast %add3A_312 : i32 to index
        %get3A_314 = arith.constant 0 : index
        %get3A_315 = tpu.vector_load %arg7[%get3A_313, %get3A_314] {strides = array<i32>} : memref<1000x32xf32, #tpu.memory_space<vmem>>, vector<1x16xf32>,
        %get3A_316 = vector.shape_cast %get3A_315 : vector<1x16xf32> to vector<16xf32>
        %add3A_317 = arith.addf %add3A_303, %get3A_316 : vector<16xf32>
        %add3A_318 = arith.constant 15 : i32
        %add3A_319 = arith.addi %mul3A_98, %add3A_318 : i32
        %get3A_320 = arith.index_cast %add3A_319 : i32 to index
        %get3A_321 = arith.constant 16 : index
        %get3A_322 = tpu.vector_load %arg7[%get3A_320, %get3A_321] {strides = array<i32>} : memref<1000x32xf32, #tpu.memory_space<vmem>>, vector<1x16xf32>,
        %get3A_323 = vector.shape_cast %get3A_322 : vector<1x16xf32> to vector<16xf32>
        %add3A_324 = arith.addf %add3A_310, %get3A_323 : vector<16xf32>
        %add3A_325 = arith.constant 16 : i32
        %add3A_326 = arith.addi %mul3A_98, %add3A_325 : i32
        %get3A_327 = arith.index_cast %add3A_326 : i32 to index
        %get3A_328 = arith.constant 0 : index
        %get3A_329 = tpu.vector_load %arg7[%get3A_327, %get3A_328] {strides = array<i32>} : memref<1000x32xf32, #tpu.memory_space<vmem>>, vector<1x16xf32>,
        %get3A_330 = vector.shape_cast %get3A_329 : vector<1x16xf32> to vector<16xf32>
        %add3A_331 = arith.addf %add3A_317, %get3A_330 : vector<16xf32>
        %add3A_332 = arith.constant 16 : i32
        %add3A_333 = arith.addi %mul3A_98, %add3A_332 : i32
        %get3A_334 = arith.index_cast %add3A_333 : i32 to index
        %get3A_335 = arith.constant 16 : index
        %get3A_336 = tpu.vector_load %arg7[%get3A_334, %get3A_335] {strides = array<i32>} : memref<1000x32xf32, #tpu.memory_space<vmem>>, vector<1x16xf32>,
        %get3A_337 = vector.shape_cast %get3A_336 : vector<1x16xf32> to vector<16xf32>
        %add3A_338 = arith.addf %add3A_324, %get3A_337 : vector<16xf32>
        %add3A_339 = arith.constant 17 : i32
        %add3A_340 = arith.addi %mul3A_98, %add3A_339 : i32
        %get3A_341 = arith.index_cast %add3A_340 : i32 to index
        %get3A_342 = arith.constant 0 : index
        %get3A_343 = tpu.vector_load %arg7[%get3A_341, %get3A_342] {strides = array<i32>} : memref<1000x32xf32, #tpu.memory_space<vmem>>, vector<1x16xf32>,
        %get3A_344 = vector.shape_cast %get3A_343 : vector<1x16xf32> to vector<16xf32>
        %add3A_345 = arith.addf %add3A_331, %get3A_344 : vector<16xf32>
        %add3A_346 = arith.constant 17 : i32
        %add3A_347 = arith.addi %mul3A_98, %add3A_346 : i32
        %get3A_348 = arith.index_cast %add3A_347 : i32 to index
        %get3A_349 = arith.constant 16 : index
        %get3A_350 = tpu.vector_load %arg7[%get3A_348, %get3A_349] {strides = array<i32>} : memref<1000x32xf32, #tpu.memory_space<vmem>>, vector<1x16xf32>,
        %get3A_351 = vector.shape_cast %get3A_350 : vector<1x16xf32> to vector<16xf32>
        %add3A_352 = arith.addf %add3A_338, %get3A_351 : vector<16xf32>
        %add3A_353 = arith.constant 18 : i32
        %add3A_354 = arith.addi %mul3A_98, %add3A_353 : i32
        %get3A_355 = arith.index_cast %add3A_354 : i32 to index
        %get3A_356 = arith.constant 0 : index
        %get3A_357 = tpu.vector_load %arg7[%get3A_355, %get3A_356] {strides = array<i32>} : memref<1000x32xf32, #tpu.memory_space<vmem>>, vector<1x16xf32>,
        %get3A_358 = vector.shape_cast %get3A_357 : vector<1x16xf32> to vector<16xf32>
        %add3A_359 = arith.addf %add3A_345, %get3A_358 : vector<16xf32>
        %add3A_360 = arith.constant 18 : i32
        %add3A_361 = arith.addi %mul3A_98, %add3A_360 : i32
        %get3A_362 = arith.index_cast %add3A_361 : i32 to index
        %get3A_363 = arith.constant 16 : index
        %get3A_364 = tpu.vector_load %arg7[%get3A_362, %get3A_363] {strides = array<i32>} : memref<1000x32xf32, #tpu.memory_space<vmem>>, vector<1x16xf32>,
        %get3A_365 = vector.shape_cast %get3A_364 : vector<1x16xf32> to vector<16xf32>
        %add3A_366 = arith.addf %add3A_352, %get3A_365 : vector<16xf32>
        %add3A_367 = arith.constant 19 : i32
        %add3A_368 = arith.addi %mul3A_98, %add3A_367 : i32
        %get3A_369 = arith.index_cast %add3A_368 : i32 to index
        %get3A_370 = arith.constant 0 : index
        %get3A_371 = tpu.vector_load %arg7[%get3A_369, %get3A_370] {strides = array<i32>} : memref<1000x32xf32, #tpu.memory_space<vmem>>, vector<1x16xf32>,
        %get3A_372 = vector.shape_cast %get3A_371 : vector<1x16xf32> to vector<16xf32>
        %add3A_373 = arith.addf %add3A_359, %get3A_372 : vector<16xf32>
        %add3A_374 = arith.constant 19 : i32
        %add3A_375 = arith.addi %mul3A_98, %add3A_374 : i32
        %get3A_376 = arith.index_cast %add3A_375 : i32 to index
        %get3A_377 = arith.constant 16 : index
        %get3A_378 = tpu.vector_load %arg7[%get3A_376, %get3A_377] {strides = array<i32>} : memref<1000x32xf32, #tpu.memory_space<vmem>>, vector<1x16xf32>,
        %get3A_379 = vector.shape_cast %get3A_378 : vector<1x16xf32> to vector<16xf32>
        %add3A_380 = arith.addf %add3A_366, %get3A_379 : vector<16xf32>
        %swap3A = arith.index_cast %scan3A_96 : i32 to index
        %swap3A_381 = arith.constant 0 : index
        %swap3A_382 = tpu.vector_load %arg9[%swap3A, %swap3A_381] {strides = array<i32>} : memref<50x32xf32, #tpu.memory_space<vmem>>, vector<1x16xf32>,
        %swap3A_383 = vector.shape_cast %swap3A_382 : vector<1x16xf32> to vector<16xf32>
        %swap3A_384 = vector.shape_cast %add3A_373 : vector<16xf32> to vector<1x16xf32>
        tpu.vector_store %arg9[%swap3A, %swap3A_381], %swap3A_384 {strides = array<i32>} : memref<50x32xf32, #tpu.memory_space<vmem>>, vector<1x16xf32>,
        %swap3A_385 = arith.index_cast %scan3A_96 : i32 to index
        %swap3A_386 = arith.constant 16 : index
        %swap3A_387 = tpu.vector_load %arg9[%swap3A_385, %swap3A_386] {strides = array<i32>} : memref<50x32xf32, #tpu.memory_space<vmem>>, vector<1x16xf32>,
        %swap3A_388 = vector.shape_cast %swap3A_387 : vector<1x16xf32> to vector<16xf32>
        %swap3A_389 = vector.shape_cast %add3A_380 : vector<16xf32> to vector<1x16xf32>
        tpu.vector_store %arg9[%swap3A_385, %swap3A_386], %swap3A_389 {strides = array<i32>} : memref<50x32xf32, #tpu.memory_space<vmem>>, vector<1x16xf32>,
      }
      %scan3A_87 = arith.constant 50 : i32
      %dma_start3A_88 = arith.constant 0 : i32
      %dma_start3A_89 = arith.constant 0 : i32
      %dma_start3A_90 = tpu.memref_slice %arg4[%add3A, %add3A_63, %dma_start3A_88, %dma_start3A_89] : memref<32x32x50x32xf32, #tpu.memory_space<hbm>> -> memref<1x1x50x32xf32, #tpu.memory_space<hbm>>
      %dma_start3A_91 = tpu.memref_squeeze %dma_start3A_90 : memref<1x1x50x32xf32, #tpu.memory_space<hbm>> -> memref<50x32xf32, #tpu.memory_space<hbm>>
      %dma_start3A_92 = arith.constant 0 : i32
      %dma_start3A_93 = arith.constant 0 : i32
      %dma_start3A_94 = tpu.memref_slice %arg4[%add3A, %add3A_63, %dma_start3A_92, %dma_start3A_93] : memref<32x32x50x32xf32, #tpu.memory_space<hbm>> -> memref<1x1x50x32xf32, #tpu.memory_space<hbm>>
      %dma_start3A_95 = tpu.memref_squeeze %dma_start3A_94 : memref<1x1x50x32xf32, #tpu.memory_space<hbm>> -> memref<50x32xf32, #tpu.memory_space<hbm>>
      tpu.enqueue_dma source(%arg9 : memref<50x32xf32, #tpu.memory_space<vmem>>) target(%dma_start3A_95 : memref<50x32xf32, #tpu.memory_space<hbm>>) target_semaphore(%arg13 : memref<!tpu.dma_semaphore, #tpu.memory_space<semaphore_mem>>)
    }
    %scan3A_11 = arith.constant 16 : i32
    %dma_wait3A = arith.constant 0 : i32
    %dma_wait3A_12 = arith.constant 0 : i32
    %dma_wait3A_13 = arith.constant 0 : i32
    %dma_wait3A_14 = tpu.memref_slice %arg4[%add3A, %dma_wait3A, %dma_wait3A_12, %dma_wait3A_13] : memref<32x32x50x32xf32, #tpu.memory_space<hbm>> -> memref<1x1x50x32xf32, #tpu.memory_space<hbm>>
    %dma_wait3A_15 = tpu.memref_squeeze %dma_wait3A_14 : memref<1x1x50x32xf32, #tpu.memory_space<hbm>> -> memref<50x32xf32, #tpu.memory_space<hbm>>
    %dma_wait3A_16 = arith.constant 0 : i32
    %dma_wait3A_17 = arith.constant 0 : i32
    %dma_wait3A_18 = tpu.memref_slice %arg4[%add3A, %dma_wait3A, %dma_wait3A_16, %dma_wait3A_17] : memref<32x32x50x32xf32, #tpu.memory_space<hbm>> -> memref<1x1x50x32xf32, #tpu.memory_space<hbm>>
    %dma_wait3A_19 = tpu.memref_squeeze %dma_wait3A_18 : memref<1x1x50x32xf32, #tpu.memory_space<hbm>> -> memref<50x32xf32, #tpu.memory_space<hbm>>
    tpu.wait_dma2 semaphore(%arg12 : memref<!tpu.dma_semaphore, #tpu.memory_space<semaphore_mem>>) src(%arg8 : memref<50x32xf32, #tpu.memory_space<vmem>>) dst(%dma_wait3A_19 : memref<50x32xf32, #tpu.memory_space<hbm>>)
    %dma_wait3A_20 = arith.constant 0 : i32
    %dma_wait3A_21 = arith.constant 0 : i32
    %dma_wait3A_22 = arith.constant 0 : i32
    %dma_wait3A_23 = tpu.memref_slice %arg4[%add3A, %dma_wait3A_20, %dma_wait3A_21, %dma_wait3A_22] : memref<32x32x50x32xf32, #tpu.memory_space<hbm>> -> memref<1x1x50x32xf32, #tpu.memory_space<hbm>>
    %dma_wait3A_24 = tpu.memref_squeeze %dma_wait3A_23 : memref<1x1x50x32xf32, #tpu.memory_space<hbm>> -> memref<50x32xf32, #tpu.memory_space<hbm>>
    %dma_wait3A_25 = arith.constant 0 : i32
    %dma_wait3A_26 = arith.constant 0 : i32
    %dma_wait3A_27 = tpu.memref_slice %arg4[%add3A, %dma_wait3A_20, %dma_wait3A_25, %dma_wait3A_26] : memref<32x32x50x32xf32, #tpu.memory_space<hbm>> -> memref<1x1x50x32xf32, #tpu.memory_space<hbm>>
    %dma_wait3A_28 = tpu.memref_squeeze %dma_wait3A_27 : memref<1x1x50x32xf32, #tpu.memory_space<hbm>> -> memref<50x32xf32, #tpu.memory_space<hbm>>
    tpu.wait_dma2 semaphore(%arg13 : memref<!tpu.dma_semaphore, #tpu.memory_space<semaphore_mem>>) src(%arg9 : memref<50x32xf32, #tpu.memory_space<vmem>>) dst(%dma_wait3A_28 : memref<50x32xf32, #tpu.memory_space<hbm>>)
    return
  }
}

</mosaic_0001>

<sc_bundles>
// kernel: kernel.11.cloned.1.call-start
scs
__scs_entry_jumppad:
0x0: {  	(pc) =	sbr.rel $0x88, $3  }
0x1: {  	(tag) =	ssettag $0x0;
	lr =	simm.s32 $0x1  }
0x2: {  	[smem:$0x3F9E] =	sst lr;
	_ =	strace $0xD0000000  }
0x3: {  	_ = 	snop  }
0x4: {  	_ = 	snop  }
0x5: {  	_ = 	snop  }
0x6: {  	_ = 	snop  }
0x7: {  	_ = 	snop  }
__scs_overlays_trampoline_lowered:
0x8: {  	[smem:$0x3FAD] =	sst s0  }
0x9: {  	[smem:$0x3FAE] =	sst s1  }
0xa: {  	[smem:$0x3FAF] =	sst s2  }
0xb: {  	[smem:$0x3FB0] =	sst s3  }
0xc: {  	[smem:$0x3FB1] =	sst s4  }
0xd: {  	[smem:$0x3FB2] =	sst s5  }
0xe: {  	[smem:$0x3FB3] =	sst s6  }
0xf: {  	[smem:$0x3FB4] =	sst s7  }
0x10: {  	[smem:$0x3FB5] =	sst s8  }
0x11: {  	[smem:$0x3FB6] =	sst s9;
	s0 =	simm.s32 @!p0 $0x0  }
0x12: {  	s1 =	sld [smem:$0x3F9C];
	s0 =	simm.s32 @p0 $0x1  }
0x13: {  	[smem:$0x3FB7] =	sst s0;
	s0 =	simm.s32 @!p1 $0x0  }
0x14: {  	s2 =	sld [smem:$0x3F9B];
	s0 =	simm.s32 @p1 $0x1  }
0x15: {  	[smem:$0x3FB8] =	sst s0;
	s0 =	simm.s32 @!p2 $0x0  }
0x16: {  	s3 =	sld [smem:$0x3FDB];
	s0 =	simm.s32 @p2 $0x1  }
0x17: {  	s4 =	simm.s32 $0x1BF5;
	[smem:$0x3FBA] =	sst s0  }
0x18: {  	s0 =	sld [smem:$0x3F9D];
	_ =	swait.ge [sflag:s4], $0x0  }
0x19: {  	s7 =	sld [smem:$0x3F9E]  }
0x1a: {  	s8 =	sadd.s32 $0xFFFFE003, lr  }
0x1b: {  	s9 =	sadd.s32 $0xFFFFFEF7, lr;
	s5 =	simm.s32 $0xFFFFFFFF;
	p2 =	slt.u32 s8, $0xFFFFF086  }
0x1c: {  	p1 =	slt.u32 s9, $0xF7A;
	s5 =	simm.s32 @!p2 $0x0  }
0x1d: {  	s5 =	simm.s32 @p1 $0x1;
	p0 =	seq.s32 s7, s2  }
0x1e: {  	s7 =	smul.u32 @!p0 $0xF7A, s2;
	p2 =	seq.s32 @!p0 s5, $0x0  }
0x1f: {  	s9 =	smul.u32 $0xF7A, s1;
	s8 =	simm.s32 @!p0 $0x1BF5;
	p2 =	por !p2, p0  }
0x20: {  	[sflag:s8] =	ssyncset.s32 @!p0 $0xFFFFF086;
	s6 =	sadd.s32 @!p0 s3, s7;
	s7 =	simm.s32 @!p0 $0x108  }
0x21: {  	s3 =	sadd.s32 s3, s9;
	s6 =	sadd.s32 @!p0 $0x88, s6;
	s7 =	simm.s32 @p2 $0x1082  }
0x22: {  	[simem:s7], [sflag:s8] =	dma.local @!p0 [hbm:s6], $0xF7A  }
0x23: {  	s9 =	sor.u32 $0xD0000000, s2;
	s6 =	simm.s32 $0x108;
	_ =	swait.ge @!p0 [sflag:s8], $0x0  }
0x24: {  	s3 =	sadd.s32 $0x88, s3;
	s6 =	simm.s32 @!p1 $0x1082;
	[sflag:s4] =	ssyncset.s32 $0xFFFFF086  }
0x25: {  	[simem:s6], [sflag:s4] =	dma.local [hbm:s3], $0xF7A  }
0x26: {  	[smem:$0x3F9E] =	sst s1;
	(tag) =	ssettag s2;
	_ =	strace s9  }
0x27: {  	s1 =	sld [smem:$0x3FAE]  }
0x28: {  	s2 =	sld [smem:$0x3FAF]  }
0x29: {  	s4 =	sld [smem:$0x3FB1]  }
0x2a: {  	p0 =	seq.s32 s5, $0x0;
	s5 =	sld [smem:$0x3FB2]  }
0x2b: {  	s6 =	sld [smem:$0x3FB3]  }
0x2c: {  	s7 =	sld [smem:$0x3FB4]  }
0x2d: {  	s3 =	simm.s32 $0x108;
	s8 =	sld [smem:$0x3FB5]  }
0x2e: {  	s3 =	simm.s32 @!p0 $0x1082;
	s9 =	sld [smem:$0x3FB6]  }
0x2f: {  	lr =	sadd.s32 s0, s3;
	s0 =	sld [smem:$0x3FAD]  }
0x30: {  	s3 =	sld [smem:$0x3FB0]  }
0x31: {  	[smem:$0x3FB9] =	sst s10  }
0x32: {  	s10 =	sld [smem:$0x3FB7];
	_ =	sdelay $0x3  }
0x33: {  	p0 =	seq.s32 s10, $0x1;
	s10 =	sld [smem:$0x3FB9];
	_ =	sdelay $0x3  }
0x34: {  	[smem:$0x3FB9] =	sst s10  }
0x35: {  	s10 =	sld [smem:$0x3FB8];
	_ =	sdelay $0x3  }
0x36: {  	p1 =	seq.s32 s10, $0x1;
	s10 =	sld [smem:$0x3FB9];
	_ =	sdelay $0x3  }
0x37: {  	[smem:$0x3FB9] =	sst s10  }
0x38: {  	s10 =	sld [smem:$0x3FBA]  }
0x39: {  	_ = 	snop;
	(pc) =	sbr.ind lr, $3  }
0x3a: {  	_ = 	snop  }
0x3b: {  	_ = 	snop  }
0x3c: {  	p2 =	seq.s32 s10, $0x1;
	s10 =	sld [smem:$0x3FB9]  }
0x3d: {  	_ =	shalt  }
0x3e: {  	_ =	shalt  }
0x3f: {  	_ =	shalt  }
0x40: {  	_ =	shalt  }
0x41: {  	_ =	shalt  }
0x42: {  	_ =	shalt  }
0x43: {  	_ =	shalt  }
0x44: {  	_ =	shalt  }
0x45: {  	_ =	shalt  }
0x46: {  	_ =	shalt  }
0x47: {  	_ =	shalt  }
0x48: {  	_ =	shalt  }
0x49: {  	_ =	shalt  }
0x4a: {  	_ =	shalt  }
0x4b: {  	_ =	shalt  }
0x4c: {  	_ =	shalt  }
0x4d: {  	_ =	shalt  }
0x4e: {  	_ =	shalt  }
0x4f: {  	_ =	shalt  }
0x50: {  	_ =	shalt  }
0x51: {  	_ =	shalt  }
0x52: {  	_ =	shalt  }
0x53: {  	_ =	shalt  }
0x54: {  	_ =	shalt  }
0x55: {  	_ =	shalt  }
0x56: {  	_ =	shalt  }
0x57: {  	_ =	shalt  }
0x58: {  	_ =	shalt  }
0x59: {  	_ =	shalt  }
0x5a: {  	_ =	shalt  }
0x5b: {  	_ =	shalt  }
0x5c: {  	_ =	shalt  }
0x5d: {  	_ =	shalt  }
0x5e: {  	_ =	shalt  }
0x5f: {  	_ =	shalt  }
0x60: {  	_ =	shalt  }
0x61: {  	_ =	shalt  }
0x62: {  	_ =	shalt  }
0x63: {  	_ =	shalt  }
0x64: {  	_ =	shalt  }
0x65: {  	_ =	shalt  }
0x66: {  	_ =	shalt  }
0x67: {  	_ =	shalt  }
0x68: {  	_ =	shalt  }
0x69: {  	_ =	shalt  }
0x6a: {  	_ =	shalt  }
0x6b: {  	_ =	shalt  }
0x6c: {  	_ =	shalt  }
0x6d: {  	_ =	shalt  }
0x6e: {  	_ =	shalt  }
0x6f: {  	_ =	shalt  }
0x70: {  	_ =	shalt  }
0x71: {  	_ =	shalt  }
0x72: {  	_ =	shalt  }
0x73: {  	_ =	shalt  }
0x74: {  	_ =	shalt  }
0x75: {  	_ =	shalt  }
0x76: {  	_ =	shalt  }
0x77: {  	_ =	shalt  }
0x78: {  	_ =	shalt  }
0x79: {  	_ =	shalt  }
0x7a: {  	_ =	shalt  }
0x7b: {  	_ =	shalt  }
0x7c: {  	_ =	shalt  }
0x7d: {  	_ =	shalt  }
0x7e: {  	_ =	shalt  }
0x7f: {  	_ =	shalt  }
0x80: {  	_ =	shalt  }
0x81: {  	_ =	shalt  }
0x82: {  	_ =	shalt  }
0x83: {  	_ =	shalt  }
0x84: {  	_ =	shalt  }
0x85: {  	_ =	shalt  }
0x86: {  	_ =	shalt  }
0x87: {  	_ =	shalt  }
.Lfunc_end0:
.L_simem_size_0:
called_computation.2_lowered:
.L_overlay_start_0:
0x88: {  	s2 =	sld [smem:$0x3FD9]  }
0x89: {  	s3 =	sld [smem:$0x3FFE];
	_ =	sdelay $0x1  }
0x8a: {  	s1 =	srdreg.scid  }
0x8b: {  	s0 =	sand.u32 $0x1, s1  }
0x8c: {  	s17 =	sshll.u32 s0, $0xA;
	s2 =	sadd.s32 s3, s2  }
0x8d: {  	s2 =	sadd.s32 s2, s17  }
0x8e: {  	[smem:$0x3FC5] =	sst s2  }
0x8f: {  	_ = 	snop  }
0x90: {  	s2 =	sld [smem:$0x3FD0];
	(tm) =	ssettm $0x1  }
0x91: {  	s18 =	sld [smem:$0x3FFB];
	_ =	sdelay $0x3  }
0x92: {  	_ =	strace s18  }
0x93: {  	s3 =	sld [smem:$0x3FFC];
	_ =	sdelay $0x3  }
0x94: {  	_ =	strace s3  }
0x95: {  	s3 =	sld [smem:$0x3FFD];
	_ =	sdelay $0x3  }
0x96: {  	_ =	strace s3  }
0x97: {  	_ =	strace $0x8FFFFFFF  }
0x98: {  	s19 =	sld [smem:$0x3FDB];
	_ =	sdelay $0x1  }
0x99: {  	s4 =	simm.s32 $_scs_section_size  }
0x9a: {  	s5 =	simm.s32 $_size__tile_overlayer_lowered;
	s6 =	simm.s32 $_tile_overlayer_lowered  }
0x9b: {  	s22 =	simm.s32 $0x1BFF;
	s21 =	sshll.u32 s6, $0x1;
	s3 =	sadd.s32 s4, s19  }
0x9c: {  	s7 =	simm.s32 $0x0;
	s20 =	sshll.u32 s5, $0x1;
	s5 =	sadd.s32 s21, s3  }
0x9d: {  	[timem:s7], [sflag:s22] =	dma.local [hbm:s5], s20  }
0x9e: {  	_ =	swait.ge [sflag:s22], s20  }
0x9f: {  	s4 =	ssub.s32 $0x0, s20;
	[sflag:s22] =	ssyncset.done $0x0  }
0xa0: {  	[sflag:s22] =	ssyncadd.s32 s4;
	_ =	sdelay $0x1  }
0xa1: {  	s23 =	simm.s32 $0x1B8B  }
0xa2: {  	_ =	swait.ge [sflag:s23], $0x1  }
0xa3: {  	[sflag:s23] =	ssyncset.done $0x0  }
0xa4: {  	s25 =	simm.s32 $0x1B8E;
	s24 =	sld [smem:$0x3FFE];
	[sflag:s23] =	ssyncadd.s32 $0xFFFFFFFF  }
0xa5: {  	s26 =	simm.s32 $execute0_lowered;
	[smem:$0x3FD2] =	sst s25  }
0xa6: {  	s5 =	sshll.u32 s26, $0x1;
	_ =	strace $0x8000004C;
	[dreg:$0x1] =	wrdreg $0xFFFFFFFF  }
0xa7: {  	s28 =	simm.s32 $_size_execute0_lowered;
	s3 =	sadd.s32 s3, s5;
	[dreg:$0x0] =	wrdreg $0x0  }
0xa8: {  	s5 =	sshll.u32 s28, $0x1;
	[dreg:$0x2] =	wrdreg s3  }
0xa9: {  	[dreg:$0x3] =	wrdreg s5  }
0xaa: {  	[dreg:$0x4] =	wrdreg $0xC0  }
0xab: {  	_ =	task [dreg:s7], $0x5FFFF  }
0xac: {  	[dreg:$0x1] =	wrdreg $0xFFFFFFFF  }
0xad: {  	[dreg:$0x0] =	wrdreg $0x60  }
0xae: {  	[dreg:$0x2] =	wrdreg s24  }
0xaf: {  	[dreg:$0x3] =	wrdreg s2  }
0xb0: {  	[dreg:$0x4] =	wrdreg $0x9  }
0xb1: {  	_ =	task.clear_ibuf [dreg:s7], $0x5FFFF;
	_ =	strace $0x9000004C  }
0xb2: {  	s29 =	simm.s32 $0x9;
	_ =	strace $0x8000004E  }
0xb3: {  	_ =	swait.ge [sflag:s29], $0x1  }
0xb4: {  	[sflag:s29] =	ssyncadd.s32 $0xFFFFFFFF  }
0xb5: {  	_ =	strace $0x9000004E  }
0xb6: {  	_ =	sfence  }
0xb7: {  	s30 =	sld [smem:$0x0];
	_ =	sdelay $0x2  }
0xb8: {  	s31 =	sshll.u32 s1, $0xD;
	s1 =	sshrl.u32 s1, $0x2  }
0xb9: {  	s3 =	sand.u32 $0x4000, s31;
	s1 =	sadd.s32 s1, s30  }
0xba: {  	s0 =	sor.u32 s3, s0;
	s1 =	sshll.u32 s1, $0x11  }
0xbb: {  	s0 =	sor.u32 s1, s0  }
0xbc: {  	s0 =	sadd.s32 $0x8F2B, s0  }
0xbd: {  	[sflag:s0] =	ssyncadd.remote.s32 $0x1  }
0xbe: {  	_ =	sfence.sel $0xFFFF  }
0xbf: {  	[dreg:$0x0] =	wrdreg $0xFFFFFFFF;
	(pc) =	sbr.abs _section_cstart, $3  }
0xc0: {  	[dreg:$0x1] =	wrdreg $0xFFFFFFFF  }
0xc1: {  	_ =	task.clear_ibuf [dreg:s7], $0x2FFFF;
	_ =	strace $0x9FFFFFFF  }
0xc2: {  	(tm) =	ssettm $0x7FFFFFFF  }
0xc3: {  	_ =	shalt  }
tec
execute0_lowered:
.L_overlay_start_1:
0x0: {  	(tag) =	ssettag $0x1  }
0x1: {  	s0 =	srdreg.scid  }
0x2: {  	s2 =	stileid.u32;
	s1 =	rddreg [dreg:$0x0];
	s13 =	simm.s32 $0x7  }
0x3: {  	v0 =	vimm.s32 $0xEFCDAB89;
	s14 =	simm.s32 $0x3E8;
	s18 =	simm.s32 $0x1;
	s19 =	simm.s32 $0x3  }
0x4: {  	v1 =	vimm.s32 $0x67452301;
	s20 =	simm.s32 $0xFA00;
	s21 =	simm.s32 $0x17D40;
	s22 =	simm.s32 $0x189C0  }
0x5: {  	v2 =	vimm.s32 $0xDCFE98BA;
	v3 =	vimm.s32 $0x54761032;
	s23 =	simm.s32 $0x19000;
	s24 =	simm.s32 $0x2;
	s28 =	simm.s32 $0x5  }
0x6: {  	v4 =	vimm.s32 $0xBA98FEDC;
	v5 =	vimm.s32 $0x32107654;
	v6 =	vimm.s32 $0xFEDCBA98;
	s29 =	simm.s32 $0x6;
	s30 =	simm.s32 $0x0;
	s0 =	sand.u32 $0x1, s0  }
0x7: {  	v7 =	vimm.s32 $0x76543210;
	s3 =	sshll.u32 s2, $0x1;
	s2 =	rddreg [dreg:$0x1];
	v0 =	vunpack.c.l.s4.s8 v0;
	v1 =	vunpack.c.l.s4.s8 v1;
	s6 =	sadd.s32 $0xB4E00, s1  }
0x8: {  	v2 =	vunpack.c.l.s4.s8 v2;
	s7 =	sadd.s32 $0x21200, s1;
	v3 =	vunpack.c.l.s4.s8 v3;
	v4 =	vunpack.c.l.s4.s8 v4;
	s8 =	sor.u32 s0, s3;
	s0 =	ssub.s32 $0x2, s0  }
0x9: {  	v5 =	vunpack.c.l.s4.s8 v5;
	v6 =	vunpack.c.l.s4.s8 v6;
	v7 =	vunpack.c.l.s4.s8 v7;
	s3 =	simm.s32 $0x0;
	s4 =	smul.u32 $0xFA0, s8;
	s25 =	sshrl.u32 s0, $0x1  }
0xa: {  	[smem:$0x7FF] =	sst s3;
	s5 =	smul.u32 $0xC800, s8;
	v0 =	vunpack.c.0.s8.s32 v0;
	v1 =	vunpack.c.0.s8.s32 v1;
	v2 =	vunpack.c.0.s8.s32 v2;
	s0 =	ssub.s32 s0, s25  }
0xb: {  	v3 =	vunpack.c.0.s8.s32 v3;
	v4 =	vunpack.c.0.s8.s32 v4;
	v5 =	vunpack.c.0.s8.s32 v5;
	_ =	strace $0x8000004D;
	s9 =	sadd.s32 s4, s1;
	s0 =	smax.u32 s0, $0x1  }
0xc: {  	s26 =	sshrl.u32 s5, $0x3;
	v0 =	vcombine.low v1, v0;
	v1 =	vunpack.c.0.s8.s32 v6;
	s9 =	sadd.s32 $0x1E00, s9;
	[dreg:$0x6] =	wrdreg s0  }
0xd: {  	s8 =	sshll.u32 s8, $0x5;
	v2 =	vcombine.low v3, v2;
	v3 =	vcombine.low v5, v4;
	v4 =	vunpack.c.0.s8.s32 v7;
	s31 =	sadd.s32 s6, s26;
	[dreg:$0x3] =	wrdreg s9  }
0xe: {  	s4 =	sadd.s32 $0xE6E00, s1;
	s1 =	sadd.s32 s7, s26;
	[dreg:$0x4] =	wrdreg s31;
	v0 =	vand.u32 $0xF, v0;
	v5 =	vand.u32 $0xF, v1  }
0xf: {  	s25 =	simm.s32 $0x4;
	s26 =	simm.s32 $0x19640;
	[dreg:$0x5] =	wrdreg s1;
	v1 =	vand.u32 $0xF, v2;
	v2 =	vand.u32 $0xF, v3;
	v3 =	vcombine.low v5, v4  }
.LBB2_1:
0x10: {  	s0 =	rddreg [dreg:$0x3]  }
0x11: {  	[tilespmem:s3], [sflag:$0x7] =	stream.linear.gather [hbm4b:s0+s3], $0x7D00, $0x38;
	[tilespmem:$0x19C80] =	vst v63  }
0x12: {  	_ =	swait.ge [sflag:s13], $0x7D00  }
0x13: {  	[sflag:s13] =	ssyncset.done $0x0  }
0x14: {  	s12 =	simm.s32 $0x7D00;
	[sflag:s13] =	ssyncadd.s32 $0xFFFF8300  }
0x15: {  	[tilespmem:s12], [sflag:$0x1] =	stream.indirect.gather [hbm4b:s4+s14], $0x20, s3, s14, $0xb8;
	[tilespmem:$0x19C80] =	vst v63  }
0x16: {  	s1 =	simm.s32 $0x17700;
	s15 =	rddreg [dreg:$0x4]  }
0x17: {  	[tilespmem:s1], [sflag:$0x3] =	stream.linear.gather [hbm4b:s15+s3], $0x640, $0x38;
	[tilespmem:$0x19C80] =	vst v63  }
0x18: {  	s17 =	simm.s32 $0x18380;
	s31 =	simm.s32 $0x0;
	s16 =	rddreg [dreg:$0x5]  }
0x19: {  	[tilespmem:s17], [sflag:$0x3] =	stream.linear.gather [hbm4b:s16+s3], $0x640, $0x38;
	[tilespmem:$0x19C80] =	vst v63  }
.LBB2_2:
0x1a: {  	_ =	swait.ge [sflag:s18], $0x7D00  }
0x1b: {  	[sflag:s18] =	ssyncset.done $0x0  }
0x1c: {  	[sflag:s18] =	ssyncadd.s32 $0xFFFF8300  }
0x1d: {  	_ =	swait.ge [sflag:s19], $0x640  }
0x1e: {  	s1 =	sshllo.u32 s31, $0x1;
	[sflag:s19] =	ssyncset.done $0x0  }
0x1f: {  	s0 =	smul.u32 $0xFA0, s1;
	[sflag:s19] =	ssyncadd.s32 $0xFFFFF9C0  }
0x20: {  	s9 =	smul.u32 $0x640, s1;
	_ =	swait.ge [sflag:s19], $0x640  }
0x21: {  	[sflag:s19] =	ssyncset.done $0x0  }
0x22: {  	s0 =	sshra.s32 s0, $0x2;
	s16 =	sadd.s32 s5, s9;
	[sflag:s19] =	ssyncadd.s32 $0xFFFFF9C0  }
0x23: {  	[tilespmem:s20], [sflag:$0x2] =	stream.indirect.gather [hbm4b:s4+s14], $0x20, s0, s14, $0xb8;
	[tilespmem:$0x19C80] =	vst v63  }
0x24: {  	s0 =	sshrl.u32 s16, $0x3  }
0x25: {  	s17 =	sadd.s32 s6, s0  }
0x26: {  	[tilespmem:s21], [sflag:$0x4] =	stream.linear.gather [hbm4b:s17+s3], $0x640, $0x38;
	[tilespmem:$0x19C80] =	vst v63  }
0x27: {  	p0 =	seq.s32 s31, $0x0;
	s0 =	sadd.s32 s7, s0  }
0x28: {  	[tilespmem:s22], [sflag:$0x4] =	stream.linear.gather [hbm4b:s0+s3], $0x640, $0x38;
	[tilespmem:$0x19C80] =	vst v63  }
0x29: {  	s0 =	simm.s32 @!p0 $0x5  }
0x2a: {  	_ =	swait.ge @!p0 [sflag:s0], $0x640  }
0x2b: {  	[sflag:s0] =	ssyncset.done @!p0 $0x0  }
0x2c: {  	s17 =	simm.s32 $0x0;
	[sflag:s0] =	ssyncadd.s32 @!p0 $0xFFFFF9C0  }
0x2d: {  	v4 =	vld [tilespmem:s17+$0x17700]  }
0x2e: {  	v5 =	vld [tilespmem:s17+$0x17710];
	_ =	sdelay $0x4  }
0x2f: {  	v8 =	vmul.f32 $3.125000000e-02, v4;
	v9 =	vmul.f32 $3.125000000e-02, v5;
	_ =	sdelay $0x1  }
0x30: {  	v4 =	vmul.f32 v8, v4;
	v5 =	vmul.f32 v9, v5;
	_ =	sdelay $0x1  }
0x31: {  	v6 =	vmax.f32 v4, v5  }
0x32: {  	v7 =	vperm.xlane v6, v0;
	_ =	sdelay $0x1  }
0x33: {  	v6 =	vmax.f32 v6, v7  }
0x34: {  	v7 =	vperm.xlane v6, v1;
	_ =	sdelay $0x1  }
0x35: {  	v6 =	vmax.f32 v6, v7  }
0x36: {  	v7 =	vperm.xlane v6, v2;
	_ =	sdelay $0x1  }
0x37: {  	v6 =	vmax.f32 v6, v7  }
0x38: {  	v7 =	vperm.xlane v6, v3;
	_ =	sdelay $0x1  }
0x39: {  	v6 =	vmax.f32 v6, v7  }
0x3a: {  	v4 =	vsub.f32 v4, v6  }
0x3b: {  	v5 =	vsub.f32 v5, v6  }
0x3c: {  	v4 =	vmul.f32 $1.442695020e+00, v4  }
0x3d: {  	v5 =	vmul.f32 $1.442695020e+00, v5  }
0x3e: {  	(erf) = vpow2.f32 v4  }
0x3f: {  	(erf) = vpow2.f32 v5;
	_ =	sdelay $0x7  }
0x40: {  	v4 =	vpop (erf)  }
0x41: {  	v5 =	vpop (erf)  }
0x42: {  	v6 =	vadd.f32 v5, v4;
	_ =	sdelay $0x1  }
0x43: {  	v7 =	vperm.xlane v6, v0;
	_ =	sdelay $0x1  }
0x44: {  	v6 =	vadd.f32 v6, v7;
	_ =	sdelay $0x1  }
0x45: {  	s16 =	simm.s32 $0x20;
	v7 =	vperm.xlane v6, v1  }
0x46: {  	v10 =	vld [tilespmem:s16+$0x17700]  }
0x47: {  	v11 =	vld [tilespmem:s16+$0x17710];
	v6 =	vadd.f32 v6, v7;
	_ =	sdelay $0x1  }
0x48: {  	v7 =	vperm.xlane v6, v2;
	_ =	sdelay $0x1  }
0x49: {  	v12 =	vadd.f32 v6, v7  }
0x4a: {  	v6 =	vmul.f32 $3.125000000e-02, v10;
	v7 =	vmul.f32 $3.125000000e-02, v11  }
0x4b: {  	v13 =	vperm.xlane v12, v3  }
0x4c: {  	v10 =	vmul.f32 v6, v10;
	v11 =	vmul.f32 v7, v11  }
0x4d: {  	v12 =	vadd.f32 v12, v13  }
0x4e: {  	v13 =	vmax.f32 v10, v11  }
0x4f: {  	v14 =	vperm.xlane v13, v0;
	(erf) = vrcp.f32 v12;
	_ =	sdelay $0x1  }
0x50: {  	v12 =	vmax.f32 v13, v14  }
0x51: {  	v13 =	vld [tilespmem:s17+$0x18380];
	v14 =	vperm.xlane v12, v1  }
0x52: {  	v15 =	vld [tilespmem:s17+$0x18390]  }
0x53: {  	v12 =	vmax.f32 v12, v14  }
0x54: {  	v14 =	vperm.xlane v12, v2;
	_ =	sdelay $0x1  }
0x55: {  	v4 =	vmul.f32 v4, v13;
	v12 =	vmax.f32 v12, v14  }
0x56: {  	v5 =	vmul.f32 v5, v15;
	v14 =	vperm.xlane v12, v3;
	v16 =	vpop (erf)  }
0x57: {  	v4 =	vmul.f32 v16, v4  }
0x58: {  	v5 =	vmul.f32 v16, v5;
	v12 =	vmax.f32 v12, v14  }
0x59: {  	v4 =	vadd.f32 v4, v8;
	v8 =	vsub.f32 v10, v12  }
0x5a: {  	v10 =	vsub.f32 v11, v12;
	v5 =	vadd.f32 v5, v9  }
0x5b: {  	v14 =	vmul.f32 v4, v13;
	v4 =	vmul.f32 $1.442695020e+00, v8  }
0x5c: {  	v8 =	vmul.f32 $1.442695020e+00, v10;
	v15 =	vmul.f32 v5, v15  }
0x5d: {  	s0 =	simm.s32 $0x40;
	(erf) = vpow2.f32 v4  }
0x5e: {  	v10 =	vld [tilespmem:s0+$0x17700];
	v4 =	vmax.f32 v14, v15;
	(erf) = vpow2.f32 v8  }
0x5f: {  	v13 =	vld [tilespmem:s0+$0x17710];
	v5 =	vperm.xlane v4, v0;
	_ =	sdelay $0x1  }
0x60: {  	v4 =	vmax.f32 v4, v5  }
0x61: {  	v8 =	vperm.xlane v4, v1  }
0x62: {  	s9 =	simm.s32 $0x7E40  }
0x63: {  	v18 =	vld [tilespmem:s9+$0xFFFFFEC0];
	v5 =	vmul.f32 $3.125000000e-02, v10;
	v16 =	vmax.f32 v4, v8;
	v4 =	vmul.f32 $3.125000000e-02, v13  }
0x64: {  	v22 =	vld [tilespmem:s9+$0xFFFFFEE0];
	v17 =	vperm.xlane v16, v2  }
0x65: {  	v24 =	vld [tilespmem:s9+$0xFFFFFEF0];
	v11 =	vmul.f32 v5, v10;
	v10 =	vmul.f32 v4, v13;
	v12 =	vpop (erf)  }
0x66: {  	v25 =	vld [tilespmem:s9+$0xFFFFFF10];
	v16 =	vmax.f32 v16, v17;
	v13 =	vpop (erf)  }
0x67: {  	v17 =	vld [tilespmem:s9+$0xFFFFFED0];
	v20 =	vperm.xlane v16, v3;
	v21 =	vmax.f32 v11, v10;
	v19 =	vadd.f32 v13, v12  }
0x68: {  	v26 =	vld [tilespmem:s9+$0xFFFFFF30];
	v18 =	vadd.f32 $0.0e+00, v18;
	v23 =	vperm.xlane v21, v0  }
0x69: {  	v27 =	vld [tilespmem:s9+$0xFFFFFF20];
	v16 =	vmax.f32 v16, v20;
	v20 =	vperm.xlane v19, v0  }
0x6a: {  	v22 =	vadd.f32 v22, v18;
	v14 =	vsub.f32 v14, v16;
	v21 =	vmax.f32 v21, v23;
	v23 =	vld [tilespmem:s9+$0xFFFFFF00]  }
0x6b: {  	v18 =	vld [tilespmem:s9+$0xFFFFFF70];
	v15 =	vsub.f32 v15, v16;
	v16 =	vperm.xlane v21, v1;
	v19 =	vadd.f32 v19, v20  }
0x6c: {  	v9 =	vld [tilespmem:s16+$0x18380];
	v20 =	vadd.f32 $0.0e+00, v17;
	v14 =	vmul.f32 $1.442695020e+00, v14  }
0x6d: {  	v8 =	vld [tilespmem:s16+$0x18390];
	v15 =	vmul.f32 $1.442695020e+00, v15;
	v28 =	vmax.f32 v21, v16;
	v16 =	vperm.xlane v19, v1  }
0x6e: {  	v17 =	vld [tilespmem:s9+$0xFFFFFF50];
	v29 =	vperm.xlane v28, v2;
	v20 =	vadd.f32 v24, v20;
	(erf) = vpow2.f32 v14  }
0x6f: {  	v21 =	vld [tilespmem:s9+$0xFFFFFF40];
	v23 =	vadd.f32 v23, v22;
	(erf) = vpow2.f32 v15  }
0x70: {  	v22 =	vld [tilespmem:s9+$0xFFFFFF60];
	v16 =	vadd.f32 v19, v16;
	v14 =	vmax.f32 v28, v29;
	v24 =	vadd.f32 v25, v20  }
0x71: {  	v19 =	vld [tilespmem:s9+$0xFFFFFF90];
	v15 =	vperm.xlane v14, v3  }
0x72: {  	s15 =	sshll.u32 s31, $0x1;
	s11 =	simm.s32 $0x180;
	s10 =	simm.s32 $0x7E40;
	v25 =	vadd.f32 v27, v23;
	v23 =	vld [tilespmem:s9+$0xFFFFFF80];
	v20 =	vperm.xlane v16, v2;
	v24 =	vadd.f32 v26, v24  }
.LBB2_3:
0x73: {  	p0 =	sne.s32 s11, $0x1880  }
0x74: {  	v21 =	vadd.f32 v21, v25;
	v25 =	vld [tilespmem:s9+$0xFFFFFFB0];
	s10 =	sadd.s32 $0x280, s10;
	s12 =	smov.u32 s11;
	s11 =	sadd.s32 $0x80, s11  }
0x75: {  	v17 =	vadd.f32 v17, v24;
	v24 =	vld [tilespmem:s9+$0xFFFFFFA0]  }
0x76: {  	v21 =	vadd.f32 v22, v21;
	v22 =	vld [tilespmem:s9+$0xFFFFFFD0]  }
0x77: {  	v17 =	vadd.f32 v18, v17;
	v18 =	vld [tilespmem:s9+$0xFFFFFFC0];
	v26 =	vpop (erf)  }
0x78: {  	v16 =	vadd.f32 v16, v20;
	v20 =	vadd.f32 v23, v21;
	v21 =	vld [tilespmem:s9+$0xFFFFFFF0];
	v23 =	vpop (erf)  }
0x79: {  	v17 =	vadd.f32 v19, v17;
	v19 =	vld [tilespmem:s9+$0xFFFFFFE0];
	v27 =	vadd.f32 v23, v26  }
0x7a: {  	v28 =	vperm.xlane v16, v3;
	v20 =	vadd.f32 v24, v20;
	v24 =	vld [tilespmem:s9+$0x10]  }
0x7b: {  	v17 =	vadd.f32 v25, v17;
	v25 =	vld [tilespmem:s9+$0x0];
	v29 =	vperm.xlane v27, v0  }
0x7c: {  	v16 =	vadd.f32 v16, v28;
	v18 =	vadd.f32 v18, v20;
	v20 =	vld [tilespmem:s9+$0x30]  }
0x7d: {  	v17 =	vadd.f32 v22, v17;
	v22 =	vld [tilespmem:s9+$0x20];
	v27 =	vadd.f32 v27, v29  }
0x7e: {  	(erf) = vrcp.f32 v16;
	v16 =	vadd.f32 v19, v18;
	v18 =	vld [tilespmem:s9+$0x50]  }
0x7f: {  	v17 =	vadd.f32 v21, v17;
	v19 =	vld [tilespmem:s9+$0x40];
	v21 =	vperm.xlane v27, v1  }
0x80: {  	v16 =	vadd.f32 v25, v16;
	v25 =	vld [tilespmem:s9+$0x70]  }
0x81: {  	v17 =	vadd.f32 v24, v17;
	v24 =	vld [tilespmem:s9+$0x60];
	v21 =	vadd.f32 v27, v21  }
0x82: {  	v16 =	vadd.f32 v22, v16;
	v22 =	vld [tilespmem:s9+$0x90]  }
0x83: {  	v17 =	vadd.f32 v20, v17;
	v20 =	vld [tilespmem:s9+$0x80];
	v27 =	vperm.xlane v21, v2  }
0x84: {  	v16 =	vadd.f32 v19, v16;
	v19 =	vld [tilespmem:s9+$0xB0]  }
0x85: {  	v17 =	vadd.f32 v18, v17;
	v18 =	vld [tilespmem:s9+$0xA0];
	v21 =	vadd.f32 v21, v27  }
0x86: {  	v12 =	vmul.f32 v12, v9;
	v13 =	vmul.f32 v13, v8;
	v16 =	vadd.f32 v24, v16;
	v24 =	vld [tilespmem:s9+$0xD0]  }
0x87: {  	v27 =	vpop (erf);
	v17 =	vadd.f32 v25, v17;
	v25 =	vld [tilespmem:s9+$0xC0];
	v28 =	vperm.xlane v21, v3  }
0x88: {  	v12 =	vmul.f32 v27, v12;
	v13 =	vmul.f32 v27, v13;
	v16 =	vadd.f32 v20, v16;
	v20 =	vld [tilespmem:s9+$0xF0]  }
0x89: {  	v17 =	vadd.f32 v22, v17;
	v22 =	vld [tilespmem:s9+$0xE0];
	v21 =	vadd.f32 v21, v28  }
0x8a: {  	v14 =	vmax.f32 v14, v15;
	v12 =	vadd.f32 v12, v6;
	v15 =	vadd.f32 v18, v16;
	v16 =	vld [tilespmem:s9+$0x110];
	v6 =	vmovc v5  }
0x8b: {  	v5 =	vsub.f32 v11, v14;
	v11 =	vadd.f32 v19, v17;
	v17 =	vld [tilespmem:s9+$0x100];
	(erf) = vrcp.f32 v21  }
0x8c: {  	v10 =	vsub.f32 v10, v14;
	v14 =	vmul.f32 v12, v9;
	v9 =	vadd.f32 v25, v15;
	v12 =	vld [tilespmem:s9+$0x130]  }
0x8d: {  	v13 =	vadd.f32 v13, v7;
	v7 =	vmovc v4;
	v5 =	vmul.f32 $1.442695020e+00, v5;
	v11 =	vadd.f32 v24, v11;
	v15 =	vld [tilespmem:s9+$0x120];
	s9 =	smov.u32 s10  }
0x8e: {  	v4 =	vmul.f32 $1.442695020e+00, v10;
	v9 =	vadd.f32 v22, v9  }
0x8f: {  	v18 =	vmul.f32 v13, v8;
	(erf) = vpow2.f32 v5;
	v5 =	vadd.f32 v20, v11  }
0x90: {  	s12 =	sshra.s32 s12, $0x2;
	(erf) = vpow2.f32 v4;
	v4 =	vadd.f32 v17, v9  }
0x91: {  	v8 =	vmax.f32 v14, v18;
	v10 =	vld [tilespmem:s12+$0x17700];
	v5 =	vadd.f32 v16, v5  }
0x92: {  	v11 =	vperm.xlane v8, v0;
	v4 =	vadd.f32 v15, v4  }
0x93: {  	v15 =	vld [tilespmem:s12+$0x17710];
	v5 =	vadd.f32 v12, v5  }
0x94: {  	v8 =	vmax.f32 v8, v11;
	v4 =	vmul.f32 v26, v4;
	v9 =	vpop (erf)  }
0x95: {  	v11 =	vperm.xlane v8, v1;
	v17 =	vmul.f32 v23, v5  }
0x96: {  	v19 =	vmul.f32 v9, v4  }
0x97: {  	v16 =	vmax.f32 v8, v11;
	v5 =	vmul.f32 $3.125000000e-02, v10;
	v11 =	vmul.f32 v9, v17  }
0x98: {  	v17 =	vperm.xlane v16, v2;
	v4 =	vmul.f32 $3.125000000e-02, v15;
	v8 =	vld [tilespmem:s0+$0x18390];
	v12 =	vpop (erf);
	[tilespmem:s17+$0x19000] =	vst v19  }
0x99: {  	v9 =	vld [tilespmem:s0+$0x18380];
	v13 =	vpop (erf);
	[tilespmem:s17+$0x19010] =	vst v11;
	s17 =	smov.u32 s16;
	s16 =	smov.u32 s0;
	s0 =	smov.u32 s12  }
0x9a: {  	v11 =	vmul.f32 v5, v10;
	v16 =	vmax.f32 v16, v17;
	v10 =	vmul.f32 v4, v15;
	v15 =	vld [tilespmem:s10+$0xFFFFFEC0]  }
0x9b: {  	v17 =	vadd.f32 v13, v12;
	v20 =	vperm.xlane v16, v3;
	v19 =	vld [tilespmem:s10+$0xFFFFFED0]  }
0x9c: {  	v21 =	vmax.f32 v11, v10;
	v22 =	vld [tilespmem:s10+$0xFFFFFEE0]  }
0x9d: {  	v16 =	vmax.f32 v16, v20;
	v23 =	vperm.xlane v21, v0;
	v24 =	vld [tilespmem:s10+$0xFFFFFEF0]  }
0x9e: {  	v20 =	vperm.xlane v17, v0;
	v14 =	vsub.f32 v14, v16;
	v16 =	vsub.f32 v18, v16;
	v25 =	vld [tilespmem:s10+$0xFFFFFF10]  }
0x9f: {  	v18 =	vmax.f32 v21, v23;
	v15 =	vadd.f32 $0.0e+00, v15;
	v23 =	vld [tilespmem:s10+$0xFFFFFF00]  }
0xa0: {  	v20 =	vadd.f32 v17, v20;
	v14 =	vmul.f32 $1.442695020e+00, v14;
	v21 =	vperm.xlane v18, v1;
	v26 =	vld [tilespmem:s10+$0xFFFFFF30]  }
0xa1: {  	v16 =	vmul.f32 $1.442695020e+00, v16;
	v19 =	vadd.f32 $0.0e+00, v19;
	v15 =	vadd.f32 v22, v15;
	v27 =	vld [tilespmem:s10+$0xFFFFFF20]  }
0xa2: {  	v22 =	vmax.f32 v18, v21;
	v18 =	vperm.xlane v20, v1;
	v17 =	vld [tilespmem:s10+$0xFFFFFF50];
	(erf) = vpow2.f32 v14  }
.Ltmp0:
0xa3: {  	v19 =	vadd.f32 v24, v19;
	v14 =	vperm.xlane v22, v2;
	v21 =	vld [tilespmem:s10+$0xFFFFFF40];
	(erf) = vpow2.f32 v16;
	(pc) =	sbr.rel @p0 .LBB2_3-.Ltmp0, $4  }
0xa4: {  	v16 =	vadd.f32 v20, v18;
	v23 =	vadd.f32 v23, v15;
	v18 =	vld [tilespmem:s10+$0xFFFFFF70]  }
0xa5: {  	v24 =	vadd.f32 v25, v19;
	v14 =	vmax.f32 v22, v14;
	v22 =	vld [tilespmem:s10+$0xFFFFFF60]  }
0xa6: {  	v15 =	vperm.xlane v14, v3;
	v20 =	vperm.xlane v16, v2;
	v25 =	vadd.f32 v27, v23;
	v19 =	vld [tilespmem:s10+$0xFFFFFF90]  }
0xa7: {  	v24 =	vadd.f32 v26, v24;
	v23 =	vld [tilespmem:s10+$0xFFFFFF80]  }
0xa8: {  	v21 =	vadd.f32 v21, v25  }
0xa9: {  	v17 =	vadd.f32 v17, v24;
	v24 =	vld [tilespmem:s9+$0xFFFFFFA0]  }
0xaa: {  	v25 =	vld [tilespmem:s9+$0xFFFFFFB0];
	v21 =	vadd.f32 v22, v21  }
0xab: {  	v17 =	vadd.f32 v18, v17;
	v18 =	vld [tilespmem:s9+$0xFFFFFFC0]  }
0xac: {  	v22 =	vld [tilespmem:s9+$0xFFFFFFD0];
	v26 =	vpop (erf);
	v21 =	vadd.f32 v23, v21  }
0xad: {  	v23 =	vpop (erf);
	v17 =	vadd.f32 v19, v17;
	v19 =	vld [tilespmem:s9+$0xFFFFFFE0]  }
0xae: {  	v27 =	vld [tilespmem:s9+$0xFFFFFFF0];
	v28 =	vadd.f32 v23, v26;
	v21 =	vadd.f32 v24, v21  }
0xaf: {  	v16 =	vadd.f32 v16, v20;
	v20 =	vld [tilespmem:s9+$0x0];
	v17 =	vadd.f32 v25, v17  }
0xb0: {  	v24 =	vld [tilespmem:s9+$0x10];
	v25 =	vperm.xlane v28, v0;
	v18 =	vadd.f32 v18, v21  }
0xb1: {  	v21 =	vperm.xlane v16, v3;
	v17 =	vadd.f32 v22, v17;
	v22 =	vld [tilespmem:s9+$0x20]  }
0xb2: {  	v29 =	vld [tilespmem:s9+$0x30];
	v25 =	vadd.f32 v28, v25;
	v18 =	vadd.f32 v19, v18  }
0xb3: {  	v16 =	vadd.f32 v16, v21;
	v19 =	vld [tilespmem:s9+$0x40];
	v17 =	vadd.f32 v27, v17  }
0xb4: {  	v21 =	vld [tilespmem:s9+$0x50];
	v18 =	vadd.f32 v20, v18  }
0xb5: {  	v27 =	vperm.xlane v25, v1;
	(erf) = vrcp.f32 v16;
	v16 =	vadd.f32 v24, v17;
	v17 =	vld [tilespmem:s9+$0x60]  }
0xb6: {  	v20 =	vld [tilespmem:s9+$0x70];
	v18 =	vadd.f32 v22, v18  }
0xb7: {  	v24 =	vadd.f32 v25, v27;
	v22 =	vld [tilespmem:s9+$0x80]  }
0xb8: {  	v25 =	vld [tilespmem:s9+$0x90];
	v16 =	vadd.f32 v29, v16;
	v18 =	vadd.f32 v19, v18  }
0xb9: {  	v27 =	vperm.xlane v24, v2;
	v19 =	vld [tilespmem:s9+$0xA0]  }
0xba: {  	v16 =	vadd.f32 v21, v16;
	v21 =	vld [tilespmem:s9+$0xB0];
	v17 =	vadd.f32 v17, v18  }
0xbb: {  	v24 =	vadd.f32 v24, v27;
	v18 =	vld [tilespmem:s9+$0xC0]  }
0xbc: {  	v12 =	vmul.f32 v12, v9;
	v16 =	vadd.f32 v20, v16;
	v20 =	vld [tilespmem:s9+$0xD0];
	v17 =	vadd.f32 v22, v17  }
0xbd: {  	v13 =	vmul.f32 v13, v8;
	v27 =	vperm.xlane v24, v3;
	v22 =	vld [tilespmem:s9+$0xE0]  }
0xbe: {  	v16 =	vadd.f32 v25, v16;
	v25 =	vpop (erf);
	v17 =	vadd.f32 v19, v17  }
0xbf: {  	v61 =	vld [tilespmem:s9+$0xF0];
	v24 =	vadd.f32 v24, v27;
	v12 =	vmul.f32 v25, v12;
	v13 =	vmul.f32 v25, v13  }
0xc0: {  	v19 =	vld [tilespmem:s9+$0x100];
	v16 =	vadd.f32 v21, v16;
	v17 =	vadd.f32 v18, v17  }
0xc1: {  	v25 =	vld [tilespmem:s9+$0x110];
	(erf) = vrcp.f32 v24;
	v6 =	vadd.f32 v12, v6;
	v7 =	vadd.f32 v13, v7  }
0xc2: {  	v12 =	vld [tilespmem:s9+$0x120];
	v13 =	vadd.f32 v20, v16;
	v16 =	vadd.f32 v22, v17  }
0xc3: {  	v6 =	vmul.f32 v6, v9;
	v9 =	vld [tilespmem:s9+$0x130];
	v7 =	vmul.f32 v7, v8;
	v8 =	vmax.f32 v14, v15  }
0xc4: {  	v13 =	vadd.f32 v61, v13;
	v11 =	vsub.f32 v11, v8  }
0xc5: {  	v8 =	vsub.f32 v10, v8;
	v14 =	vadd.f32 v19, v16;
	v10 =	vmax.f32 v6, v7  }
0xc6: {  	v13 =	vadd.f32 v25, v13;
	v15 =	vperm.xlane v10, v0;
	v11 =	vmul.f32 $1.442695020e+00, v11  }
0xc7: {  	v12 =	vadd.f32 v12, v14  }
0xc8: {  	v8 =	vmul.f32 $1.442695020e+00, v8;
	v9 =	vadd.f32 v9, v13;
	v10 =	vmax.f32 v10, v15  }
0xc9: {  	v12 =	vmul.f32 v26, v12;
	v13 =	vperm.xlane v10, v1  }
0xca: {  	(erf) = vpow2.f32 v11;
	v11 =	vpop (erf);
	v9 =	vmul.f32 v23, v9  }
0xcb: {  	(erf) = vpow2.f32 v8;
	v12 =	vmul.f32 v11, v12;
	v10 =	vmax.f32 v10, v13  }
0xcc: {  	v9 =	vmul.f32 v11, v9;
	v11 =	vperm.xlane v10, v2;
	_ =	sdelay $0x1  }
0xcd: {  	v8 =	vld [tilespmem:s0+$0x18390];
	[tilespmem:s17+$0x19000] =	vst v12;
	v10 =	vmax.f32 v10, v11  }
0xce: {  	s12 =	sadd.s32 $0x280, s10;
	v12 =	vld [tilespmem:s0+$0x18380];
	[tilespmem:s17+$0x19010] =	vst v9;
	v13 =	vperm.xlane v10, v3  }
0xcf: {  	v9 =	vld [tilespmem:s12+$0xFFFFFEC0]  }
0xd0: {  	v11 =	vld [tilespmem:s12+$0xFFFFFED0]  }
0xd1: {  	v14 =	vld [tilespmem:s12+$0xFFFFFEE0]  }
0xd2: {  	v15 =	vld [tilespmem:s12+$0xFFFFFEF0];
	v10 =	vmax.f32 v10, v13;
	v13 =	vpop (erf)  }
0xd3: {  	v16 =	vld [tilespmem:s12+$0xFFFFFF00];
	v6 =	vsub.f32 v6, v10;
	v7 =	vsub.f32 v7, v10;
	v17 =	vpop (erf)  }
0xd4: {  	v18 =	vld [tilespmem:s12+$0xFFFFFF10];
	v9 =	vadd.f32 $0.0e+00, v9;
	v10 =	vadd.f32 v17, v13  }
0xd5: {  	v19 =	vld [tilespmem:s12+$0xFFFFFF20];
	v6 =	vmul.f32 $1.442695020e+00, v6;
	v11 =	vadd.f32 $0.0e+00, v11  }
0xd6: {  	v20 =	vld [tilespmem:s12+$0xFFFFFF30];
	v7 =	vmul.f32 $1.442695020e+00, v7;
	v9 =	vadd.f32 v14, v9;
	v14 =	vperm.xlane v10, v0  }
0xd7: {  	(erf) = vpow2.f32 v6;
	v6 =	vadd.f32 v15, v11;
	v11 =	vld [tilespmem:s12+$0xFFFFFF40]  }
0xd8: {  	v15 =	vld [tilespmem:s12+$0xFFFFFF50];
	(erf) = vpow2.f32 v7;
	v7 =	vadd.f32 v16, v9;
	v9 =	vadd.f32 v10, v14  }
0xd9: {  	v6 =	vadd.f32 v18, v6;
	v10 =	vld [tilespmem:s12+$0xFFFFFF60]  }
0xda: {  	v7 =	vadd.f32 v19, v7;
	v16 =	vperm.xlane v9, v1  }
0xdb: {  	v14 =	vld [tilespmem:s12+$0xFFFFFF70];
	v6 =	vadd.f32 v20, v6  }
0xdc: {  	v18 =	vld [tilespmem:s12+$0xFFFFFF80];
	v7 =	vadd.f32 v11, v7;
	v9 =	vadd.f32 v9, v16  }
0xdd: {  	v19 =	vld [tilespmem:s12+$0xFFFFFF90]  }
0xde: {  	v6 =	vadd.f32 v15, v6;
	v11 =	vld [tilespmem:s12+$0xFFFFFFA0];
	v7 =	vadd.f32 v10, v7;
	v10 =	vperm.xlane v9, v2  }
0xdf: {  	v15 =	vld [tilespmem:s12+$0xFFFFFFB0]  }
0xe0: {  	v6 =	vadd.f32 v14, v6;
	v14 =	vld [tilespmem:s12+$0xFFFFFFC0]  }
0xe1: {  	v16 =	vld [tilespmem:s12+$0xFFFFFFD0];
	v20 =	vpop (erf);
	v7 =	vadd.f32 v18, v7  }
0xe2: {  	v6 =	vadd.f32 v19, v6;
	v18 =	vld [tilespmem:s12+$0xFFFFFFE0];
	v9 =	vadd.f32 v9, v10;
	v10 =	vpop (erf)  }
0xe3: {  	v19 =	vld [tilespmem:s12+$0xFFFFFFF0];
	v7 =	vadd.f32 v11, v7;
	v21 =	vadd.f32 v10, v20  }
0xe4: {  	v6 =	vadd.f32 v15, v6;
	v15 =	vld [tilespmem:s12+$0x0];
	v11 =	vperm.xlane v9, v3  }
0xe5: {  	v22 =	vld [tilespmem:s12+$0x10];
	v7 =	vadd.f32 v14, v7;
	v23 =	vperm.xlane v21, v0  }
0xe6: {  	v6 =	vadd.f32 v16, v6;
	v9 =	vadd.f32 v9, v11;
	v11 =	vld [tilespmem:s12+$0x20]  }
0xe7: {  	v14 =	vld [tilespmem:s12+$0x30];
	v7 =	vadd.f32 v18, v7;
	v16 =	vadd.f32 v21, v23  }
0xe8: {  	v6 =	vadd.f32 v19, v6;
	v18 =	vld [tilespmem:s12+$0x40]  }
0xe9: {  	(erf) = vrcp.f32 v9;
	v9 =	vld [tilespmem:s12+$0x50];
	v7 =	vadd.f32 v15, v7;
	v19 =	vperm.xlane v16, v1  }
0xea: {  	v6 =	vadd.f32 v22, v6;
	v15 =	vld [tilespmem:s12+$0x60]  }
0xeb: {  	v21 =	vld [tilespmem:s12+$0x70];
	v7 =	vadd.f32 v11, v7;
	v16 =	vadd.f32 v16, v19  }
0xec: {  	v6 =	vadd.f32 v14, v6;
	v11 =	vld [tilespmem:s12+$0x80]  }
0xed: {  	v14 =	vld [tilespmem:s12+$0x90];
	v7 =	vadd.f32 v18, v7;
	v19 =	vperm.xlane v16, v2  }
0xee: {  	v6 =	vadd.f32 v9, v6;
	v9 =	vld [tilespmem:s12+$0xA0]  }
0xef: {  	v18 =	vld [tilespmem:s12+$0xB0];
	v7 =	vadd.f32 v15, v7;
	v16 =	vadd.f32 v16, v19  }
0xf0: {  	v6 =	vadd.f32 v21, v6;
	v15 =	vld [tilespmem:s12+$0xC0]  }
0xf1: {  	v13 =	vmul.f32 v13, v12;
	v19 =	vld [tilespmem:s12+$0xD0];
	v7 =	vadd.f32 v11, v7;
	v21 =	vperm.xlane v16, v3  }
0xf2: {  	v11 =	vmul.f32 v17, v8;
	v17 =	vpop (erf);
	v6 =	vadd.f32 v14, v6;
	v14 =	vld [tilespmem:s12+$0xE0]  }
0xf3: {  	v22 =	vld [tilespmem:s12+$0xF0];
	v13 =	vmul.f32 v17, v13;
	v7 =	vadd.f32 v9, v7;
	v16 =	vadd.f32 v16, v21  }
0xf4: {  	v9 =	vmul.f32 v17, v11;
	v6 =	vadd.f32 v18, v6;
	v11 =	vld [tilespmem:s12+$0x100]  }
0xf5: {  	v5 =	vadd.f32 v13, v5;
	v13 =	vld [tilespmem:s12+$0x110];
	v7 =	vadd.f32 v15, v7;
	(erf) = vrcp.f32 v16  }
0xf6: {  	v4 =	vadd.f32 v9, v4;
	v9 =	vld [tilespmem:s12+$0x120];
	v6 =	vadd.f32 v19, v6  }
0xf7: {  	v15 =	vld [tilespmem:s12+$0x130];
	v7 =	vadd.f32 v14, v7  }
0xf8: {  	v5 =	vmul.f32 v5, v12;
	v4 =	vmul.f32 v4, v8;
	v6 =	vadd.f32 v22, v6  }
0xf9: {  	v7 =	vadd.f32 v11, v7  }
0xfa: {  	v8 =	vmax.f32 v5, v4;
	v6 =	vadd.f32 v13, v6  }
0xfb: {  	v11 =	vperm.xlane v8, v0;
	v7 =	vadd.f32 v9, v7  }
0xfc: {  	v6 =	vadd.f32 v15, v6  }
0xfd: {  	v8 =	vmax.f32 v8, v11;
	v7 =	vmul.f32 v20, v7  }
0xfe: {  	v11 =	vperm.xlane v8, v1;
	v6 =	vmul.f32 v10, v6;
	v9 =	vpop (erf)  }
0xff: {  	v7 =	vmul.f32 v9, v7  }
0x100: {  	v8 =	vmax.f32 v8, v11;
	v6 =	vmul.f32 v9, v6  }
0x101: {  	v9 =	vperm.xlane v8, v2;
	[tilespmem:s16+$0x19000] =	vst v7  }
0x102: {  	s9 =	sadd.s32 $0x280, s12;
	[tilespmem:s16+$0x19010] =	vst v6  }
0x103: {  	v7 =	vmax.f32 v8, v9;
	v6 =	vld [tilespmem:s9+$0xFFFFFEC0]  }
0x104: {  	v8 =	vld [tilespmem:s9+$0xFFFFFED0];
	v9 =	vperm.xlane v7, v3  }
0x105: {  	v10 =	vld [tilespmem:s9+$0xFFFFFEE0]  }
0x106: {  	v11 =	vld [tilespmem:s9+$0xFFFFFEF0];
	v7 =	vmax.f32 v7, v9  }
0x107: {  	v9 =	vld [tilespmem:s9+$0xFFFFFF00];
	v5 =	vsub.f32 v5, v7  }
0x108: {  	v12 =	vld [tilespmem:s9+$0xFFFFFF10];
	v4 =	vsub.f32 v4, v7;
	v6 =	vadd.f32 $0.0e+00, v6  }
0x109: {  	v5 =	vmul.f32 $1.442695020e+00, v5;
	v7 =	vadd.f32 $0.0e+00, v8;
	v8 =	vld [tilespmem:s9+$0xFFFFFF20]  }
0x10a: {  	v13 =	vld [tilespmem:s9+$0xFFFFFF30];
	v4 =	vmul.f32 $1.442695020e+00, v4;
	v6 =	vadd.f32 v10, v6  }
0x10b: {  	(erf) = vpow2.f32 v5;
	v5 =	vadd.f32 v11, v7;
	v7 =	vld [tilespmem:s9+$0xFFFFFF40]  }
0x10c: {  	v10 =	vld [tilespmem:s9+$0xFFFFFF50];
	(erf) = vpow2.f32 v4;
	v4 =	vadd.f32 v9, v6  }
0x10d: {  	v5 =	vadd.f32 v12, v5;
	v6 =	vld [tilespmem:s9+$0xFFFFFF60]  }
0x10e: {  	v9 =	vld [tilespmem:s9+$0xFFFFFF70];
	v4 =	vadd.f32 v8, v4  }
0x10f: {  	v5 =	vadd.f32 v13, v5;
	v8 =	vld [tilespmem:s9+$0xFFFFFF80]  }
0x110: {  	v11 =	vld [tilespmem:s9+$0xFFFFFF90];
	v4 =	vadd.f32 v7, v4  }
0x111: {  	v5 =	vadd.f32 v10, v5;
	v7 =	vld [tilespmem:s9+$0xFFFFFFA0]  }
0x112: {  	v10 =	vld [tilespmem:s9+$0xFFFFFFB0];
	v4 =	vadd.f32 v6, v4  }
0x113: {  	v5 =	vadd.f32 v9, v5;
	v6 =	vld [tilespmem:s9+$0xFFFFFFC0]  }
0x114: {  	v9 =	vld [tilespmem:s9+$0xFFFFFFD0];
	v12 =	vpop (erf);
	v4 =	vadd.f32 v8, v4  }
0x115: {  	v8 =	vpop (erf);
	v5 =	vadd.f32 v11, v5;
	v11 =	vld [tilespmem:s9+$0xFFFFFFE0]  }
0x116: {  	v13 =	vld [tilespmem:s9+$0xFFFFFFF0];
	v14 =	vadd.f32 v8, v12;
	v4 =	vadd.f32 v7, v4  }
0x117: {  	v5 =	vadd.f32 v10, v5;
	v7 =	vld [tilespmem:s9+$0x0]  }
0x118: {  	v10 =	vld [tilespmem:s9+$0x10];
	v15 =	vperm.xlane v14, v0;
	v4 =	vadd.f32 v6, v4  }
0x119: {  	v5 =	vadd.f32 v9, v5;
	v6 =	vld [tilespmem:s9+$0x20]  }
0x11a: {  	v9 =	vld [tilespmem:s9+$0x30];
	v14 =	vadd.f32 v14, v15;
	v4 =	vadd.f32 v11, v4  }
0x11b: {  	v5 =	vadd.f32 v13, v5;
	v11 =	vld [tilespmem:s9+$0x40]  }
0x11c: {  	v13 =	vld [tilespmem:s9+$0x50];
	v15 =	vperm.xlane v14, v1;
	v4 =	vadd.f32 v7, v4  }
0x11d: {  	v5 =	vadd.f32 v10, v5;
	v7 =	vld [tilespmem:s9+$0x60]  }
0x11e: {  	v10 =	vld [tilespmem:s9+$0x70];
	v14 =	vadd.f32 v14, v15;
	v4 =	vadd.f32 v6, v4  }
0x11f: {  	v5 =	vadd.f32 v9, v5;
	v6 =	vld [tilespmem:s9+$0x80]  }
0x120: {  	v9 =	vld [tilespmem:s9+$0x90];
	v15 =	vperm.xlane v14, v2;
	v4 =	vadd.f32 v11, v4  }
0x121: {  	v5 =	vadd.f32 v13, v5;
	v11 =	vld [tilespmem:s9+$0xA0]  }
0x122: {  	v13 =	vld [tilespmem:s9+$0xB0];
	v14 =	vadd.f32 v14, v15;
	v4 =	vadd.f32 v7, v4  }
0x123: {  	v5 =	vadd.f32 v10, v5;
	v7 =	vld [tilespmem:s9+$0xC0]  }
0x124: {  	v10 =	vld [tilespmem:s9+$0xD0];
	v15 =	vperm.xlane v14, v3;
	v4 =	vadd.f32 v6, v4  }
0x125: {  	v5 =	vadd.f32 v9, v5;
	v6 =	vld [tilespmem:s9+$0xE0]  }
0x126: {  	v9 =	vld [tilespmem:s9+$0xF0];
	v14 =	vadd.f32 v14, v15;
	v4 =	vadd.f32 v11, v4  }
0x127: {  	v5 =	vadd.f32 v13, v5;
	v11 =	vld [tilespmem:s9+$0x100]  }
0x128: {  	v13 =	vld [tilespmem:s9+$0x110];
	(erf) = vrcp.f32 v14;
	v4 =	vadd.f32 v7, v4  }
0x129: {  	v5 =	vadd.f32 v10, v5;
	v7 =	vld [tilespmem:s9+$0x120]  }
0x12a: {  	v10 =	vld [tilespmem:s9+$0x130];
	v4 =	vadd.f32 v6, v4  }
0x12b: {  	v5 =	vadd.f32 v9, v5  }
0x12c: {  	v4 =	vadd.f32 v11, v4  }
0x12d: {  	v5 =	vadd.f32 v13, v5  }
0x12e: {  	v4 =	vadd.f32 v7, v4  }
0x12f: {  	v5 =	vadd.f32 v10, v5  }
0x130: {  	v4 =	vmul.f32 v12, v4  }
0x131: {  	v6 =	vpop (erf);
	v5 =	vmul.f32 v8, v5  }
0x132: {  	s16 =	sadd.s32 s8, s15;
	v4 =	vmul.f32 v6, v4  }
0x133: {  	s9 =	smul.u32 $0xC8, s16;
	v5 =	vmul.f32 v6, v5  }
0x134: {  	[tilespmem:s0+$0x19000] =	vst v4  }
0x135: {  	s17 =	sadd.s32 s2, s9;
	[tilespmem:s0+$0x19010] =	vst v5  }
0x136: {  	[hbm4b:s17+s3] =	stream.linear.scatter [tilespmem:s23], [sflag:$0x5], $0x640, $0x38;
	[tilespmem:$0x19C80] =	vst v63  }
0x137: {  	_ =	swait.ge [sflag:s24], $0x7D00  }
0x138: {  	[sflag:s24] =	ssyncset.done $0x0  }
0x139: {  	p0 =	seq.s32 s31, $0xF;
	[sflag:s24] =	ssyncadd.s32 $0xFFFF8300  }
0x13a: {  	s0 =	sadd.s32 @!p0 $0x2, s15;
	_ =	swait.ge [sflag:s25], $0x640  }
0x13b: {  	s9 =	smul.u32 @!p0 $0xFA0, s0;
	[sflag:s25] =	ssyncset.done $0x0  }
0x13c: {  	s0 =	smul.u32 @!p0 $0x640, s0;
	[sflag:s25] =	ssyncadd.s32 $0xFFFFF9C0  }
0x13d: {  	s10 =	simm.s32 @!p0 $0x3E8;
	_ =	swait.ge [sflag:s25], $0x640  }
0x13e: {  	s11 =	simm.s32 @!p0 $0x7D00;
	s0 =	sadd.s32 @!p0 s5, s0;
	[sflag:s25] =	ssyncset.done $0x0  }
0x13f: {  	s9 =	sshra.s32 @!p0 s9, $0x2;
	s0 =	sshrl.u32 @!p0 s0, $0x3;
	[sflag:s25] =	ssyncadd.s32 $0xFFFFF9C0  }
0x140: {  	[tilespmem:s11], [sflag:$0x1] =	stream.indirect.gather @!p0 [hbm4b:s4+s10], $0x20, s9, s10, $0xb8;
	[tilespmem:$0x19C80] =	vst v63  }
0x141: {  	s9 =	sadd.s32 @!p0 s6, s0;
	s10 =	simm.s32 @!p0 $0x0;
	s11 =	simm.s32 @!p0 $0x17700  }
0x142: {  	[tilespmem:s11], [sflag:$0x3] =	stream.linear.gather @!p0 [hbm4b:s9+s10], $0x640, $0x38;
	[tilespmem:$0x19C80] =	vst v63  }
0x143: {  	p1 =	seq.s32 @!p0 s31, $0x0;
	s0 =	sadd.s32 @!p0 s7, s0;
	s9 =	simm.s32 @!p0 $0x18380  }
0x144: {  	[tilespmem:s9], [sflag:$0x3] =	stream.linear.gather @!p0 [hbm4b:s0+s10], $0x640, $0x38;
	[tilespmem:$0x19C80] =	vst v63  }
0x145: {  	p0 =	por p0, !p1  }
0x146: {  	_ =	swait.ge @p0 [sflag:s29], $0x640  }
0x147: {  	[sflag:s29] =	ssyncset.done @p0 $0x0  }
0x148: {  	s16 =	simm.s32 $0x0;
	[sflag:s29] =	ssyncadd.s32 @p0 $0xFFFFF9C0  }
0x149: {  	v4 =	vld [tilespmem:s16+$0x17D40]  }
0x14a: {  	v5 =	vld [tilespmem:s16+$0x17D50];
	_ =	sdelay $0x4  }
0x14b: {  	v8 =	vmul.f32 $3.125000000e-02, v4;
	v9 =	vmul.f32 $3.125000000e-02, v5;
	_ =	sdelay $0x1  }
0x14c: {  	v4 =	vmul.f32 v8, v4;
	v5 =	vmul.f32 v9, v5;
	_ =	sdelay $0x1  }
0x14d: {  	v6 =	vmax.f32 v4, v5  }
0x14e: {  	v7 =	vperm.xlane v6, v0;
	_ =	sdelay $0x1  }
0x14f: {  	v6 =	vmax.f32 v6, v7  }
0x150: {  	v7 =	vperm.xlane v6, v1;
	_ =	sdelay $0x1  }
0x151: {  	v6 =	vmax.f32 v6, v7  }
0x152: {  	v7 =	vperm.xlane v6, v2;
	_ =	sdelay $0x1  }
0x153: {  	v6 =	vmax.f32 v6, v7  }
0x154: {  	v7 =	vperm.xlane v6, v3;
	_ =	sdelay $0x1  }
0x155: {  	v6 =	vmax.f32 v6, v7  }
0x156: {  	v4 =	vsub.f32 v4, v6  }
0x157: {  	v5 =	vsub.f32 v5, v6  }
0x158: {  	v4 =	vmul.f32 $1.442695020e+00, v4  }
0x159: {  	v5 =	vmul.f32 $1.442695020e+00, v5  }
0x15a: {  	(erf) = vpow2.f32 v4  }
0x15b: {  	(erf) = vpow2.f32 v5;
	_ =	sdelay $0x7  }
0x15c: {  	v4 =	vpop (erf)  }
0x15d: {  	v5 =	vpop (erf)  }
0x15e: {  	v6 =	vadd.f32 v5, v4;
	_ =	sdelay $0x1  }
0x15f: {  	v7 =	vperm.xlane v6, v0;
	_ =	sdelay $0x1  }
0x160: {  	v6 =	vadd.f32 v6, v7;
	_ =	sdelay $0x1  }
0x161: {  	s15 =	simm.s32 $0x20;
	v7 =	vperm.xlane v6, v1  }
0x162: {  	v10 =	vld [tilespmem:s15+$0x17D40]  }
0x163: {  	v11 =	vld [tilespmem:s15+$0x17D50];
	v6 =	vadd.f32 v6, v7;
	_ =	sdelay $0x1  }
0x164: {  	v7 =	vperm.xlane v6, v2;
	_ =	sdelay $0x1  }
0x165: {  	v12 =	vadd.f32 v6, v7  }
0x166: {  	v6 =	vmul.f32 $3.125000000e-02, v10;
	v7 =	vmul.f32 $3.125000000e-02, v11  }
0x167: {  	v13 =	vperm.xlane v12, v3  }
0x168: {  	v10 =	vmul.f32 v6, v10;
	v11 =	vmul.f32 v7, v11  }
0x169: {  	v12 =	vadd.f32 v12, v13  }
0x16a: {  	v13 =	vmax.f32 v10, v11  }
0x16b: {  	v14 =	vperm.xlane v13, v0;
	(erf) = vrcp.f32 v12;
	_ =	sdelay $0x1  }
0x16c: {  	v12 =	vmax.f32 v13, v14  }
0x16d: {  	v13 =	vld [tilespmem:s16+$0x189C0];
	v14 =	vperm.xlane v12, v1  }
0x16e: {  	v15 =	vld [tilespmem:s16+$0x189D0]  }
0x16f: {  	v12 =	vmax.f32 v12, v14  }
0x170: {  	v14 =	vperm.xlane v12, v2;
	_ =	sdelay $0x1  }
0x171: {  	v4 =	vmul.f32 v4, v13;
	v12 =	vmax.f32 v12, v14  }
0x172: {  	v5 =	vmul.f32 v5, v15;
	v14 =	vperm.xlane v12, v3;
	v16 =	vpop (erf)  }
0x173: {  	v4 =	vmul.f32 v16, v4  }
0x174: {  	v5 =	vmul.f32 v16, v5;
	v12 =	vmax.f32 v12, v14  }
0x175: {  	v4 =	vadd.f32 v4, v8;
	v8 =	vsub.f32 v10, v12  }
0x176: {  	v10 =	vsub.f32 v11, v12;
	v5 =	vadd.f32 v5, v9  }
0x177: {  	v14 =	vmul.f32 v4, v13;
	v4 =	vmul.f32 $1.442695020e+00, v8  }
0x178: {  	v8 =	vmul.f32 $1.442695020e+00, v10;
	v15 =	vmul.f32 v5, v15  }
0x179: {  	s0 =	simm.s32 $0x40;
	(erf) = vpow2.f32 v4  }
0x17a: {  	v10 =	vld [tilespmem:s0+$0x17D40];
	v4 =	vmax.f32 v14, v15;
	(erf) = vpow2.f32 v8  }
0x17b: {  	v13 =	vld [tilespmem:s0+$0x17D50];
	v5 =	vperm.xlane v4, v0;
	_ =	sdelay $0x1  }
0x17c: {  	v4 =	vmax.f32 v4, v5  }
0x17d: {  	v8 =	vperm.xlane v4, v1  }
0x17e: {  	s9 =	simm.s32 $0xFB40  }
0x17f: {  	v18 =	vld [tilespmem:s9+$0xFFFFFEC0];
	v5 =	vmul.f32 $3.125000000e-02, v10;
	v16 =	vmax.f32 v4, v8;
	v4 =	vmul.f32 $3.125000000e-02, v13  }
0x180: {  	v22 =	vld [tilespmem:s9+$0xFFFFFEE0];
	v17 =	vperm.xlane v16, v2  }
0x181: {  	v24 =	vld [tilespmem:s9+$0xFFFFFEF0];
	v11 =	vmul.f32 v5, v10;
	v10 =	vmul.f32 v4, v13;
	v12 =	vpop (erf)  }
0x182: {  	v25 =	vld [tilespmem:s9+$0xFFFFFF10];
	v16 =	vmax.f32 v16, v17;
	v13 =	vpop (erf)  }
0x183: {  	v17 =	vld [tilespmem:s9+$0xFFFFFED0];
	v20 =	vperm.xlane v16, v3;
	v21 =	vmax.f32 v11, v10;
	v19 =	vadd.f32 v13, v12  }
0x184: {  	v26 =	vld [tilespmem:s9+$0xFFFFFF30];
	v18 =	vadd.f32 $0.0e+00, v18;
	v23 =	vperm.xlane v21, v0  }
0x185: {  	v27 =	vld [tilespmem:s9+$0xFFFFFF20];
	v16 =	vmax.f32 v16, v20;
	v20 =	vperm.xlane v19, v0  }
0x186: {  	v22 =	vadd.f32 v22, v18;
	v14 =	vsub.f32 v14, v16;
	v21 =	vmax.f32 v21, v23;
	v23 =	vld [tilespmem:s9+$0xFFFFFF00]  }
0x187: {  	v18 =	vld [tilespmem:s9+$0xFFFFFF70];
	v15 =	vsub.f32 v15, v16;
	v16 =	vperm.xlane v21, v1;
	v19 =	vadd.f32 v19, v20  }
0x188: {  	v9 =	vld [tilespmem:s15+$0x189C0];
	v20 =	vadd.f32 $0.0e+00, v17;
	v14 =	vmul.f32 $1.442695020e+00, v14  }
0x189: {  	v8 =	vld [tilespmem:s15+$0x189D0];
	v15 =	vmul.f32 $1.442695020e+00, v15;
	v62 =	vmax.f32 v21, v16;
	v16 =	vperm.xlane v19, v1  }
0x18a: {  	v17 =	vld [tilespmem:s9+$0xFFFFFF50];
	v63 =	vperm.xlane v62, v2;
	v20 =	vadd.f32 v24, v20;
	(erf) = vpow2.f32 v14  }
0x18b: {  	v21 =	vld [tilespmem:s9+$0xFFFFFF40];
	v23 =	vadd.f32 v23, v22;
	(erf) = vpow2.f32 v15  }
0x18c: {  	v22 =	vld [tilespmem:s9+$0xFFFFFF60];
	v16 =	vadd.f32 v19, v16;
	v14 =	vmax.f32 v62, v63;
	v24 =	vadd.f32 v25, v20  }
0x18d: {  	v20 =	vld [tilespmem:s9+$0xFFFFFF90];
	v15 =	vperm.xlane v14, v3  }
0x18e: {  	s11 =	simm.s32 $0x180;
	s10 =	simm.s32 $0xFB40;
	v25 =	vadd.f32 v27, v23;
	v23 =	vld [tilespmem:s9+$0xFFFFFF80];
	v19 =	vperm.xlane v16, v2;
	v24 =	vadd.f32 v26, v24  }
.LBB2_5:
0x18f: {  	p0 =	sne.s32 s11, $0x1880  }
0x190: {  	v21 =	vadd.f32 v21, v25;
	v25 =	vld [tilespmem:s9+$0xFFFFFFB0];
	s10 =	sadd.s32 $0x280, s10;
	s12 =	smov.u32 s11;
	s11 =	sadd.s32 $0x80, s11  }
0x191: {  	v17 =	vadd.f32 v17, v24;
	v24 =	vld [tilespmem:s9+$0xFFFFFFA0]  }
0x192: {  	v21 =	vadd.f32 v22, v21;
	v22 =	vld [tilespmem:s9+$0xFFFFFFD0]  }
0x193: {  	v17 =	vadd.f32 v18, v17;
	v18 =	vld [tilespmem:s9+$0xFFFFFFC0];
	v26 =	vpop (erf)  }
0x194: {  	v16 =	vadd.f32 v16, v19;
	v19 =	vadd.f32 v23, v21;
	v21 =	vld [tilespmem:s9+$0xFFFFFFF0];
	v23 =	vpop (erf)  }
0x195: {  	v17 =	vadd.f32 v20, v17;
	v20 =	vld [tilespmem:s9+$0xFFFFFFE0];
	v27 =	vadd.f32 v23, v26  }
0x196: {  	v28 =	vperm.xlane v16, v3;
	v19 =	vadd.f32 v24, v19;
	v24 =	vld [tilespmem:s9+$0x10]  }
0x197: {  	v17 =	vadd.f32 v25, v17;
	v25 =	vld [tilespmem:s9+$0x0];
	v29 =	vperm.xlane v27, v0  }
0x198: {  	v16 =	vadd.f32 v16, v28;
	v18 =	vadd.f32 v18, v19;
	v19 =	vld [tilespmem:s9+$0x30]  }
0x199: {  	v17 =	vadd.f32 v22, v17;
	v22 =	vld [tilespmem:s9+$0x20];
	v27 =	vadd.f32 v27, v29  }
0x19a: {  	(erf) = vrcp.f32 v16;
	v16 =	vadd.f32 v20, v18;
	v18 =	vld [tilespmem:s9+$0x50]  }
0x19b: {  	v17 =	vadd.f32 v21, v17;
	v20 =	vld [tilespmem:s9+$0x40];
	v21 =	vperm.xlane v27, v1  }
0x19c: {  	v16 =	vadd.f32 v25, v16;
	v25 =	vld [tilespmem:s9+$0x70]  }
0x19d: {  	v17 =	vadd.f32 v24, v17;
	v24 =	vld [tilespmem:s9+$0x60];
	v21 =	vadd.f32 v27, v21  }
0x19e: {  	v16 =	vadd.f32 v22, v16;
	v22 =	vld [tilespmem:s9+$0x90]  }
0x19f: {  	v17 =	vadd.f32 v19, v17;
	v19 =	vld [tilespmem:s9+$0x80];
	v27 =	vperm.xlane v21, v2  }
0x1a0: {  	v16 =	vadd.f32 v20, v16;
	v20 =	vld [tilespmem:s9+$0xB0]  }
0x1a1: {  	v17 =	vadd.f32 v18, v17;
	v18 =	vld [tilespmem:s9+$0xA0];
	v21 =	vadd.f32 v21, v27  }
0x1a2: {  	v12 =	vmul.f32 v12, v9;
	v13 =	vmul.f32 v13, v8;
	v16 =	vadd.f32 v24, v16;
	v24 =	vld [tilespmem:s9+$0xD0]  }
0x1a3: {  	v27 =	vpop (erf);
	v17 =	vadd.f32 v25, v17;
	v25 =	vld [tilespmem:s9+$0xC0];
	v28 =	vperm.xlane v21, v3  }
0x1a4: {  	v12 =	vmul.f32 v27, v12;
	v13 =	vmul.f32 v27, v13;
	v16 =	vadd.f32 v19, v16;
	v19 =	vld [tilespmem:s9+$0xF0]  }
0x1a5: {  	v17 =	vadd.f32 v22, v17;
	v22 =	vld [tilespmem:s9+$0xE0];
	v21 =	vadd.f32 v21, v28  }
0x1a6: {  	v14 =	vmax.f32 v14, v15;
	v12 =	vadd.f32 v12, v6;
	v15 =	vadd.f32 v18, v16;
	v16 =	vld [tilespmem:s9+$0x110];
	v6 =	vmovc v5  }
0x1a7: {  	v5 =	vsub.f32 v11, v14;
	v11 =	vadd.f32 v20, v17;
	v17 =	vld [tilespmem:s9+$0x100];
	(erf) = vrcp.f32 v21  }
0x1a8: {  	v10 =	vsub.f32 v10, v14;
	v14 =	vmul.f32 v12, v9;
	v9 =	vadd.f32 v25, v15;
	v12 =	vld [tilespmem:s9+$0x130]  }
0x1a9: {  	v13 =	vadd.f32 v13, v7;
	v7 =	vmovc v4;
	v5 =	vmul.f32 $1.442695020e+00, v5;
	v11 =	vadd.f32 v24, v11;
	v15 =	vld [tilespmem:s9+$0x120];
	s9 =	smov.u32 s10  }
0x1aa: {  	v4 =	vmul.f32 $1.442695020e+00, v10;
	v9 =	vadd.f32 v22, v9  }
0x1ab: {  	v18 =	vmul.f32 v13, v8;
	(erf) = vpow2.f32 v5;
	v5 =	vadd.f32 v19, v11  }
0x1ac: {  	s12 =	sshra.s32 s12, $0x2;
	(erf) = vpow2.f32 v4;
	v4 =	vadd.f32 v17, v9  }
0x1ad: {  	v8 =	vmax.f32 v14, v18;
	v10 =	vld [tilespmem:s12+$0x17D40];
	v5 =	vadd.f32 v16, v5  }
0x1ae: {  	v11 =	vperm.xlane v8, v0;
	v4 =	vadd.f32 v15, v4  }
0x1af: {  	v15 =	vld [tilespmem:s12+$0x17D50];
	v5 =	vadd.f32 v12, v5  }
0x1b0: {  	v8 =	vmax.f32 v8, v11;
	v4 =	vmul.f32 v26, v4;
	v9 =	vpop (erf)  }
0x1b1: {  	v11 =	vperm.xlane v8, v1;
	v17 =	vmul.f32 v23, v5  }
0x1b2: {  	v19 =	vmul.f32 v9, v4  }
0x1b3: {  	v16 =	vmax.f32 v8, v11;
	v5 =	vmul.f32 $3.125000000e-02, v10;
	v11 =	vmul.f32 v9, v17  }
0x1b4: {  	v17 =	vperm.xlane v16, v2;
	v4 =	vmul.f32 $3.125000000e-02, v15;
	v8 =	vld [tilespmem:s0+$0x189D0];
	v12 =	vpop (erf);
	[tilespmem:s16+$0x19640] =	vst v19  }
0x1b5: {  	v9 =	vld [tilespmem:s0+$0x189C0];
	v13 =	vpop (erf);
	[tilespmem:s16+$0x19650] =	vst v11;
	s16 =	smov.u32 s15;
	s15 =	smov.u32 s0;
	s0 =	smov.u32 s12  }
0x1b6: {  	v11 =	vmul.f32 v5, v10;
	v16 =	vmax.f32 v16, v17;
	v10 =	vmul.f32 v4, v15;
	v15 =	vld [tilespmem:s10+$0xFFFFFEC0]  }
0x1b7: {  	v17 =	vadd.f32 v13, v12;
	v20 =	vperm.xlane v16, v3;
	v19 =	vld [tilespmem:s10+$0xFFFFFED0]  }
0x1b8: {  	v21 =	vmax.f32 v11, v10;
	v22 =	vld [tilespmem:s10+$0xFFFFFEE0]  }
0x1b9: {  	v16 =	vmax.f32 v16, v20;
	v23 =	vperm.xlane v21, v0;
	v24 =	vld [tilespmem:s10+$0xFFFFFEF0]  }
0x1ba: {  	v20 =	vperm.xlane v17, v0;
	v14 =	vsub.f32 v14, v16;
	v16 =	vsub.f32 v18, v16;
	v25 =	vld [tilespmem:s10+$0xFFFFFF10]  }
0x1bb: {  	v18 =	vmax.f32 v21, v23;
	v15 =	vadd.f32 $0.0e+00, v15;
	v23 =	vld [tilespmem:s10+$0xFFFFFF00]  }
0x1bc: {  	v20 =	vadd.f32 v17, v20;
	v14 =	vmul.f32 $1.442695020e+00, v14;
	v21 =	vperm.xlane v18, v1;
	v26 =	vld [tilespmem:s10+$0xFFFFFF30]  }
0x1bd: {  	v16 =	vmul.f32 $1.442695020e+00, v16;
	v19 =	vadd.f32 $0.0e+00, v19;
	v15 =	vadd.f32 v22, v15;
	v27 =	vld [tilespmem:s10+$0xFFFFFF20]  }
0x1be: {  	v22 =	vmax.f32 v18, v21;
	v18 =	vperm.xlane v20, v1;
	v17 =	vld [tilespmem:s10+$0xFFFFFF50];
	(erf) = vpow2.f32 v14  }
.Ltmp1:
0x1bf: {  	v19 =	vadd.f32 v24, v19;
	v14 =	vperm.xlane v22, v2;
	v21 =	vld [tilespmem:s10+$0xFFFFFF40];
	(erf) = vpow2.f32 v16;
	(pc) =	sbr.rel @p0 .LBB2_5-.Ltmp1, $4  }
0x1c0: {  	v16 =	vadd.f32 v20, v18;
	v20 =	vadd.f32 v23, v15;
	v18 =	vld [tilespmem:s10+$0xFFFFFF70]  }
0x1c1: {  	v23 =	vadd.f32 v25, v19;
	v14 =	vmax.f32 v22, v14;
	v22 =	vld [tilespmem:s10+$0xFFFFFF60]  }
0x1c2: {  	v15 =	vperm.xlane v14, v3;
	v19 =	vperm.xlane v16, v2;
	v25 =	vadd.f32 v27, v20;
	v20 =	vld [tilespmem:s10+$0xFFFFFF90]  }
0x1c3: {  	v24 =	vadd.f32 v26, v23;
	v23 =	vld [tilespmem:s10+$0xFFFFFF80]  }
0x1c4: {  	v21 =	vadd.f32 v21, v25  }
0x1c5: {  	v42 =	vld [tilespmem:s9+$0xFFFFFFA0];
	v17 =	vadd.f32 v17, v24  }
0x1c6: {  	v43 =	vld [tilespmem:s9+$0xFFFFFFB0];
	v21 =	vadd.f32 v22, v21  }
0x1c7: {  	v44 =	vld [tilespmem:s9+$0xFFFFFFC0];
	v16 =	vadd.f32 v16, v19;
	v17 =	vadd.f32 v18, v17  }
0x1c8: {  	v45 =	vld [tilespmem:s9+$0xFFFFFFD0];
	v26 =	vpop (erf);
	v21 =	vadd.f32 v23, v21  }
0x1c9: {  	v46 =	vld [tilespmem:s9+$0xFFFFFFE0];
	v50 =	vperm.xlane v16, v3;
	v23 =	vpop (erf);
	v17 =	vadd.f32 v20, v17  }
0x1ca: {  	v27 =	vld [tilespmem:s9+$0xFFFFFFF0];
	v28 =	vadd.f32 v23, v26;
	v21 =	vadd.f32 v42, v21  }
0x1cb: {  	v47 =	vld [tilespmem:s9+$0x0];
	v16 =	vadd.f32 v16, v50;
	v17 =	vadd.f32 v43, v17  }
0x1cc: {  	v48 =	vld [tilespmem:s9+$0x10];
	v49 =	vperm.xlane v28, v0;
	v18 =	vadd.f32 v44, v21  }
0x1cd: {  	v51 =	vld [tilespmem:s9+$0x20];
	(erf) = vrcp.f32 v16;
	v17 =	vadd.f32 v45, v17  }
0x1ce: {  	v29 =	vld [tilespmem:s9+$0x30];
	v25 =	vadd.f32 v28, v49;
	v18 =	vadd.f32 v46, v18  }
0x1cf: {  	v52 =	vld [tilespmem:s9+$0x40];
	v17 =	vadd.f32 v27, v17  }
0x1d0: {  	v53 =	vld [tilespmem:s9+$0x50];
	v54 =	vperm.xlane v25, v1;
	v18 =	vadd.f32 v47, v18  }
0x1d1: {  	v56 =	vld [tilespmem:s9+$0x60];
	v55 =	vadd.f32 v48, v17  }
0x1d2: {  	v57 =	vld [tilespmem:s9+$0x70];
	v58 =	vadd.f32 v25, v54;
	v18 =	vadd.f32 v51, v18  }
0x1d3: {  	v59 =	vld [tilespmem:s9+$0x80];
	v16 =	vadd.f32 v29, v55  }
0x1d4: {  	v60 =	vld [tilespmem:s9+$0x90];
	v27 =	vperm.xlane v58, v2;
	v18 =	vadd.f32 v52, v18  }
0x1d5: {  	v61 =	vld [tilespmem:s9+$0xA0];
	v12 =	vmul.f32 v12, v9;
	v16 =	vadd.f32 v53, v16  }
0x1d6: {  	v62 =	vld [tilespmem:s9+$0xB0];
	v34 =	vpop (erf);
	v24 =	vadd.f32 v58, v27;
	v17 =	vadd.f32 v56, v18  }
0x1d7: {  	v63 =	vld [tilespmem:s9+$0xC0];
	v13 =	vmul.f32 v13, v8;
	v12 =	vmul.f32 v34, v12;
	v16 =	vadd.f32 v57, v16  }
0x1d8: {  	v32 =	vld [tilespmem:s9+$0xD0];
	v27 =	vperm.xlane v24, v3;
	v17 =	vadd.f32 v59, v17  }
0x1d9: {  	v33 =	vld [tilespmem:s9+$0xE0];
	v13 =	vmul.f32 v34, v13;
	v6 =	vadd.f32 v12, v6;
	v16 =	vadd.f32 v60, v16  }
0x1da: {  	v35 =	vld [tilespmem:s9+$0xF0];
	v24 =	vadd.f32 v24, v27;
	v17 =	vadd.f32 v61, v17  }
0x1db: {  	v36 =	vld [tilespmem:s9+$0x100];
	v7 =	vadd.f32 v13, v7;
	v16 =	vadd.f32 v62, v16  }
0x1dc: {  	v37 =	vld [tilespmem:s9+$0x110];
	(erf) = vrcp.f32 v24;
	v17 =	vadd.f32 v63, v17  }
0x1dd: {  	v38 =	vld [tilespmem:s9+$0x120];
	v6 =	vmul.f32 v6, v9;
	v7 =	vmul.f32 v7, v8;
	v39 =	vadd.f32 v32, v16  }
0x1de: {  	v41 =	vld [tilespmem:s9+$0x130];
	v40 =	vadd.f32 v33, v17  }
0x1df: {  	v44 =	vmax.f32 v6, v7;
	v13 =	vadd.f32 v35, v39  }
0x1e0: {  	v42 =	vmax.f32 v14, v15;
	v45 =	vperm.xlane v44, v0;
	v43 =	vadd.f32 v36, v40  }
0x1e1: {  	v11 =	vsub.f32 v11, v42;
	v13 =	vadd.f32 v37, v13  }
0x1e2: {  	v8 =	vsub.f32 v10, v42;
	v10 =	vmax.f32 v44, v45;
	v12 =	vadd.f32 v38, v43  }
0x1e3: {  	v11 =	vmul.f32 $1.442695020e+00, v11;
	v47 =	vperm.xlane v10, v1;
	v9 =	vadd.f32 v41, v13  }
0x1e4: {  	v8 =	vmul.f32 $1.442695020e+00, v8;
	v12 =	vmul.f32 v26, v12  }
0x1e5: {  	(erf) = vpow2.f32 v11;
	v10 =	vmax.f32 v10, v47;
	v46 =	vpop (erf);
	v9 =	vmul.f32 v23, v9  }
0x1e6: {  	v48 =	vperm.xlane v10, v2;
	v12 =	vmul.f32 v46, v12  }
0x1e7: {  	(erf) = vpow2.f32 v8;
	v9 =	vmul.f32 v46, v9  }
0x1e8: {  	v8 =	vld [tilespmem:s0+$0x189D0];
	[tilespmem:s16+$0x19640] =	vst v12  }
0x1e9: {  	s12 =	sadd.s32 $0x280, s10;
	v10 =	vmax.f32 v10, v48;
	v12 =	vld [tilespmem:s0+$0x189C0];
	[tilespmem:s16+$0x19650] =	vst v9  }
0x1ea: {  	v50 =	vperm.xlane v10, v3;
	v9 =	vld [tilespmem:s12+$0xFFFFFEC0]  }
0x1eb: {  	v49 =	vld [tilespmem:s12+$0xFFFFFED0]  }
0x1ec: {  	v10 =	vmax.f32 v10, v50;
	v51 =	vld [tilespmem:s12+$0xFFFFFEE0]  }
0x1ed: {  	v6 =	vsub.f32 v6, v10;
	v52 =	vld [tilespmem:s12+$0xFFFFFEF0]  }
0x1ee: {  	v7 =	vsub.f32 v7, v10;
	v53 =	vld [tilespmem:s12+$0xFFFFFF00]  }
0x1ef: {  	v13 =	vpop (erf);
	v6 =	vmul.f32 $1.442695020e+00, v6;
	v54 =	vld [tilespmem:s12+$0xFFFFFF10];
	v9 =	vadd.f32 $0.0e+00, v9  }
0x1f0: {  	v7 =	vmul.f32 $1.442695020e+00, v7;
	v56 =	vld [tilespmem:s12+$0xFFFFFF20];
	v17 =	vpop (erf);
	v11 =	vadd.f32 $0.0e+00, v49  }
0x1f1: {  	v57 =	vld [tilespmem:s12+$0xFFFFFF30];
	(erf) = vpow2.f32 v6;
	v55 =	vadd.f32 v17, v13;
	v9 =	vadd.f32 v51, v9  }
0x1f2: {  	v60 =	vld [tilespmem:s12+$0xFFFFFF40];
	(erf) = vpow2.f32 v7;
	v59 =	vadd.f32 v52, v11  }
0x1f3: {  	v61 =	vld [tilespmem:s12+$0xFFFFFF50];
	v58 =	vperm.xlane v55, v0;
	v62 =	vadd.f32 v53, v9  }
0x1f4: {  	v21 =	vld [tilespmem:s12+$0xFFFFFF60];
	v6 =	vadd.f32 v54, v59  }
0x1f5: {  	v22 =	vld [tilespmem:s12+$0xFFFFFF70];
	v63 =	vadd.f32 v55, v58;
	v7 =	vadd.f32 v56, v62  }
0x1f6: {  	v24 =	vld [tilespmem:s12+$0xFFFFFF80];
	v6 =	vadd.f32 v57, v6  }
0x1f7: {  	v25 =	vld [tilespmem:s12+$0xFFFFFF90];
	v23 =	vperm.xlane v63, v1;
	v7 =	vadd.f32 v60, v7  }
0x1f8: {  	v26 =	vld [tilespmem:s12+$0xFFFFFFA0];
	v6 =	vadd.f32 v61, v6  }
0x1f9: {  	v27 =	vld [tilespmem:s12+$0xFFFFFFB0];
	v9 =	vadd.f32 v63, v23;
	v7 =	vadd.f32 v21, v7  }
0x1fa: {  	v29 =	vld [tilespmem:s12+$0xFFFFFFC0];
	v31 =	vpop (erf);
	v6 =	vadd.f32 v22, v6  }
0x1fb: {  	v30 =	vld [tilespmem:s12+$0xFFFFFFD0];
	v32 =	vpop (erf);
	v28 =	vperm.xlane v9, v2;
	v7 =	vadd.f32 v24, v7  }
0x1fc: {  	v33 =	vld [tilespmem:s12+$0xFFFFFFE0];
	v35 =	vadd.f32 v32, v31;
	v6 =	vadd.f32 v25, v6  }
0x1fd: {  	v34 =	vld [tilespmem:s12+$0xFFFFFFF0];
	v9 =	vadd.f32 v9, v28;
	v7 =	vadd.f32 v26, v7  }
0x1fe: {  	v37 =	vld [tilespmem:s12+$0x0];
	v39 =	vperm.xlane v35, v0;
	v6 =	vadd.f32 v27, v6  }
0x1ff: {  	v38 =	vld [tilespmem:s12+$0x10];
	v36 =	vperm.xlane v9, v3;
	v7 =	vadd.f32 v29, v7  }
0x200: {  	v40 =	vld [tilespmem:s12+$0x20];
	v42 =	vadd.f32 v35, v39;
	v6 =	vadd.f32 v30, v6  }
0x201: {  	v41 =	vld [tilespmem:s12+$0x30];
	v9 =	vadd.f32 v9, v36;
	v7 =	vadd.f32 v33, v7  }
0x202: {  	v43 =	vld [tilespmem:s12+$0x40];
	v6 =	vadd.f32 v34, v6  }
0x203: {  	v44 =	vld [tilespmem:s12+$0x50];
	v45 =	vperm.xlane v42, v1;
	(erf) = vrcp.f32 v9;
	v7 =	vadd.f32 v37, v7  }
0x204: {  	v46 =	vld [tilespmem:s12+$0x60];
	v6 =	vadd.f32 v38, v6  }
0x205: {  	v47 =	vld [tilespmem:s12+$0x70];
	v16 =	vadd.f32 v42, v45;
	v7 =	vadd.f32 v40, v7  }
0x206: {  	v48 =	vld [tilespmem:s12+$0x80];
	v6 =	vadd.f32 v41, v6  }
0x207: {  	v49 =	vld [tilespmem:s12+$0x90];
	v19 =	vperm.xlane v16, v2;
	v7 =	vadd.f32 v43, v7  }
0x208: {  	v50 =	vld [tilespmem:s12+$0xA0];
	v6 =	vadd.f32 v44, v6  }
0x209: {  	v51 =	vld [tilespmem:s12+$0xB0];
	v16 =	vadd.f32 v16, v19;
	v7 =	vadd.f32 v46, v7  }
0x20a: {  	v52 =	vld [tilespmem:s12+$0xC0];
	v6 =	vadd.f32 v47, v6  }
0x20b: {  	v13 =	vmul.f32 v13, v12;
	v53 =	vld [tilespmem:s12+$0xD0];
	v54 =	vperm.xlane v16, v3;
	v7 =	vadd.f32 v48, v7  }
0x20c: {  	v55 =	vmul.f32 v17, v8;
	v57 =	vld [tilespmem:s12+$0xE0];
	v56 =	vpop (erf);
	v6 =	vadd.f32 v49, v6  }
0x20d: {  	v58 =	vld [tilespmem:s12+$0xF0];
	v16 =	vadd.f32 v16, v54;
	v13 =	vmul.f32 v56, v13;
	v7 =	vadd.f32 v50, v7  }
0x20e: {  	v60 =	vld [tilespmem:s12+$0x100];
	v59 =	vmul.f32 v56, v55;
	v6 =	vadd.f32 v51, v6  }
0x20f: {  	v61 =	vld [tilespmem:s12+$0x110];
	(erf) = vrcp.f32 v16;
	v5 =	vadd.f32 v13, v5;
	v7 =	vadd.f32 v52, v7  }
0x210: {  	v62 =	vld [tilespmem:s12+$0x120];
	v4 =	vadd.f32 v59, v4;
	v6 =	vadd.f32 v53, v6  }
0x211: {  	v63 =	vld [tilespmem:s12+$0x130];
	v7 =	vadd.f32 v57, v7  }
0x212: {  	v5 =	vmul.f32 v5, v12;
	v4 =	vmul.f32 v4, v8;
	v6 =	vadd.f32 v58, v6  }
0x213: {  	v7 =	vadd.f32 v60, v7  }
0x214: {  	v8 =	vmax.f32 v5, v4;
	v6 =	vadd.f32 v61, v6  }
0x215: {  	v14 =	vperm.xlane v8, v0;
	v7 =	vadd.f32 v62, v7  }
0x216: {  	v6 =	vadd.f32 v63, v6  }
0x217: {  	v8 =	vmax.f32 v8, v14;
	v7 =	vmul.f32 v31, v7  }
0x218: {  	v16 =	vpop (erf);
	v11 =	vperm.xlane v8, v1;
	v6 =	vmul.f32 v32, v6  }
0x219: {  	v7 =	vmul.f32 v16, v7  }
0x21a: {  	v8 =	vmax.f32 v8, v11;
	v6 =	vmul.f32 v16, v6  }
0x21b: {  	v17 =	vperm.xlane v8, v2;
	[tilespmem:s15+$0x19640] =	vst v7  }
0x21c: {  	s9 =	sadd.s32 $0x280, s12;
	[tilespmem:s15+$0x19650] =	vst v6  }
0x21d: {  	v18 =	vmax.f32 v8, v17;
	v6 =	vld [tilespmem:s9+$0xFFFFFEC0]  }
0x21e: {  	v9 =	vperm.xlane v18, v3;
	v19 =	vld [tilespmem:s9+$0xFFFFFED0]  }
0x21f: {  	v20 =	vld [tilespmem:s9+$0xFFFFFEE0]  }
0x220: {  	v21 =	vld [tilespmem:s9+$0xFFFFFEF0];
	v7 =	vmax.f32 v18, v9  }
0x221: {  	v22 =	vld [tilespmem:s9+$0xFFFFFF00];
	v5 =	vsub.f32 v5, v7  }
0x222: {  	v23 =	vld [tilespmem:s9+$0xFFFFFF10];
	v4 =	vsub.f32 v4, v7;
	v6 =	vadd.f32 $0.0e+00, v6  }
0x223: {  	v25 =	vld [tilespmem:s9+$0xFFFFFF20];
	v5 =	vmul.f32 $1.442695020e+00, v5;
	v24 =	vadd.f32 $0.0e+00, v19  }
0x224: {  	v26 =	vld [tilespmem:s9+$0xFFFFFF30];
	v4 =	vmul.f32 $1.442695020e+00, v4;
	v6 =	vadd.f32 v20, v6  }
0x225: {  	v27 =	vld [tilespmem:s9+$0xFFFFFF40];
	(erf) = vpow2.f32 v5;
	v5 =	vadd.f32 v21, v24  }
0x226: {  	v28 =	vld [tilespmem:s9+$0xFFFFFF50];
	(erf) = vpow2.f32 v4;
	v4 =	vadd.f32 v22, v6  }
0x227: {  	v29 =	vld [tilespmem:s9+$0xFFFFFF60];
	v5 =	vadd.f32 v23, v5  }
0x228: {  	v30 =	vld [tilespmem:s9+$0xFFFFFF70];
	v4 =	vadd.f32 v25, v4  }
0x229: {  	v31 =	vld [tilespmem:s9+$0xFFFFFF80];
	v5 =	vadd.f32 v26, v5  }
0x22a: {  	v32 =	vld [tilespmem:s9+$0xFFFFFF90];
	v4 =	vadd.f32 v27, v4  }
0x22b: {  	v33 =	vld [tilespmem:s9+$0xFFFFFFA0];
	v5 =	vadd.f32 v28, v5  }
0x22c: {  	v34 =	vld [tilespmem:s9+$0xFFFFFFB0];
	v4 =	vadd.f32 v29, v4  }
0x22d: {  	v35 =	vld [tilespmem:s9+$0xFFFFFFC0];
	v5 =	vadd.f32 v30, v5  }
0x22e: {  	v36 =	vld [tilespmem:s9+$0xFFFFFFD0];
	v37 =	vpop (erf);
	v4 =	vadd.f32 v31, v4  }
0x22f: {  	v39 =	vld [tilespmem:s9+$0xFFFFFFE0];
	v38 =	vpop (erf);
	v5 =	vadd.f32 v32, v5  }
0x230: {  	v40 =	vld [tilespmem:s9+$0xFFFFFFF0];
	v41 =	vadd.f32 v38, v37;
	v4 =	vadd.f32 v33, v4  }
0x231: {  	v42 =	vld [tilespmem:s9+$0x0];
	v5 =	vadd.f32 v34, v5  }
0x232: {  	v43 =	vld [tilespmem:s9+$0x10];
	v44 =	vperm.xlane v41, v0;
	v4 =	vadd.f32 v35, v4  }
0x233: {  	v45 =	vld [tilespmem:s9+$0x20];
	v5 =	vadd.f32 v36, v5  }
0x234: {  	v46 =	vld [tilespmem:s9+$0x30];
	v14 =	vadd.f32 v41, v44;
	v4 =	vadd.f32 v39, v4  }
0x235: {  	v47 =	vld [tilespmem:s9+$0x40];
	v5 =	vadd.f32 v40, v5  }
0x236: {  	v48 =	vld [tilespmem:s9+$0x50];
	v15 =	vperm.xlane v14, v1;
	v4 =	vadd.f32 v42, v4  }
0x237: {  	v49 =	vld [tilespmem:s9+$0x60];
	v5 =	vadd.f32 v43, v5  }
0x238: {  	v50 =	vld [tilespmem:s9+$0x70];
	v14 =	vadd.f32 v14, v15;
	v4 =	vadd.f32 v45, v4  }
0x239: {  	v51 =	vld [tilespmem:s9+$0x80];
	v5 =	vadd.f32 v46, v5  }
0x23a: {  	v52 =	vld [tilespmem:s9+$0x90];
	v15 =	vperm.xlane v14, v2;
	v4 =	vadd.f32 v47, v4  }
0x23b: {  	v53 =	vld [tilespmem:s9+$0xA0];
	v5 =	vadd.f32 v48, v5  }
0x23c: {  	v54 =	vld [tilespmem:s9+$0xB0];
	v14 =	vadd.f32 v14, v15;
	v4 =	vadd.f32 v49, v4  }
0x23d: {  	v55 =	vld [tilespmem:s9+$0xC0];
	v5 =	vadd.f32 v50, v5  }
0x23e: {  	v56 =	vld [tilespmem:s9+$0xD0];
	v15 =	vperm.xlane v14, v3;
	v4 =	vadd.f32 v51, v4  }
0x23f: {  	v57 =	vld [tilespmem:s9+$0xE0];
	v5 =	vadd.f32 v52, v5  }
0x240: {  	v58 =	vld [tilespmem:s9+$0xF0];
	v14 =	vadd.f32 v14, v15;
	v4 =	vadd.f32 v53, v4  }
0x241: {  	v59 =	vld [tilespmem:s9+$0x100];
	v5 =	vadd.f32 v54, v5  }
0x242: {  	v60 =	vld [tilespmem:s9+$0x110];
	(erf) = vrcp.f32 v14;
	v4 =	vadd.f32 v55, v4  }
0x243: {  	v61 =	vld [tilespmem:s9+$0x120];
	v5 =	vadd.f32 v56, v5  }
0x244: {  	v62 =	vld [tilespmem:s9+$0x130];
	v4 =	vadd.f32 v57, v4  }
0x245: {  	v5 =	vadd.f32 v58, v5  }
0x246: {  	v4 =	vadd.f32 v59, v4  }
0x247: {  	v5 =	vadd.f32 v60, v5  }
0x248: {  	v4 =	vadd.f32 v61, v4  }
0x249: {  	v5 =	vadd.f32 v62, v5  }
0x24a: {  	s31 =	sadd.s32 $0x1, s31;
	v4 =	vmul.f32 v37, v4  }
0x24b: {  	p0 =	sne.s32 s31, $0x10;
	v63 =	vpop (erf);
	v5 =	vmul.f32 v38, v5  }
.Ltmp2:
0x24c: {  	s1 =	sadd.s32 s8, s1;
	v4 =	vmul.f32 v63, v4;
	(pc) =	sbr.rel @p0 .LBB2_2-.Ltmp2, $4  }
0x24d: {  	s1 =	smul.u32 $0xC8, s1;
	v5 =	vmul.f32 v63, v5  }
0x24e: {  	[tilespmem:s0+$0x19640] =	vst v4  }
0x24f: {  	s17 =	sadd.s32 s2, s1;
	[tilespmem:s0+$0x19650] =	vst v5  }
0x250: {  	[hbm4b:s17+s3] =	stream.linear.scatter [tilespmem:s26], [sflag:$0x6], $0x640, $0x38;
	[tilespmem:$0x19C80] =	vst v63  }
0x251: {  	_ =	swait.ge [sflag:s28], $0x640  }
0x252: {  	[sflag:s28] =	ssyncset.done $0x0  }
0x253: {  	[sflag:s28] =	ssyncadd.s32 $0xFFFFF9C0  }
0x254: {  	_ =	swait.ge [sflag:s29], $0x640  }
0x255: {  	s30 =	sadd.s32 $0x1, s30;
	s0 =	rddreg [dreg:$0x6]  }
0x256: {  	p0 =	sne.s32 s30, s0  }
.Ltmp3:
0x257: {  	_ = 	snop;
	(pc) =	sbr.rel @p0 .LBB2_1-.Ltmp3, $3  }
0x258: {  	_ =	sdelay $0x1  }
0x259: {  	[sflag:s29] =	ssyncset.done $0x0  }
0x25a: {  	[sflag:s29] =	ssyncadd.s32 $0xFFFFF9C0  }
0x25b: {  	_ =	sfence.sel $0x180000  }
0x25c: {  	[bflag:$0x0] =	sbarrier.arrive $0xFFFF  }
0x25d: {  	_ =	strace $0x9000004D  }
0x25e: {  	s0 =	stileid.u32;
	[bflag:$0x2] =	sbarrier.arrive $0xFFFF  }
0x25f: {  	p0 =	sne.s32 s0, $0x0;
	s0 =	rddreg [dreg:$0x2]  }
0x260: {  	s0 =	sadd.s32 @!p0 $0x100000, s0  }
0x261: {  	[sflag:s0] =	ssyncadd.tile.s32 @!p0 $0x1;
	_ =	shalt  }
.Lfunc_end2:
_tile_overlayer_lowered:
.L_overlay_start_2:
0x262: {  	(tag) =	ssettag $0x2  }
0x263: {  	s0 =	rddreg [dreg:$0x0];
	s2 =	stileid.u32  }
0x264: {  	s1 =	rddreg [dreg:$0x1];
	p0 =	sne.s32 s2, $0x0  }
0x265: {  	s3 =	rddreg [dreg:$0x2];
	[bflag:$0x3] =	sbarrier.arrive $0xFFFF;
	s2 =	simm.s32 @!p0 $0x1C07  }
0x266: {  	[timem:s3], [sflag:s2] =	dma.local @!p0 [hbm:s0], s1  }
0x267: {  	s0 =	simm.s32 @!p0 $0x7  }
0x268: {  	_ =	swait.ge @!p0 [sflag:s0], s1  }
0x269: {  	s1 =	ssub.s32 @!p0 $0x0, s1;
	[sflag:s0] =	ssyncset.done @!p0 $0x0  }
0x26a: {  	[sflag:s0] =	ssyncadd.s32 @!p0 s1  }
0x26b: {  	[bflag:$0x3] =	sbarrier.arrive $0xFFFF  }
0x26c: {  	_ =	shalt  }

// kernel: kernel.5.cloned.1.call-start
scs
__scs_entry_jumppad:
0x0: {  	(pc) =	sbr.rel $0x88, $3  }
0x1: {  	(tag) =	ssettag $0x0;
	lr =	simm.s32 $0x1  }
0x2: {  	[smem:$0x3F9E] =	sst lr;
	_ =	strace $0xD0000000  }
0x3: {  	_ = 	snop  }
0x4: {  	_ = 	snop  }
0x5: {  	_ = 	snop  }
0x6: {  	_ = 	snop  }
0x7: {  	_ = 	snop  }
__scs_overlays_trampoline_lowered:
0x8: {  	[smem:$0x3FAD] =	sst s0  }
0x9: {  	[smem:$0x3FAE] =	sst s1  }
0xa: {  	[smem:$0x3FAF] =	sst s2  }
0xb: {  	[smem:$0x3FB0] =	sst s3  }
0xc: {  	[smem:$0x3FB1] =	sst s4  }
0xd: {  	[smem:$0x3FB2] =	sst s5  }
0xe: {  	[smem:$0x3FB3] =	sst s6  }
0xf: {  	[smem:$0x3FB4] =	sst s7  }
0x10: {  	[smem:$0x3FB5] =	sst s8  }
0x11: {  	[smem:$0x3FB6] =	sst s9;
	s0 =	simm.s32 @!p0 $0x0  }
0x12: {  	s1 =	sld [smem:$0x3F9C];
	s0 =	simm.s32 @p0 $0x1  }
0x13: {  	[smem:$0x3FB7] =	sst s0;
	s0 =	simm.s32 @!p1 $0x0  }
0x14: {  	s2 =	sld [smem:$0x3F9B];
	s0 =	simm.s32 @p1 $0x1  }
0x15: {  	[smem:$0x3FB8] =	sst s0;
	s0 =	simm.s32 @!p2 $0x0  }
0x16: {  	s3 =	sld [smem:$0x3FDB];
	s0 =	simm.s32 @p2 $0x1  }
0x17: {  	s4 =	simm.s32 $0x1BF5;
	[smem:$0x3FBA] =	sst s0  }
0x18: {  	s0 =	sld [smem:$0x3F9D];
	_ =	swait.ge [sflag:s4], $0x0  }
0x19: {  	s7 =	sld [smem:$0x3F9E]  }
0x1a: {  	s8 =	sadd.s32 $0xFFFFE003, lr  }
0x1b: {  	s9 =	sadd.s32 $0xFFFFFEF7, lr;
	s5 =	simm.s32 $0xFFFFFFFF;
	p2 =	slt.u32 s8, $0xFFFFF086  }
0x1c: {  	p1 =	slt.u32 s9, $0xF7A;
	s5 =	simm.s32 @!p2 $0x0  }
0x1d: {  	s5 =	simm.s32 @p1 $0x1;
	p0 =	seq.s32 s7, s2  }
0x1e: {  	s7 =	smul.u32 @!p0 $0xF7A, s2;
	p2 =	seq.s32 @!p0 s5, $0x0  }
0x1f: {  	s9 =	smul.u32 $0xF7A, s1;
	s8 =	simm.s32 @!p0 $0x1BF5;
	p2 =	por !p2, p0  }
0x20: {  	[sflag:s8] =	ssyncset.s32 @!p0 $0xFFFFF086;
	s6 =	sadd.s32 @!p0 s3, s7;
	s7 =	simm.s32 @!p0 $0x108  }
0x21: {  	s3 =	sadd.s32 s3, s9;
	s6 =	sadd.s32 @!p0 $0x88, s6;
	s7 =	simm.s32 @p2 $0x1082  }
0x22: {  	[simem:s7], [sflag:s8] =	dma.local @!p0 [hbm:s6], $0xF7A  }
0x23: {  	s9 =	sor.u32 $0xD0000000, s2;
	s6 =	simm.s32 $0x108;
	_ =	swait.ge @!p0 [sflag:s8], $0x0  }
0x24: {  	s3 =	sadd.s32 $0x88, s3;
	s6 =	simm.s32 @!p1 $0x1082;
	[sflag:s4] =	ssyncset.s32 $0xFFFFF086  }
0x25: {  	[simem:s6], [sflag:s4] =	dma.local [hbm:s3], $0xF7A  }
0x26: {  	[smem:$0x3F9E] =	sst s1;
	(tag) =	ssettag s2;
	_ =	strace s9  }
0x27: {  	s1 =	sld [smem:$0x3FAE]  }
0x28: {  	s2 =	sld [smem:$0x3FAF]  }
0x29: {  	s4 =	sld [smem:$0x3FB1]  }
0x2a: {  	p0 =	seq.s32 s5, $0x0;
	s5 =	sld [smem:$0x3FB2]  }
0x2b: {  	s6 =	sld [smem:$0x3FB3]  }
0x2c: {  	s7 =	sld [smem:$0x3FB4]  }
0x2d: {  	s3 =	simm.s32 $0x108;
	s8 =	sld [smem:$0x3FB5]  }
0x2e: {  	s3 =	simm.s32 @!p0 $0x1082;
	s9 =	sld [smem:$0x3FB6]  }
0x2f: {  	lr =	sadd.s32 s0, s3;
	s0 =	sld [smem:$0x3FAD]  }
0x30: {  	s3 =	sld [smem:$0x3FB0]  }
0x31: {  	[smem:$0x3FB9] =	sst s10  }
0x32: {  	s10 =	sld [smem:$0x3FB7];
	_ =	sdelay $0x3  }
0x33: {  	p0 =	seq.s32 s10, $0x1;
	s10 =	sld [smem:$0x3FB9];
	_ =	sdelay $0x3  }
0x34: {  	[smem:$0x3FB9] =	sst s10  }
0x35: {  	s10 =	sld [smem:$0x3FB8];
	_ =	sdelay $0x3  }
0x36: {  	p1 =	seq.s32 s10, $0x1;
	s10 =	sld [smem:$0x3FB9];
	_ =	sdelay $0x3  }
0x37: {  	[smem:$0x3FB9] =	sst s10  }
0x38: {  	s10 =	sld [smem:$0x3FBA]  }
0x39: {  	_ = 	snop;
	(pc) =	sbr.ind lr, $3  }
0x3a: {  	_ = 	snop  }
0x3b: {  	_ = 	snop  }
0x3c: {  	p2 =	seq.s32 s10, $0x1;
	s10 =	sld [smem:$0x3FB9]  }
0x3d: {  	_ =	shalt  }
0x3e: {  	_ =	shalt  }
0x3f: {  	_ =	shalt  }
0x40: {  	_ =	shalt  }
0x41: {  	_ =	shalt  }
0x42: {  	_ =	shalt  }
0x43: {  	_ =	shalt  }
0x44: {  	_ =	shalt  }
0x45: {  	_ =	shalt  }
0x46: {  	_ =	shalt  }
0x47: {  	_ =	shalt  }
0x48: {  	_ =	shalt  }
0x49: {  	_ =	shalt  }
0x4a: {  	_ =	shalt  }
0x4b: {  	_ =	shalt  }
0x4c: {  	_ =	shalt  }
0x4d: {  	_ =	shalt  }
0x4e: {  	_ =	shalt  }
0x4f: {  	_ =	shalt  }
0x50: {  	_ =	shalt  }
0x51: {  	_ =	shalt  }
0x52: {  	_ =	shalt  }
0x53: {  	_ =	shalt  }
0x54: {  	_ =	shalt  }
0x55: {  	_ =	shalt  }
0x56: {  	_ =	shalt  }
0x57: {  	_ =	shalt  }
0x58: {  	_ =	shalt  }
0x59: {  	_ =	shalt  }
0x5a: {  	_ =	shalt  }
0x5b: {  	_ =	shalt  }
0x5c: {  	_ =	shalt  }
0x5d: {  	_ =	shalt  }
0x5e: {  	_ =	shalt  }
0x5f: {  	_ =	shalt  }
0x60: {  	_ =	shalt  }
0x61: {  	_ =	shalt  }
0x62: {  	_ =	shalt  }
0x63: {  	_ =	shalt  }
0x64: {  	_ =	shalt  }
0x65: {  	_ =	shalt  }
0x66: {  	_ =	shalt  }
0x67: {  	_ =	shalt  }
0x68: {  	_ =	shalt  }
0x69: {  	_ =	shalt  }
0x6a: {  	_ =	shalt  }
0x6b: {  	_ =	shalt  }
0x6c: {  	_ =	shalt  }
0x6d: {  	_ =	shalt  }
0x6e: {  	_ =	shalt  }
0x6f: {  	_ =	shalt  }
0x70: {  	_ =	shalt  }
0x71: {  	_ =	shalt  }
0x72: {  	_ =	shalt  }
0x73: {  	_ =	shalt  }
0x74: {  	_ =	shalt  }
0x75: {  	_ =	shalt  }
0x76: {  	_ =	shalt  }
0x77: {  	_ =	shalt  }
0x78: {  	_ =	shalt  }
0x79: {  	_ =	shalt  }
0x7a: {  	_ =	shalt  }
0x7b: {  	_ =	shalt  }
0x7c: {  	_ =	shalt  }
0x7d: {  	_ =	shalt  }
0x7e: {  	_ =	shalt  }
0x7f: {  	_ =	shalt  }
0x80: {  	_ =	shalt  }
0x81: {  	_ =	shalt  }
0x82: {  	_ =	shalt  }
0x83: {  	_ =	shalt  }
0x84: {  	_ =	shalt  }
0x85: {  	_ =	shalt  }
0x86: {  	_ =	shalt  }
0x87: {  	_ =	shalt  }
.Lfunc_end0:
.L_simem_size_0:
called_computation_lowered:
.L_overlay_start_0:
0x88: {  	s2 =	sld [smem:$0x3FD9]  }
0x89: {  	s3 =	sld [smem:$0x3FFE];
	_ =	sdelay $0x1  }
0x8a: {  	s1 =	srdreg.scid  }
0x8b: {  	s0 =	sand.u32 $0x1, s1  }
0x8c: {  	s17 =	sshll.u32 s0, $0xA;
	s2 =	sadd.s32 s3, s2  }
0x8d: {  	s2 =	sadd.s32 s2, s17  }
0x8e: {  	[smem:$0x3FC5] =	sst s2  }
0x8f: {  	_ = 	snop  }
0x90: {  	(tm) =	ssettm $0x1  }
0x91: {  	s18 =	sld [smem:$0x3FFB];
	_ =	sdelay $0x3  }
0x92: {  	_ =	strace s18  }
0x93: {  	s2 =	sld [smem:$0x3FFC];
	_ =	sdelay $0x3  }
0x94: {  	_ =	strace s2  }
0x95: {  	s2 =	sld [smem:$0x3FFD];
	_ =	sdelay $0x3  }
0x96: {  	_ =	strace s2  }
0x97: {  	_ =	strace $0x8FFFFFFF  }
0x98: {  	s19 =	sld [smem:$0x3FDB];
	_ =	sdelay $0x1  }
0x99: {  	s20 =	simm.s32 $_scs_section_size  }
0x9a: {  	s4 =	simm.s32 $_size__tile_overlayer_lowered;
	s5 =	simm.s32 $_tile_overlayer_lowered  }
0x9b: {  	s6 =	simm.s32 $0x1BFF;
	s21 =	sshll.u32 s5, $0x1;
	s3 =	sadd.s32 s20, s19  }
0x9c: {  	s22 =	simm.s32 $0x0;
	s4 =	sshll.u32 s4, $0x1;
	s5 =	sadd.s32 s21, s3  }
0x9d: {  	[timem:s22], [sflag:s6] =	dma.local [hbm:s5], s4  }
0x9e: {  	_ =	swait.ge [sflag:s6], s4  }
0x9f: {  	s4 =	ssub.s32 $0x0, s4;
	[sflag:s6] =	ssyncset.done $0x0  }
0xa0: {  	[sflag:s6] =	ssyncadd.s32 s4;
	_ =	sdelay $0x1  }
0xa1: {  	s23 =	simm.s32 $0x1B8B  }
0xa2: {  	_ =	swait.ge [sflag:s23], $0x1  }
0xa3: {  	[sflag:s23] =	ssyncset.done $0x0  }
0xa4: {  	[sflag:s23] =	ssyncadd.s32 $0xFFFFFFFF  }
0xa5: {  	s4 =	sld [smem:$0x0]  }
0xa6: {  	s5 =	sand.u32 $0xFFFFFFFE, s1  }
0xa7: {  	p0 =	sne.s32 s1, s5  }
0xa8: {  	s5 =	sshll.u32 @p0 s5, $0xE  }
0xa9: {  	s5 =	sadd.s32 @p0 $0x11B8D, s5;
	s6 =	sshll.u32 @p0 s4, $0x11  }
0xaa: {  	s5 =	sor.u32 @p0 s6, s5  }
0xab: {  	[sflag:s5] =	ssyncadd.remote.s32 @p0 $0x1;
	_ =	sdelay $0x1  }
0xac: {  	s5 =	simm.s32 @p0 $0x1B8D  }
0xad: {  	_ =	swait.eq @p0 [sflag:s5], $0x1  }
0xae: {  	[sflag:s5] =	ssyncadd.s32 @p0 $0xFFFFFFFF  }
0xaf: {  	s6 =	sshll.u32 @!p0 s1, $0xE  }
0xb0: {  	s6 =	sor.u32 @!p0 $0x4000, s6;
	s5 =	simm.s32 @!p0 $0x1B8D  }
0xb1: {  	s4 =	sshll.u32 @!p0 s4, $0x11;
	s6 =	sadd.s32 @!p0 $0x11B8D, s6;
	_ =	swait.eq @!p0 [sflag:s5], $0x1  }
0xb2: {  	s4 =	sor.u32 @!p0 s4, s6;
	[sflag:s5] =	ssyncadd.s32 @!p0 $0xFFFFFFFF  }
0xb3: {  	s25 =	simm.s32 $0x1B8E;
	s24 =	sld [smem:$0x3FFE];
	[sflag:s4] =	ssyncadd.remote.s32 @!p0 $0x1  }
0xb4: {  	s26 =	simm.s32 $execute0_lowered;
	[smem:$0x3FD2] =	sst s25  }
0xb5: {  	s5 =	sshll.u32 s26, $0x1;
	_ =	strace $0x80000049;
	[dreg:$0x1] =	wrdreg $0xFFFFFFFF  }
0xb6: {  	s28 =	simm.s32 $_size_execute0_lowered;
	s3 =	sadd.s32 s3, s5;
	[dreg:$0x0] =	wrdreg $0x0  }
0xb7: {  	s5 =	sshll.u32 s28, $0x1;
	[dreg:$0x2] =	wrdreg s3  }
0xb8: {  	[dreg:$0x3] =	wrdreg s5  }
0xb9: {  	[dreg:$0x4] =	wrdreg $0xC0  }
0xba: {  	_ =	task [dreg:s22], $0x5FFFF  }
0xbb: {  	[dreg:$0x1] =	wrdreg $0xFFFFFFFF  }
0xbc: {  	[dreg:$0x0] =	wrdreg $0x60  }
0xbd: {  	[dreg:$0x2] =	wrdreg s24  }
0xbe: {  	[dreg:$0x3] =	wrdreg $0x9  }
0xbf: {  	_ =	task.clear_ibuf [dreg:s22], $0x4FFFF;
	_ =	strace $0x90000049  }
0xc0: {  	s29 =	simm.s32 $0x9;
	_ =	strace $0x8000004B  }
0xc1: {  	_ =	swait.ge [sflag:s29], $0x1  }
0xc2: {  	[sflag:s29] =	ssyncadd.s32 $0xFFFFFFFF  }
0xc3: {  	_ =	strace $0x9000004B  }
0xc4: {  	_ =	sfence  }
0xc5: {  	s30 =	sld [smem:$0x0];
	_ =	sdelay $0x2  }
0xc6: {  	s31 =	sshll.u32 s1, $0xD;
	s1 =	sshrl.u32 s1, $0x2  }
0xc7: {  	s4 =	sand.u32 $0x4000, s31;
	s1 =	sadd.s32 s1, s30  }
0xc8: {  	s0 =	sor.u32 s4, s0;
	s1 =	sshll.u32 s1, $0x11  }
0xc9: {  	s0 =	sor.u32 s1, s0  }
0xca: {  	s0 =	sadd.s32 $0x8F2B, s0  }
0xcb: {  	[sflag:s0] =	ssyncadd.remote.s32 $0x1  }
0xcc: {  	_ =	sfence.sel $0xFFFF  }
0xcd: {  	[dreg:$0x0] =	wrdreg $0xFFFFFFFF;
	(pc) =	sbr.abs _section_cstart, $3  }
0xce: {  	[dreg:$0x1] =	wrdreg $0xFFFFFFFF  }
0xcf: {  	_ =	task.clear_ibuf [dreg:s22], $0x2FFFF;
	_ =	strace $0x9FFFFFFF  }
0xd0: {  	(tm) =	ssettm $0x7FFFFFFF  }
0xd1: {  	_ =	shalt  }
tec
execute0_lowered:
.L_overlay_start_1:
0x0: {  	(tag) =	ssettag $0x1  }
0x1: {  	s1 =	srdreg.scid  }
0x2: {  	s0 =	stileid.u32;
	s4 =	rddreg [dreg:$0x0];
	s2 =	simm.s32 $0x0  }
0x3: {  	s9 =	simm.s32 $0x3E8;
	s10 =	simm.s32 $0x7D00;
	s11 =	simm.s32 $0x1  }
0x4: {  	s12 =	simm.s32 $0xFA00;
	s13 =	simm.s32 $0x17700;
	s14 =	simm.s32 $0x2  }
0x5: {  	s15 =	simm.s32 $0x17D40;
	s16 =	simm.s32 $0x3;
	s17 =	simm.s32 $0x4  }
0x6: {  	s3 =	sand.u32 $0x1, s1;
	s31 =	sshll.u32 s0, $0x1;
	s1 =	rddreg [dreg:$0x1]  }
0x7: {  	s18 =	simm.s32 $0x0;
	[smem:$0x7FF] =	sst s2;
	s6 =	sor.u32 s3, s31  }
0x8: {  	_ =	strace $0x8000004A;
	s7 =	ssub.s32 $0x2, s3;
	s5 =	smul.u32 $0xFA0, s6  }
0x9: {  	s3 =	sadd.s32 $0x53200, s4;
	s8 =	sshrl.u32 s7, $0x1;
	s6 =	smul.u32 $0xC800, s6  }
0xa: {  	s7 =	ssub.s32 s7, s8;
	s8 =	simm.s32 $0x5;
	s5 =	sadd.s32 s5, s4  }
0xb: {  	s4 =	sadd.s32 $0xB4E00, s4;
	s7 =	smax.u32 s7, $0x1;
	s5 =	sadd.s32 $0x1E00, s5  }
.LBB2_1:
0xc: {  	[tilespmem:s2], [sflag:$0x5] =	stream.linear.gather [hbm4b:s5+s2], $0x7D00, $0x38;
	[tilespmem:$0x18380] =	vst v63  }
0xd: {  	_ =	swait.ge [sflag:s8], $0x7D00  }
0xe: {  	[sflag:s8] =	ssyncset.done $0x0  }
0xf: {  	s19 =	simm.s32 $0x0;
	[sflag:s8] =	ssyncadd.s32 $0xFFFF8300  }
0x10: {  	[tilespmem:s10], [sflag:$0x1] =	stream.indirect.gather [hbm4b:s3+s9], $0x20, s2, s9, $0xb8;
	[tilespmem:$0x18380] =	vst v63  }
.LBB2_2:
0x11: {  	s20 =	sshllo.u32 s19, $0x1  }
0x12: {  	_ =	swait.ge [sflag:s11], $0x7D00;
	s21 =	smul.u32 $0xFA0, s20  }
0x13: {  	[sflag:s11] =	ssyncset.done $0x0  }
0x14: {  	p0 =	seq.s32 s19, $0x0;
	[sflag:s11] =	ssyncadd.s32 $0xFFFF8300;
	s21 =	sshra.s32 s21, $0x2  }
0x15: {  	[tilespmem:s12], [sflag:$0x2] =	stream.indirect.gather [hbm4b:s3+s9], $0x20, s21, s9, $0xb8;
	[tilespmem:$0x18380] =	vst v63  }
0x16: {  	s21 =	simm.s32 @!p0 $0x3  }
0x17: {  	_ =	swait.ge @!p0 [sflag:s21], $0x640  }
0x18: {  	[sflag:s21] =	ssyncset.done @!p0 $0x0  }
0x19: {  	[sflag:s21] =	ssyncadd.s32 @!p0 $0xFFFFF9C0;
	s21 =	simm.s32 $0x7E40  }
0x1a: {  	v0 =	vld [tilespmem:s21+$0xFFFFFEC0]  }
0x1b: {  	v1 =	vld [tilespmem:s21+$0xFFFFFED0]  }
0x1c: {  	v2 =	vld [tilespmem:s21+$0xFFFFFEE0]  }
0x1d: {  	v3 =	vld [tilespmem:s21+$0xFFFFFEF0]  }
0x1e: {  	v4 =	vld [tilespmem:s21+$0xFFFFFF00]  }
0x1f: {  	v5 =	vld [tilespmem:s21+$0xFFFFFF10];
	v0 =	vadd.f32 $0.0e+00, v0  }
0x20: {  	v6 =	vld [tilespmem:s21+$0xFFFFFF20]  }
0x21: {  	v7 =	vld [tilespmem:s21+$0xFFFFFF40];
	v1 =	vadd.f32 $0.0e+00, v1;
	v0 =	vadd.f32 v2, v0  }
0x22: {  	v2 =	vld [tilespmem:s21+$0xFFFFFF30]  }
0x23: {  	v44 =	vld [tilespmem:s21+$0xFFFFFF60];
	v1 =	vadd.f32 v3, v1;
	v0 =	vadd.f32 v4, v0  }
0x24: {  	v3 =	vld [tilespmem:s21+$0xFFFFFF50]  }
0x25: {  	v45 =	vld [tilespmem:s21+$0xFFFFFF70];
	v1 =	vadd.f32 v5, v1;
	v0 =	vadd.f32 v6, v0  }
0x26: {  	v46 =	vld [tilespmem:s21+$0xFFFFFF80]  }
0x27: {  	v47 =	vld [tilespmem:s21+$0xFFFFFFA0];
	v1 =	vadd.f32 v2, v1;
	v0 =	vadd.f32 v7, v0  }
0x28: {  	v2 =	vld [tilespmem:s21+$0xFFFFFF90]  }
0x29: {  	v48 =	vld [tilespmem:s21+$0xFFFFFFC0];
	v1 =	vadd.f32 v3, v1;
	v0 =	vadd.f32 v44, v0  }
0x2a: {  	v3 =	vld [tilespmem:s21+$0xFFFFFFB0]  }
0x2b: {  	v49 =	vld [tilespmem:s21+$0xFFFFFFD0];
	v1 =	vadd.f32 v45, v1;
	v0 =	vadd.f32 v46, v0  }
0x2c: {  	v50 =	vld [tilespmem:s21+$0xFFFFFFE0]  }
0x2d: {  	v51 =	vld [tilespmem:s21+$0x0];
	v1 =	vadd.f32 v2, v1;
	v0 =	vadd.f32 v47, v0  }
0x2e: {  	v2 =	vld [tilespmem:s21+$0xFFFFFFF0]  }
0x2f: {  	v52 =	vld [tilespmem:s21+$0x20];
	v1 =	vadd.f32 v3, v1;
	v0 =	vadd.f32 v48, v0  }
0x30: {  	v3 =	vld [tilespmem:s21+$0x10]  }
0x31: {  	v53 =	vld [tilespmem:s21+$0x30];
	v1 =	vadd.f32 v49, v1;
	v0 =	vadd.f32 v50, v0  }
0x32: {  	v54 =	vld [tilespmem:s21+$0x40]  }
0x33: {  	v55 =	vld [tilespmem:s21+$0x60];
	v1 =	vadd.f32 v2, v1;
	v0 =	vadd.f32 v51, v0  }
0x34: {  	v2 =	vld [tilespmem:s21+$0x50]  }
0x35: {  	v56 =	vld [tilespmem:s21+$0x80];
	v1 =	vadd.f32 v3, v1;
	v0 =	vadd.f32 v52, v0  }
0x36: {  	v3 =	vld [tilespmem:s21+$0x70]  }
0x37: {  	v57 =	vld [tilespmem:s21+$0x90];
	v1 =	vadd.f32 v53, v1;
	v0 =	vadd.f32 v54, v0  }
0x38: {  	v58 =	vld [tilespmem:s21+$0xA0]  }
0x39: {  	v59 =	vld [tilespmem:s21+$0xC0];
	v1 =	vadd.f32 v2, v1;
	v0 =	vadd.f32 v55, v0  }
0x3a: {  	v2 =	vld [tilespmem:s21+$0xB0]  }
0x3b: {  	v60 =	vld [tilespmem:s21+$0xE0];
	v1 =	vadd.f32 v3, v1;
	v0 =	vadd.f32 v56, v0  }
0x3c: {  	v3 =	vld [tilespmem:s21+$0xD0]  }
0x3d: {  	v61 =	vld [tilespmem:s21+$0xF0];
	v1 =	vadd.f32 v57, v1;
	v0 =	vadd.f32 v58, v0  }
0x3e: {  	v62 =	vld [tilespmem:s21+$0x100]  }
0x3f: {  	v63 =	vld [tilespmem:s21+$0x120];
	v1 =	vadd.f32 v2, v1;
	v0 =	vadd.f32 v59, v0  }
0x40: {  	v2 =	vld [tilespmem:s21+$0x110]  }
0x41: {  	v1 =	vadd.f32 v3, v1;
	v0 =	vadd.f32 v60, v0  }
0x42: {  	v3 =	vld [tilespmem:s21+$0x130]  }
0x43: {  	v1 =	vadd.f32 v61, v1;
	v0 =	vadd.f32 v62, v0;
	_ =	sdelay $0x1  }
0x44: {  	v1 =	vadd.f32 v2, v1;
	v2 =	vadd.f32 v63, v0  }
0x45: {  	s23 =	simm.s32 $0x0  }
0x46: {  	s22 =	simm.s32 $0x80;
	v0 =	vadd.f32 v3, v1;
	[tilespmem:s23+$0x17700] =	vst v2  }
.LBB2_3:
0x47: {  	p0 =	sne.s32 s22, $0x1880  }
0x48: {  	[tilespmem:s23+$0x17710] =	vst v0;
	s21 =	sadd.s32 $0x280, s21;
	s23 =	smov.u32 s22;
	s22 =	sadd.s32 $0x80, s22  }
0x49: {  	v0 =	vld [tilespmem:s21+$0xFFFFFEC0]  }
0x4a: {  	v1 =	vld [tilespmem:s21+$0xFFFFFED0]  }
0x4b: {  	v2 =	vld [tilespmem:s21+$0xFFFFFEE0]  }
0x4c: {  	v3 =	vld [tilespmem:s21+$0xFFFFFEF0]  }
0x4d: {  	v4 =	vld [tilespmem:s21+$0xFFFFFF00]  }
0x4e: {  	v0 =	vadd.f32 $0.0e+00, v0;
	v5 =	vld [tilespmem:s21+$0xFFFFFF10]  }
0x4f: {  	v1 =	vadd.f32 $0.0e+00, v1;
	v6 =	vld [tilespmem:s21+$0xFFFFFF20]  }
0x50: {  	v0 =	vadd.f32 v2, v0;
	v2 =	vld [tilespmem:s21+$0xFFFFFF30]  }
0x51: {  	v1 =	vadd.f32 v3, v1;
	v3 =	vld [tilespmem:s21+$0xFFFFFF40]  }
0x52: {  	v0 =	vadd.f32 v4, v0;
	v4 =	vld [tilespmem:s21+$0xFFFFFF50]  }
0x53: {  	v1 =	vadd.f32 v5, v1;
	v5 =	vld [tilespmem:s21+$0xFFFFFF60]  }
0x54: {  	v0 =	vadd.f32 v6, v0;
	v6 =	vld [tilespmem:s21+$0xFFFFFF70]  }
0x55: {  	v1 =	vadd.f32 v2, v1;
	v2 =	vld [tilespmem:s21+$0xFFFFFF80]  }
0x56: {  	v0 =	vadd.f32 v3, v0;
	v3 =	vld [tilespmem:s21+$0xFFFFFF90]  }
0x57: {  	v1 =	vadd.f32 v4, v1;
	v4 =	vld [tilespmem:s21+$0xFFFFFFA0]  }
0x58: {  	v0 =	vadd.f32 v5, v0;
	v5 =	vld [tilespmem:s21+$0xFFFFFFB0]  }
0x59: {  	v1 =	vadd.f32 v6, v1;
	v6 =	vld [tilespmem:s21+$0xFFFFFFC0]  }
0x5a: {  	v0 =	vadd.f32 v2, v0;
	v2 =	vld [tilespmem:s21+$0xFFFFFFD0]  }
0x5b: {  	v1 =	vadd.f32 v3, v1;
	v3 =	vld [tilespmem:s21+$0xFFFFFFE0]  }
0x5c: {  	v0 =	vadd.f32 v4, v0;
	v4 =	vld [tilespmem:s21+$0xFFFFFFF0]  }
0x5d: {  	v1 =	vadd.f32 v5, v1;
	v5 =	vld [tilespmem:s21+$0x0]  }
0x5e: {  	v0 =	vadd.f32 v6, v0;
	v6 =	vld [tilespmem:s21+$0x10]  }
0x5f: {  	v1 =	vadd.f32 v2, v1;
	v2 =	vld [tilespmem:s21+$0x20]  }
0x60: {  	v0 =	vadd.f32 v3, v0;
	v3 =	vld [tilespmem:s21+$0x30]  }
0x61: {  	v1 =	vadd.f32 v4, v1;
	v4 =	vld [tilespmem:s21+$0x40]  }
0x62: {  	v0 =	vadd.f32 v5, v0;
	v5 =	vld [tilespmem:s21+$0x50]  }
0x63: {  	v1 =	vadd.f32 v6, v1;
	v6 =	vld [tilespmem:s21+$0x60]  }
0x64: {  	v0 =	vadd.f32 v2, v0;
	v2 =	vld [tilespmem:s21+$0x70]  }
0x65: {  	v1 =	vadd.f32 v3, v1;
	v3 =	vld [tilespmem:s21+$0x80]  }
0x66: {  	v0 =	vadd.f32 v4, v0;
	v4 =	vld [tilespmem:s21+$0x90]  }
0x67: {  	v1 =	vadd.f32 v5, v1;
	v5 =	vld [tilespmem:s21+$0xA0]  }
0x68: {  	v0 =	vadd.f32 v6, v0;
	v6 =	vld [tilespmem:s21+$0xB0]  }
0x69: {  	v1 =	vadd.f32 v2, v1;
	v2 =	vld [tilespmem:s21+$0xC0]  }
0x6a: {  	v0 =	vadd.f32 v3, v0;
	v3 =	vld [tilespmem:s21+$0xD0]  }
0x6b: {  	v1 =	vadd.f32 v4, v1;
	v4 =	vld [tilespmem:s21+$0xE0]  }
0x6c: {  	v0 =	vadd.f32 v5, v0;
	v5 =	vld [tilespmem:s21+$0xF0]  }
0x6d: {  	v1 =	vadd.f32 v6, v1;
	v6 =	vld [tilespmem:s21+$0x100]  }
0x6e: {  	v0 =	vadd.f32 v2, v0;
	v2 =	vld [tilespmem:s21+$0x110]  }
0x6f: {  	v1 =	vadd.f32 v3, v1;
	v3 =	vld [tilespmem:s21+$0x120]  }
0x70: {  	v0 =	vadd.f32 v4, v0;
	v4 =	vld [tilespmem:s21+$0x130]  }
0x71: {  	v1 =	vadd.f32 v5, v1  }
.Ltmp0:
0x72: {  	v0 =	vadd.f32 v6, v0;
	(pc) =	sbr.rel @p0 .LBB2_3-.Ltmp0, $4  }
0x73: {  	v1 =	vadd.f32 v2, v1  }
0x74: {  	v2 =	vadd.f32 v3, v0  }
0x75: {  	s23 =	sshra.s32 s23, $0x2;
	v0 =	vadd.f32 v4, v1  }
0x76: {  	[tilespmem:s23+$0x17700] =	vst v2  }
0x77: {  	s21 =	smul.u32 $0xC80, s19;
	_ =	sdelay $0x1  }
0x78: {  	s21 =	sadd.s32 s6, s21  }
0x79: {  	s21 =	sshrl.u32 s21, $0x3  }
0x7a: {  	[tilespmem:s23+$0x17710] =	vst v0;
	p0 =	seq.s32 s19, $0xF;
	s21 =	sadd.s32 s4, s21  }
0x7b: {  	[hbm4b:s21+s2] =	stream.linear.scatter [tilespmem:s13], [sflag:$0x3], $0x640, $0x38;
	[tilespmem:$0x18380] =	vst v63  }
0x7c: {  	s21 =	smul.u32 @!p0 $0x1F40, s19  }
0x7d: {  	p1 =	seq.s32 @!p0 s19, $0x0;
	_ =	swait.ge [sflag:s14], $0x7D00  }
0x7e: {  	s22 =	simm.s32 @!p0 $0x3E8;
	[sflag:s14] =	ssyncset.done $0x0;
	s21 =	sshra.s32 @!p0 s21, $0x2  }
0x7f: {  	s23 =	simm.s32 @!p0 $0x7D00;
	[sflag:s14] =	ssyncadd.s32 $0xFFFF8300;
	s21 =	sadd.s32 @!p0 $0x7D0, s21  }
0x80: {  	[tilespmem:s23], [sflag:$0x1] =	stream.indirect.gather @!p0 [hbm4b:s3+s22], $0x20, s21, s22, $0xb8;
	[tilespmem:$0x18380] =	vst v63  }
0x81: {  	p0 =	por p0, !p1  }
0x82: {  	_ =	swait.ge @p0 [sflag:s17], $0x640  }
0x83: {  	[sflag:s17] =	ssyncset.done @p0 $0x0  }
0x84: {  	s21 =	simm.s32 $0xFB40;
	[sflag:s17] =	ssyncadd.s32 @p0 $0xFFFFF9C0  }
0x85: {  	v0 =	vld [tilespmem:s21+$0xFFFFFEC0]  }
0x86: {  	v1 =	vld [tilespmem:s21+$0xFFFFFED0]  }
0x87: {  	v2 =	vld [tilespmem:s21+$0xFFFFFEE0]  }
0x88: {  	v3 =	vld [tilespmem:s21+$0xFFFFFEF0]  }
0x89: {  	v4 =	vld [tilespmem:s21+$0xFFFFFF00]  }
0x8a: {  	v5 =	vld [tilespmem:s21+$0xFFFFFF10];
	v0 =	vadd.f32 $0.0e+00, v0  }
0x8b: {  	v6 =	vld [tilespmem:s21+$0xFFFFFF20]  }
0x8c: {  	v7 =	vld [tilespmem:s21+$0xFFFFFF40];
	v1 =	vadd.f32 $0.0e+00, v1;
	v0 =	vadd.f32 v2, v0  }
0x8d: {  	v2 =	vld [tilespmem:s21+$0xFFFFFF30]  }
0x8e: {  	v44 =	vld [tilespmem:s21+$0xFFFFFF60];
	v1 =	vadd.f32 v3, v1;
	v0 =	vadd.f32 v4, v0  }
0x8f: {  	v3 =	vld [tilespmem:s21+$0xFFFFFF50]  }
0x90: {  	v45 =	vld [tilespmem:s21+$0xFFFFFF70];
	v1 =	vadd.f32 v5, v1;
	v0 =	vadd.f32 v6, v0  }
0x91: {  	v46 =	vld [tilespmem:s21+$0xFFFFFF80]  }
0x92: {  	v47 =	vld [tilespmem:s21+$0xFFFFFFA0];
	v1 =	vadd.f32 v2, v1;
	v0 =	vadd.f32 v7, v0  }
0x93: {  	v2 =	vld [tilespmem:s21+$0xFFFFFF90]  }
0x94: {  	v48 =	vld [tilespmem:s21+$0xFFFFFFC0];
	v1 =	vadd.f32 v3, v1;
	v0 =	vadd.f32 v44, v0  }
0x95: {  	v3 =	vld [tilespmem:s21+$0xFFFFFFB0]  }
0x96: {  	v49 =	vld [tilespmem:s21+$0xFFFFFFD0];
	v1 =	vadd.f32 v45, v1;
	v0 =	vadd.f32 v46, v0  }
0x97: {  	v50 =	vld [tilespmem:s21+$0xFFFFFFE0]  }
0x98: {  	v51 =	vld [tilespmem:s21+$0x0];
	v1 =	vadd.f32 v2, v1;
	v0 =	vadd.f32 v47, v0  }
0x99: {  	v2 =	vld [tilespmem:s21+$0xFFFFFFF0]  }
0x9a: {  	v52 =	vld [tilespmem:s21+$0x20];
	v1 =	vadd.f32 v3, v1;
	v0 =	vadd.f32 v48, v0  }
0x9b: {  	v3 =	vld [tilespmem:s21+$0x10]  }
0x9c: {  	v53 =	vld [tilespmem:s21+$0x30];
	v1 =	vadd.f32 v49, v1;
	v0 =	vadd.f32 v50, v0  }
0x9d: {  	v54 =	vld [tilespmem:s21+$0x40]  }
0x9e: {  	v55 =	vld [tilespmem:s21+$0x60];
	v1 =	vadd.f32 v2, v1;
	v0 =	vadd.f32 v51, v0  }
0x9f: {  	v2 =	vld [tilespmem:s21+$0x50]  }
0xa0: {  	v56 =	vld [tilespmem:s21+$0x80];
	v1 =	vadd.f32 v3, v1;
	v0 =	vadd.f32 v52, v0  }
0xa1: {  	v3 =	vld [tilespmem:s21+$0x70]  }
0xa2: {  	v57 =	vld [tilespmem:s21+$0x90];
	v1 =	vadd.f32 v53, v1;
	v0 =	vadd.f32 v54, v0  }
0xa3: {  	v58 =	vld [tilespmem:s21+$0xA0]  }
0xa4: {  	v59 =	vld [tilespmem:s21+$0xC0];
	v1 =	vadd.f32 v2, v1;
	v0 =	vadd.f32 v55, v0  }
0xa5: {  	v2 =	vld [tilespmem:s21+$0xB0]  }
0xa6: {  	v60 =	vld [tilespmem:s21+$0xE0];
	v1 =	vadd.f32 v3, v1;
	v0 =	vadd.f32 v56, v0  }
0xa7: {  	v3 =	vld [tilespmem:s21+$0xD0]  }
0xa8: {  	v61 =	vld [tilespmem:s21+$0xF0];
	v1 =	vadd.f32 v57, v1;
	v0 =	vadd.f32 v58, v0  }
0xa9: {  	v62 =	vld [tilespmem:s21+$0x100]  }
0xaa: {  	v63 =	vld [tilespmem:s21+$0x120];
	v1 =	vadd.f32 v2, v1;
	v0 =	vadd.f32 v59, v0  }
0xab: {  	v2 =	vld [tilespmem:s21+$0x110]  }
0xac: {  	v1 =	vadd.f32 v3, v1;
	v0 =	vadd.f32 v60, v0  }
0xad: {  	v3 =	vld [tilespmem:s21+$0x130]  }
0xae: {  	v1 =	vadd.f32 v61, v1;
	v0 =	vadd.f32 v62, v0;
	_ =	sdelay $0x1  }
0xaf: {  	v1 =	vadd.f32 v2, v1;
	v2 =	vadd.f32 v63, v0  }
0xb0: {  	s23 =	simm.s32 $0x0  }
0xb1: {  	s22 =	simm.s32 $0x80;
	v0 =	vadd.f32 v3, v1;
	[tilespmem:s23+$0x17D40] =	vst v2  }
.LBB2_5:
0xb2: {  	p0 =	sne.s32 s22, $0x1880  }
0xb3: {  	[tilespmem:s23+$0x17D50] =	vst v0;
	s21 =	sadd.s32 $0x280, s21;
	s23 =	smov.u32 s22;
	s22 =	sadd.s32 $0x80, s22  }
0xb4: {  	v0 =	vld [tilespmem:s21+$0xFFFFFEC0]  }
0xb5: {  	v1 =	vld [tilespmem:s21+$0xFFFFFED0]  }
0xb6: {  	v2 =	vld [tilespmem:s21+$0xFFFFFEE0]  }
0xb7: {  	v3 =	vld [tilespmem:s21+$0xFFFFFEF0]  }
0xb8: {  	v4 =	vld [tilespmem:s21+$0xFFFFFF00]  }
0xb9: {  	v0 =	vadd.f32 $0.0e+00, v0;
	v5 =	vld [tilespmem:s21+$0xFFFFFF10]  }
0xba: {  	v1 =	vadd.f32 $0.0e+00, v1;
	v6 =	vld [tilespmem:s21+$0xFFFFFF20]  }
0xbb: {  	v0 =	vadd.f32 v2, v0;
	v2 =	vld [tilespmem:s21+$0xFFFFFF30]  }
0xbc: {  	v1 =	vadd.f32 v3, v1;
	v3 =	vld [tilespmem:s21+$0xFFFFFF40]  }
0xbd: {  	v0 =	vadd.f32 v4, v0;
	v4 =	vld [tilespmem:s21+$0xFFFFFF50]  }
0xbe: {  	v1 =	vadd.f32 v5, v1;
	v5 =	vld [tilespmem:s21+$0xFFFFFF60]  }
0xbf: {  	v0 =	vadd.f32 v6, v0;
	v6 =	vld [tilespmem:s21+$0xFFFFFF70]  }
0xc0: {  	v1 =	vadd.f32 v2, v1;
	v2 =	vld [tilespmem:s21+$0xFFFFFF80]  }
0xc1: {  	v0 =	vadd.f32 v3, v0;
	v3 =	vld [tilespmem:s21+$0xFFFFFF90]  }
0xc2: {  	v1 =	vadd.f32 v4, v1;
	v4 =	vld [tilespmem:s21+$0xFFFFFFA0]  }
0xc3: {  	v0 =	vadd.f32 v5, v0;
	v5 =	vld [tilespmem:s21+$0xFFFFFFB0]  }
0xc4: {  	v1 =	vadd.f32 v6, v1;
	v6 =	vld [tilespmem:s21+$0xFFFFFFC0]  }
0xc5: {  	v0 =	vadd.f32 v2, v0;
	v2 =	vld [tilespmem:s21+$0xFFFFFFD0]  }
0xc6: {  	v1 =	vadd.f32 v3, v1;
	v3 =	vld [tilespmem:s21+$0xFFFFFFE0]  }
0xc7: {  	v0 =	vadd.f32 v4, v0;
	v4 =	vld [tilespmem:s21+$0xFFFFFFF0]  }
0xc8: {  	v1 =	vadd.f32 v5, v1;
	v5 =	vld [tilespmem:s21+$0x0]  }
0xc9: {  	v0 =	vadd.f32 v6, v0;
	v6 =	vld [tilespmem:s21+$0x10]  }
0xca: {  	v1 =	vadd.f32 v2, v1;
	v2 =	vld [tilespmem:s21+$0x20]  }
0xcb: {  	v0 =	vadd.f32 v3, v0;
	v3 =	vld [tilespmem:s21+$0x30]  }
0xcc: {  	v1 =	vadd.f32 v4, v1;
	v4 =	vld [tilespmem:s21+$0x40]  }
0xcd: {  	v0 =	vadd.f32 v5, v0;
	v5 =	vld [tilespmem:s21+$0x50]  }
0xce: {  	v1 =	vadd.f32 v6, v1;
	v6 =	vld [tilespmem:s21+$0x60]  }
0xcf: {  	v0 =	vadd.f32 v2, v0;
	v2 =	vld [tilespmem:s21+$0x70]  }
0xd0: {  	v1 =	vadd.f32 v3, v1;
	v3 =	vld [tilespmem:s21+$0x80]  }
0xd1: {  	v0 =	vadd.f32 v4, v0;
	v4 =	vld [tilespmem:s21+$0x90]  }
0xd2: {  	v1 =	vadd.f32 v5, v1;
	v5 =	vld [tilespmem:s21+$0xA0]  }
0xd3: {  	v0 =	vadd.f32 v6, v0;
	v6 =	vld [tilespmem:s21+$0xB0]  }
0xd4: {  	v1 =	vadd.f32 v2, v1;
	v2 =	vld [tilespmem:s21+$0xC0]  }
0xd5: {  	v0 =	vadd.f32 v3, v0;
	v3 =	vld [tilespmem:s21+$0xD0]  }
0xd6: {  	v1 =	vadd.f32 v4, v1;
	v4 =	vld [tilespmem:s21+$0xE0]  }
0xd7: {  	v0 =	vadd.f32 v5, v0;
	v5 =	vld [tilespmem:s21+$0xF0]  }
0xd8: {  	v1 =	vadd.f32 v6, v1;
	v6 =	vld [tilespmem:s21+$0x100]  }
0xd9: {  	v0 =	vadd.f32 v2, v0;
	v2 =	vld [tilespmem:s21+$0x110]  }
0xda: {  	v1 =	vadd.f32 v3, v1;
	v3 =	vld [tilespmem:s21+$0x120]  }
0xdb: {  	v0 =	vadd.f32 v4, v0;
	v4 =	vld [tilespmem:s21+$0x130]  }
0xdc: {  	v1 =	vadd.f32 v5, v1  }
.Ltmp1:
0xdd: {  	v0 =	vadd.f32 v6, v0;
	(pc) =	sbr.rel @p0 .LBB2_5-.Ltmp1, $4  }
0xde: {  	v1 =	vadd.f32 v2, v1  }
0xdf: {  	v2 =	vadd.f32 v3, v0  }
0xe0: {  	s23 =	sshra.s32 s23, $0x2;
	v0 =	vadd.f32 v4, v1  }
0xe1: {  	[tilespmem:s23+$0x17D40] =	vst v2  }
0xe2: {  	s19 =	sadd.s32 $0x1, s19  }
0xe3: {  	s20 =	smul.u32 $0x640, s20;
	p0 =	sne.s32 s19, $0x10  }
.Ltmp2:
0xe4: {  	_ = 	snop;
	(pc) =	sbr.rel @p0 .LBB2_2-.Ltmp2, $4  }
0xe5: {  	s20 =	sadd.s32 s6, s20  }
0xe6: {  	s20 =	sshrl.u32 s20, $0x3  }
0xe7: {  	[tilespmem:s23+$0x17D50] =	vst v0;
	s20 =	sadd.s32 s4, s20  }
0xe8: {  	[hbm4b:s20+s2] =	stream.linear.scatter [tilespmem:s15], [sflag:$0x4], $0x640, $0x38;
	[tilespmem:$0x18380] =	vst v63  }
0xe9: {  	s18 =	sadd.s32 $0x1, s18  }
0xea: {  	_ =	swait.ge [sflag:s16], $0x640;
	p0 =	sne.s32 s18, s7  }
.Ltmp3:
0xeb: {  	[sflag:s16] =	ssyncset.done $0x0;
	(pc) =	sbr.rel @p0 .LBB2_1-.Ltmp3, $4  }
0xec: {  	[sflag:s16] =	ssyncadd.s32 $0xFFFFF9C0  }
0xed: {  	_ =	swait.ge [sflag:s17], $0x640  }
0xee: {  	[sflag:s17] =	ssyncset.done $0x0  }
0xef: {  	[sflag:s17] =	ssyncadd.s32 $0xFFFFF9C0  }
0xf0: {  	_ =	sfence.sel $0x180000  }
0xf1: {  	[bflag:$0x0] =	sbarrier.arrive $0xFFFF  }
0xf2: {  	p0 =	sne.s32 s0, $0x0;
	_ =	strace $0x9000004A  }
0xf3: {  	s0 =	sadd.s32 @!p0 $0x100000, s1;
	[bflag:$0x2] =	sbarrier.arrive $0xFFFF  }
0xf4: {  	[sflag:s0] =	ssyncadd.tile.s32 @!p0 $0x1;
	_ =	shalt  }
.Lfunc_end2:
_tile_overlayer_lowered:
.L_overlay_start_2:
0xf5: {  	(tag) =	ssettag $0x2  }
0xf6: {  	s0 =	rddreg [dreg:$0x0];
	s2 =	stileid.u32  }
0xf7: {  	s1 =	rddreg [dreg:$0x1];
	p0 =	sne.s32 s2, $0x0  }
0xf8: {  	s3 =	rddreg [dreg:$0x2];
	[bflag:$0x3] =	sbarrier.arrive $0xFFFF;
	s2 =	simm.s32 @!p0 $0x1C05  }
0xf9: {  	[timem:s3], [sflag:s2] =	dma.local @!p0 [hbm:s0], s1  }
0xfa: {  	s0 =	simm.s32 @!p0 $0x5  }
0xfb: {  	_ =	swait.ge @!p0 [sflag:s0], s1  }
0xfc: {  	s1 =	ssub.s32 @!p0 $0x0, s1;
	[sflag:s0] =	ssyncset.done @!p0 $0x0  }
0xfd: {  	[sflag:s0] =	ssyncadd.s32 @!p0 s1  }
0xfe: {  	[bflag:$0x3] =	sbarrier.arrive $0xFFFF  }
0xff: {  	_ =	shalt  }

// kernel: kernel.8.cloned.1.call-start
scs
__scs_entry_jumppad:
0x0: {  	(pc) =	sbr.rel $0x88, $3  }
0x1: {  	(tag) =	ssettag $0x0;
	lr =	simm.s32 $0x1  }
0x2: {  	[smem:$0x3F9E] =	sst lr;
	_ =	strace $0xD0000000  }
0x3: {  	_ = 	snop  }
0x4: {  	_ = 	snop  }
0x5: {  	_ = 	snop  }
0x6: {  	_ = 	snop  }
0x7: {  	_ = 	snop  }
__scs_overlays_trampoline_lowered:
0x8: {  	[smem:$0x3FAD] =	sst s0  }
0x9: {  	[smem:$0x3FAE] =	sst s1  }
0xa: {  	[smem:$0x3FAF] =	sst s2  }
0xb: {  	[smem:$0x3FB0] =	sst s3  }
0xc: {  	[smem:$0x3FB1] =	sst s4  }
0xd: {  	[smem:$0x3FB2] =	sst s5  }
0xe: {  	[smem:$0x3FB3] =	sst s6  }
0xf: {  	[smem:$0x3FB4] =	sst s7  }
0x10: {  	[smem:$0x3FB5] =	sst s8  }
0x11: {  	[smem:$0x3FB6] =	sst s9;
	s0 =	simm.s32 @!p0 $0x0  }
0x12: {  	s1 =	sld [smem:$0x3F9C];
	s0 =	simm.s32 @p0 $0x1  }
0x13: {  	[smem:$0x3FB7] =	sst s0;
	s0 =	simm.s32 @!p1 $0x0  }
0x14: {  	s2 =	sld [smem:$0x3F9B];
	s0 =	simm.s32 @p1 $0x1  }
0x15: {  	[smem:$0x3FB8] =	sst s0;
	s0 =	simm.s32 @!p2 $0x0  }
0x16: {  	s3 =	sld [smem:$0x3FDB];
	s0 =	simm.s32 @p2 $0x1  }
0x17: {  	s4 =	simm.s32 $0x1BF5;
	[smem:$0x3FBA] =	sst s0  }
0x18: {  	s0 =	sld [smem:$0x3F9D];
	_ =	swait.ge [sflag:s4], $0x0  }
0x19: {  	s7 =	sld [smem:$0x3F9E]  }
0x1a: {  	s8 =	sadd.s32 $0xFFFFE003, lr  }
0x1b: {  	s9 =	sadd.s32 $0xFFFFFEF7, lr;
	s5 =	simm.s32 $0xFFFFFFFF;
	p2 =	slt.u32 s8, $0xFFFFF086  }
0x1c: {  	p1 =	slt.u32 s9, $0xF7A;
	s5 =	simm.s32 @!p2 $0x0  }
0x1d: {  	s5 =	simm.s32 @p1 $0x1;
	p0 =	seq.s32 s7, s2  }
0x1e: {  	s7 =	smul.u32 @!p0 $0xF7A, s2;
	p2 =	seq.s32 @!p0 s5, $0x0  }
0x1f: {  	s9 =	smul.u32 $0xF7A, s1;
	s8 =	simm.s32 @!p0 $0x1BF5;
	p2 =	por !p2, p0  }
0x20: {  	[sflag:s8] =	ssyncset.s32 @!p0 $0xFFFFF086;
	s6 =	sadd.s32 @!p0 s3, s7;
	s7 =	simm.s32 @!p0 $0x108  }
0x21: {  	s3 =	sadd.s32 s3, s9;
	s6 =	sadd.s32 @!p0 $0x88, s6;
	s7 =	simm.s32 @p2 $0x1082  }
0x22: {  	[simem:s7], [sflag:s8] =	dma.local @!p0 [hbm:s6], $0xF7A  }
0x23: {  	s9 =	sor.u32 $0xD0000000, s2;
	s6 =	simm.s32 $0x108;
	_ =	swait.ge @!p0 [sflag:s8], $0x0  }
0x24: {  	s3 =	sadd.s32 $0x88, s3;
	s6 =	simm.s32 @!p1 $0x1082;
	[sflag:s4] =	ssyncset.s32 $0xFFFFF086  }
0x25: {  	[simem:s6], [sflag:s4] =	dma.local [hbm:s3], $0xF7A  }
0x26: {  	[smem:$0x3F9E] =	sst s1;
	(tag) =	ssettag s2;
	_ =	strace s9  }
0x27: {  	s1 =	sld [smem:$0x3FAE]  }
0x28: {  	s2 =	sld [smem:$0x3FAF]  }
0x29: {  	s4 =	sld [smem:$0x3FB1]  }
0x2a: {  	p0 =	seq.s32 s5, $0x0;
	s5 =	sld [smem:$0x3FB2]  }
0x2b: {  	s6 =	sld [smem:$0x3FB3]  }
0x2c: {  	s7 =	sld [smem:$0x3FB4]  }
0x2d: {  	s3 =	simm.s32 $0x108;
	s8 =	sld [smem:$0x3FB5]  }
0x2e: {  	s3 =	simm.s32 @!p0 $0x1082;
	s9 =	sld [smem:$0x3FB6]  }
0x2f: {  	lr =	sadd.s32 s0, s3;
	s0 =	sld [smem:$0x3FAD]  }
0x30: {  	s3 =	sld [smem:$0x3FB0]  }
0x31: {  	[smem:$0x3FB9] =	sst s10  }
0x32: {  	s10 =	sld [smem:$0x3FB7];
	_ =	sdelay $0x3  }
0x33: {  	p0 =	seq.s32 s10, $0x1;
	s10 =	sld [smem:$0x3FB9];
	_ =	sdelay $0x3  }
0x34: {  	[smem:$0x3FB9] =	sst s10  }
0x35: {  	s10 =	sld [smem:$0x3FB8];
	_ =	sdelay $0x3  }
0x36: {  	p1 =	seq.s32 s10, $0x1;
	s10 =	sld [smem:$0x3FB9];
	_ =	sdelay $0x3  }
0x37: {  	[smem:$0x3FB9] =	sst s10  }
0x38: {  	s10 =	sld [smem:$0x3FBA]  }
0x39: {  	_ = 	snop;
	(pc) =	sbr.ind lr, $3  }
0x3a: {  	_ = 	snop  }
0x3b: {  	_ = 	snop  }
0x3c: {  	p2 =	seq.s32 s10, $0x1;
	s10 =	sld [smem:$0x3FB9]  }
0x3d: {  	_ =	shalt  }
0x3e: {  	_ =	shalt  }
0x3f: {  	_ =	shalt  }
0x40: {  	_ =	shalt  }
0x41: {  	_ =	shalt  }
0x42: {  	_ =	shalt  }
0x43: {  	_ =	shalt  }
0x44: {  	_ =	shalt  }
0x45: {  	_ =	shalt  }
0x46: {  	_ =	shalt  }
0x47: {  	_ =	shalt  }
0x48: {  	_ =	shalt  }
0x49: {  	_ =	shalt  }
0x4a: {  	_ =	shalt  }
0x4b: {  	_ =	shalt  }
0x4c: {  	_ =	shalt  }
0x4d: {  	_ =	shalt  }
0x4e: {  	_ =	shalt  }
0x4f: {  	_ =	shalt  }
0x50: {  	_ =	shalt  }
0x51: {  	_ =	shalt  }
0x52: {  	_ =	shalt  }
0x53: {  	_ =	shalt  }
0x54: {  	_ =	shalt  }
0x55: {  	_ =	shalt  }
0x56: {  	_ =	shalt  }
0x57: {  	_ =	shalt  }
0x58: {  	_ =	shalt  }
0x59: {  	_ =	shalt  }
0x5a: {  	_ =	shalt  }
0x5b: {  	_ =	shalt  }
0x5c: {  	_ =	shalt  }
0x5d: {  	_ =	shalt  }
0x5e: {  	_ =	shalt  }
0x5f: {  	_ =	shalt  }
0x60: {  	_ =	shalt  }
0x61: {  	_ =	shalt  }
0x62: {  	_ =	shalt  }
0x63: {  	_ =	shalt  }
0x64: {  	_ =	shalt  }
0x65: {  	_ =	shalt  }
0x66: {  	_ =	shalt  }
0x67: {  	_ =	shalt  }
0x68: {  	_ =	shalt  }
0x69: {  	_ =	shalt  }
0x6a: {  	_ =	shalt  }
0x6b: {  	_ =	shalt  }
0x6c: {  	_ =	shalt  }
0x6d: {  	_ =	shalt  }
0x6e: {  	_ =	shalt  }
0x6f: {  	_ =	shalt  }
0x70: {  	_ =	shalt  }
0x71: {  	_ =	shalt  }
0x72: {  	_ =	shalt  }
0x73: {  	_ =	shalt  }
0x74: {  	_ =	shalt  }
0x75: {  	_ =	shalt  }
0x76: {  	_ =	shalt  }
0x77: {  	_ =	shalt  }
0x78: {  	_ =	shalt  }
0x79: {  	_ =	shalt  }
0x7a: {  	_ =	shalt  }
0x7b: {  	_ =	shalt  }
0x7c: {  	_ =	shalt  }
0x7d: {  	_ =	shalt  }
0x7e: {  	_ =	shalt  }
0x7f: {  	_ =	shalt  }
0x80: {  	_ =	shalt  }
0x81: {  	_ =	shalt  }
0x82: {  	_ =	shalt  }
0x83: {  	_ =	shalt  }
0x84: {  	_ =	shalt  }
0x85: {  	_ =	shalt  }
0x86: {  	_ =	shalt  }
0x87: {  	_ =	shalt  }
.Lfunc_end0:
.L_simem_size_0:
called_computation.1_lowered:
.L_overlay_start_0:
0x88: {  	s2 =	sld [smem:$0x3FD9]  }
0x89: {  	s3 =	sld [smem:$0x3FFE];
	_ =	sdelay $0x1  }
0x8a: {  	s1 =	srdreg.scid  }
0x8b: {  	s0 =	sand.u32 $0x1, s1  }
0x8c: {  	s16 =	sshll.u32 s0, $0xA;
	s2 =	sadd.s32 s3, s2  }
0x8d: {  	s2 =	sadd.s32 s2, s16  }
0x8e: {  	[smem:$0x3FC5] =	sst s2  }
0x8f: {  	_ = 	snop  }
0x90: {  	(tm) =	ssettm $0x1  }
0x91: {  	s17 =	sld [smem:$0x3FFB];
	_ =	sdelay $0x3  }
0x92: {  	_ =	strace s17  }
0x93: {  	s2 =	sld [smem:$0x3FFC];
	_ =	sdelay $0x3  }
0x94: {  	_ =	strace s2  }
0x95: {  	s2 =	sld [smem:$0x3FFD];
	_ =	sdelay $0x3  }
0x96: {  	_ =	strace s2  }
0x97: {  	_ =	strace $0x8FFFFFFF  }
0x98: {  	s18 =	sld [smem:$0x3FDB];
	_ =	sdelay $0x1  }
0x99: {  	s19 =	simm.s32 $_scs_section_size  }
0x9a: {  	s4 =	simm.s32 $_size__tile_overlayer_lowered;
	s5 =	simm.s32 $_tile_overlayer_lowered  }
0x9b: {  	s22 =	simm.s32 $0x1BFF;
	s21 =	sshll.u32 s5, $0x1;
	s2 =	sadd.s32 s19, s18  }
0x9c: {  	s6 =	simm.s32 $0x0;
	s20 =	sshll.u32 s4, $0x1;
	s4 =	sadd.s32 s21, s2  }
0x9d: {  	[timem:s6], [sflag:s22] =	dma.local [hbm:s4], s20  }
0x9e: {  	_ =	swait.ge [sflag:s22], s20  }
0x9f: {  	s3 =	ssub.s32 $0x0, s20;
	[sflag:s22] =	ssyncset.done $0x0  }
0xa0: {  	[sflag:s22] =	ssyncadd.s32 s3;
	_ =	sdelay $0x1  }
0xa1: {  	s23 =	simm.s32 $0x1B8B  }
0xa2: {  	_ =	swait.ge [sflag:s23], $0x1  }
0xa3: {  	[sflag:s23] =	ssyncset.done $0x0  }
0xa4: {  	s25 =	simm.s32 $0x1B8E;
	s24 =	sld [smem:$0x3FFE];
	[sflag:s23] =	ssyncadd.s32 $0xFFFFFFFF  }
0xa5: {  	s26 =	simm.s32 $execute0_lowered;
	[smem:$0x3FD2] =	sst s25  }
0xa6: {  	s4 =	sshll.u32 s26, $0x1;
	_ =	strace $0x80000046;
	[dreg:$0x1] =	wrdreg $0xFFFFFFFF  }
0xa7: {  	s28 =	simm.s32 $_size_execute0_lowered;
	s2 =	sadd.s32 s2, s4;
	[dreg:$0x0] =	wrdreg $0x0  }
0xa8: {  	s4 =	sshll.u32 s28, $0x1;
	[dreg:$0x2] =	wrdreg s2  }
0xa9: {  	[dreg:$0x3] =	wrdreg s4  }
0xaa: {  	[dreg:$0x4] =	wrdreg $0xC0  }
0xab: {  	_ =	task [dreg:s6], $0x5FFFF  }
0xac: {  	[dreg:$0x1] =	wrdreg $0xFFFFFFFF  }
0xad: {  	[dreg:$0x0] =	wrdreg $0x60  }
0xae: {  	[dreg:$0x2] =	wrdreg s24  }
0xaf: {  	[dreg:$0x3] =	wrdreg $0xA  }
0xb0: {  	_ =	task.clear_ibuf [dreg:s6], $0x4FFFF;
	_ =	strace $0x90000046  }
0xb1: {  	s29 =	simm.s32 $0xA;
	_ =	strace $0x80000048  }
0xb2: {  	_ =	swait.ge [sflag:s29], $0x1  }
0xb3: {  	[sflag:s29] =	ssyncadd.s32 $0xFFFFFFFF  }
0xb4: {  	_ =	strace $0x90000048  }
0xb5: {  	_ =	sfence  }
0xb6: {  	s30 =	sld [smem:$0x0];
	_ =	sdelay $0x2  }
0xb7: {  	s31 =	sshll.u32 s1, $0xD;
	s1 =	sshrl.u32 s1, $0x2  }
0xb8: {  	s3 =	sand.u32 $0x4000, s31;
	s1 =	sadd.s32 s1, s30  }
0xb9: {  	s0 =	sor.u32 s3, s0;
	s1 =	sshll.u32 s1, $0x11  }
0xba: {  	s0 =	sor.u32 s1, s0  }
0xbb: {  	s0 =	sadd.s32 $0x8F2B, s0  }
0xbc: {  	[sflag:s0] =	ssyncadd.remote.s32 $0x1  }
0xbd: {  	_ =	sfence.sel $0xFFFF  }
0xbe: {  	[dreg:$0x0] =	wrdreg $0xFFFFFFFF;
	(pc) =	sbr.abs _section_cstart, $3  }
0xbf: {  	[dreg:$0x1] =	wrdreg $0xFFFFFFFF  }
0xc0: {  	_ =	task.clear_ibuf [dreg:s6], $0x2FFFF;
	_ =	strace $0x9FFFFFFF  }
0xc1: {  	(tm) =	ssettm $0x7FFFFFFF  }
tec
execute0_lowered:
.L_overlay_start_1:
0x0: {  	(tag) =	ssettag $0x1  }
0x1: {  	s1 =	srdreg.scid  }
0x2: {  	s0 =	stileid.u32;
	s4 =	rddreg [dreg:$0x0];
	s2 =	simm.s32 $0x0  }
0x3: {  	s9 =	simm.s32 $0x3E8;
	s10 =	simm.s32 $0x7D00;
	s11 =	simm.s32 $0x1  }
0x4: {  	s12 =	simm.s32 $0xFA00;
	s13 =	simm.s32 $0x17700;
	s14 =	simm.s32 $0x2  }
0x5: {  	s15 =	simm.s32 $0x17D40;
	s16 =	simm.s32 $0x3;
	s17 =	simm.s32 $0x4  }
0x6: {  	s3 =	sand.u32 $0x1, s1;
	s31 =	sshll.u32 s0, $0x1;
	s1 =	rddreg [dreg:$0x1]  }
0x7: {  	s18 =	simm.s32 $0x0;
	[smem:$0x7FF] =	sst s2;
	s6 =	sor.u32 s3, s31  }
0x8: {  	_ =	strace $0x80000047;
	s7 =	ssub.s32 $0x2, s3;
	s5 =	smul.u32 $0xFA0, s6  }
0x9: {  	s3 =	sadd.s32 $0x1A7C00, s4;
	s8 =	sshrl.u32 s7, $0x1;
	s6 =	smul.u32 $0xC800, s6  }
0xa: {  	s7 =	ssub.s32 s7, s8;
	s8 =	simm.s32 $0x5;
	s5 =	sadd.s32 s5, s4  }
0xb: {  	s4 =	sadd.s32 $0x21200, s4;
	s7 =	smax.u32 s7, $0x1;
	s5 =	sadd.s32 $0x1E00, s5  }
.LBB2_1:
0xc: {  	[tilespmem:s2], [sflag:$0x5] =	stream.linear.gather [hbm4b:s5+s2], $0x7D00, $0x38;
	[tilespmem:$0x18380] =	vst v63  }
0xd: {  	_ =	swait.ge [sflag:s8], $0x7D00  }
0xe: {  	[sflag:s8] =	ssyncset.done $0x0  }
0xf: {  	s19 =	simm.s32 $0x0;
	[sflag:s8] =	ssyncadd.s32 $0xFFFF8300  }
0x10: {  	[tilespmem:s10], [sflag:$0x1] =	stream.indirect.gather [hbm4b:s3+s9], $0x20, s2, s9, $0xb8;
	[tilespmem:$0x18380] =	vst v63  }
.LBB2_2:
0x11: {  	s20 =	sshllo.u32 s19, $0x1  }
0x12: {  	_ =	swait.ge [sflag:s11], $0x7D00;
	s21 =	smul.u32 $0xFA0, s20  }
0x13: {  	[sflag:s11] =	ssyncset.done $0x0  }
0x14: {  	p0 =	seq.s32 s19, $0x0;
	[sflag:s11] =	ssyncadd.s32 $0xFFFF8300;
	s21 =	sshra.s32 s21, $0x2  }
0x15: {  	[tilespmem:s12], [sflag:$0x2] =	stream.indirect.gather [hbm4b:s3+s9], $0x20, s21, s9, $0xb8;
	[tilespmem:$0x18380] =	vst v63  }
0x16: {  	s21 =	simm.s32 @!p0 $0x3  }
0x17: {  	_ =	swait.ge @!p0 [sflag:s21], $0x640  }
0x18: {  	[sflag:s21] =	ssyncset.done @!p0 $0x0  }
0x19: {  	[sflag:s21] =	ssyncadd.s32 @!p0 $0xFFFFF9C0;
	s21 =	simm.s32 $0x7E40  }
0x1a: {  	v0 =	vld [tilespmem:s21+$0xFFFFFEC0]  }
0x1b: {  	v1 =	vld [tilespmem:s21+$0xFFFFFED0]  }
0x1c: {  	v2 =	vld [tilespmem:s21+$0xFFFFFEE0]  }
0x1d: {  	v3 =	vld [tilespmem:s21+$0xFFFFFEF0]  }
0x1e: {  	v4 =	vld [tilespmem:s21+$0xFFFFFF00]  }
0x1f: {  	v5 =	vld [tilespmem:s21+$0xFFFFFF10];
	v0 =	vadd.f32 $0.0e+00, v0  }
0x20: {  	v6 =	vld [tilespmem:s21+$0xFFFFFF20]  }
0x21: {  	v7 =	vld [tilespmem:s21+$0xFFFFFF40];
	v1 =	vadd.f32 $0.0e+00, v1;
	v0 =	vadd.f32 v2, v0  }
0x22: {  	v2 =	vld [tilespmem:s21+$0xFFFFFF30]  }
0x23: {  	v44 =	vld [tilespmem:s21+$0xFFFFFF60];
	v1 =	vadd.f32 v3, v1;
	v0 =	vadd.f32 v4, v0  }
0x24: {  	v3 =	vld [tilespmem:s21+$0xFFFFFF50]  }
0x25: {  	v45 =	vld [tilespmem:s21+$0xFFFFFF70];
	v1 =	vadd.f32 v5, v1;
	v0 =	vadd.f32 v6, v0  }
0x26: {  	v46 =	vld [tilespmem:s21+$0xFFFFFF80]  }
0x27: {  	v47 =	vld [tilespmem:s21+$0xFFFFFFA0];
	v1 =	vadd.f32 v2, v1;
	v0 =	vadd.f32 v7, v0  }
0x28: {  	v2 =	vld [tilespmem:s21+$0xFFFFFF90]  }
0x29: {  	v48 =	vld [tilespmem:s21+$0xFFFFFFC0];
	v1 =	vadd.f32 v3, v1;
	v0 =	vadd.f32 v44, v0  }
0x2a: {  	v3 =	vld [tilespmem:s21+$0xFFFFFFB0]  }
0x2b: {  	v49 =	vld [tilespmem:s21+$0xFFFFFFD0];
	v1 =	vadd.f32 v45, v1;
	v0 =	vadd.f32 v46, v0  }
0x2c: {  	v50 =	vld [tilespmem:s21+$0xFFFFFFE0]  }
0x2d: {  	v51 =	vld [tilespmem:s21+$0x0];
	v1 =	vadd.f32 v2, v1;
	v0 =	vadd.f32 v47, v0  }
0x2e: {  	v2 =	vld [tilespmem:s21+$0xFFFFFFF0]  }
0x2f: {  	v52 =	vld [tilespmem:s21+$0x20];
	v1 =	vadd.f32 v3, v1;
	v0 =	vadd.f32 v48, v0  }
0x30: {  	v3 =	vld [tilespmem:s21+$0x10]  }
0x31: {  	v53 =	vld [tilespmem:s21+$0x30];
	v1 =	vadd.f32 v49, v1;
	v0 =	vadd.f32 v50, v0  }
0x32: {  	v54 =	vld [tilespmem:s21+$0x40]  }
0x33: {  	v55 =	vld [tilespmem:s21+$0x60];
	v1 =	vadd.f32 v2, v1;
	v0 =	vadd.f32 v51, v0  }
0x34: {  	v2 =	vld [tilespmem:s21+$0x50]  }
0x35: {  	v56 =	vld [tilespmem:s21+$0x80];
	v1 =	vadd.f32 v3, v1;
	v0 =	vadd.f32 v52, v0  }
0x36: {  	v3 =	vld [tilespmem:s21+$0x70]  }
0x37: {  	v57 =	vld [tilespmem:s21+$0x90];
	v1 =	vadd.f32 v53, v1;
	v0 =	vadd.f32 v54, v0  }
0x38: {  	v58 =	vld [tilespmem:s21+$0xA0]  }
0x39: {  	v59 =	vld [tilespmem:s21+$0xC0];
	v1 =	vadd.f32 v2, v1;
	v0 =	vadd.f32 v55, v0  }
0x3a: {  	v2 =	vld [tilespmem:s21+$0xB0]  }
0x3b: {  	v60 =	vld [tilespmem:s21+$0xE0];
	v1 =	vadd.f32 v3, v1;
	v0 =	vadd.f32 v56, v0  }
0x3c: {  	v3 =	vld [tilespmem:s21+$0xD0]  }
0x3d: {  	v61 =	vld [tilespmem:s21+$0xF0];
	v1 =	vadd.f32 v57, v1;
	v0 =	vadd.f32 v58, v0  }
0x3e: {  	v62 =	vld [tilespmem:s21+$0x100]  }
0x3f: {  	v63 =	vld [tilespmem:s21+$0x120];
	v1 =	vadd.f32 v2, v1;
	v0 =	vadd.f32 v59, v0  }
0x40: {  	v2 =	vld [tilespmem:s21+$0x110]  }
0x41: {  	v1 =	vadd.f32 v3, v1;
	v0 =	vadd.f32 v60, v0  }
0x42: {  	v3 =	vld [tilespmem:s21+$0x130]  }
0x43: {  	v1 =	vadd.f32 v61, v1;
	v0 =	vadd.f32 v62, v0;
	_ =	sdelay $0x1  }
0x44: {  	v1 =	vadd.f32 v2, v1;
	v2 =	vadd.f32 v63, v0  }
0x45: {  	s23 =	simm.s32 $0x0  }
0x46: {  	s22 =	simm.s32 $0x80;
	v0 =	vadd.f32 v3, v1;
	[tilespmem:s23+$0x17700] =	vst v2  }
.LBB2_3:
0x47: {  	p0 =	sne.s32 s22, $0x1880  }
0x48: {  	[tilespmem:s23+$0x17710] =	vst v0;
	s21 =	sadd.s32 $0x280, s21;
	s23 =	smov.u32 s22;
	s22 =	sadd.s32 $0x80, s22  }
0x49: {  	v0 =	vld [tilespmem:s21+$0xFFFFFEC0]  }
0x4a: {  	v1 =	vld [tilespmem:s21+$0xFFFFFED0]  }
0x4b: {  	v2 =	vld [tilespmem:s21+$0xFFFFFEE0]  }
0x4c: {  	v3 =	vld [tilespmem:s21+$0xFFFFFEF0]  }
0x4d: {  	v4 =	vld [tilespmem:s21+$0xFFFFFF00]  }
0x4e: {  	v0 =	vadd.f32 $0.0e+00, v0;
	v5 =	vld [tilespmem:s21+$0xFFFFFF10]  }
0x4f: {  	v1 =	vadd.f32 $0.0e+00, v1;
	v6 =	vld [tilespmem:s21+$0xFFFFFF20]  }
0x50: {  	v0 =	vadd.f32 v2, v0;
	v2 =	vld [tilespmem:s21+$0xFFFFFF30]  }
0x51: {  	v1 =	vadd.f32 v3, v1;
	v3 =	vld [tilespmem:s21+$0xFFFFFF40]  }
0x52: {  	v0 =	vadd.f32 v4, v0;
	v4 =	vld [tilespmem:s21+$0xFFFFFF50]  }
0x53: {  	v1 =	vadd.f32 v5, v1;
	v5 =	vld [tilespmem:s21+$0xFFFFFF60]  }
0x54: {  	v0 =	vadd.f32 v6, v0;
	v6 =	vld [tilespmem:s21+$0xFFFFFF70]  }
0x55: {  	v1 =	vadd.f32 v2, v1;
	v2 =	vld [tilespmem:s21+$0xFFFFFF80]  }
0x56: {  	v0 =	vadd.f32 v3, v0;
	v3 =	vld [tilespmem:s21+$0xFFFFFF90]  }
0x57: {  	v1 =	vadd.f32 v4, v1;
	v4 =	vld [tilespmem:s21+$0xFFFFFFA0]  }
0x58: {  	v0 =	vadd.f32 v5, v0;
	v5 =	vld [tilespmem:s21+$0xFFFFFFB0]  }
0x59: {  	v1 =	vadd.f32 v6, v1;
	v6 =	vld [tilespmem:s21+$0xFFFFFFC0]  }
0x5a: {  	v0 =	vadd.f32 v2, v0;
	v2 =	vld [tilespmem:s21+$0xFFFFFFD0]  }
0x5b: {  	v1 =	vadd.f32 v3, v1;
	v3 =	vld [tilespmem:s21+$0xFFFFFFE0]  }
0x5c: {  	v0 =	vadd.f32 v4, v0;
	v4 =	vld [tilespmem:s21+$0xFFFFFFF0]  }
0x5d: {  	v1 =	vadd.f32 v5, v1;
	v5 =	vld [tilespmem:s21+$0x0]  }
0x5e: {  	v0 =	vadd.f32 v6, v0;
	v6 =	vld [tilespmem:s21+$0x10]  }
0x5f: {  	v1 =	vadd.f32 v2, v1;
	v2 =	vld [tilespmem:s21+$0x20]  }
0x60: {  	v0 =	vadd.f32 v3, v0;
	v3 =	vld [tilespmem:s21+$0x30]  }
0x61: {  	v1 =	vadd.f32 v4, v1;
	v4 =	vld [tilespmem:s21+$0x40]  }
0x62: {  	v0 =	vadd.f32 v5, v0;
	v5 =	vld [tilespmem:s21+$0x50]  }
0x63: {  	v1 =	vadd.f32 v6, v1;
	v6 =	vld [tilespmem:s21+$0x60]  }
0x64: {  	v0 =	vadd.f32 v2, v0;
	v2 =	vld [tilespmem:s21+$0x70]  }
0x65: {  	v1 =	vadd.f32 v3, v1;
	v3 =	vld [tilespmem:s21+$0x80]  }
0x66: {  	v0 =	vadd.f32 v4, v0;
	v4 =	vld [tilespmem:s21+$0x90]  }
0x67: {  	v1 =	vadd.f32 v5, v1;
	v5 =	vld [tilespmem:s21+$0xA0]  }
0x68: {  	v0 =	vadd.f32 v6, v0;
	v6 =	vld [tilespmem:s21+$0xB0]  }
0x69: {  	v1 =	vadd.f32 v2, v1;
	v2 =	vld [tilespmem:s21+$0xC0]  }
0x6a: {  	v0 =	vadd.f32 v3, v0;
	v3 =	vld [tilespmem:s21+$0xD0]  }
0x6b: {  	v1 =	vadd.f32 v4, v1;
	v4 =	vld [tilespmem:s21+$0xE0]  }
0x6c: {  	v0 =	vadd.f32 v5, v0;
	v5 =	vld [tilespmem:s21+$0xF0]  }
0x6d: {  	v1 =	vadd.f32 v6, v1;
	v6 =	vld [tilespmem:s21+$0x100]  }
0x6e: {  	v0 =	vadd.f32 v2, v0;
	v2 =	vld [tilespmem:s21+$0x110]  }
0x6f: {  	v1 =	vadd.f32 v3, v1;
	v3 =	vld [tilespmem:s21+$0x120]  }
0x70: {  	v0 =	vadd.f32 v4, v0;
	v4 =	vld [tilespmem:s21+$0x130]  }
0x71: {  	v1 =	vadd.f32 v5, v1  }
.Ltmp0:
0x72: {  	v0 =	vadd.f32 v6, v0;
	(pc) =	sbr.rel @p0 .LBB2_3-.Ltmp0, $4  }
0x73: {  	v1 =	vadd.f32 v2, v1  }
0x74: {  	v2 =	vadd.f32 v3, v0  }
0x75: {  	s23 =	sshra.s32 s23, $0x2;
	v0 =	vadd.f32 v4, v1  }
0x76: {  	[tilespmem:s23+$0x17700] =	vst v2  }
0x77: {  	s21 =	smul.u32 $0xC80, s19;
	_ =	sdelay $0x1  }
0x78: {  	s21 =	sadd.s32 s6, s21  }
0x79: {  	s21 =	sshrl.u32 s21, $0x3  }
0x7a: {  	[tilespmem:s23+$0x17710] =	vst v0;
	p0 =	seq.s32 s19, $0xF;
	s21 =	sadd.s32 s4, s21  }
0x7b: {  	[hbm4b:s21+s2] =	stream.linear.scatter [tilespmem:s13], [sflag:$0x3], $0x640, $0x38;
	[tilespmem:$0x18380] =	vst v63  }
0x7c: {  	s21 =	smul.u32 @!p0 $0x1F40, s19  }
0x7d: {  	p1 =	seq.s32 @!p0 s19, $0x0;
	_ =	swait.ge [sflag:s14], $0x7D00  }
0x7e: {  	s22 =	simm.s32 @!p0 $0x3E8;
	[sflag:s14] =	ssyncset.done $0x0;
	s21 =	sshra.s32 @!p0 s21, $0x2  }
0x7f: {  	s23 =	simm.s32 @!p0 $0x7D00;
	[sflag:s14] =	ssyncadd.s32 $0xFFFF8300;
	s21 =	sadd.s32 @!p0 $0x7D0, s21  }
0x80: {  	[tilespmem:s23], [sflag:$0x1] =	stream.indirect.gather @!p0 [hbm4b:s3+s22], $0x20, s21, s22, $0xb8;
	[tilespmem:$0x18380] =	vst v63  }
0x81: {  	p0 =	por p0, !p1  }
0x82: {  	_ =	swait.ge @p0 [sflag:s17], $0x640  }
0x83: {  	[sflag:s17] =	ssyncset.done @p0 $0x0  }
0x84: {  	s21 =	simm.s32 $0xFB40;
	[sflag:s17] =	ssyncadd.s32 @p0 $0xFFFFF9C0  }
0x85: {  	v0 =	vld [tilespmem:s21+$0xFFFFFEC0]  }
0x86: {  	v1 =	vld [tilespmem:s21+$0xFFFFFED0]  }
0x87: {  	v2 =	vld [tilespmem:s21+$0xFFFFFEE0]  }
0x88: {  	v3 =	vld [tilespmem:s21+$0xFFFFFEF0]  }
0x89: {  	v4 =	vld [tilespmem:s21+$0xFFFFFF00]  }
0x8a: {  	v5 =	vld [tilespmem:s21+$0xFFFFFF10];
	v0 =	vadd.f32 $0.0e+00, v0  }
0x8b: {  	v6 =	vld [tilespmem:s21+$0xFFFFFF20]  }
0x8c: {  	v7 =	vld [tilespmem:s21+$0xFFFFFF40];
	v1 =	vadd.f32 $0.0e+00, v1;
	v0 =	vadd.f32 v2, v0  }
0x8d: {  	v2 =	vld [tilespmem:s21+$0xFFFFFF30]  }
0x8e: {  	v44 =	vld [tilespmem:s21+$0xFFFFFF60];
	v1 =	vadd.f32 v3, v1;
	v0 =	vadd.f32 v4, v0  }
0x8f: {  	v3 =	vld [tilespmem:s21+$0xFFFFFF50]  }
0x90: {  	v45 =	vld [tilespmem:s21+$0xFFFFFF70];
	v1 =	vadd.f32 v5, v1;
	v0 =	vadd.f32 v6, v0  }
0x91: {  	v46 =	vld [tilespmem:s21+$0xFFFFFF80]  }
0x92: {  	v47 =	vld [tilespmem:s21+$0xFFFFFFA0];
	v1 =	vadd.f32 v2, v1;
	v0 =	vadd.f32 v7, v0  }
0x93: {  	v2 =	vld [tilespmem:s21+$0xFFFFFF90]  }
0x94: {  	v48 =	vld [tilespmem:s21+$0xFFFFFFC0];
	v1 =	vadd.f32 v3, v1;
	v0 =	vadd.f32 v44, v0  }
0x95: {  	v3 =	vld [tilespmem:s21+$0xFFFFFFB0]  }
0x96: {  	v49 =	vld [tilespmem:s21+$0xFFFFFFD0];
	v1 =	vadd.f32 v45, v1;
	v0 =	vadd.f32 v46, v0  }
0x97: {  	v50 =	vld [tilespmem:s21+$0xFFFFFFE0]  }
0x98: {  	v51 =	vld [tilespmem:s21+$0x0];
	v1 =	vadd.f32 v2, v1;
	v0 =	vadd.f32 v47, v0  }
0x99: {  	v2 =	vld [tilespmem:s21+$0xFFFFFFF0]  }
0x9a: {  	v52 =	vld [tilespmem:s21+$0x20];
	v1 =	vadd.f32 v3, v1;
	v0 =	vadd.f32 v48, v0  }
0x9b: {  	v3 =	vld [tilespmem:s21+$0x10]  }
0x9c: {  	v53 =	vld [tilespmem:s21+$0x30];
	v1 =	vadd.f32 v49, v1;
	v0 =	vadd.f32 v50, v0  }
0x9d: {  	v54 =	vld [tilespmem:s21+$0x40]  }
0x9e: {  	v55 =	vld [tilespmem:s21+$0x60];
	v1 =	vadd.f32 v2, v1;
	v0 =	vadd.f32 v51, v0  }
0x9f: {  	v2 =	vld [tilespmem:s21+$0x50]  }
0xa0: {  	v56 =	vld [tilespmem:s21+$0x80];
	v1 =	vadd.f32 v3, v1;
	v0 =	vadd.f32 v52, v0  }
0xa1: {  	v3 =	vld [tilespmem:s21+$0x70]  }
0xa2: {  	v57 =	vld [tilespmem:s21+$0x90];
	v1 =	vadd.f32 v53, v1;
	v0 =	vadd.f32 v54, v0  }
0xa3: {  	v58 =	vld [tilespmem:s21+$0xA0]  }
0xa4: {  	v59 =	vld [tilespmem:s21+$0xC0];
	v1 =	vadd.f32 v2, v1;
	v0 =	vadd.f32 v55, v0  }
0xa5: {  	v2 =	vld [tilespmem:s21+$0xB0]  }
0xa6: {  	v60 =	vld [tilespmem:s21+$0xE0];
	v1 =	vadd.f32 v3, v1;
	v0 =	vadd.f32 v56, v0  }
0xa7: {  	v3 =	vld [tilespmem:s21+$0xD0]  }
0xa8: {  	v61 =	vld [tilespmem:s21+$0xF0];
	v1 =	vadd.f32 v57, v1;
	v0 =	vadd.f32 v58, v0  }
0xa9: {  	v62 =	vld [tilespmem:s21+$0x100]  }
0xaa: {  	v63 =	vld [tilespmem:s21+$0x120];
	v1 =	vadd.f32 v2, v1;
	v0 =	vadd.f32 v59, v0  }
0xab: {  	v2 =	vld [tilespmem:s21+$0x110]  }
0xac: {  	v1 =	vadd.f32 v3, v1;
	v0 =	vadd.f32 v60, v0  }
0xad: {  	v3 =	vld [tilespmem:s21+$0x130]  }
0xae: {  	v1 =	vadd.f32 v61, v1;
	v0 =	vadd.f32 v62, v0;
	_ =	sdelay $0x1  }
0xaf: {  	v1 =	vadd.f32 v2, v1;
	v2 =	vadd.f32 v63, v0  }
0xb0: {  	s23 =	simm.s32 $0x0  }
0xb1: {  	s22 =	simm.s32 $0x80;
	v0 =	vadd.f32 v3, v1;
	[tilespmem:s23+$0x17D40] =	vst v2  }
.LBB2_5:
0xb2: {  	p0 =	sne.s32 s22, $0x1880  }
0xb3: {  	[tilespmem:s23+$0x17D50] =	vst v0;
	s21 =	sadd.s32 $0x280, s21;
	s23 =	smov.u32 s22;
	s22 =	sadd.s32 $0x80, s22  }
0xb4: {  	v0 =	vld [tilespmem:s21+$0xFFFFFEC0]  }
0xb5: {  	v1 =	vld [tilespmem:s21+$0xFFFFFED0]  }
0xb6: {  	v2 =	vld [tilespmem:s21+$0xFFFFFEE0]  }
0xb7: {  	v3 =	vld [tilespmem:s21+$0xFFFFFEF0]  }
0xb8: {  	v4 =	vld [tilespmem:s21+$0xFFFFFF00]  }
0xb9: {  	v0 =	vadd.f32 $0.0e+00, v0;
	v5 =	vld [tilespmem:s21+$0xFFFFFF10]  }
0xba: {  	v1 =	vadd.f32 $0.0e+00, v1;
	v6 =	vld [tilespmem:s21+$0xFFFFFF20]  }
0xbb: {  	v0 =	vadd.f32 v2, v0;
	v2 =	vld [tilespmem:s21+$0xFFFFFF30]  }
0xbc: {  	v1 =	vadd.f32 v3, v1;
	v3 =	vld [tilespmem:s21+$0xFFFFFF40]  }
0xbd: {  	v0 =	vadd.f32 v4, v0;
	v4 =	vld [tilespmem:s21+$0xFFFFFF50]  }
0xbe: {  	v1 =	vadd.f32 v5, v1;
	v5 =	vld [tilespmem:s21+$0xFFFFFF60]  }
0xbf: {  	v0 =	vadd.f32 v6, v0;
	v6 =	vld [tilespmem:s21+$0xFFFFFF70]  }
0xc0: {  	v1 =	vadd.f32 v2, v1;
	v2 =	vld [tilespmem:s21+$0xFFFFFF80]  }
0xc1: {  	v0 =	vadd.f32 v3, v0;
	v3 =	vld [tilespmem:s21+$0xFFFFFF90]  }
0xc2: {  	v1 =	vadd.f32 v4, v1;
	v4 =	vld [tilespmem:s21+$0xFFFFFFA0]  }
0xc3: {  	v0 =	vadd.f32 v5, v0;
	v5 =	vld [tilespmem:s21+$0xFFFFFFB0]  }
0xc4: {  	v1 =	vadd.f32 v6, v1;
	v6 =	vld [tilespmem:s21+$0xFFFFFFC0]  }
0xc5: {  	v0 =	vadd.f32 v2, v0;
	v2 =	vld [tilespmem:s21+$0xFFFFFFD0]  }
0xc6: {  	v1 =	vadd.f32 v3, v1;
	v3 =	vld [tilespmem:s21+$0xFFFFFFE0]  }
0xc7: {  	v0 =	vadd.f32 v4, v0;
	v4 =	vld [tilespmem:s21+$0xFFFFFFF0]  }
0xc8: {  	v1 =	vadd.f32 v5, v1;
	v5 =	vld [tilespmem:s21+$0x0]  }
0xc9: {  	v0 =	vadd.f32 v6, v0;
	v6 =	vld [tilespmem:s21+$0x10]  }
0xca: {  	v1 =	vadd.f32 v2, v1;
	v2 =	vld [tilespmem:s21+$0x20]  }
0xcb: {  	v0 =	vadd.f32 v3, v0;
	v3 =	vld [tilespmem:s21+$0x30]  }
0xcc: {  	v1 =	vadd.f32 v4, v1;
	v4 =	vld [tilespmem:s21+$0x40]  }
0xcd: {  	v0 =	vadd.f32 v5, v0;
	v5 =	vld [tilespmem:s21+$0x50]  }
0xce: {  	v1 =	vadd.f32 v6, v1;
	v6 =	vld [tilespmem:s21+$0x60]  }
0xcf: {  	v0 =	vadd.f32 v2, v0;
	v2 =	vld [tilespmem:s21+$0x70]  }
0xd0: {  	v1 =	vadd.f32 v3, v1;
	v3 =	vld [tilespmem:s21+$0x80]  }
0xd1: {  	v0 =	vadd.f32 v4, v0;
	v4 =	vld [tilespmem:s21+$0x90]  }
0xd2: {  	v1 =	vadd.f32 v5, v1;
	v5 =	vld [tilespmem:s21+$0xA0]  }
0xd3: {  	v0 =	vadd.f32 v6, v0;
	v6 =	vld [tilespmem:s21+$0xB0]  }
0xd4: {  	v1 =	vadd.f32 v2, v1;
	v2 =	vld [tilespmem:s21+$0xC0]  }
0xd5: {  	v0 =	vadd.f32 v3, v0;
	v3 =	vld [tilespmem:s21+$0xD0]  }
0xd6: {  	v1 =	vadd.f32 v4, v1;
	v4 =	vld [tilespmem:s21+$0xE0]  }
0xd7: {  	v0 =	vadd.f32 v5, v0;
	v5 =	vld [tilespmem:s21+$0xF0]  }
0xd8: {  	v1 =	vadd.f32 v6, v1;
	v6 =	vld [tilespmem:s21+$0x100]  }
0xd9: {  	v0 =	vadd.f32 v2, v0;
	v2 =	vld [tilespmem:s21+$0x110]  }
0xda: {  	v1 =	vadd.f32 v3, v1;
	v3 =	vld [tilespmem:s21+$0x120]  }
0xdb: {  	v0 =	vadd.f32 v4, v0;
	v4 =	vld [tilespmem:s21+$0x130]  }
0xdc: {  	v1 =	vadd.f32 v5, v1  }
.Ltmp1:
0xdd: {  	v0 =	vadd.f32 v6, v0;
	(pc) =	sbr.rel @p0 .LBB2_5-.Ltmp1, $4  }
0xde: {  	v1 =	vadd.f32 v2, v1  }
0xdf: {  	v2 =	vadd.f32 v3, v0  }
0xe0: {  	s23 =	sshra.s32 s23, $0x2;
	v0 =	vadd.f32 v4, v1  }
0xe1: {  	[tilespmem:s23+$0x17D40] =	vst v2  }
0xe2: {  	s19 =	sadd.s32 $0x1, s19  }
0xe3: {  	s20 =	smul.u32 $0x640, s20;
	p0 =	sne.s32 s19, $0x10  }
.Ltmp2:
0xe4: {  	_ = 	snop;
	(pc) =	sbr.rel @p0 .LBB2_2-.Ltmp2, $4  }
0xe5: {  	s20 =	sadd.s32 s6, s20  }
0xe6: {  	s20 =	sshrl.u32 s20, $0x3  }
0xe7: {  	[tilespmem:s23+$0x17D50] =	vst v0;
	s20 =	sadd.s32 s4, s20  }
0xe8: {  	[hbm4b:s20+s2] =	stream.linear.scatter [tilespmem:s15], [sflag:$0x4], $0x640, $0x38;
	[tilespmem:$0x18380] =	vst v63  }
0xe9: {  	s18 =	sadd.s32 $0x1, s18  }
0xea: {  	_ =	swait.ge [sflag:s16], $0x640;
	p0 =	sne.s32 s18, s7  }
.Ltmp3:
0xeb: {  	[sflag:s16] =	ssyncset.done $0x0;
	(pc) =	sbr.rel @p0 .LBB2_1-.Ltmp3, $4  }
0xec: {  	[sflag:s16] =	ssyncadd.s32 $0xFFFFF9C0  }
0xed: {  	_ =	swait.ge [sflag:s17], $0x640  }
0xee: {  	[sflag:s17] =	ssyncset.done $0x0  }
0xef: {  	[sflag:s17] =	ssyncadd.s32 $0xFFFFF9C0  }
0xf0: {  	_ =	sfence.sel $0x180000  }
0xf1: {  	[bflag:$0x0] =	sbarrier.arrive $0xFFFF  }
0xf2: {  	p0 =	sne.s32 s0, $0x0;
	_ =	strace $0x90000047  }
0xf3: {  	s0 =	sadd.s32 @!p0 $0x100000, s1;
	[bflag:$0x2] =	sbarrier.arrive $0xFFFF  }
0xf4: {  	[sflag:s0] =	ssyncadd.tile.s32 @!p0 $0x1;
	_ =	shalt  }
.Lfunc_end2:
_tile_overlayer_lowered:
.L_overlay_start_2:
0xf5: {  	(tag) =	ssettag $0x2  }
0xf6: {  	s0 =	rddreg [dreg:$0x0];
	s2 =	stileid.u32  }
0xf7: {  	s1 =	rddreg [dreg:$0x1];
	p0 =	sne.s32 s2, $0x0  }
0xf8: {  	s3 =	rddreg [dreg:$0x2];
	[bflag:$0x3] =	sbarrier.arrive $0xFFFF;
	s2 =	simm.s32 @!p0 $0x1C05  }
0xf9: {  	[timem:s3], [sflag:s2] =	dma.local @!p0 [hbm:s0], s1  }
0xfa: {  	s0 =	simm.s32 @!p0 $0x5  }
0xfb: {  	_ =	swait.ge @!p0 [sflag:s0], s1  }
0xfc: {  	s1 =	ssub.s32 @!p0 $0x0, s1;
	[sflag:s0] =	ssyncset.done @!p0 $0x0  }
0xfd: {  	[sflag:s0] =	ssyncadd.s32 @!p0 s1  }
0xfe: {  	[bflag:$0x3] =	sbarrier.arrive $0xFFFF  }
0xff: {  	_ =	shalt  }

</sc_bundles>
